<compile_context>
chip_gen: v7x
topology: tpu7x:2x2x1
jax: 0.10.2.dev20260603
libtpu: 0.0.44.dev20260713+nightly
codegen_flags: <defaults>
</compile_context>

<pallas_src>
import functools

import jax
import jax.numpy as jnp
from jax import lax
from jax.experimental import pallas as pl
from jax.experimental.pallas import tpu as pltpu
from jax.experimental.pallas import tpu_sc as plsc

N = 2048
E = 8192
M = 128
N_DIM = 64
E_DIM = 16
H = 128
HE = 64
L = 3
C = 128

NC = 2
NS = 16
NW = NC * NS
EPT = E // NW
IPW = EPT // 128
WCOL = 128
NROWS = N // NS
DUMP = N
NACC = N + 16



def _proj_body(nf, us2, vs2, Wn, bn, h_out, vsm_out):
    h_out[...] = jax.nn.leaky_relu(
        jnp.dot(nf[...], Wn[...], preferred_element_type=jnp.float32) + bn[...])
    vsm_out[...] = jnp.where(us2[...] == vs2[...], DUMP, vs2[...])


def _edge_body(u, v, e, We, be,
               Wau, Wae, Wav, ba_i,
               Wmu, Wme, Wmv, bm_i,
               Weu, Wee, Wev, ben_i,
               wm_out, wden_out, ne_out, first, last):
    uu = u[...]
    vv = v[...]
    dot = functools.partial(jnp.dot, preferred_element_type=jnp.float32)
    if first:
        ee = jax.nn.leaky_relu(dot(e[...], We[...]) + be[...])
    else:
        ee = e[...]
    att = jax.nn.leaky_relu(
        dot(uu, Wau[...]) + dot(ee, Wae[...]) + dot(vv, Wav[...]) + ba_i[...])
    msg = jax.nn.relu(
        dot(uu, Wmu[...]) + dot(ee, Wme[...]) + dot(vv, Wmv[...]) + bm_i[...])
    if not last:
        ne_out[...] = jax.nn.leaky_relu(
            dot(uu, Weu[...]) + dot(ee, Wee[...]) + dot(vv, Wev[...]) + ben_i[...])
    gmax = jnp.max(att)
    wu = jnp.exp(att - gmax)
    col = lax.broadcasted_iota(jnp.int32, (E, H), 1)
    wm_out[...] = msg * wu
    wden_out[...] = jnp.where(col == 0, wu, 0.0)


def _gru_core(num0, num1, den0, den1, h, Wih_i, bih_i, Whh_i, bhh_i,
              relu_flag):
    s = num0[...] + num1[...]
    denom = jnp.maximum(den0[:, :1] + den1[:, :1], 1e-30)
    ctx = s / denom
    dot = functools.partial(jnp.dot, preferred_element_type=jnp.float32)
    gi = dot(ctx, Wih_i[...]) + bih_i[...]
    gh = dot(h[...], Whh_i[...]) + bhh_i[...]
    r = jax.nn.sigmoid(gi[:, :H] + gh[:, :H])
    z = jax.nn.sigmoid(gi[:, H:2 * H] + gh[:, H:2 * H])
    n = jnp.tanh(gi[:, 2 * H:] + r * gh[:, 2 * H:])
    new_h = (1.0 - z) * n + z * h[...]
    if relu_flag:
        new_h = jax.nn.relu(new_h)
    return new_h


def _gru_body(num0, num1, den0, den1, h, Wih_i, bih_i, Whh_i, bhh_i,
              relu_flag, h_out):
    h_out[...] = _gru_core(num0, num1, den0, den1, h, Wih_i, bih_i,
                           Whh_i, bhh_i, relu_flag)


def _gru_readout_body(num0, num1, den0, den1, h, Wih_i, bih_i, Whh_i, bhh_i,
                      mask, mat, Wra, bra, Wro, bro, ro_out, a_out):
    hh = _gru_core(num0, num1, den0, den1, h, Wih_i, bih_i, Whh_i, bhh_i,
                   relu_flag=False)
    t = jnp.tanh(jnp.dot(hh, Wro[...], preferred_element_type=jnp.float32) + bro[...])
    alT = lax.dot_general(Wra[...], hh, (((0,), (1,)), ((), ())),
                          preferred_element_type=jnp.float32)
    alT = jax.nn.leaky_relu(alT + bra[...])
    logits = mask[...] + alT
    rmax = jnp.max(logits, axis=1, keepdims=True)
    ex = jnp.exp(logits - rmax)
    a = ex / jnp.sum(ex, axis=1, keepdims=True) * mat[...]
    a_out[...] = a
    ro_out[...] = jnp.dot(a, t, preferred_element_type=jnp.float32)


def _readout_body(h, mask, mat, Wra, bra, Wro, bro, ro_out, a_out):
    hh = h[...]
    t = jnp.tanh(jnp.dot(hh, Wro[...], preferred_element_type=jnp.float32) + bro[...])
    alT = lax.dot_general(Wra[...], hh, (((0,), (1,)), ((), ())),
                          preferred_element_type=jnp.float32)
    alT = jax.nn.leaky_relu(alT + bra[...])
    logits = mask[...] + alT
    rmax = jnp.max(logits, axis=1, keepdims=True)
    ex = jnp.exp(logits - rmax)
    a = ex / jnp.sum(ex, axis=1, keepdims=True) * mat[...]
    a_out[...] = a
    ro_out[...] = jnp.dot(a, t, preferred_element_type=jnp.float32)



def _tc_proj(nf, us2, vs2, Wn, bn):
    return pl.pallas_call(
        _proj_body,
        out_shape=[jax.ShapeDtypeStruct((N, H), jnp.float32),
                   jax.ShapeDtypeStruct((E // 128, 128), jnp.int32)],
    )(nf, us2, vs2, Wn, bn)


def _tc_edge(u, v, e, We, be, ws, first, last):
    out_shape = [jax.ShapeDtypeStruct((E, WCOL), jnp.float32),
                 jax.ShapeDtypeStruct((E, WCOL), jnp.float32),
                 jax.ShapeDtypeStruct((E, HE), jnp.float32)]

    def wrapped(u, v, e, We, be, *rest):
        args, outs = rest[:12], rest[12:]
        if last:
            outs = (*outs, None)
        _edge_body(u, v, e, We, be, *args, *outs, first=first, last=last)

    if last:
        out_shape = out_shape[:2]
    return pl.pallas_call(
        wrapped,
        out_shape=out_shape,
    )(u, v, e, We, be, *ws)


def _tc_gru(num0, num1, den0, den1, h, Wih_i, bih_i, Whh_i, bhh_i, relu_flag):
    def wrapped(n0, n1, d0, d1, hh, a, b, c, d, h_out):
        _gru_body(n0, n1, d0, d1, hh, a, b, c, d, relu_flag, h_out)

    return pl.pallas_call(
        wrapped,
        out_shape=jax.ShapeDtypeStruct((N, H), jnp.float32),
    )(num0, num1, den0, den1, h, Wih_i, bih_i, Whh_i, bhh_i)


def _tc_readout(h, mask, mat, Wra, bra, Wro, bro):
    return pl.pallas_call(
        _readout_body,
        out_shape=[jax.ShapeDtypeStruct((M, H), jnp.float32),
                   jax.ShapeDtypeStruct((M, N), jnp.float32)],
    )(h, mask, mat, Wra, bra, Wro, bro)


def _tc_gru_readout(num0, num1, den0, den1, h, Wih_i, bih_i, Whh_i, bhh_i,
                    mask, mat, Wra, bra, Wro, bro):
    return pl.pallas_call(
        _gru_readout_body,
        out_shape=[jax.ShapeDtypeStruct((M, H), jnp.float32),
                   jax.ShapeDtypeStruct((M, N), jnp.float32)],
    )(num0, num1, den0, den1, h, Wih_i, bih_i, Whh_i, bhh_i,
      mask, mat, Wra, bra, Wro, bro)



def _sc_gather(h, us2, vs2):
    mesh = plsc.VectorSubcoreMesh(core_axis_name="c", subcore_axis_name="s")

    @functools.partial(
        pl.kernel,
        out_type=[jax.ShapeDtypeStruct((E, H), jnp.float32),
                  jax.ShapeDtypeStruct((E, H), jnp.float32)],
        mesh=mesh,
        scratch_types=[pltpu.VMEM((IPW, 128), jnp.int32),
                       pltpu.VMEM((IPW, 128), jnp.int32),
                       pltpu.VMEM((EPT, H), jnp.float32),
                       pltpu.VMEM((EPT, H), jnp.float32),
                       pltpu.SemaphoreType.DMA,
                       pltpu.SemaphoreType.DMA],
    )
    def k(h_hbm, us_hbm, vs_hbm, u_out, v_out, idxu, idxv, rowsu, rowsv,
          semu, semv):
        cid = lax.axis_index("c")
        sid = lax.axis_index("s")
        wid = sid * NC + cid
        base = wid * EPT
        cps = [pltpu.async_copy(us_hbm.at[pl.ds(wid * IPW, IPW)], idxu, semu),
               pltpu.async_copy(vs_hbm.at[pl.ds(wid * IPW, IPW)], idxv, semu)]
        for cp in cps:
            cp.wait()
        cps = []
        for j in range(IPW):
            cps.append(pltpu.async_copy(
                h_hbm.at[idxu.at[j]], rowsu.at[pl.ds(j * 128, 128)], semu))
            cps.append(pltpu.async_copy(
                h_hbm.at[idxv.at[j]], rowsv.at[pl.ds(j * 128, 128)], semv))
        for cp in cps:
            cp.wait()
        cps = [pltpu.async_copy(rowsu, u_out.at[pl.ds(base, EPT)], semu),
               pltpu.async_copy(rowsv, v_out.at[pl.ds(base, EPT)], semv)]
        for cp in cps:
            cp.wait()

    return k(h, us2, vs2)


def _sc_scatter(wm, wden, us2, vs2, zer):
    mesh = plsc.VectorSubcoreMesh(core_axis_name="c", subcore_axis_name="s")

    @functools.partial(
        pl.kernel,
        out_type=[jax.ShapeDtypeStruct((N, WCOL), jnp.float32),
                  jax.ShapeDtypeStruct((N, WCOL), jnp.float32),
                  jax.ShapeDtypeStruct((N, WCOL), jnp.float32),
                  jax.ShapeDtypeStruct((N, WCOL), jnp.float32)],
        mesh=mesh,
        scratch_types=[pltpu.VMEM((IPW, 128), jnp.int32),
                       pltpu.VMEM((IPW, 128), jnp.int32),
                       pltpu.VMEM((EPT, WCOL), jnp.float32),
                       pltpu.VMEM((EPT, WCOL), jnp.float32),
                       pltpu.VMEM_SHARED((NACC, WCOL), jnp.float32),
                       pltpu.VMEM_SHARED((NACC, WCOL), jnp.float32),
                       pltpu.SemaphoreType.DMA],
    )
    def k(wm_hbm, wden_hbm, us_hbm, vs_hbm, zer_hbm, num_out0, num_out1,
          den_out0, den_out1, idxu, idxv, rows_m, rows_d, acc_n, acc_d, sem):
        cid = lax.axis_index("c")
        sid = lax.axis_index("s")
        wid = sid * NC + cid
        base = wid * EPT
        cps = [
            pltpu.async_copy(zer_hbm.at[pl.ds(sid * NROWS, NROWS)],
                             acc_n.at[pl.ds(sid * NROWS, NROWS)], sem),
            pltpu.async_copy(zer_hbm.at[pl.ds(sid * NROWS, NROWS)],
                             acc_d.at[pl.ds(sid * NROWS, NROWS)], sem),
            pltpu.async_copy(us_hbm.at[pl.ds(wid * IPW, IPW)], idxu, sem),
            pltpu.async_copy(vs_hbm.at[pl.ds(wid * IPW, IPW)], idxv, sem),
            pltpu.async_copy(wm_hbm.at[pl.ds(base, EPT)], rows_m, sem),
            pltpu.async_copy(wden_hbm.at[pl.ds(base, EPT)], rows_d, sem),
        ]
        for cp in cps:
            cp.wait()
        plsc.subcore_barrier()
        cps = []
        for j in range(IPW):
            cps.append(pltpu.async_copy(rows_m.at[pl.ds(j * 128, 128)],
                                        acc_n.at[idxu.at[j]], sem, add=True))
            cps.append(pltpu.async_copy(rows_m.at[pl.ds(j * 128, 128)],
                                        acc_n.at[idxv.at[j]], sem, add=True))
            cps.append(pltpu.async_copy(rows_d.at[pl.ds(j * 128, 128)],
                                        acc_d.at[idxu.at[j]], sem, add=True))
            cps.append(pltpu.async_copy(rows_d.at[pl.ds(j * 128, 128)],
                                        acc_d.at[idxv.at[j]], sem, add=True))
        for cp in cps:
            cp.wait()
        plsc.subcore_barrier()

        @pl.when(cid == 0)
        def _():
            pltpu.sync_copy(acc_n.at[pl.ds(sid * NROWS, NROWS)],
                            num_out0.at[pl.ds(sid * NROWS, NROWS)])
            pltpu.sync_copy(acc_d.at[pl.ds(sid * NROWS, NROWS)],
                            den_out0.at[pl.ds(sid * NROWS, NROWS)])

        @pl.when(cid == 1)
        def _():
            pltpu.sync_copy(acc_n.at[pl.ds(sid * NROWS, NROWS)],
                            num_out1.at[pl.ds(sid * NROWS, NROWS)])
            pltpu.sync_copy(acc_d.at[pl.ds(sid * NROWS, NROWS)],
                            den_out1.at[pl.ds(sid * NROWS, NROWS)])

    return k(wm, wden, us2, vs2, zer)



def kernel(node_features, edge_features, us, vs, mol_node_matrix, mol_node_mask,
           node_edge_matrix, node_edge_mask, global_mask, W_n, b_n, W_e, b_e,
           Wm, bm, Wa, ba, Wen, ben, Wih, bih, Whh, bhh, Wra, bra, Wro, bro):
    us2 = us.reshape(E // 128, 128)
    vs2 = vs.reshape(E // 128, 128)
    zer = jnp.zeros((N, WCOL), jnp.float32)

    h, vsm = _tc_proj(node_features, us2, vs2, W_n, b_n.reshape(1, H))
    e = edge_features
    We, be = W_e, b_e.reshape(1, HE)

    for i in range(L):
        first, last = (i == 0), (i == L - 1)
        ws = (Wa[i][:H], Wa[i][H:H + HE], Wa[i][H + HE:], ba[i].reshape(1, 1),
              Wm[i][:H], Wm[i][H:H + HE], Wm[i][H + HE:], bm[i].reshape(1, C),
              Wen[i][:H], Wen[i][H:H + HE], Wen[i][H + HE:], ben[i].reshape(1, HE))
        u, v = _sc_gather(h, us2, vs2)
        outs = _tc_edge(u, v, e, We, be, ws, first, last)
        if last:
            wm, wden = outs
        else:
            wm, wden, e = outs
            We = jnp.eye(HE, dtype=jnp.float32)
        num0, num1, den0, den1 = _sc_scatter(wm, wden, us2, vsm, zer)
        if last:
            readout, a = _tc_gru_readout(
                num0, num1, den0, den1, h,
                Wih[i], bih[i].reshape(1, 3 * H),
                Whh[i], bhh[i].reshape(1, 3 * H),
                mol_node_mask, mol_node_matrix,
                Wra, bra.reshape(1, 1), Wro, bro.reshape(1, H))
        else:
            h = _tc_gru(num0, num1, den0, den1, h,
                        Wih[i], bih[i].reshape(1, 3 * H),
                        Whh[i], bhh[i].reshape(1, 3 * H), relu_flag=True)

    return readout, a

# --- scband reference (transcript-rebuilt; emitter-appended) ---
"""Pipeline reference for scband-ampnn-80960133530021 (READ-ONLY COPY).

The authoritative reference and input builder live on the scoring server;
editing this copy changes nothing except your own understanding.
"""

import jax, jax.numpy as jnp
import numpy as np

N = 2048
E = 8192
M = 128
N_DIM = 64
E_DIM = 16
H = 128
HE = 64
L = 3
C = 128


def _w(key, shape, fan_in):
    return jax.random.normal(key, shape, dtype=jnp.float32) * (1.0 / float(np.sqrt(fan_in)))


def setup_inputs(seed: int = 0) -> dict:
    key = jax.random.key(seed)
    k = [jax.random.fold_in(key, i) for i in range(32)]
    node_features = jax.random.normal(k[0], (N, N_DIM), dtype=jnp.float32)
    edge_features = jax.random.normal(k[1], (E, E_DIM), dtype=jnp.float32)
    us = jax.random.randint(k[2], (E,), 0, N, dtype=jnp.int32)
    vs = jax.random.randint(k[3], (E,), 0, N, dtype=jnp.int32)
    node_ids = jnp.arange(N)
    seg = node_ids // (N // M)
    mol_node_matrix = (seg[None, :] == jnp.arange(M)[:, None]).astype(jnp.float32)
    mol_node_mask = jnp.where(mol_node_matrix > 0, 0.0, -1000000.0).astype(jnp.float32)
    incident = (us[None, :] == node_ids[:, None]) | (vs[None, :] == node_ids[:, None])
    node_edge_matrix = incident.astype(jnp.float32)
    node_edge_mask = jnp.where(incident, 0.0, -1000000.0).astype(jnp.float32)
    global_mask = jnp.ones((E,), dtype=jnp.int32)
    D = 2 * H + HE
    inp = {
        'node_features': node_features,
        'edge_features': edge_features,
        'us': us,
        'vs': vs,
        'mol_node_matrix': mol_node_matrix,
        'mol_node_mask': mol_node_mask,
        'node_edge_matrix': node_edge_matrix,
        'node_edge_mask': node_edge_mask,
        'global_mask': global_mask,
        'W_n': _w(k[4], (N_DIM, H), N_DIM), 'b_n': jnp.zeros((H,), jnp.float32),
        'W_e': _w(k[5], (E_DIM, HE), E_DIM), 'b_e': jnp.zeros((HE,), jnp.float32),
        'Wm': _w(k[6], (L, D, C), D), 'bm': jnp.zeros((L, C), jnp.float32),
        'Wa': _w(k[7], (L, D, 1), D), 'ba': jnp.zeros((L, 1), jnp.float32),
        'Wen': _w(k[8], (L, D, HE), D), 'ben': jnp.zeros((L, HE), jnp.float32),
        'Wih': _w(k[9], (L, C, 3 * H), C), 'bih': jnp.zeros((L, 3 * H), jnp.float32),
        'Whh': _w(k[10], (L, H, 3 * H), H), 'bhh': jnp.zeros((L, 3 * H), jnp.float32),
        'Wra': _w(k[11], (H, 1), H), 'bra': jnp.zeros((1,), jnp.float32),
        'Wro': _w(k[12], (H, H), H), 'bro': jnp.zeros((H,), jnp.float32),
    }
    return inp


def _forward(node_features, edge_features, us, vs, mol_node_matrix, mol_node_mask, node_edge_matrix, node_edge_mask, W_n, b_n, W_e, b_e, Wm, bm, Wa, ba, Wen, ben, Wih, bih, Whh, bhh, Wra, bra, Wro, bro):
    # FC_N / FC_E projections with leaky_relu (torch default slope 0.01 == jax default)
    h = jax.nn.leaky_relu(node_features @ W_n + b_n)
    e = jax.nn.leaky_relu(edge_features @ W_e + b_e)
    for i in range(L):
        # gather endpoint features (SparseCore-style gathers)
        u = h[us]
        v = h[vs]
        uve = jnp.concatenate([u, e, v], axis=1)
        # ConcatMesPassing: per-edge attention logit + message; per-node masked softmax
        att = jax.nn.leaky_relu(uve @ Wa[i] + ba[i])[:, 0]
        m = jax.nn.relu(uve @ Wm[i] + bm[i])
        w = jax.nn.softmax(node_edge_mask + att[None, :], axis=1) * node_edge_matrix
        context = w @ m
        new_e = jax.nn.leaky_relu(uve @ Wen[i] + ben[i])
        # GRUAggregation: GRUCell(context, h)
        gi = context @ Wih[i] + bih[i]
        gh = h @ Whh[i] + bhh[i]
        ir, iz, inn = jnp.split(gi, 3, axis=1)
        hr, hz, hn = jnp.split(gh, 3, axis=1)
        r = jax.nn.sigmoid(ir + hr)
        z = jax.nn.sigmoid(iz + hz)
        n = jnp.tanh(inn + r * hn)
        new_h = (1.0 - z) * n + z * h
        if i != L - 1:
            new_h = jax.nn.relu(new_h)
        h = new_h
        e = new_e
    # AttentivePooling readout over molecules
    al = jax.nn.leaky_relu(h @ Wra + bra)[:, 0]
    a = jax.nn.softmax(mol_node_mask + al[None, :], axis=1) * mol_node_matrix
    readout = a @ jnp.tanh(h @ Wro + bro)
    return readout, a


def reference(node_features, edge_features, us, vs, mol_node_matrix, mol_node_mask, node_edge_matrix, node_edge_mask, global_mask, W_n, b_n, W_e, b_e, Wm, bm, Wa, ba, Wen, ben, Wih, bih, Whh, bhh, Wra, bra, Wro, bro):
    # global_mask is unused by the forward pass (kept for signature parity)
    return _forward(node_features, edge_features, us, vs, mol_node_matrix, mol_node_mask, node_edge_matrix, node_edge_mask, W_n, b_n, W_e, b_e, Wm, bm, Wa, ba, Wen, ben, Wih, bih, Whh, bhh, Wra, bra, Wro, bro)

if __name__ == "__main__":
    import jax
    _d = setup_inputs()
    print(jax.jit(kernel)(*tuple(_d.values())))

</pallas_src>

<mosaic_0001>
#map = affine_map<(d0, d1) -> (0, 0)>
module attributes {stable_mosaic.version = 14 : i64} {
  func.func @k(%arg0: i32, %arg1: i32, %arg2: memref<2048x128xf32, #tpu.memory_space<hbm>>, %arg3: memref<64x128xi32, #tpu.memory_space<hbm>>, %arg4: memref<64x128xi32, #tpu.memory_space<hbm>>, %arg5: memref<8192x128xf32, #tpu.memory_space<hbm>>, %arg6: memref<8192x128xf32, #tpu.memory_space<hbm>>, %arg7: memref<2x128xi32, #tpu.memory_space<vmem>>, %arg8: memref<2x128xi32, #tpu.memory_space<vmem>>, %arg9: memref<256x128xf32, #tpu.memory_space<vmem>>, %arg10: memref<256x128xf32, #tpu.memory_space<vmem>>, %arg11: memref<!tpu.dma_semaphore, #tpu.memory_space<semaphore_mem>>, %arg12: memref<!tpu.dma_semaphore, #tpu.memory_space<semaphore_mem>>) attributes {dimension_semantics = [#tpu.dimension_semantics<core_parallel>, #tpu.dimension_semantics<subcore_parallel>], iteration_bounds = array<i64: 2, 16>, scalar_prefetch = 0 : i64, scratch_operands = 6 : i64, tpu.core_type = #tpu.core_type<sc_vector_subcore>, window_params = [{transform_indices = #map}, {transform_indices = #map}, {transform_indices = #map}, {transform_indices = #map}, {transform_indices = #map}]} {
    %mul3A = arith.constant 2 : i32
    %mul3A_0 = arith.muli %arg1, %mul3A : i32
    %add3A = arith.addi %mul3A_0, %arg0 : i32
    %mul3A_1 = arith.constant 256 : i32
    %mul3A_2 = arith.muli %add3A, %mul3A_1 : i32
    %mul3A_3 = arith.constant 2 : i32
    %mul3A_4 = arith.muli %add3A, %mul3A_3 : i32
    %dma_start3A = arith.constant 0 : i32
    %dma_start3A_5 = tpu.memref_slice %arg3[%mul3A_4, %dma_start3A] : memref<64x128xi32, #tpu.memory_space<hbm>> -> memref<2x128xi32, #tpu.memory_space<hbm>>
    %dma_start3A_6 = arith.constant 0 : i32
    %dma_start3A_7 = tpu.memref_slice %arg3[%mul3A_4, %dma_start3A_6] : memref<64x128xi32, #tpu.memory_space<hbm>> -> memref<2x128xi32, #tpu.memory_space<hbm>>
    tpu.enqueue_dma source(%dma_start3A_7 : memref<2x128xi32, #tpu.memory_space<hbm>>) target(%arg7 : memref<2x128xi32, #tpu.memory_space<vmem>>) target_semaphore(%arg11 : memref<!tpu.dma_semaphore, #tpu.memory_space<semaphore_mem>>)
    %mul3A_8 = arith.constant 2 : i32
    %mul3A_9 = arith.muli %add3A, %mul3A_8 : i32
    %dma_start3A_10 = arith.constant 0 : i32
    %dma_start3A_11 = tpu.memref_slice %arg4[%mul3A_9, %dma_start3A_10] : memref<64x128xi32, #tpu.memory_space<hbm>> -> memref<2x128xi32, #tpu.memory_space<hbm>>
    %dma_start3A_12 = arith.constant 0 : i32
    %dma_start3A_13 = tpu.memref_slice %arg4[%mul3A_9, %dma_start3A_12] : memref<64x128xi32, #tpu.memory_space<hbm>> -> memref<2x128xi32, #tpu.memory_space<hbm>>
    tpu.enqueue_dma source(%dma_start3A_13 : memref<2x128xi32, #tpu.memory_space<hbm>>) target(%arg8 : memref<2x128xi32, #tpu.memory_space<vmem>>) target_semaphore(%arg11 : memref<!tpu.dma_semaphore, #tpu.memory_space<semaphore_mem>>)
    %dma_wait3A = arith.constant 0 : i32
    %dma_wait3A_14 = tpu.memref_slice %arg3[%mul3A_4, %dma_wait3A] : memref<64x128xi32, #tpu.memory_space<hbm>> -> memref<2x128xi32, #tpu.memory_space<hbm>>
    %dma_wait3A_15 = arith.constant 0 : i32
    %dma_wait3A_16 = tpu.memref_slice %arg3[%mul3A_4, %dma_wait3A_15] : memref<64x128xi32, #tpu.memory_space<hbm>> -> memref<2x128xi32, #tpu.memory_space<hbm>>
    tpu.wait_dma2 semaphore(%arg11 : memref<!tpu.dma_semaphore, #tpu.memory_space<semaphore_mem>>) src(%dma_wait3A_16 : memref<2x128xi32, #tpu.memory_space<hbm>>) dst(%arg7 : memref<2x128xi32, #tpu.memory_space<vmem>>)
    %dma_wait3A_17 = arith.constant 0 : i32
    %dma_wait3A_18 = tpu.memref_slice %arg4[%mul3A_9, %dma_wait3A_17] : memref<64x128xi32, #tpu.memory_space<hbm>> -> memref<2x128xi32, #tpu.memory_space<hbm>>
    %dma_wait3A_19 = arith.constant 0 : i32
    %dma_wait3A_20 = tpu.memref_slice %arg4[%mul3A_9, %dma_wait3A_19] : memref<64x128xi32, #tpu.memory_space<hbm>> -> memref<2x128xi32, #tpu.memory_space<hbm>>
    tpu.wait_dma2 semaphore(%arg11 : memref<!tpu.dma_semaphore, #tpu.memory_space<semaphore_mem>>) src(%dma_wait3A_20 : memref<2x128xi32, #tpu.memory_space<hbm>>) dst(%arg8 : memref<2x128xi32, #tpu.memory_space<vmem>>)
    %dma_start3A_21 = arith.constant 0 : i32
    %dma_start3A_22 = arith.constant 0 : i32
    %dma_start3A_23 = arith.constant 0 : i32
    %dma_start3A_24 = tpu.memref_slice %arg9[%dma_start3A_22, %dma_start3A_23] : memref<256x128xf32, #tpu.memory_space<vmem>> -> memref<128x128xf32, #tpu.memory_space<vmem>>
    %dma_start3A_25 = arith.constant 0 : i32
    %dma_start3A_26 = tpu.memref_slice %arg7[%dma_start3A_21, %dma_start3A_25] : memref<2x128xi32, #tpu.memory_space<vmem>> -> memref<1x128xi32, #tpu.memory_space<vmem>>
    %dma_start3A_27 = tpu.memref_squeeze %dma_start3A_26 : memref<1x128xi32, #tpu.memory_space<vmem>> -> memref<128xi32, #tpu.memory_space<vmem>>
    %dma_start3A_28 = arith.constant 0 : i32
    %dma_start3A_29 = arith.constant 0 : i32
    %dma_start3A_30 = tpu.memref_slice %arg2[%dma_start3A_28, %dma_start3A_29] : memref<2048x128xf32, #tpu.memory_space<hbm>> -> memref<2048x128xf32, #tpu.memory_space<hbm>>
    tpu.enqueue_indirect_dma source(%dma_start3A_30 : memref<2048x128xf32, #tpu.memory_space<hbm>>) target(%dma_start3A_24 : memref<128x128xf32, #tpu.memory_space<vmem>>) offsets(%dma_start3A_27 : memref<128xi32, #tpu.memory_space<vmem>>) semaphore(%arg11 : memref<!tpu.dma_semaphore, #tpu.memory_space<semaphore_mem>>)
    %dma_start3A_31 = arith.constant 0 : i32
    %dma_start3A_32 = arith.constant 0 : i32
    %dma_start3A_33 = arith.constant 0 : i32
    %dma_start3A_34 = tpu.memref_slice %arg10[%dma_start3A_32, %dma_start3A_33] : memref<256x128xf32, #tpu.memory_space<vmem>> -> memref<128x128xf32, #tpu.memory_space<vmem>>
    %dma_start3A_35 = arith.constant 0 : i32
    %dma_start3A_36 = tpu.memref_slice %arg8[%dma_start3A_31, %dma_start3A_35] : memref<2x128xi32, #tpu.memory_space<vmem>> -> memref<1x128xi32, #tpu.memory_space<vmem>>
    %dma_start3A_37 = tpu.memref_squeeze %dma_start3A_36 : memref<1x128xi32, #tpu.memory_space<vmem>> -> memref<128xi32, #tpu.memory_space<vmem>>
    %dma_start3A_38 = arith.constant 0 : i32
    %dma_start3A_39 = arith.constant 0 : i32
    %dma_start3A_40 = tpu.memref_slice %arg2[%dma_start3A_38, %dma_start3A_39] : memref<2048x128xf32, #tpu.memory_space<hbm>> -> memref<2048x128xf32, #tpu.memory_space<hbm>>
    tpu.enqueue_indirect_dma source(%dma_start3A_40 : memref<2048x128xf32, #tpu.memory_space<hbm>>) target(%dma_start3A_34 : memref<128x128xf32, #tpu.memory_space<vmem>>) offsets(%dma_start3A_37 : memref<128xi32, #tpu.memory_space<vmem>>) semaphore(%arg12 : memref<!tpu.dma_semaphore, #tpu.memory_space<semaphore_mem>>)
    %dma_start3A_41 = arith.constant 1 : i32
    %dma_start3A_42 = arith.constant 128 : i32
    %dma_start3A_43 = arith.constant 0 : i32
    %dma_start3A_44 = tpu.memref_slice %arg9[%dma_start3A_42, %dma_start3A_43] : memref<256x128xf32, #tpu.memory_space<vmem>> -> memref<128x128xf32, #tpu.memory_space<vmem>>
    %dma_start3A_45 = arith.constant 0 : i32
    %dma_start3A_46 = tpu.memref_slice %arg7[%dma_start3A_41, %dma_start3A_45] : memref<2x128xi32, #tpu.memory_space<vmem>> -> memref<1x128xi32, #tpu.memory_space<vmem>>
    %dma_start3A_47 = tpu.memref_squeeze %dma_start3A_46 : memref<1x128xi32, #tpu.memory_space<vmem>> -> memref<128xi32, #tpu.memory_space<vmem>>
    %dma_start3A_48 = arith.constant 0 : i32
    %dma_start3A_49 = arith.constant 0 : i32
    %dma_start3A_50 = tpu.memref_slice %arg2[%dma_start3A_48, %dma_start3A_49] : memref<2048x128xf32, #tpu.memory_space<hbm>> -> memref<2048x128xf32, #tpu.memory_space<hbm>>
    tpu.enqueue_indirect_dma source(%dma_start3A_50 : memref<2048x128xf32, #tpu.memory_space<hbm>>) target(%dma_start3A_44 : memref<128x128xf32, #tpu.memory_space<vmem>>) offsets(%dma_start3A_47 : memref<128xi32, #tpu.memory_space<vmem>>) semaphore(%arg11 : memref<!tpu.dma_semaphore, #tpu.memory_space<semaphore_mem>>)
    %dma_start3A_51 = arith.constant 1 : i32
    %dma_start3A_52 = arith.constant 128 : i32
    %dma_start3A_53 = arith.constant 0 : i32
    %dma_start3A_54 = tpu.memref_slice %arg10[%dma_start3A_52, %dma_start3A_53] : memref<256x128xf32, #tpu.memory_space<vmem>> -> memref<128x128xf32, #tpu.memory_space<vmem>>
    %dma_start3A_55 = arith.constant 0 : i32
    %dma_start3A_56 = tpu.memref_slice %arg8[%dma_start3A_51, %dma_start3A_55] : memref<2x128xi32, #tpu.memory_space<vmem>> -> memref<1x128xi32, #tpu.memory_space<vmem>>
    %dma_start3A_57 = tpu.memref_squeeze %dma_start3A_56 : memref<1x128xi32, #tpu.memory_space<vmem>> -> memref<128xi32, #tpu.memory_space<vmem>>
    %dma_start3A_58 = arith.constant 0 : i32
    %dma_start3A_59 = arith.constant 0 : i32
    %dma_start3A_60 = tpu.memref_slice %arg2[%dma_start3A_58, %dma_start3A_59] : memref<2048x128xf32, #tpu.memory_space<hbm>> -> memref<2048x128xf32, #tpu.memory_space<hbm>>
    tpu.enqueue_indirect_dma source(%dma_start3A_60 : memref<2048x128xf32, #tpu.memory_space<hbm>>) target(%dma_start3A_54 : memref<128x128xf32, #tpu.memory_space<vmem>>) offsets(%dma_start3A_57 : memref<128xi32, #tpu.memory_space<vmem>>) semaphore(%arg12 : memref<!tpu.dma_semaphore, #tpu.memory_space<semaphore_mem>>)
    %dma_wait3A_61 = arith.constant 0 : i32
    %dma_wait3A_62 = arith.constant 0 : i32
    %dma_wait3A_63 = arith.constant 0 : i32
    %dma_wait3A_64 = tpu.memref_slice %arg9[%dma_wait3A_62, %dma_wait3A_63] : memref<256x128xf32, #tpu.memory_space<vmem>> -> memref<128x128xf32, #tpu.memory_space<vmem>>
    %dma_wait3A_65 = arith.constant 0 : i32
    %dma_wait3A_66 = tpu.memref_slice %arg7[%dma_wait3A_61, %dma_wait3A_65] : memref<2x128xi32, #tpu.memory_space<vmem>> -> memref<1x128xi32, #tpu.memory_space<vmem>>
    %dma_wait3A_67 = tpu.memref_squeeze %dma_wait3A_66 : memref<1x128xi32, #tpu.memory_space<vmem>> -> memref<128xi32, #tpu.memory_space<vmem>>
    %dma_wait3A_68 = arith.constant 0 : i32
    %dma_wait3A_69 = arith.constant 0 : i32
    %dma_wait3A_70 = tpu.memref_slice %arg2[%dma_wait3A_68, %dma_wait3A_69] : memref<2048x128xf32, #tpu.memory_space<hbm>> -> memref<2048x128xf32, #tpu.memory_space<hbm>>
    tpu.wait_indirect_dma semaphore(%arg11 : memref<!tpu.dma_semaphore, #tpu.memory_space<semaphore_mem>>) src(%dma_wait3A_70 : memref<2048x128xf32, #tpu.memory_space<hbm>>) dst(%dma_wait3A_64 : memref<128x128xf32, #tpu.memory_space<vmem>>)
    %dma_wait3A_71 = arith.constant 0 : i32
    %dma_wait3A_72 = arith.constant 0 : i32
    %dma_wait3A_73 = arith.constant 0 : i32
    %dma_wait3A_74 = tpu.memref_slice %arg10[%dma_wait3A_72, %dma_wait3A_73] : memref<256x128xf32, #tpu.memory_space<vmem>> -> memref<128x128xf32, #tpu.memory_space<vmem>>
    %dma_wait3A_75 = arith.constant 0 : i32
    %dma_wait3A_76 = tpu.memref_slice %arg8[%dma_wait3A_71, %dma_wait3A_75] : memref<2x128xi32, #tpu.memory_space<vmem>> -> memref<1x128xi32, #tpu.memory_space<vmem>>
    %dma_wait3A_77 = tpu.memref_squeeze %dma_wait3A_76 : memref<1x128xi32, #tpu.memory_space<vmem>> -> memref<128xi32, #tpu.memory_space<vmem>>
    %dma_wait3A_78 = arith.constant 0 : i32
    %dma_wait3A_79 = arith.constant 0 : i32
    %dma_wait3A_80 = tpu.memref_slice %arg2[%dma_wait3A_78, %dma_wait3A_79] : memref<2048x128xf32, #tpu.memory_space<hbm>> -> memref<2048x128xf32, #tpu.memory_space<hbm>>
    tpu.wait_indirect_dma semaphore(%arg12 : memref<!tpu.dma_semaphore, #tpu.memory_space<semaphore_mem>>) src(%dma_wait3A_80 : memref<2048x128xf32, #tpu.memory_space<hbm>>) dst(%dma_wait3A_74 : memref<128x128xf32, #tpu.memory_space<vmem>>)
    %dma_wait3A_81 = arith.constant 1 : i32
    %dma_wait3A_82 = arith.constant 128 : i32
    %dma_wait3A_83 = arith.constant 0 : i32
    %dma_wait3A_84 = tpu.memref_slice %arg9[%dma_wait3A_82, %dma_wait3A_83] : memref<256x128xf32, #tpu.memory_space<vmem>> -> memref<128x128xf32, #tpu.memory_space<vmem>>
    %dma_wait3A_85 = arith.constant 0 : i32
    %dma_wait3A_86 = tpu.memref_slice %arg7[%dma_wait3A_81, %dma_wait3A_85] : memref<2x128xi32, #tpu.memory_space<vmem>> -> memref<1x128xi32, #tpu.memory_space<vmem>>
    %dma_wait3A_87 = tpu.memref_squeeze %dma_wait3A_86 : memref<1x128xi32, #tpu.memory_space<vmem>> -> memref<128xi32, #tpu.memory_space<vmem>>
    %dma_wait3A_88 = arith.constant 0 : i32
    %dma_wait3A_89 = arith.constant 0 : i32
    %dma_wait3A_90 = tpu.memref_slice %arg2[%dma_wait3A_88, %dma_wait3A_89] : memref<2048x128xf32, #tpu.memory_space<hbm>> -> memref<2048x128xf32, #tpu.memory_space<hbm>>
    tpu.wait_indirect_dma semaphore(%arg11 : memref<!tpu.dma_semaphore, #tpu.memory_space<semaphore_mem>>) src(%dma_wait3A_90 : memref<2048x128xf32, #tpu.memory_space<hbm>>) dst(%dma_wait3A_84 : memref<128x128xf32, #tpu.memory_space<vmem>>)
    %dma_wait3A_91 = arith.constant 1 : i32
    %dma_wait3A_92 = arith.constant 128 : i32
    %dma_wait3A_93 = arith.constant 0 : i32
    %dma_wait3A_94 = tpu.memref_slice %arg10[%dma_wait3A_92, %dma_wait3A_93] : memref<256x128xf32, #tpu.memory_space<vmem>> -> memref<128x128xf32, #tpu.memory_space<vmem>>
    %dma_wait3A_95 = arith.constant 0 : i32
    %dma_wait3A_96 = tpu.memref_slice %arg8[%dma_wait3A_91, %dma_wait3A_95] : memref<2x128xi32, #tpu.memory_space<vmem>> -> memref<1x128xi32, #tpu.memory_space<vmem>>
    %dma_wait3A_97 = tpu.memref_squeeze %dma_wait3A_96 : memref<1x128xi32, #tpu.memory_space<vmem>> -> memref<128xi32, #tpu.memory_space<vmem>>
    %dma_wait3A_98 = arith.constant 0 : i32
    %dma_wait3A_99 = arith.constant 0 : i32
    %dma_wait3A_100 = tpu.memref_slice %arg2[%dma_wait3A_98, %dma_wait3A_99] : memref<2048x128xf32, #tpu.memory_space<hbm>> -> memref<2048x128xf32, #tpu.memory_space<hbm>>
    tpu.wait_indirect_dma semaphore(%arg12 : memref<!tpu.dma_semaphore, #tpu.memory_space<semaphore_mem>>) src(%dma_wait3A_100 : memref<2048x128xf32, #tpu.memory_space<hbm>>) dst(%dma_wait3A_94 : memref<128x128xf32, #tpu.memory_space<vmem>>)
    %dma_start3A_101 = arith.constant 0 : i32
    %dma_start3A_102 = tpu.memref_slice %arg5[%mul3A_2, %dma_start3A_101] : memref<8192x128xf32, #tpu.memory_space<hbm>> -> memref<256x128xf32, #tpu.memory_space<hbm>>
    %dma_start3A_103 = arith.constant 0 : i32
    %dma_start3A_104 = tpu.memref_slice %arg5[%mul3A_2, %dma_start3A_103] : memref<8192x128xf32, #tpu.memory_space<hbm>> -> memref<256x128xf32, #tpu.memory_space<hbm>>
    tpu.enqueue_dma source(%arg9 : memref<256x128xf32, #tpu.memory_space<vmem>>) target(%dma_start3A_104 : memref<256x128xf32, #tpu.memory_space<hbm>>) target_semaphore(%arg11 : memref<!tpu.dma_semaphore, #tpu.memory_space<semaphore_mem>>)
    %dma_start3A_105 = arith.constant 0 : i32
    %dma_start3A_106 = tpu.memref_slice %arg6[%mul3A_2, %dma_start3A_105] : memref<8192x128xf32, #tpu.memory_space<hbm>> -> memref<256x128xf32, #tpu.memory_space<hbm>>
    %dma_start3A_107 = arith.constant 0 : i32
    %dma_start3A_108 = tpu.memref_slice %arg6[%mul3A_2, %dma_start3A_107] : memref<8192x128xf32, #tpu.memory_space<hbm>> -> memref<256x128xf32, #tpu.memory_space<hbm>>
    tpu.enqueue_dma source(%arg10 : memref<256x128xf32, #tpu.memory_space<vmem>>) target(%dma_start3A_108 : memref<256x128xf32, #tpu.memory_space<hbm>>) target_semaphore(%arg12 : memref<!tpu.dma_semaphore, #tpu.memory_space<semaphore_mem>>)
    %dma_wait3A_109 = arith.constant 0 : i32
    %dma_wait3A_110 = tpu.memref_slice %arg5[%mul3A_2, %dma_wait3A_109] : memref<8192x128xf32, #tpu.memory_space<hbm>> -> memref<256x128xf32, #tpu.memory_space<hbm>>
    %dma_wait3A_111 = arith.constant 0 : i32
    %dma_wait3A_112 = tpu.memref_slice %arg5[%mul3A_2, %dma_wait3A_111] : memref<8192x128xf32, #tpu.memory_space<hbm>> -> memref<256x128xf32, #tpu.memory_space<hbm>>
    tpu.wait_dma2 semaphore(%arg11 : memref<!tpu.dma_semaphore, #tpu.memory_space<semaphore_mem>>) src(%arg9 : memref<256x128xf32, #tpu.memory_space<vmem>>) dst(%dma_wait3A_112 : memref<256x128xf32, #tpu.memory_space<hbm>>)
    %dma_wait3A_113 = arith.constant 0 : i32
    %dma_wait3A_114 = tpu.memref_slice %arg6[%mul3A_2, %dma_wait3A_113] : memref<8192x128xf32, #tpu.memory_space<hbm>> -> memref<256x128xf32, #tpu.memory_space<hbm>>
    %dma_wait3A_115 = arith.constant 0 : i32
    %dma_wait3A_116 = tpu.memref_slice %arg6[%mul3A_2, %dma_wait3A_115] : memref<8192x128xf32, #tpu.memory_space<hbm>> -> memref<256x128xf32, #tpu.memory_space<hbm>>
    tpu.wait_dma2 semaphore(%arg12 : memref<!tpu.dma_semaphore, #tpu.memory_space<semaphore_mem>>) src(%arg10 : memref<256x128xf32, #tpu.memory_space<vmem>>) dst(%dma_wait3A_116 : memref<256x128xf32, #tpu.memory_space<hbm>>)
    return
  }
}

#map = affine_map<(d0, d1) -> (0, 0)>
module attributes {stable_mosaic.version = 14 : i64} {
  func.func @k(%arg0: i32, %arg1: i32, %arg2: memref<2048x128xf32, #tpu.memory_space<hbm>>, %arg3: memref<64x128xi32, #tpu.memory_space<hbm>>, %arg4: memref<64x128xi32, #tpu.memory_space<hbm>>, %arg5: memref<8192x128xf32, #tpu.memory_space<hbm>>, %arg6: memref<8192x128xf32, #tpu.memory_space<hbm>>, %arg7: memref<2x128xi32, #tpu.memory_space<vmem>>, %arg8: memref<2x128xi32, #tpu.memory_space<vmem>>, %arg9: memref<256x128xf32, #tpu.memory_space<vmem>>, %arg10: memref<256x128xf32, #tpu.memory_space<vmem>>, %arg11: memref<!tpu.dma_semaphore, #tpu.memory_space<semaphore_mem>>, %arg12: memref<!tpu.dma_semaphore, #tpu.memory_space<semaphore_mem>>) attributes {dimension_semantics = [#tpu.dimension_semantics<core_parallel>, #tpu.dimension_semantics<subcore_parallel>], iteration_bounds = array<i64: 2, 16>, scalar_prefetch = 0 : i64, scratch_operands = 6 : i64, tpu.core_type = #tpu.core_type<sc_vector_subcore>, window_params = [{transform_indices = #map}, {transform_indices = #map}, {transform_indices = #map}, {transform_indices = #map}, {transform_indices = #map}]} {
    %mul3A = arith.constant 2 : i32
    %mul3A_0 = arith.muli %arg1, %mul3A : i32
    %add3A = arith.addi %mul3A_0, %arg0 : i32
    %mul3A_1 = arith.constant 256 : i32
    %mul3A_2 = arith.muli %add3A, %mul3A_1 : i32
    %mul3A_3 = arith.constant 2 : i32
    %mul3A_4 = arith.muli %add3A, %mul3A_3 : i32
    %dma_start3A = arith.constant 0 : i32
    %dma_start3A_5 = tpu.memref_slice %arg3[%mul3A_4, %dma_start3A] : memref<64x128xi32, #tpu.memory_space<hbm>> -> memref<2x128xi32, #tpu.memory_space<hbm>>
    %dma_start3A_6 = arith.constant 0 : i32
    %dma_start3A_7 = tpu.memref_slice %arg3[%mul3A_4, %dma_start3A_6] : memref<64x128xi32, #tpu.memory_space<hbm>> -> memref<2x128xi32, #tpu.memory_space<hbm>>
    tpu.enqueue_dma source(%dma_start3A_7 : memref<2x128xi32, #tpu.memory_space<hbm>>) target(%arg7 : memref<2x128xi32, #tpu.memory_space<vmem>>) target_semaphore(%arg11 : memref<!tpu.dma_semaphore, #tpu.memory_space<semaphore_mem>>)
    %mul3A_8 = arith.constant 2 : i32
    %mul3A_9 = arith.muli %add3A, %mul3A_8 : i32
    %dma_start3A_10 = arith.constant 0 : i32
    %dma_start3A_11 = tpu.memref_slice %arg4[%mul3A_9, %dma_start3A_10] : memref<64x128xi32, #tpu.memory_space<hbm>> -> memref<2x128xi32, #tpu.memory_space<hbm>>
    %dma_start3A_12 = arith.constant 0 : i32
    %dma_start3A_13 = tpu.memref_slice %arg4[%mul3A_9, %dma_start3A_12] : memref<64x128xi32, #tpu.memory_space<hbm>> -> memref<2x128xi32, #tpu.memory_space<hbm>>
    tpu.enqueue_dma source(%dma_start3A_13 : memref<2x128xi32, #tpu.memory_space<hbm>>) target(%arg8 : memref<2x128xi32, #tpu.memory_space<vmem>>) target_semaphore(%arg11 : memref<!tpu.dma_semaphore, #tpu.memory_space<semaphore_mem>>)
    %dma_wait3A = arith.constant 0 : i32
    %dma_wait3A_14 = tpu.memref_slice %arg3[%mul3A_4, %dma_wait3A] : memref<64x128xi32, #tpu.memory_space<hbm>> -> memref<2x128xi32, #tpu.memory_space<hbm>>
    %dma_wait3A_15 = arith.constant 0 : i32
    %dma_wait3A_16 = tpu.memref_slice %arg3[%mul3A_4, %dma_wait3A_15] : memref<64x128xi32, #tpu.memory_space<hbm>> -> memref<2x128xi32, #tpu.memory_space<hbm>>
    tpu.wait_dma2 semaphore(%arg11 : memref<!tpu.dma_semaphore, #tpu.memory_space<semaphore_mem>>) src(%dma_wait3A_16 : memref<2x128xi32, #tpu.memory_space<hbm>>) dst(%arg7 : memref<2x128xi32, #tpu.memory_space<vmem>>)
    %dma_wait3A_17 = arith.constant 0 : i32
    %dma_wait3A_18 = tpu.memref_slice %arg4[%mul3A_9, %dma_wait3A_17] : memref<64x128xi32, #tpu.memory_space<hbm>> -> memref<2x128xi32, #tpu.memory_space<hbm>>
    %dma_wait3A_19 = arith.constant 0 : i32
    %dma_wait3A_20 = tpu.memref_slice %arg4[%mul3A_9, %dma_wait3A_19] : memref<64x128xi32, #tpu.memory_space<hbm>> -> memref<2x128xi32, #tpu.memory_space<hbm>>
    tpu.wait_dma2 semaphore(%arg11 : memref<!tpu.dma_semaphore, #tpu.memory_space<semaphore_mem>>) src(%dma_wait3A_20 : memref<2x128xi32, #tpu.memory_space<hbm>>) dst(%arg8 : memref<2x128xi32, #tpu.memory_space<vmem>>)
    %dma_start3A_21 = arith.constant 0 : i32
    %dma_start3A_22 = arith.constant 0 : i32
    %dma_start3A_23 = arith.constant 0 : i32
    %dma_start3A_24 = tpu.memref_slice %arg9[%dma_start3A_22, %dma_start3A_23] : memref<256x128xf32, #tpu.memory_space<vmem>> -> memref<128x128xf32, #tpu.memory_space<vmem>>
    %dma_start3A_25 = arith.constant 0 : i32
    %dma_start3A_26 = tpu.memref_slice %arg7[%dma_start3A_21, %dma_start3A_25] : memref<2x128xi32, #tpu.memory_space<vmem>> -> memref<1x128xi32, #tpu.memory_space<vmem>>
    %dma_start3A_27 = tpu.memref_squeeze %dma_start3A_26 : memref<1x128xi32, #tpu.memory_space<vmem>> -> memref<128xi32, #tpu.memory_space<vmem>>
    %dma_start3A_28 = arith.constant 0 : i32
    %dma_start3A_29 = arith.constant 0 : i32
    %dma_start3A_30 = tpu.memref_slice %arg2[%dma_start3A_28, %dma_start3A_29] : memref<2048x128xf32, #tpu.memory_space<hbm>> -> memref<2048x128xf32, #tpu.memory_space<hbm>>
    tpu.enqueue_indirect_dma source(%dma_start3A_30 : memref<2048x128xf32, #tpu.memory_space<hbm>>) target(%dma_start3A_24 : memref<128x128xf32, #tpu.memory_space<vmem>>) offsets(%dma_start3A_27 : memref<128xi32, #tpu.memory_space<vmem>>) semaphore(%arg11 : memref<!tpu.dma_semaphore, #tpu.memory_space<semaphore_mem>>)
    %dma_start3A_31 = arith.constant 0 : i32
    %dma_start3A_32 = arith.constant 0 : i32
    %dma_start3A_33 = arith.constant 0 : i32
    %dma_start3A_34 = tpu.memref_slice %arg10[%dma_start3A_32, %dma_start3A_33] : memref<256x128xf32, #tpu.memory_space<vmem>> -> memref<128x128xf32, #tpu.memory_space<vmem>>
    %dma_start3A_35 = arith.constant 0 : i32
    %dma_start3A_36 = tpu.memref_slice %arg8[%dma_start3A_31, %dma_start3A_35] : memref<2x128xi32, #tpu.memory_space<vmem>> -> memref<1x128xi32, #tpu.memory_space<vmem>>
    %dma_start3A_37 = tpu.memref_squeeze %dma_start3A_36 : memref<1x128xi32, #tpu.memory_space<vmem>> -> memref<128xi32, #tpu.memory_space<vmem>>
    %dma_start3A_38 = arith.constant 0 : i32
    %dma_start3A_39 = arith.constant 0 : i32
    %dma_start3A_40 = tpu.memref_slice %arg2[%dma_start3A_38, %dma_start3A_39] : memref<2048x128xf32, #tpu.memory_space<hbm>> -> memref<2048x128xf32, #tpu.memory_space<hbm>>
    tpu.enqueue_indirect_dma source(%dma_start3A_40 : memref<2048x128xf32, #tpu.memory_space<hbm>>) target(%dma_start3A_34 : memref<128x128xf32, #tpu.memory_space<vmem>>) offsets(%dma_start3A_37 : memref<128xi32, #tpu.memory_space<vmem>>) semaphore(%arg12 : memref<!tpu.dma_semaphore, #tpu.memory_space<semaphore_mem>>)
    %dma_start3A_41 = arith.constant 1 : i32
    %dma_start3A_42 = arith.constant 128 : i32
    %dma_start3A_43 = arith.constant 0 : i32
    %dma_start3A_44 = tpu.memref_slice %arg9[%dma_start3A_42, %dma_start3A_43] : memref<256x128xf32, #tpu.memory_space<vmem>> -> memref<128x128xf32, #tpu.memory_space<vmem>>
    %dma_start3A_45 = arith.constant 0 : i32
    %dma_start3A_46 = tpu.memref_slice %arg7[%dma_start3A_41, %dma_start3A_45] : memref<2x128xi32, #tpu.memory_space<vmem>> -> memref<1x128xi32, #tpu.memory_space<vmem>>
    %dma_start3A_47 = tpu.memref_squeeze %dma_start3A_46 : memref<1x128xi32, #tpu.memory_space<vmem>> -> memref<128xi32, #tpu.memory_space<vmem>>
    %dma_start3A_48 = arith.constant 0 : i32
    %dma_start3A_49 = arith.constant 0 : i32
    %dma_start3A_50 = tpu.memref_slice %arg2[%dma_start3A_48, %dma_start3A_49] : memref<2048x128xf32, #tpu.memory_space<hbm>> -> memref<2048x128xf32, #tpu.memory_space<hbm>>
    tpu.enqueue_indirect_dma source(%dma_start3A_50 : memref<2048x128xf32, #tpu.memory_space<hbm>>) target(%dma_start3A_44 : memref<128x128xf32, #tpu.memory_space<vmem>>) offsets(%dma_start3A_47 : memref<128xi32, #tpu.memory_space<vmem>>) semaphore(%arg11 : memref<!tpu.dma_semaphore, #tpu.memory_space<semaphore_mem>>)
    %dma_start3A_51 = arith.constant 1 : i32
    %dma_start3A_52 = arith.constant 128 : i32
    %dma_start3A_53 = arith.constant 0 : i32
    %dma_start3A_54 = tpu.memref_slice %arg10[%dma_start3A_52, %dma_start3A_53] : memref<256x128xf32, #tpu.memory_space<vmem>> -> memref<128x128xf32, #tpu.memory_space<vmem>>
    %dma_start3A_55 = arith.constant 0 : i32
    %dma_start3A_56 = tpu.memref_slice %arg8[%dma_start3A_51, %dma_start3A_55] : memref<2x128xi32, #tpu.memory_space<vmem>> -> memref<1x128xi32, #tpu.memory_space<vmem>>
    %dma_start3A_57 = tpu.memref_squeeze %dma_start3A_56 : memref<1x128xi32, #tpu.memory_space<vmem>> -> memref<128xi32, #tpu.memory_space<vmem>>
    %dma_start3A_58 = arith.constant 0 : i32
    %dma_start3A_59 = arith.constant 0 : i32
    %dma_start3A_60 = tpu.memref_slice %arg2[%dma_start3A_58, %dma_start3A_59] : memref<2048x128xf32, #tpu.memory_space<hbm>> -> memref<2048x128xf32, #tpu.memory_space<hbm>>
    tpu.enqueue_indirect_dma source(%dma_start3A_60 : memref<2048x128xf32, #tpu.memory_space<hbm>>) target(%dma_start3A_54 : memref<128x128xf32, #tpu.memory_space<vmem>>) offsets(%dma_start3A_57 : memref<128xi32, #tpu.memory_space<vmem>>) semaphore(%arg12 : memref<!tpu.dma_semaphore, #tpu.memory_space<semaphore_mem>>)
    %dma_wait3A_61 = arith.constant 0 : i32
    %dma_wait3A_62 = arith.constant 0 : i32
    %dma_wait3A_63 = arith.constant 0 : i32
    %dma_wait3A_64 = tpu.memref_slice %arg9[%dma_wait3A_62, %dma_wait3A_63] : memref<256x128xf32, #tpu.memory_space<vmem>> -> memref<128x128xf32, #tpu.memory_space<vmem>>
    %dma_wait3A_65 = arith.constant 0 : i32
    %dma_wait3A_66 = tpu.memref_slice %arg7[%dma_wait3A_61, %dma_wait3A_65] : memref<2x128xi32, #tpu.memory_space<vmem>> -> memref<1x128xi32, #tpu.memory_space<vmem>>
    %dma_wait3A_67 = tpu.memref_squeeze %dma_wait3A_66 : memref<1x128xi32, #tpu.memory_space<vmem>> -> memref<128xi32, #tpu.memory_space<vmem>>
    %dma_wait3A_68 = arith.constant 0 : i32
    %dma_wait3A_69 = arith.constant 0 : i32
    %dma_wait3A_70 = tpu.memref_slice %arg2[%dma_wait3A_68, %dma_wait3A_69] : memref<2048x128xf32, #tpu.memory_space<hbm>> -> memref<2048x128xf32, #tpu.memory_space<hbm>>
    tpu.wait_indirect_dma semaphore(%arg11 : memref<!tpu.dma_semaphore, #tpu.memory_space<semaphore_mem>>) src(%dma_wait3A_70 : memref<2048x128xf32, #tpu.memory_space<hbm>>) dst(%dma_wait3A_64 : memref<128x128xf32, #tpu.memory_space<vmem>>)
    %dma_wait3A_71 = arith.constant 0 : i32
    %dma_wait3A_72 = arith.constant 0 : i32
    %dma_wait3A_73 = arith.constant 0 : i32
    %dma_wait3A_74 = tpu.memref_slice %arg10[%dma_wait3A_72, %dma_wait3A_73] : memref<256x128xf32, #tpu.memory_space<vmem>> -> memref<128x128xf32, #tpu.memory_space<vmem>>
    %dma_wait3A_75 = arith.constant 0 : i32
    %dma_wait3A_76 = tpu.memref_slice %arg8[%dma_wait3A_71, %dma_wait3A_75] : memref<2x128xi32, #tpu.memory_space<vmem>> -> memref<1x128xi32, #tpu.memory_space<vmem>>
    %dma_wait3A_77 = tpu.memref_squeeze %dma_wait3A_76 : memref<1x128xi32, #tpu.memory_space<vmem>> -> memref<128xi32, #tpu.memory_space<vmem>>
    %dma_wait3A_78 = arith.constant 0 : i32
    %dma_wait3A_79 = arith.constant 0 : i32
    %dma_wait3A_80 = tpu.memref_slice %arg2[%dma_wait3A_78, %dma_wait3A_79] : memref<2048x128xf32, #tpu.memory_space<hbm>> -> memref<2048x128xf32, #tpu.memory_space<hbm>>
    tpu.wait_indirect_dma semaphore(%arg12 : memref<!tpu.dma_semaphore, #tpu.memory_space<semaphore_mem>>) src(%dma_wait3A_80 : memref<2048x128xf32, #tpu.memory_space<hbm>>) dst(%dma_wait3A_74 : memref<128x128xf32, #tpu.memory_space<vmem>>)
    %dma_wait3A_81 = arith.constant 1 : i32
    %dma_wait3A_82 = arith.constant 128 : i32
    %dma_wait3A_83 = arith.constant 0 : i32
    %dma_wait3A_84 = tpu.memref_slice %arg9[%dma_wait3A_82, %dma_wait3A_83] : memref<256x128xf32, #tpu.memory_space<vmem>> -> memref<128x128xf32, #tpu.memory_space<vmem>>
    %dma_wait3A_85 = arith.constant 0 : i32
    %dma_wait3A_86 = tpu.memref_slice %arg7[%dma_wait3A_81, %dma_wait3A_85] : memref<2x128xi32, #tpu.memory_space<vmem>> -> memref<1x128xi32, #tpu.memory_space<vmem>>
    %dma_wait3A_87 = tpu.memref_squeeze %dma_wait3A_86 : memref<1x128xi32, #tpu.memory_space<vmem>> -> memref<128xi32, #tpu.memory_space<vmem>>
    %dma_wait3A_88 = arith.constant 0 : i32
    %dma_wait3A_89 = arith.constant 0 : i32
    %dma_wait3A_90 = tpu.memref_slice %arg2[%dma_wait3A_88, %dma_wait3A_89] : memref<2048x128xf32, #tpu.memory_space<hbm>> -> memref<2048x128xf32, #tpu.memory_space<hbm>>
    tpu.wait_indirect_dma semaphore(%arg11 : memref<!tpu.dma_semaphore, #tpu.memory_space<semaphore_mem>>) src(%dma_wait3A_90 : memref<2048x128xf32, #tpu.memory_space<hbm>>) dst(%dma_wait3A_84 : memref<128x128xf32, #tpu.memory_space<vmem>>)
    %dma_wait3A_91 = arith.constant 1 : i32
    %dma_wait3A_92 = arith.constant 128 : i32
    %dma_wait3A_93 = arith.constant 0 : i32
    %dma_wait3A_94 = tpu.memref_slice %arg10[%dma_wait3A_92, %dma_wait3A_93] : memref<256x128xf32, #tpu.memory_space<vmem>> -> memref<128x128xf32, #tpu.memory_space<vmem>>
    %dma_wait3A_95 = arith.constant 0 : i32
    %dma_wait3A_96 = tpu.memref_slice %arg8[%dma_wait3A_91, %dma_wait3A_95] : memref<2x128xi32, #tpu.memory_space<vmem>> -> memref<1x128xi32, #tpu.memory_space<vmem>>
    %dma_wait3A_97 = tpu.memref_squeeze %dma_wait3A_96 : memref<1x128xi32, #tpu.memory_space<vmem>> -> memref<128xi32, #tpu.memory_space<vmem>>
    %dma_wait3A_98 = arith.constant 0 : i32
    %dma_wait3A_99 = arith.constant 0 : i32
    %dma_wait3A_100 = tpu.memref_slice %arg2[%dma_wait3A_98, %dma_wait3A_99] : memref<2048x128xf32, #tpu.memory_space<hbm>> -> memref<2048x128xf32, #tpu.memory_space<hbm>>
    tpu.wait_indirect_dma semaphore(%arg12 : memref<!tpu.dma_semaphore, #tpu.memory_space<semaphore_mem>>) src(%dma_wait3A_100 : memref<2048x128xf32, #tpu.memory_space<hbm>>) dst(%dma_wait3A_94 : memref<128x128xf32, #tpu.memory_space<vmem>>)
    %dma_start3A_101 = arith.constant 0 : i32
    %dma_start3A_102 = tpu.memref_slice %arg5[%mul3A_2, %dma_start3A_101] : memref<8192x128xf32, #tpu.memory_space<hbm>> -> memref<256x128xf32, #tpu.memory_space<hbm>>
    %dma_start3A_103 = arith.constant 0 : i32
    %dma_start3A_104 = tpu.memref_slice %arg5[%mul3A_2, %dma_start3A_103] : memref<8192x128xf32, #tpu.memory_space<hbm>> -> memref<256x128xf32, #tpu.memory_space<hbm>>
    tpu.enqueue_dma source(%arg9 : memref<256x128xf32, #tpu.memory_space<vmem>>) target(%dma_start3A_104 : memref<256x128xf32, #tpu.memory_space<hbm>>) target_semaphore(%arg11 : memref<!tpu.dma_semaphore, #tpu.memory_space<semaphore_mem>>)
    %dma_start3A_105 = arith.constant 0 : i32
    %dma_start3A_106 = tpu.memref_slice %arg6[%mul3A_2, %dma_start3A_105] : memref<8192x128xf32, #tpu.memory_space<hbm>> -> memref<256x128xf32, #tpu.memory_space<hbm>>
    %dma_start3A_107 = arith.constant 0 : i32
    %dma_start3A_108 = tpu.memref_slice %arg6[%mul3A_2, %dma_start3A_107] : memref<8192x128xf32, #tpu.memory_space<hbm>> -> memref<256x128xf32, #tpu.memory_space<hbm>>
    tpu.enqueue_dma source(%arg10 : memref<256x128xf32, #tpu.memory_space<vmem>>) target(%dma_start3A_108 : memref<256x128xf32, #tpu.memory_space<hbm>>) target_semaphore(%arg12 : memref<!tpu.dma_semaphore, #tpu.memory_space<semaphore_mem>>)
    %dma_wait3A_109 = arith.constant 0 : i32
    %dma_wait3A_110 = tpu.memref_slice %arg5[%mul3A_2, %dma_wait3A_109] : memref<8192x128xf32, #tpu.memory_space<hbm>> -> memref<256x128xf32, #tpu.memory_space<hbm>>
    %dma_wait3A_111 = arith.constant 0 : i32
    %dma_wait3A_112 = tpu.memref_slice %arg5[%mul3A_2, %dma_wait3A_111] : memref<8192x128xf32, #tpu.memory_space<hbm>> -> memref<256x128xf32, #tpu.memory_space<hbm>>
    tpu.wait_dma2 semaphore(%arg11 : memref<!tpu.dma_semaphore, #tpu.memory_space<semaphore_mem>>) src(%arg9 : memref<256x128xf32, #tpu.memory_space<vmem>>) dst(%dma_wait3A_112 : memref<256x128xf32, #tpu.memory_space<hbm>>)
    %dma_wait3A_113 = arith.constant 0 : i32
    %dma_wait3A_114 = tpu.memref_slice %arg6[%mul3A_2, %dma_wait3A_113] : memref<8192x128xf32, #tpu.memory_space<hbm>> -> memref<256x128xf32, #tpu.memory_space<hbm>>
    %dma_wait3A_115 = arith.constant 0 : i32
    %dma_wait3A_116 = tpu.memref_slice %arg6[%mul3A_2, %dma_wait3A_115] : memref<8192x128xf32, #tpu.memory_space<hbm>> -> memref<256x128xf32, #tpu.memory_space<hbm>>
    tpu.wait_dma2 semaphore(%arg12 : memref<!tpu.dma_semaphore, #tpu.memory_space<semaphore_mem>>) src(%arg10 : memref<256x128xf32, #tpu.memory_space<vmem>>) dst(%dma_wait3A_116 : memref<256x128xf32, #tpu.memory_space<hbm>>)
    return
  }
}

#map = affine_map<(d0, d1) -> (0, 0)>
module attributes {stable_mosaic.version = 14 : i64} {
  func.func @k(%arg0: i32, %arg1: i32, %arg2: memref<8192x128xf32, #tpu.memory_space<hbm>>, %arg3: memref<8192x128xf32, #tpu.memory_space<hbm>>, %arg4: memref<64x128xi32, #tpu.memory_space<hbm>>, %arg5: memref<64x128xi32, #tpu.memory_space<hbm>>, %arg6: memref<2048x128xf32, #tpu.memory_space<hbm>>, %arg7: memref<2048x128xf32, #tpu.memory_space<hbm>>, %arg8: memref<2048x128xf32, #tpu.memory_space<hbm>>, %arg9: memref<2048x128xf32, #tpu.memory_space<hbm>>, %arg10: memref<2048x128xf32, #tpu.memory_space<hbm>>, %arg11: memref<2x128xi32, #tpu.memory_space<vmem>>, %arg12: memref<2x128xi32, #tpu.memory_space<vmem>>, %arg13: memref<256x128xf32, #tpu.memory_space<vmem>>, %arg14: memref<256x128xf32, #tpu.memory_space<vmem>>, %arg15: memref<2064x128xf32, #tpu.memory_space<vmem_shared>>, %arg16: memref<2064x128xf32, #tpu.memory_space<vmem_shared>>, %arg17: memref<!tpu.dma_semaphore, #tpu.memory_space<semaphore_mem>>) attributes {dimension_semantics = [#tpu.dimension_semantics<core_parallel>, #tpu.dimension_semantics<subcore_parallel>], iteration_bounds = array<i64: 2, 16>, scalar_prefetch = 0 : i64, scratch_operands = 7 : i64, tpu.core_type = #tpu.core_type<sc_vector_subcore>, window_params = [{transform_indices = #map}, {transform_indices = #map}, {transform_indices = #map}, {transform_indices = #map}, {transform_indices = #map}, {transform_indices = #map}, {transform_indices = #map}, {transform_indices = #map}, {transform_indices = #map}]} {
    %mul3A = arith.constant 2 : i32
    %mul3A_0 = arith.muli %arg1, %mul3A : i32
    %add3A = arith.addi %mul3A_0, %arg0 : i32
    %mul3A_1 = arith.constant 256 : i32
    %mul3A_2 = arith.muli %add3A, %mul3A_1 : i32
    %mul3A_3 = arith.constant 128 : i32
    %mul3A_4 = arith.muli %arg1, %mul3A_3 : i32
    %mul3A_5 = arith.constant 128 : i32
    %mul3A_6 = arith.muli %arg1, %mul3A_5 : i32
    %dma_start3A = arith.constant 0 : i32
    %dma_start3A_7 = tpu.memref_slice %arg15[%mul3A_6, %dma_start3A] : memref<2064x128xf32, #tpu.memory_space<vmem_shared>> -> memref<128x128xf32, #tpu.memory_space<vmem_shared>>
    %dma_start3A_8 = arith.constant 0 : i32
    %dma_start3A_9 = tpu.memref_slice %arg6[%mul3A_4, %dma_start3A_8] : memref<2048x128xf32, #tpu.memory_space<hbm>> -> memref<128x128xf32, #tpu.memory_space<hbm>>
    tpu.enqueue_dma source(%dma_start3A_9 : memref<128x128xf32, #tpu.memory_space<hbm>>) target(%dma_start3A_7 : memref<128x128xf32, #tpu.memory_space<vmem_shared>>) target_semaphore(%arg17 : memref<!tpu.dma_semaphore, #tpu.memory_space<semaphore_mem>>)
    %mul3A_10 = arith.constant 128 : i32
    %mul3A_11 = arith.muli %arg1, %mul3A_10 : i32
    %mul3A_12 = arith.constant 128 : i32
    %mul3A_13 = arith.muli %arg1, %mul3A_12 : i32
    %dma_start3A_14 = arith.constant 0 : i32
    %dma_start3A_15 = tpu.memref_slice %arg16[%mul3A_13, %dma_start3A_14] : memref<2064x128xf32, #tpu.memory_space<vmem_shared>> -> memref<128x128xf32, #tpu.memory_space<vmem_shared>>
    %dma_start3A_16 = arith.constant 0 : i32
    %dma_start3A_17 = tpu.memref_slice %arg6[%mul3A_11, %dma_start3A_16] : memref<2048x128xf32, #tpu.memory_space<hbm>> -> memref<128x128xf32, #tpu.memory_space<hbm>>
    tpu.enqueue_dma source(%dma_start3A_17 : memref<128x128xf32, #tpu.memory_space<hbm>>) target(%dma_start3A_15 : memref<128x128xf32, #tpu.memory_space<vmem_shared>>) target_semaphore(%arg17 : memref<!tpu.dma_semaphore, #tpu.memory_space<semaphore_mem>>)
    %mul3A_18 = arith.constant 2 : i32
    %mul3A_19 = arith.muli %add3A, %mul3A_18 : i32
    %dma_start3A_20 = arith.constant 0 : i32
    %dma_start3A_21 = tpu.memref_slice %arg4[%mul3A_19, %dma_start3A_20] : memref<64x128xi32, #tpu.memory_space<hbm>> -> memref<2x128xi32, #tpu.memory_space<hbm>>
    %dma_start3A_22 = arith.constant 0 : i32
    %dma_start3A_23 = tpu.memref_slice %arg4[%mul3A_19, %dma_start3A_22] : memref<64x128xi32, #tpu.memory_space<hbm>> -> memref<2x128xi32, #tpu.memory_space<hbm>>
    tpu.enqueue_dma source(%dma_start3A_23 : memref<2x128xi32, #tpu.memory_space<hbm>>) target(%arg11 : memref<2x128xi32, #tpu.memory_space<vmem>>) target_semaphore(%arg17 : memref<!tpu.dma_semaphore, #tpu.memory_space<semaphore_mem>>)
    %mul3A_24 = arith.constant 2 : i32
    %mul3A_25 = arith.muli %add3A, %mul3A_24 : i32
    %dma_start3A_26 = arith.constant 0 : i32
    %dma_start3A_27 = tpu.memref_slice %arg5[%mul3A_25, %dma_start3A_26] : memref<64x128xi32, #tpu.memory_space<hbm>> -> memref<2x128xi32, #tpu.memory_space<hbm>>
    %dma_start3A_28 = arith.constant 0 : i32
    %dma_start3A_29 = tpu.memref_slice %arg5[%mul3A_25, %dma_start3A_28] : memref<64x128xi32, #tpu.memory_space<hbm>> -> memref<2x128xi32, #tpu.memory_space<hbm>>
    tpu.enqueue_dma source(%dma_start3A_29 : memref<2x128xi32, #tpu.memory_space<hbm>>) target(%arg12 : memref<2x128xi32, #tpu.memory_space<vmem>>) target_semaphore(%arg17 : memref<!tpu.dma_semaphore, #tpu.memory_space<semaphore_mem>>)
    %dma_start3A_30 = arith.constant 0 : i32
    %dma_start3A_31 = tpu.memref_slice %arg2[%mul3A_2, %dma_start3A_30] : memref<8192x128xf32, #tpu.memory_space<hbm>> -> memref<256x128xf32, #tpu.memory_space<hbm>>
    %dma_start3A_32 = arith.constant 0 : i32
    %dma_start3A_33 = tpu.memref_slice %arg2[%mul3A_2, %dma_start3A_32] : memref<8192x128xf32, #tpu.memory_space<hbm>> -> memref<256x128xf32, #tpu.memory_space<hbm>>
    tpu.enqueue_dma source(%dma_start3A_33 : memref<256x128xf32, #tpu.memory_space<hbm>>) target(%arg13 : memref<256x128xf32, #tpu.memory_space<vmem>>) target_semaphore(%arg17 : memref<!tpu.dma_semaphore, #tpu.memory_space<semaphore_mem>>)
    %dma_start3A_34 = arith.constant 0 : i32
    %dma_start3A_35 = tpu.memref_slice %arg3[%mul3A_2, %dma_start3A_34] : memref<8192x128xf32, #tpu.memory_space<hbm>> -> memref<256x128xf32, #tpu.memory_space<hbm>>
    %dma_start3A_36 = arith.constant 0 : i32
    %dma_start3A_37 = tpu.memref_slice %arg3[%mul3A_2, %dma_start3A_36] : memref<8192x128xf32, #tpu.memory_space<hbm>> -> memref<256x128xf32, #tpu.memory_space<hbm>>
    tpu.enqueue_dma source(%dma_start3A_37 : memref<256x128xf32, #tpu.memory_space<hbm>>) target(%arg14 : memref<256x128xf32, #tpu.memory_space<vmem>>) target_semaphore(%arg17 : memref<!tpu.dma_semaphore, #tpu.memory_space<semaphore_mem>>)
    %dma_wait3A = arith.constant 0 : i32
    %dma_wait3A_38 = tpu.memref_slice %arg15[%mul3A_6, %dma_wait3A] : memref<2064x128xf32, #tpu.memory_space<vmem_shared>> -> memref<128x128xf32, #tpu.memory_space<vmem_shared>>
    %dma_wait3A_39 = arith.constant 0 : i32
    %dma_wait3A_40 = tpu.memref_slice %arg6[%mul3A_4, %dma_wait3A_39] : memref<2048x128xf32, #tpu.memory_space<hbm>> -> memref<128x128xf32, #tpu.memory_space<hbm>>
    tpu.wait_dma2 semaphore(%arg17 : memref<!tpu.dma_semaphore, #tpu.memory_space<semaphore_mem>>) src(%dma_wait3A_40 : memref<128x128xf32, #tpu.memory_space<hbm>>) dst(%dma_wait3A_38 : memref<128x128xf32, #tpu.memory_space<vmem_shared>>)
    %dma_wait3A_41 = arith.constant 0 : i32
    %dma_wait3A_42 = tpu.memref_slice %arg16[%mul3A_13, %dma_wait3A_41] : memref<2064x128xf32, #tpu.memory_space<vmem_shared>> -> memref<128x128xf32, #tpu.memory_space<vmem_shared>>
    %dma_wait3A_43 = arith.constant 0 : i32
    %dma_wait3A_44 = tpu.memref_slice %arg6[%mul3A_11, %dma_wait3A_43] : memref<2048x128xf32, #tpu.memory_space<hbm>> -> memref<128x128xf32, #tpu.memory_space<hbm>>
    tpu.wait_dma2 semaphore(%arg17 : memref<!tpu.dma_semaphore, #tpu.memory_space<semaphore_mem>>) src(%dma_wait3A_44 : memref<128x128xf32, #tpu.memory_space<hbm>>) dst(%dma_wait3A_42 : memref<128x128xf32, #tpu.memory_space<vmem_shared>>)
    %dma_wait3A_45 = arith.constant 0 : i32
    %dma_wait3A_46 = tpu.memref_slice %arg4[%mul3A_19, %dma_wait3A_45] : memref<64x128xi32, #tpu.memory_space<hbm>> -> memref<2x128xi32, #tpu.memory_space<hbm>>
    %dma_wait3A_47 = arith.constant 0 : i32
    %dma_wait3A_48 = tpu.memref_slice %arg4[%mul3A_19, %dma_wait3A_47] : memref<64x128xi32, #tpu.memory_space<hbm>> -> memref<2x128xi32, #tpu.memory_space<hbm>>
    tpu.wait_dma2 semaphore(%arg17 : memref<!tpu.dma_semaphore, #tpu.memory_space<semaphore_mem>>) src(%dma_wait3A_48 : memref<2x128xi32, #tpu.memory_space<hbm>>) dst(%arg11 : memref<2x128xi32, #tpu.memory_space<vmem>>)
    %dma_wait3A_49 = arith.constant 0 : i32
    %dma_wait3A_50 = tpu.memref_slice %arg5[%mul3A_25, %dma_wait3A_49] : memref<64x128xi32, #tpu.memory_space<hbm>> -> memref<2x128xi32, #tpu.memory_space<hbm>>
    %dma_wait3A_51 = arith.constant 0 : i32
    %dma_wait3A_52 = tpu.memref_slice %arg5[%mul3A_25, %dma_wait3A_51] : memref<64x128xi32, #tpu.memory_space<hbm>> -> memref<2x128xi32, #tpu.memory_space<hbm>>
    tpu.wait_dma2 semaphore(%arg17 : memref<!tpu.dma_semaphore, #tpu.memory_space<semaphore_mem>>) src(%dma_wait3A_52 : memref<2x128xi32, #tpu.memory_space<hbm>>) dst(%arg12 : memref<2x128xi32, #tpu.memory_space<vmem>>)
    %dma_wait3A_53 = arith.constant 0 : i32
    %dma_wait3A_54 = tpu.memref_slice %arg2[%mul3A_2, %dma_wait3A_53] : memref<8192x128xf32, #tpu.memory_space<hbm>> -> memref<256x128xf32, #tpu.memory_space<hbm>>
    %dma_wait3A_55 = arith.constant 0 : i32
    %dma_wait3A_56 = tpu.memref_slice %arg2[%mul3A_2, %dma_wait3A_55] : memref<8192x128xf32, #tpu.memory_space<hbm>> -> memref<256x128xf32, #tpu.memory_space<hbm>>
    tpu.wait_dma2 semaphore(%arg17 : memref<!tpu.dma_semaphore, #tpu.memory_space<semaphore_mem>>) src(%dma_wait3A_56 : memref<256x128xf32, #tpu.memory_space<hbm>>) dst(%arg13 : memref<256x128xf32, #tpu.memory_space<vmem>>)
    %dma_wait3A_57 = arith.constant 0 : i32
    %dma_wait3A_58 = tpu.memref_slice %arg3[%mul3A_2, %dma_wait3A_57] : memref<8192x128xf32, #tpu.memory_space<hbm>> -> memref<256x128xf32, #tpu.memory_space<hbm>>
    %dma_wait3A_59 = arith.constant 0 : i32
    %dma_wait3A_60 = tpu.memref_slice %arg3[%mul3A_2, %dma_wait3A_59] : memref<8192x128xf32, #tpu.memory_space<hbm>> -> memref<256x128xf32, #tpu.memory_space<hbm>>
    tpu.wait_dma2 semaphore(%arg17 : memref<!tpu.dma_semaphore, #tpu.memory_space<semaphore_mem>>) src(%dma_wait3A_60 : memref<256x128xf32, #tpu.memory_space<hbm>>) dst(%arg14 : memref<256x128xf32, #tpu.memory_space<vmem>>)
    %barrier3A = arith.constant 0 : index
    tpu.barrier barrier_id(%barrier3A)
    %dma_start3A_61 = arith.constant 0 : i32
    %dma_start3A_62 = arith.constant 0 : i32
    %dma_start3A_63 = arith.constant 0 : i32
    %dma_start3A_64 = tpu.memref_slice %arg13[%dma_start3A_62, %dma_start3A_63] : memref<256x128xf32, #tpu.memory_space<vmem>> -> memref<128x128xf32, #tpu.memory_space<vmem>>
    %dma_start3A_65 = arith.constant 0 : i32
    %dma_start3A_66 = tpu.memref_slice %arg11[%dma_start3A_61, %dma_start3A_65] : memref<2x128xi32, #tpu.memory_space<vmem>> -> memref<1x128xi32, #tpu.memory_space<vmem>>
    %dma_start3A_67 = tpu.memref_squeeze %dma_start3A_66 : memref<1x128xi32, #tpu.memory_space<vmem>> -> memref<128xi32, #tpu.memory_space<vmem>>
    %dma_start3A_68 = arith.constant 0 : i32
    %dma_start3A_69 = arith.constant 0 : i32
    %dma_start3A_70 = tpu.memref_slice %arg15[%dma_start3A_68, %dma_start3A_69] : memref<2064x128xf32, #tpu.memory_space<vmem_shared>> -> memref<2064x128xf32, #tpu.memory_space<vmem_shared>>
    tpu.enqueue_indirect_dma source(%dma_start3A_64 : memref<128x128xf32, #tpu.memory_space<vmem>>) target(%dma_start3A_70 : memref<2064x128xf32, #tpu.memory_space<vmem_shared>>) offsets(%dma_start3A_67 : memref<128xi32, #tpu.memory_space<vmem>>) semaphore(%arg17 : memref<!tpu.dma_semaphore, #tpu.memory_space<semaphore_mem>>) {add = true}
    %dma_start3A_71 = arith.constant 0 : i32
    %dma_start3A_72 = arith.constant 0 : i32
    %dma_start3A_73 = arith.constant 0 : i32
    %dma_start3A_74 = tpu.memref_slice %arg13[%dma_start3A_72, %dma_start3A_73] : memref<256x128xf32, #tpu.memory_space<vmem>> -> memref<128x128xf32, #tpu.memory_space<vmem>>
    %dma_start3A_75 = arith.constant 0 : i32
    %dma_start3A_76 = tpu.memref_slice %arg12[%dma_start3A_71, %dma_start3A_75] : memref<2x128xi32, #tpu.memory_space<vmem>> -> memref<1x128xi32, #tpu.memory_space<vmem>>
    %dma_start3A_77 = tpu.memref_squeeze %dma_start3A_76 : memref<1x128xi32, #tpu.memory_space<vmem>> -> memref<128xi32, #tpu.memory_space<vmem>>
    %dma_start3A_78 = arith.constant 0 : i32
    %dma_start3A_79 = arith.constant 0 : i32
    %dma_start3A_80 = tpu.memref_slice %arg15[%dma_start3A_78, %dma_start3A_79] : memref<2064x128xf32, #tpu.memory_space<vmem_shared>> -> memref<2064x128xf32, #tpu.memory_space<vmem_shared>>
    tpu.enqueue_indirect_dma source(%dma_start3A_74 : memref<128x128xf32, #tpu.memory_space<vmem>>) target(%dma_start3A_80 : memref<2064x128xf32, #tpu.memory_space<vmem_shared>>) offsets(%dma_start3A_77 : memref<128xi32, #tpu.memory_space<vmem>>) semaphore(%arg17 : memref<!tpu.dma_semaphore, #tpu.memory_space<semaphore_mem>>) {add = true}
    %dma_start3A_81 = arith.constant 0 : i32
    %dma_start3A_82 = arith.constant 0 : i32
    %dma_start3A_83 = arith.constant 0 : i32
    %dma_start3A_84 = tpu.memref_slice %arg14[%dma_start3A_82, %dma_start3A_83] : memref<256x128xf32, #tpu.memory_space<vmem>> -> memref<128x128xf32, #tpu.memory_space<vmem>>
    %dma_start3A_85 = arith.constant 0 : i32
    %dma_start3A_86 = tpu.memref_slice %arg11[%dma_start3A_81, %dma_start3A_85] : memref<2x128xi32, #tpu.memory_space<vmem>> -> memref<1x128xi32, #tpu.memory_space<vmem>>
    %dma_start3A_87 = tpu.memref_squeeze %dma_start3A_86 : memref<1x128xi32, #tpu.memory_space<vmem>> -> memref<128xi32, #tpu.memory_space<vmem>>
    %dma_start3A_88 = arith.constant 0 : i32
    %dma_start3A_89 = arith.constant 0 : i32
    %dma_start3A_90 = tpu.memref_slice %arg16[%dma_start3A_88, %dma_start3A_89] : memref<2064x128xf32, #tpu.memory_space<vmem_shared>> -> memref<2064x128xf32, #tpu.memory_space<vmem_shared>>
    tpu.enqueue_indirect_dma source(%dma_start3A_84 : memref<128x128xf32, #tpu.memory_space<vmem>>) target(%dma_start3A_90 : memref<2064x128xf32, #tpu.memory_space<vmem_shared>>) offsets(%dma_start3A_87 : memref<128xi32, #tpu.memory_space<vmem>>) semaphore(%arg17 : memref<!tpu.dma_semaphore, #tpu.memory_space<semaphore_mem>>) {add = true}
    %dma_start3A_91 = arith.constant 0 : i32
    %dma_start3A_92 = arith.constant 0 : i32
    %dma_start3A_93 = arith.constant 0 : i32
    %dma_start3A_94 = tpu.memref_slice %arg14[%dma_start3A_92, %dma_start3A_93] : memref<256x128xf32, #tpu.memory_space<vmem>> -> memref<128x128xf32, #tpu.memory_space<vmem>>
    %dma_start3A_95 = arith.constant 0 : i32
    %dma_start3A_96 = tpu.memref_slice %arg12[%dma_start3A_91, %dma_start3A_95] : memref<2x128xi32, #tpu.memory_space<vmem>> -> memref<1x128xi32, #tpu.memory_space<vmem>>
    %dma_start3A_97 = tpu.memref_squeeze %dma_start3A_96 : memref<1x128xi32, #tpu.memory_space<vmem>> -> memref<128xi32, #tpu.memory_space<vmem>>
    %dma_start3A_98 = arith.constant 0 : i32
    %dma_start3A_99 = arith.constant 0 : i32
    %dma_start3A_100 = tpu.memref_slice %arg16[%dma_start3A_98, %dma_start3A_99] : memref<2064x128xf32, #tpu.memory_space<vmem_shared>> -> memref<2064x128xf32, #tpu.memory_space<vmem_shared>>
    tpu.enqueue_indirect_dma source(%dma_start3A_94 : memref<128x128xf32, #tpu.memory_space<vmem>>) target(%dma_start3A_100 : memref<2064x128xf32, #tpu.memory_space<vmem_shared>>) offsets(%dma_start3A_97 : memref<128xi32, #tpu.memory_space<vmem>>) semaphore(%arg17 : memref<!tpu.dma_semaphore, #tpu.memory_space<semaphore_mem>>) {add = true}
    %dma_start3A_101 = arith.constant 1 : i32
    %dma_start3A_102 = arith.constant 128 : i32
    %dma_start3A_103 = arith.constant 0 : i32
    %dma_start3A_104 = tpu.memref_slice %arg13[%dma_start3A_102, %dma_start3A_103] : memref<256x128xf32, #tpu.memory_space<vmem>> -> memref<128x128xf32, #tpu.memory_space<vmem>>
    %dma_start3A_105 = arith.constant 0 : i32
    %dma_start3A_106 = tpu.memref_slice %arg11[%dma_start3A_101, %dma_start3A_105] : memref<2x128xi32, #tpu.memory_space<vmem>> -> memref<1x128xi32, #tpu.memory_space<vmem>>
    %dma_start3A_107 = tpu.memref_squeeze %dma_start3A_106 : memref<1x128xi32, #tpu.memory_space<vmem>> -> memref<128xi32, #tpu.memory_space<vmem>>
    %dma_start3A_108 = arith.constant 0 : i32
    %dma_start3A_109 = arith.constant 0 : i32
    %dma_start3A_110 = tpu.memref_slice %arg15[%dma_start3A_108, %dma_start3A_109] : memref<2064x128xf32, #tpu.memory_space<vmem_shared>> -> memref<2064x128xf32, #tpu.memory_space<vmem_shared>>
    tpu.enqueue_indirect_dma source(%dma_start3A_104 : memref<128x128xf32, #tpu.memory_space<vmem>>) target(%dma_start3A_110 : memref<2064x128xf32, #tpu.memory_space<vmem_shared>>) offsets(%dma_start3A_107 : memref<128xi32, #tpu.memory_space<vmem>>) semaphore(%arg17 : memref<!tpu.dma_semaphore, #tpu.memory_space<semaphore_mem>>) {add = true}
    %dma_start3A_111 = arith.constant 1 : i32
    %dma_start3A_112 = arith.constant 128 : i32
    %dma_start3A_113 = arith.constant 0 : i32
    %dma_start3A_114 = tpu.memref_slice %arg13[%dma_start3A_112, %dma_start3A_113] : memref<256x128xf32, #tpu.memory_space<vmem>> -> memref<128x128xf32, #tpu.memory_space<vmem>>
    %dma_start3A_115 = arith.constant 0 : i32
    %dma_start3A_116 = tpu.memref_slice %arg12[%dma_start3A_111, %dma_start3A_115] : memref<2x128xi32, #tpu.memory_space<vmem>> -> memref<1x128xi32, #tpu.memory_space<vmem>>
    %dma_start3A_117 = tpu.memref_squeeze %dma_start3A_116 : memref<1x128xi32, #tpu.memory_space<vmem>> -> memref<128xi32, #tpu.memory_space<vmem>>
    %dma_start3A_118 = arith.constant 0 : i32
    %dma_start3A_119 = arith.constant 0 : i32
    %dma_start3A_120 = tpu.memref_slice %arg15[%dma_start3A_118, %dma_start3A_119] : memref<2064x128xf32, #tpu.memory_space<vmem_shared>> -> memref<2064x128xf32, #tpu.memory_space<vmem_shared>>
    tpu.enqueue_indirect_dma source(%dma_start3A_114 : memref<128x128xf32, #tpu.memory_space<vmem>>) target(%dma_start3A_120 : memref<2064x128xf32, #tpu.memory_space<vmem_shared>>) offsets(%dma_start3A_117 : memref<128xi32, #tpu.memory_space<vmem>>) semaphore(%arg17 : memref<!tpu.dma_semaphore, #tpu.memory_space<semaphore_mem>>) {add = true}
    %dma_start3A_121 = arith.constant 1 : i32
    %dma_start3A_122 = arith.constant 128 : i32
    %dma_start3A_123 = arith.constant 0 : i32
    %dma_start3A_124 = tpu.memref_slice %arg14[%dma_start3A_122, %dma_start3A_123] : memref<256x128xf32, #tpu.memory_space<vmem>> -> memref<128x128xf32, #tpu.memory_space<vmem>>
    %dma_start3A_125 = arith.constant 0 : i32
    %dma_start3A_126 = tpu.memref_slice %arg11[%dma_start3A_121, %dma_start3A_125] : memref<2x128xi32, #tpu.memory_space<vmem>> -> memref<1x128xi32, #tpu.memory_space<vmem>>
    %dma_start3A_127 = tpu.memref_squeeze %dma_start3A_126 : memref<1x128xi32, #tpu.memory_space<vmem>> -> memref<128xi32, #tpu.memory_space<vmem>>
    %dma_start3A_128 = arith.constant 0 : i32
    %dma_start3A_129 = arith.constant 0 : i32
    %dma_start3A_130 = tpu.memref_slice %arg16[%dma_start3A_128, %dma_start3A_129] : memref<2064x128xf32, #tpu.memory_space<vmem_shared>> -> memref<2064x128xf32, #tpu.memory_space<vmem_shared>>
    tpu.enqueue_indirect_dma source(%dma_start3A_124 : memref<128x128xf32, #tpu.memory_space<vmem>>) target(%dma_start3A_130 : memref<2064x128xf32, #tpu.memory_space<vmem_shared>>) offsets(%dma_start3A_127 : memref<128xi32, #tpu.memory_space<vmem>>) semaphore(%arg17 : memref<!tpu.dma_semaphore, #tpu.memory_space<semaphore_mem>>) {add = true}
    %dma_start3A_131 = arith.constant 1 : i32
    %dma_start3A_132 = arith.constant 128 : i32
    %dma_start3A_133 = arith.constant 0 : i32
    %dma_start3A_134 = tpu.memref_slice %arg14[%dma_start3A_132, %dma_start3A_133] : memref<256x128xf32, #tpu.memory_space<vmem>> -> memref<128x128xf32, #tpu.memory_space<vmem>>
    %dma_start3A_135 = arith.constant 0 : i32
    %dma_start3A_136 = tpu.memref_slice %arg12[%dma_start3A_131, %dma_start3A_135] : memref<2x128xi32, #tpu.memory_space<vmem>> -> memref<1x128xi32, #tpu.memory_space<vmem>>
    %dma_start3A_137 = tpu.memref_squeeze %dma_start3A_136 : memref<1x128xi32, #tpu.memory_space<vmem>> -> memref<128xi32, #tpu.memory_space<vmem>>
    %dma_start3A_138 = arith.constant 0 : i32
    %dma_start3A_139 = arith.constant 0 : i32
    %dma_start3A_140 = tpu.memref_slice %arg16[%dma_start3A_138, %dma_start3A_139] : memref<2064x128xf32, #tpu.memory_space<vmem_shared>> -> memref<2064x128xf32, #tpu.memory_space<vmem_shared>>
    tpu.enqueue_indirect_dma source(%dma_start3A_134 : memref<128x128xf32, #tpu.memory_space<vmem>>) target(%dma_start3A_140 : memref<2064x128xf32, #tpu.memory_space<vmem_shared>>) offsets(%dma_start3A_137 : memref<128xi32, #tpu.memory_space<vmem>>) semaphore(%arg17 : memref<!tpu.dma_semaphore, #tpu.memory_space<semaphore_mem>>) {add = true}
    %dma_wait3A_141 = arith.constant 0 : i32
    %dma_wait3A_142 = arith.constant 0 : i32
    %dma_wait3A_143 = arith.constant 0 : i32
    %dma_wait3A_144 = tpu.memref_slice %arg13[%dma_wait3A_142, %dma_wait3A_143] : memref<256x128xf32, #tpu.memory_space<vmem>> -> memref<128x128xf32, #tpu.memory_space<vmem>>
    %dma_wait3A_145 = arith.constant 0 : i32
    %dma_wait3A_146 = tpu.memref_slice %arg11[%dma_wait3A_141, %dma_wait3A_145] : memref<2x128xi32, #tpu.memory_space<vmem>> -> memref<1x128xi32, #tpu.memory_space<vmem>>
    %dma_wait3A_147 = tpu.memref_squeeze %dma_wait3A_146 : memref<1x128xi32, #tpu.memory_space<vmem>> -> memref<128xi32, #tpu.memory_space<vmem>>
    %dma_wait3A_148 = arith.constant 0 : i32
    %dma_wait3A_149 = arith.constant 0 : i32
    %dma_wait3A_150 = tpu.memref_slice %arg15[%dma_wait3A_148, %dma_wait3A_149] : memref<2064x128xf32, #tpu.memory_space<vmem_shared>> -> memref<2064x128xf32, #tpu.memory_space<vmem_shared>>
    tpu.wait_indirect_dma semaphore(%arg17 : memref<!tpu.dma_semaphore, #tpu.memory_space<semaphore_mem>>) src(%dma_wait3A_144 : memref<128x128xf32, #tpu.memory_space<vmem>>) dst(%dma_wait3A_150 : memref<2064x128xf32, #tpu.memory_space<vmem_shared>>)
    %dma_wait3A_151 = arith.constant 0 : i32
    %dma_wait3A_152 = arith.constant 0 : i32
    %dma_wait3A_153 = arith.constant 0 : i32
    %dma_wait3A_154 = tpu.memref_slice %arg13[%dma_wait3A_152, %dma_wait3A_153] : memref<256x128xf32, #tpu.memory_space<vmem>> -> memref<128x128xf32, #tpu.memory_space<vmem>>
    %dma_wait3A_155 = arith.constant 0 : i32
    %dma_wait3A_156 = tpu.memref_slice %arg12[%dma_wait3A_151, %dma_wait3A_155] : memref<2x128xi32, #tpu.memory_space<vmem>> -> memref<1x128xi32, #tpu.memory_space<vmem>>
    %dma_wait3A_157 = tpu.memref_squeeze %dma_wait3A_156 : memref<1x128xi32, #tpu.memory_space<vmem>> -> memref<128xi32, #tpu.memory_space<vmem>>
    %dma_wait3A_158 = arith.constant 0 : i32
    %dma_wait3A_159 = arith.constant 0 : i32
    %dma_wait3A_160 = tpu.memref_slice %arg15[%dma_wait3A_158, %dma_wait3A_159] : memref<2064x128xf32, #tpu.memory_space<vmem_shared>> -> memref<2064x128xf32, #tpu.memory_space<vmem_shared>>
    tpu.wait_indirect_dma semaphore(%arg17 : memref<!tpu.dma_semaphore, #tpu.memory_space<semaphore_mem>>) src(%dma_wait3A_154 : memref<128x128xf32, #tpu.memory_space<vmem>>) dst(%dma_wait3A_160 : memref<2064x128xf32, #tpu.memory_space<vmem_shared>>)
    %dma_wait3A_161 = arith.constant 0 : i32
    %dma_wait3A_162 = arith.constant 0 : i32
    %dma_wait3A_163 = arith.constant 0 : i32
    %dma_wait3A_164 = tpu.memref_slice %arg14[%dma_wait3A_162, %dma_wait3A_163] : memref<256x128xf32, #tpu.memory_space<vmem>> -> memref<128x128xf32, #tpu.memory_space<vmem>>
    %dma_wait3A_165 = arith.constant 0 : i32
    %dma_wait3A_166 = tpu.memref_slice %arg11[%dma_wait3A_161, %dma_wait3A_165] : memref<2x128xi32, #tpu.memory_space<vmem>> -> memref<1x128xi32, #tpu.memory_space<vmem>>
    %dma_wait3A_167 = tpu.memref_squeeze %dma_wait3A_166 : memref<1x128xi32, #tpu.memory_space<vmem>> -> memref<128xi32, #tpu.memory_space<vmem>>
    %dma_wait3A_168 = arith.constant 0 : i32
    %dma_wait3A_169 = arith.constant 0 : i32
    %dma_wait3A_170 = tpu.memref_slice %arg16[%dma_wait3A_168, %dma_wait3A_169] : memref<2064x128xf32, #tpu.memory_space<vmem_shared>> -> memref<2064x128xf32, #tpu.memory_space<vmem_shared>>
    tpu.wait_indirect_dma semaphore(%arg17 : memref<!tpu.dma_semaphore, #tpu.memory_space<semaphore_mem>>) src(%dma_wait3A_164 : memref<128x128xf32, #tpu.memory_space<vmem>>) dst(%dma_wait3A_170 : memref<2064x128xf32, #tpu.memory_space<vmem_shared>>)
    %dma_wait3A_171 = arith.constant 0 : i32
    %dma_wait3A_172 = arith.constant 0 : i32
    %dma_wait3A_173 = arith.constant 0 : i32
    %dma_wait3A_174 = tpu.memref_slice %arg14[%dma_wait3A_172, %dma_wait3A_173] : memref<256x128xf32, #tpu.memory_space<vmem>> -> memref<128x128xf32, #tpu.memory_space<vmem>>
    %dma_wait3A_175 = arith.constant 0 : i32
    %dma_wait3A_176 = tpu.memref_slice %arg12[%dma_wait3A_171, %dma_wait3A_175] : memref<2x128xi32, #tpu.memory_space<vmem>> -> memref<1x128xi32, #tpu.memory_space<vmem>>
    %dma_wait3A_177 = tpu.memref_squeeze %dma_wait3A_176 : memref<1x128xi32, #tpu.memory_space<vmem>> -> memref<128xi32, #tpu.memory_space<vmem>>
    %dma_wait3A_178 = arith.constant 0 : i32
    %dma_wait3A_179 = arith.constant 0 : i32
    %dma_wait3A_180 = tpu.memref_slice %arg16[%dma_wait3A_178, %dma_wait3A_179] : memref<2064x128xf32, #tpu.memory_space<vmem_shared>> -> memref<2064x128xf32, #tpu.memory_space<vmem_shared>>
    tpu.wait_indirect_dma semaphore(%arg17 : memref<!tpu.dma_semaphore, #tpu.memory_space<semaphore_mem>>) src(%dma_wait3A_174 : memref<128x128xf32, #tpu.memory_space<vmem>>) dst(%dma_wait3A_180 : memref<2064x128xf32, #tpu.memory_space<vmem_shared>>)
    %dma_wait3A_181 = arith.constant 1 : i32
    %dma_wait3A_182 = arith.constant 128 : i32
    %dma_wait3A_183 = arith.constant 0 : i32
    %dma_wait3A_184 = tpu.memref_slice %arg13[%dma_wait3A_182, %dma_wait3A_183] : memref<256x128xf32, #tpu.memory_space<vmem>> -> memref<128x128xf32, #tpu.memory_space<vmem>>
    %dma_wait3A_185 = arith.constant 0 : i32
    %dma_wait3A_186 = tpu.memref_slice %arg11[%dma_wait3A_181, %dma_wait3A_185] : memref<2x128xi32, #tpu.memory_space<vmem>> -> memref<1x128xi32, #tpu.memory_space<vmem>>
    %dma_wait3A_187 = tpu.memref_squeeze %dma_wait3A_186 : memref<1x128xi32, #tpu.memory_space<vmem>> -> memref<128xi32, #tpu.memory_space<vmem>>
    %dma_wait3A_188 = arith.constant 0 : i32
    %dma_wait3A_189 = arith.constant 0 : i32
    %dma_wait3A_190 = tpu.memref_slice %arg15[%dma_wait3A_188, %dma_wait3A_189] : memref<2064x128xf32, #tpu.memory_space<vmem_shared>> -> memref<2064x128xf32, #tpu.memory_space<vmem_shared>>
    tpu.wait_indirect_dma semaphore(%arg17 : memref<!tpu.dma_semaphore, #tpu.memory_space<semaphore_mem>>) src(%dma_wait3A_184 : memref<128x128xf32, #tpu.memory_space<vmem>>) dst(%dma_wait3A_190 : memref<2064x128xf32, #tpu.memory_space<vmem_shared>>)
    %dma_wait3A_191 = arith.constant 1 : i32
    %dma_wait3A_192 = arith.constant 128 : i32
    %dma_wait3A_193 = arith.constant 0 : i32
    %dma_wait3A_194 = tpu.memref_slice %arg13[%dma_wait3A_192, %dma_wait3A_193] : memref<256x128xf32, #tpu.memory_space<vmem>> -> memref<128x128xf32, #tpu.memory_space<vmem>>
    %dma_wait3A_195 = arith.constant 0 : i32
    %dma_wait3A_196 = tpu.memref_slice %arg12[%dma_wait3A_191, %dma_wait3A_195] : memref<2x128xi32, #tpu.memory_space<vmem>> -> memref<1x128xi32, #tpu.memory_space<vmem>>
    %dma_wait3A_197 = tpu.memref_squeeze %dma_wait3A_196 : memref<1x128xi32, #tpu.memory_space<vmem>> -> memref<128xi32, #tpu.memory_space<vmem>>
    %dma_wait3A_198 = arith.constant 0 : i32
    %dma_wait3A_199 = arith.constant 0 : i32
    %dma_wait3A_200 = tpu.memref_slice %arg15[%dma_wait3A_198, %dma_wait3A_199] : memref<2064x128xf32, #tpu.memory_space<vmem_shared>> -> memref<2064x128xf32, #tpu.memory_space<vmem_shared>>
    tpu.wait_indirect_dma semaphore(%arg17 : memref<!tpu.dma_semaphore, #tpu.memory_space<semaphore_mem>>) src(%dma_wait3A_194 : memref<128x128xf32, #tpu.memory_space<vmem>>) dst(%dma_wait3A_200 : memref<2064x128xf32, #tpu.memory_space<vmem_shared>>)
    %dma_wait3A_201 = arith.constant 1 : i32
    %dma_wait3A_202 = arith.constant 128 : i32
    %dma_wait3A_203 = arith.constant 0 : i32
    %dma_wait3A_204 = tpu.memref_slice %arg14[%dma_wait3A_202, %dma_wait3A_203] : memref<256x128xf32, #tpu.memory_space<vmem>> -> memref<128x128xf32, #tpu.memory_space<vmem>>
    %dma_wait3A_205 = arith.constant 0 : i32
    %dma_wait3A_206 = tpu.memref_slice %arg11[%dma_wait3A_201, %dma_wait3A_205] : memref<2x128xi32, #tpu.memory_space<vmem>> -> memref<1x128xi32, #tpu.memory_space<vmem>>
    %dma_wait3A_207 = tpu.memref_squeeze %dma_wait3A_206 : memref<1x128xi32, #tpu.memory_space<vmem>> -> memref<128xi32, #tpu.memory_space<vmem>>
    %dma_wait3A_208 = arith.constant 0 : i32
    %dma_wait3A_209 = arith.constant 0 : i32
    %dma_wait3A_210 = tpu.memref_slice %arg16[%dma_wait3A_208, %dma_wait3A_209] : memref<2064x128xf32, #tpu.memory_space<vmem_shared>> -> memref<2064x128xf32, #tpu.memory_space<vmem_shared>>
    tpu.wait_indirect_dma semaphore(%arg17 : memref<!tpu.dma_semaphore, #tpu.memory_space<semaphore_mem>>) src(%dma_wait3A_204 : memref<128x128xf32, #tpu.memory_space<vmem>>) dst(%dma_wait3A_210 : memref<2064x128xf32, #tpu.memory_space<vmem_shared>>)
    %dma_wait3A_211 = arith.constant 1 : i32
    %dma_wait3A_212 = arith.constant 128 : i32
    %dma_wait3A_213 = arith.constant 0 : i32
    %dma_wait3A_214 = tpu.memref_slice %arg14[%dma_wait3A_212, %dma_wait3A_213] : memref<256x128xf32, #tpu.memory_space<vmem>> -> memref<128x128xf32, #tpu.memory_space<vmem>>
    %dma_wait3A_215 = arith.constant 0 : i32
    %dma_wait3A_216 = tpu.memref_slice %arg12[%dma_wait3A_211, %dma_wait3A_215] : memref<2x128xi32, #tpu.memory_space<vmem>> -> memref<1x128xi32, #tpu.memory_space<vmem>>
    %dma_wait3A_217 = tpu.memref_squeeze %dma_wait3A_216 : memref<1x128xi32, #tpu.memory_space<vmem>> -> memref<128xi32, #tpu.memory_space<vmem>>
    %dma_wait3A_218 = arith.constant 0 : i32
    %dma_wait3A_219 = arith.constant 0 : i32
    %dma_wait3A_220 = tpu.memref_slice %arg16[%dma_wait3A_218, %dma_wait3A_219] : memref<2064x128xf32, #tpu.memory_space<vmem_shared>> -> memref<2064x128xf32, #tpu.memory_space<vmem_shared>>
    tpu.wait_indirect_dma semaphore(%arg17 : memref<!tpu.dma_semaphore, #tpu.memory_space<semaphore_mem>>) src(%dma_wait3A_214 : memref<128x128xf32, #tpu.memory_space<vmem>>) dst(%dma_wait3A_220 : memref<2064x128xf32, #tpu.memory_space<vmem_shared>>)
    %barrier3A_221 = arith.constant 0 : index
    tpu.barrier barrier_id(%barrier3A_221)
    %eq3A = arith.constant 0 : i32
    %eq3A_222 = arith.cmpi eq, %arg0, %eq3A : i32
    %convert_element_type3A = arith.extui %eq3A_222 : i1 to i32
    %cond3A = arith.constant 0 : i32
    %cond3A_223 = arith.cmpi ne, %convert_element_type3A, %cond3A : i32
    scf.if %cond3A_223 {
      %mul3A_229 = arith.constant 128 : i32
      %mul3A_230 = arith.muli %arg1, %mul3A_229 : i32
      %mul3A_231 = arith.constant 128 : i32
      %mul3A_232 = arith.muli %arg1, %mul3A_231 : i32
      "tpu.region"() ({
        %run_scoped3A = tpu.sem_alloc : memref<!tpu.dma_semaphore, #tpu.memory_space<semaphore_mem>>
        %dma_start3A_237 = arith.constant 0 : i32
        %dma_start3A_238 = tpu.memref_slice %arg7[%mul3A_232, %dma_start3A_237] : memref<2048x128xf32, #tpu.memory_space<hbm>> -> memref<128x128xf32, #tpu.memory_space<hbm>>
        %dma_start3A_239 = arith.constant 0 : i32
        %dma_start3A_240 = tpu.memref_slice %arg15[%mul3A_230, %dma_start3A_239] : memref<2064x128xf32, #tpu.memory_space<vmem_shared>> -> memref<128x128xf32, #tpu.memory_space<vmem_shared>>
        tpu.enqueue_dma source(%dma_start3A_240 : memref<128x128xf32, #tpu.memory_space<vmem_shared>>) target(%dma_start3A_238 : memref<128x128xf32, #tpu.memory_space<hbm>>) target_semaphore(%run_scoped3A : memref<!tpu.dma_semaphore, #tpu.memory_space<semaphore_mem>>)
        %dma_wait3A_241 = arith.constant 0 : i32
        %dma_wait3A_242 = tpu.memref_slice %arg7[%mul3A_232, %dma_wait3A_241] : memref<2048x128xf32, #tpu.memory_space<hbm>> -> memref<128x128xf32, #tpu.memory_space<hbm>>
        %dma_wait3A_243 = arith.constant 0 : i32
        %dma_wait3A_244 = tpu.memref_slice %arg15[%mul3A_230, %dma_wait3A_243] : memref<2064x128xf32, #tpu.memory_space<vmem_shared>> -> memref<128x128xf32, #tpu.memory_space<vmem_shared>>
        tpu.wait_dma2 semaphore(%run_scoped3A : memref<!tpu.dma_semaphore, #tpu.memory_space<semaphore_mem>>) src(%dma_wait3A_244 : memref<128x128xf32, #tpu.memory_space<vmem_shared>>) dst(%dma_wait3A_242 : memref<128x128xf32, #tpu.memory_space<hbm>>)
        tpu.yield
      }) : () -> ()
      %mul3A_233 = arith.constant 128 : i32
      %mul3A_234 = arith.muli %arg1, %mul3A_233 : i32
      %mul3A_235 = arith.constant 128 : i32
      %mul3A_236 = arith.muli %arg1, %mul3A_235 : i32
      "tpu.region"() ({
        %run_scoped3A = tpu.sem_alloc : memref<!tpu.dma_semaphore, #tpu.memory_space<semaphore_mem>>
        %dma_start3A_237 = arith.constant 0 : i32
        %dma_start3A_238 = tpu.memref_slice %arg9[%mul3A_236, %dma_start3A_237] : memref<2048x128xf32, #tpu.memory_space<hbm>> -> memref<128x128xf32, #tpu.memory_space<hbm>>
        %dma_start3A_239 = arith.constant 0 : i32
        %dma_start3A_240 = tpu.memref_slice %arg16[%mul3A_234, %dma_start3A_239] : memref<2064x128xf32, #tpu.memory_space<vmem_shared>> -> memref<128x128xf32, #tpu.memory_space<vmem_shared>>
        tpu.enqueue_dma source(%dma_start3A_240 : memref<128x128xf32, #tpu.memory_space<vmem_shared>>) target(%dma_start3A_238 : memref<128x128xf32, #tpu.memory_space<hbm>>) target_semaphore(%run_scoped3A : memref<!tpu.dma_semaphore, #tpu.memory_space<semaphore_mem>>)
        %dma_wait3A_241 = arith.constant 0 : i32
        %dma_wait3A_242 = tpu.memref_slice %arg9[%mul3A_236, %dma_wait3A_241] : memref<2048x128xf32, #tpu.memory_space<hbm>> -> memref<128x128xf32, #tpu.memory_space<hbm>>
        %dma_wait3A_243 = arith.constant 0 : i32
        %dma_wait3A_244 = tpu.memref_slice %arg16[%mul3A_234, %dma_wait3A_243] : memref<2064x128xf32, #tpu.memory_space<vmem_shared>> -> memref<128x128xf32, #tpu.memory_space<vmem_shared>>
        tpu.wait_dma2 semaphore(%run_scoped3A : memref<!tpu.dma_semaphore, #tpu.memory_space<semaphore_mem>>) src(%dma_wait3A_244 : memref<128x128xf32, #tpu.memory_space<vmem_shared>>) dst(%dma_wait3A_242 : memref<128x128xf32, #tpu.memory_space<hbm>>)
        tpu.yield
      }) : () -> ()
    } else {
    }
    %eq3A_224 = arith.constant 1 : i32
    %eq3A_225 = arith.cmpi eq, %arg0, %eq3A_224 : i32
    %convert_element_type3A_226 = arith.extui %eq3A_225 : i1 to i32
    %cond3A_227 = arith.constant 0 : i32
    %cond3A_228 = arith.cmpi ne, %convert_element_type3A_226, %cond3A_227 : i32
    scf.if %cond3A_228 {
      %mul3A_229 = arith.constant 128 : i32
      %mul3A_230 = arith.muli %arg1, %mul3A_229 : i32
      %mul3A_231 = arith.constant 128 : i32
      %mul3A_232 = arith.muli %arg1, %mul3A_231 : i32
      "tpu.region"() ({
        %run_scoped3A = tpu.sem_alloc : memref<!tpu.dma_semaphore, #tpu.memory_space<semaphore_mem>>
        %dma_start3A_237 = arith.constant 0 : i32
        %dma_start3A_238 = tpu.memref_slice %arg8[%mul3A_232, %dma_start3A_237] : memref<2048x128xf32, #tpu.memory_space<hbm>> -> memref<128x128xf32, #tpu.memory_space<hbm>>
        %dma_start3A_239 = arith.constant 0 : i32
        %dma_start3A_240 = tpu.memref_slice %arg15[%mul3A_230, %dma_start3A_239] : memref<2064x128xf32, #tpu.memory_space<vmem_shared>> -> memref<128x128xf32, #tpu.memory_space<vmem_shared>>
        tpu.enqueue_dma source(%dma_start3A_240 : memref<128x128xf32, #tpu.memory_space<vmem_shared>>) target(%dma_start3A_238 : memref<128x128xf32, #tpu.memory_space<hbm>>) target_semaphore(%run_scoped3A : memref<!tpu.dma_semaphore, #tpu.memory_space<semaphore_mem>>)
        %dma_wait3A_241 = arith.constant 0 : i32
        %dma_wait3A_242 = tpu.memref_slice %arg8[%mul3A_232, %dma_wait3A_241] : memref<2048x128xf32, #tpu.memory_space<hbm>> -> memref<128x128xf32, #tpu.memory_space<hbm>>
        %dma_wait3A_243 = arith.constant 0 : i32
        %dma_wait3A_244 = tpu.memref_slice %arg15[%mul3A_230, %dma_wait3A_243] : memref<2064x128xf32, #tpu.memory_space<vmem_shared>> -> memref<128x128xf32, #tpu.memory_space<vmem_shared>>
        tpu.wait_dma2 semaphore(%run_scoped3A : memref<!tpu.dma_semaphore, #tpu.memory_space<semaphore_mem>>) src(%dma_wait3A_244 : memref<128x128xf32, #tpu.memory_space<vmem_shared>>) dst(%dma_wait3A_242 : memref<128x128xf32, #tpu.memory_space<hbm>>)
        tpu.yield
      }) : () -> ()
      %mul3A_233 = arith.constant 128 : i32
      %mul3A_234 = arith.muli %arg1, %mul3A_233 : i32
      %mul3A_235 = arith.constant 128 : i32
      %mul3A_236 = arith.muli %arg1, %mul3A_235 : i32
      "tpu.region"() ({
        %run_scoped3A = tpu.sem_alloc : memref<!tpu.dma_semaphore, #tpu.memory_space<semaphore_mem>>
        %dma_start3A_237 = arith.constant 0 : i32
        %dma_start3A_238 = tpu.memref_slice %arg10[%mul3A_236, %dma_start3A_237] : memref<2048x128xf32, #tpu.memory_space<hbm>> -> memref<128x128xf32, #tpu.memory_space<hbm>>
        %dma_start3A_239 = arith.constant 0 : i32
        %dma_start3A_240 = tpu.memref_slice %arg16[%mul3A_234, %dma_start3A_239] : memref<2064x128xf32, #tpu.memory_space<vmem_shared>> -> memref<128x128xf32, #tpu.memory_space<vmem_shared>>
        tpu.enqueue_dma source(%dma_start3A_240 : memref<128x128xf32, #tpu.memory_space<vmem_shared>>) target(%dma_start3A_238 : memref<128x128xf32, #tpu.memory_space<hbm>>) target_semaphore(%run_scoped3A : memref<!tpu.dma_semaphore, #tpu.memory_space<semaphore_mem>>)
        %dma_wait3A_241 = arith.constant 0 : i32
        %dma_wait3A_242 = tpu.memref_slice %arg10[%mul3A_236, %dma_wait3A_241] : memref<2048x128xf32, #tpu.memory_space<hbm>> -> memref<128x128xf32, #tpu.memory_space<hbm>>
        %dma_wait3A_243 = arith.constant 0 : i32
        %dma_wait3A_244 = tpu.memref_slice %arg16[%mul3A_234, %dma_wait3A_243] : memref<2064x128xf32, #tpu.memory_space<vmem_shared>> -> memref<128x128xf32, #tpu.memory_space<vmem_shared>>
        tpu.wait_dma2 semaphore(%run_scoped3A : memref<!tpu.dma_semaphore, #tpu.memory_space<semaphore_mem>>) src(%dma_wait3A_244 : memref<128x128xf32, #tpu.memory_space<vmem_shared>>) dst(%dma_wait3A_242 : memref<128x128xf32, #tpu.memory_space<hbm>>)
        tpu.yield
      }) : () -> ()
    } else {
    }
    return
  }
}

#map = affine_map<(d0, d1) -> (0, 0)>
module attributes {stable_mosaic.version = 14 : i64} {
  func.func @k(%arg0: i32, %arg1: i32, %arg2: memref<8192x128xf32, #tpu.memory_space<hbm>>, %arg3: memref<8192x128xf32, #tpu.memory_space<hbm>>, %arg4: memref<64x128xi32, #tpu.memory_space<hbm>>, %arg5: memref<64x128xi32, #tpu.memory_space<hbm>>, %arg6: memref<2048x128xf32, #tpu.memory_space<hbm>>, %arg7: memref<2048x128xf32, #tpu.memory_space<hbm>>, %arg8: memref<2048x128xf32, #tpu.memory_space<hbm>>, %arg9: memref<2048x128xf32, #tpu.memory_space<hbm>>, %arg10: memref<2048x128xf32, #tpu.memory_space<hbm>>, %arg11: memref<2x128xi32, #tpu.memory_space<vmem>>, %arg12: memref<2x128xi32, #tpu.memory_space<vmem>>, %arg13: memref<256x128xf32, #tpu.memory_space<vmem>>, %arg14: memref<256x128xf32, #tpu.memory_space<vmem>>, %arg15: memref<2064x128xf32, #tpu.memory_space<vmem_shared>>, %arg16: memref<2064x128xf32, #tpu.memory_space<vmem_shared>>, %arg17: memref<!tpu.dma_semaphore, #tpu.memory_space<semaphore_mem>>) attributes {dimension_semantics = [#tpu.dimension_semantics<core_parallel>, #tpu.dimension_semantics<subcore_parallel>], iteration_bounds = array<i64: 2, 16>, scalar_prefetch = 0 : i64, scratch_operands = 7 : i64, tpu.core_type = #tpu.core_type<sc_vector_subcore>, window_params = [{transform_indices = #map}, {transform_indices = #map}, {transform_indices = #map}, {transform_indices = #map}, {transform_indices = #map}, {transform_indices = #map}, {transform_indices = #map}, {transform_indices = #map}, {transform_indices = #map}]} {
    %mul3A = arith.constant 2 : i32
    %mul3A_0 = arith.muli %arg1, %mul3A : i32
    %add3A = arith.addi %mul3A_0, %arg0 : i32
    %mul3A_1 = arith.constant 256 : i32
    %mul3A_2 = arith.muli %add3A, %mul3A_1 : i32
    %mul3A_3 = arith.constant 128 : i32
    %mul3A_4 = arith.muli %arg1, %mul3A_3 : i32
    %mul3A_5 = arith.constant 128 : i32
    %mul3A_6 = arith.muli %arg1, %mul3A_5 : i32
    %dma_start3A = arith.constant 0 : i32
    %dma_start3A_7 = tpu.memref_slice %arg15[%mul3A_6, %dma_start3A] : memref<2064x128xf32, #tpu.memory_space<vmem_shared>> -> memref<128x128xf32, #tpu.memory_space<vmem_shared>>
    %dma_start3A_8 = arith.constant 0 : i32
    %dma_start3A_9 = tpu.memref_slice %arg6[%mul3A_4, %dma_start3A_8] : memref<2048x128xf32, #tpu.memory_space<hbm>> -> memref<128x128xf32, #tpu.memory_space<hbm>>
    tpu.enqueue_dma source(%dma_start3A_9 : memref<128x128xf32, #tpu.memory_space<hbm>>) target(%dma_start3A_7 : memref<128x128xf32, #tpu.memory_space<vmem_shared>>) target_semaphore(%arg17 : memref<!tpu.dma_semaphore, #tpu.memory_space<semaphore_mem>>)
    %mul3A_10 = arith.constant 128 : i32
    %mul3A_11 = arith.muli %arg1, %mul3A_10 : i32
    %mul3A_12 = arith.constant 128 : i32
    %mul3A_13 = arith.muli %arg1, %mul3A_12 : i32
    %dma_start3A_14 = arith.constant 0 : i32
    %dma_start3A_15 = tpu.memref_slice %arg16[%mul3A_13, %dma_start3A_14] : memref<2064x128xf32, #tpu.memory_space<vmem_shared>> -> memref<128x128xf32, #tpu.memory_space<vmem_shared>>
    %dma_start3A_16 = arith.constant 0 : i32
    %dma_start3A_17 = tpu.memref_slice %arg6[%mul3A_11, %dma_start3A_16] : memref<2048x128xf32, #tpu.memory_space<hbm>> -> memref<128x128xf32, #tpu.memory_space<hbm>>
    tpu.enqueue_dma source(%dma_start3A_17 : memref<128x128xf32, #tpu.memory_space<hbm>>) target(%dma_start3A_15 : memref<128x128xf32, #tpu.memory_space<vmem_shared>>) target_semaphore(%arg17 : memref<!tpu.dma_semaphore, #tpu.memory_space<semaphore_mem>>)
    %mul3A_18 = arith.constant 2 : i32
    %mul3A_19 = arith.muli %add3A, %mul3A_18 : i32
    %dma_start3A_20 = arith.constant 0 : i32
    %dma_start3A_21 = tpu.memref_slice %arg4[%mul3A_19, %dma_start3A_20] : memref<64x128xi32, #tpu.memory_space<hbm>> -> memref<2x128xi32, #tpu.memory_space<hbm>>
    %dma_start3A_22 = arith.constant 0 : i32
    %dma_start3A_23 = tpu.memref_slice %arg4[%mul3A_19, %dma_start3A_22] : memref<64x128xi32, #tpu.memory_space<hbm>> -> memref<2x128xi32, #tpu.memory_space<hbm>>
    tpu.enqueue_dma source(%dma_start3A_23 : memref<2x128xi32, #tpu.memory_space<hbm>>) target(%arg11 : memref<2x128xi32, #tpu.memory_space<vmem>>) target_semaphore(%arg17 : memref<!tpu.dma_semaphore, #tpu.memory_space<semaphore_mem>>)
    %mul3A_24 = arith.constant 2 : i32
    %mul3A_25 = arith.muli %add3A, %mul3A_24 : i32
    %dma_start3A_26 = arith.constant 0 : i32
    %dma_start3A_27 = tpu.memref_slice %arg5[%mul3A_25, %dma_start3A_26] : memref<64x128xi32, #tpu.memory_space<hbm>> -> memref<2x128xi32, #tpu.memory_space<hbm>>
    %dma_start3A_28 = arith.constant 0 : i32
    %dma_start3A_29 = tpu.memref_slice %arg5[%mul3A_25, %dma_start3A_28] : memref<64x128xi32, #tpu.memory_space<hbm>> -> memref<2x128xi32, #tpu.memory_space<hbm>>
    tpu.enqueue_dma source(%dma_start3A_29 : memref<2x128xi32, #tpu.memory_space<hbm>>) target(%arg12 : memref<2x128xi32, #tpu.memory_space<vmem>>) target_semaphore(%arg17 : memref<!tpu.dma_semaphore, #tpu.memory_space<semaphore_mem>>)
    %dma_start3A_30 = arith.constant 0 : i32
    %dma_start3A_31 = tpu.memref_slice %arg2[%mul3A_2, %dma_start3A_30] : memref<8192x128xf32, #tpu.memory_space<hbm>> -> memref<256x128xf32, #tpu.memory_space<hbm>>
    %dma_start3A_32 = arith.constant 0 : i32
    %dma_start3A_33 = tpu.memref_slice %arg2[%mul3A_2, %dma_start3A_32] : memref<8192x128xf32, #tpu.memory_space<hbm>> -> memref<256x128xf32, #tpu.memory_space<hbm>>
    tpu.enqueue_dma source(%dma_start3A_33 : memref<256x128xf32, #tpu.memory_space<hbm>>) target(%arg13 : memref<256x128xf32, #tpu.memory_space<vmem>>) target_semaphore(%arg17 : memref<!tpu.dma_semaphore, #tpu.memory_space<semaphore_mem>>)
    %dma_start3A_34 = arith.constant 0 : i32
    %dma_start3A_35 = tpu.memref_slice %arg3[%mul3A_2, %dma_start3A_34] : memref<8192x128xf32, #tpu.memory_space<hbm>> -> memref<256x128xf32, #tpu.memory_space<hbm>>
    %dma_start3A_36 = arith.constant 0 : i32
    %dma_start3A_37 = tpu.memref_slice %arg3[%mul3A_2, %dma_start3A_36] : memref<8192x128xf32, #tpu.memory_space<hbm>> -> memref<256x128xf32, #tpu.memory_space<hbm>>
    tpu.enqueue_dma source(%dma_start3A_37 : memref<256x128xf32, #tpu.memory_space<hbm>>) target(%arg14 : memref<256x128xf32, #tpu.memory_space<vmem>>) target_semaphore(%arg17 : memref<!tpu.dma_semaphore, #tpu.memory_space<semaphore_mem>>)
    %dma_wait3A = arith.constant 0 : i32
    %dma_wait3A_38 = tpu.memref_slice %arg15[%mul3A_6, %dma_wait3A] : memref<2064x128xf32, #tpu.memory_space<vmem_shared>> -> memref<128x128xf32, #tpu.memory_space<vmem_shared>>
    %dma_wait3A_39 = arith.constant 0 : i32
    %dma_wait3A_40 = tpu.memref_slice %arg6[%mul3A_4, %dma_wait3A_39] : memref<2048x128xf32, #tpu.memory_space<hbm>> -> memref<128x128xf32, #tpu.memory_space<hbm>>
    tpu.wait_dma2 semaphore(%arg17 : memref<!tpu.dma_semaphore, #tpu.memory_space<semaphore_mem>>) src(%dma_wait3A_40 : memref<128x128xf32, #tpu.memory_space<hbm>>) dst(%dma_wait3A_38 : memref<128x128xf32, #tpu.memory_space<vmem_shared>>)
    %dma_wait3A_41 = arith.constant 0 : i32
    %dma_wait3A_42 = tpu.memref_slice %arg16[%mul3A_13, %dma_wait3A_41] : memref<2064x128xf32, #tpu.memory_space<vmem_shared>> -> memref<128x128xf32, #tpu.memory_space<vmem_shared>>
    %dma_wait3A_43 = arith.constant 0 : i32
    %dma_wait3A_44 = tpu.memref_slice %arg6[%mul3A_11, %dma_wait3A_43] : memref<2048x128xf32, #tpu.memory_space<hbm>> -> memref<128x128xf32, #tpu.memory_space<hbm>>
    tpu.wait_dma2 semaphore(%arg17 : memref<!tpu.dma_semaphore, #tpu.memory_space<semaphore_mem>>) src(%dma_wait3A_44 : memref<128x128xf32, #tpu.memory_space<hbm>>) dst(%dma_wait3A_42 : memref<128x128xf32, #tpu.memory_space<vmem_shared>>)
    %dma_wait3A_45 = arith.constant 0 : i32
    %dma_wait3A_46 = tpu.memref_slice %arg4[%mul3A_19, %dma_wait3A_45] : memref<64x128xi32, #tpu.memory_space<hbm>> -> memref<2x128xi32, #tpu.memory_space<hbm>>
    %dma_wait3A_47 = arith.constant 0 : i32
    %dma_wait3A_48 = tpu.memref_slice %arg4[%mul3A_19, %dma_wait3A_47] : memref<64x128xi32, #tpu.memory_space<hbm>> -> memref<2x128xi32, #tpu.memory_space<hbm>>
    tpu.wait_dma2 semaphore(%arg17 : memref<!tpu.dma_semaphore, #tpu.memory_space<semaphore_mem>>) src(%dma_wait3A_48 : memref<2x128xi32, #tpu.memory_space<hbm>>) dst(%arg11 : memref<2x128xi32, #tpu.memory_space<vmem>>)
    %dma_wait3A_49 = arith.constant 0 : i32
    %dma_wait3A_50 = tpu.memref_slice %arg5[%mul3A_25, %dma_wait3A_49] : memref<64x128xi32, #tpu.memory_space<hbm>> -> memref<2x128xi32, #tpu.memory_space<hbm>>
    %dma_wait3A_51 = arith.constant 0 : i32
    %dma_wait3A_52 = tpu.memref_slice %arg5[%mul3A_25, %dma_wait3A_51] : memref<64x128xi32, #tpu.memory_space<hbm>> -> memref<2x128xi32, #tpu.memory_space<hbm>>
    tpu.wait_dma2 semaphore(%arg17 : memref<!tpu.dma_semaphore, #tpu.memory_space<semaphore_mem>>) src(%dma_wait3A_52 : memref<2x128xi32, #tpu.memory_space<hbm>>) dst(%arg12 : memref<2x128xi32, #tpu.memory_space<vmem>>)
    %dma_wait3A_53 = arith.constant 0 : i32
    %dma_wait3A_54 = tpu.memref_slice %arg2[%mul3A_2, %dma_wait3A_53] : memref<8192x128xf32, #tpu.memory_space<hbm>> -> memref<256x128xf32, #tpu.memory_space<hbm>>
    %dma_wait3A_55 = arith.constant 0 : i32
    %dma_wait3A_56 = tpu.memref_slice %arg2[%mul3A_2, %dma_wait3A_55] : memref<8192x128xf32, #tpu.memory_space<hbm>> -> memref<256x128xf32, #tpu.memory_space<hbm>>
    tpu.wait_dma2 semaphore(%arg17 : memref<!tpu.dma_semaphore, #tpu.memory_space<semaphore_mem>>) src(%dma_wait3A_56 : memref<256x128xf32, #tpu.memory_space<hbm>>) dst(%arg13 : memref<256x128xf32, #tpu.memory_space<vmem>>)
    %dma_wait3A_57 = arith.constant 0 : i32
    %dma_wait3A_58 = tpu.memref_slice %arg3[%mul3A_2, %dma_wait3A_57] : memref<8192x128xf32, #tpu.memory_space<hbm>> -> memref<256x128xf32, #tpu.memory_space<hbm>>
    %dma_wait3A_59 = arith.constant 0 : i32
    %dma_wait3A_60 = tpu.memref_slice %arg3[%mul3A_2, %dma_wait3A_59] : memref<8192x128xf32, #tpu.memory_space<hbm>> -> memref<256x128xf32, #tpu.memory_space<hbm>>
    tpu.wait_dma2 semaphore(%arg17 : memref<!tpu.dma_semaphore, #tpu.memory_space<semaphore_mem>>) src(%dma_wait3A_60 : memref<256x128xf32, #tpu.memory_space<hbm>>) dst(%arg14 : memref<256x128xf32, #tpu.memory_space<vmem>>)
    %barrier3A = arith.constant 0 : index
    tpu.barrier barrier_id(%barrier3A)
    %dma_start3A_61 = arith.constant 0 : i32
    %dma_start3A_62 = arith.constant 0 : i32
    %dma_start3A_63 = arith.constant 0 : i32
    %dma_start3A_64 = tpu.memref_slice %arg13[%dma_start3A_62, %dma_start3A_63] : memref<256x128xf32, #tpu.memory_space<vmem>> -> memref<128x128xf32, #tpu.memory_space<vmem>>
    %dma_start3A_65 = arith.constant 0 : i32
    %dma_start3A_66 = tpu.memref_slice %arg11[%dma_start3A_61, %dma_start3A_65] : memref<2x128xi32, #tpu.memory_space<vmem>> -> memref<1x128xi32, #tpu.memory_space<vmem>>
    %dma_start3A_67 = tpu.memref_squeeze %dma_start3A_66 : memref<1x128xi32, #tpu.memory_space<vmem>> -> memref<128xi32, #tpu.memory_space<vmem>>
    %dma_start3A_68 = arith.constant 0 : i32
    %dma_start3A_69 = arith.constant 0 : i32
    %dma_start3A_70 = tpu.memref_slice %arg15[%dma_start3A_68, %dma_start3A_69] : memref<2064x128xf32, #tpu.memory_space<vmem_shared>> -> memref<2064x128xf32, #tpu.memory_space<vmem_shared>>
    tpu.enqueue_indirect_dma source(%dma_start3A_64 : memref<128x128xf32, #tpu.memory_space<vmem>>) target(%dma_start3A_70 : memref<2064x128xf32, #tpu.memory_space<vmem_shared>>) offsets(%dma_start3A_67 : memref<128xi32, #tpu.memory_space<vmem>>) semaphore(%arg17 : memref<!tpu.dma_semaphore, #tpu.memory_space<semaphore_mem>>) {add = true}
    %dma_start3A_71 = arith.constant 0 : i32
    %dma_start3A_72 = arith.constant 0 : i32
    %dma_start3A_73 = arith.constant 0 : i32
    %dma_start3A_74 = tpu.memref_slice %arg13[%dma_start3A_72, %dma_start3A_73] : memref<256x128xf32, #tpu.memory_space<vmem>> -> memref<128x128xf32, #tpu.memory_space<vmem>>
    %dma_start3A_75 = arith.constant 0 : i32
    %dma_start3A_76 = tpu.memref_slice %arg12[%dma_start3A_71, %dma_start3A_75] : memref<2x128xi32, #tpu.memory_space<vmem>> -> memref<1x128xi32, #tpu.memory_space<vmem>>
    %dma_start3A_77 = tpu.memref_squeeze %dma_start3A_76 : memref<1x128xi32, #tpu.memory_space<vmem>> -> memref<128xi32, #tpu.memory_space<vmem>>
    %dma_start3A_78 = arith.constant 0 : i32
    %dma_start3A_79 = arith.constant 0 : i32
    %dma_start3A_80 = tpu.memref_slice %arg15[%dma_start3A_78, %dma_start3A_79] : memref<2064x128xf32, #tpu.memory_space<vmem_shared>> -> memref<2064x128xf32, #tpu.memory_space<vmem_shared>>
    tpu.enqueue_indirect_dma source(%dma_start3A_74 : memref<128x128xf32, #tpu.memory_space<vmem>>) target(%dma_start3A_80 : memref<2064x128xf32, #tpu.memory_space<vmem_shared>>) offsets(%dma_start3A_77 : memref<128xi32, #tpu.memory_space<vmem>>) semaphore(%arg17 : memref<!tpu.dma_semaphore, #tpu.memory_space<semaphore_mem>>) {add = true}
    %dma_start3A_81 = arith.constant 0 : i32
    %dma_start3A_82 = arith.constant 0 : i32
    %dma_start3A_83 = arith.constant 0 : i32
    %dma_start3A_84 = tpu.memref_slice %arg14[%dma_start3A_82, %dma_start3A_83] : memref<256x128xf32, #tpu.memory_space<vmem>> -> memref<128x128xf32, #tpu.memory_space<vmem>>
    %dma_start3A_85 = arith.constant 0 : i32
    %dma_start3A_86 = tpu.memref_slice %arg11[%dma_start3A_81, %dma_start3A_85] : memref<2x128xi32, #tpu.memory_space<vmem>> -> memref<1x128xi32, #tpu.memory_space<vmem>>
    %dma_start3A_87 = tpu.memref_squeeze %dma_start3A_86 : memref<1x128xi32, #tpu.memory_space<vmem>> -> memref<128xi32, #tpu.memory_space<vmem>>
    %dma_start3A_88 = arith.constant 0 : i32
    %dma_start3A_89 = arith.constant 0 : i32
    %dma_start3A_90 = tpu.memref_slice %arg16[%dma_start3A_88, %dma_start3A_89] : memref<2064x128xf32, #tpu.memory_space<vmem_shared>> -> memref<2064x128xf32, #tpu.memory_space<vmem_shared>>
    tpu.enqueue_indirect_dma source(%dma_start3A_84 : memref<128x128xf32, #tpu.memory_space<vmem>>) target(%dma_start3A_90 : memref<2064x128xf32, #tpu.memory_space<vmem_shared>>) offsets(%dma_start3A_87 : memref<128xi32, #tpu.memory_space<vmem>>) semaphore(%arg17 : memref<!tpu.dma_semaphore, #tpu.memory_space<semaphore_mem>>) {add = true}
    %dma_start3A_91 = arith.constant 0 : i32
    %dma_start3A_92 = arith.constant 0 : i32
    %dma_start3A_93 = arith.constant 0 : i32
    %dma_start3A_94 = tpu.memref_slice %arg14[%dma_start3A_92, %dma_start3A_93] : memref<256x128xf32, #tpu.memory_space<vmem>> -> memref<128x128xf32, #tpu.memory_space<vmem>>
    %dma_start3A_95 = arith.constant 0 : i32
    %dma_start3A_96 = tpu.memref_slice %arg12[%dma_start3A_91, %dma_start3A_95] : memref<2x128xi32, #tpu.memory_space<vmem>> -> memref<1x128xi32, #tpu.memory_space<vmem>>
    %dma_start3A_97 = tpu.memref_squeeze %dma_start3A_96 : memref<1x128xi32, #tpu.memory_space<vmem>> -> memref<128xi32, #tpu.memory_space<vmem>>
    %dma_start3A_98 = arith.constant 0 : i32
    %dma_start3A_99 = arith.constant 0 : i32
    %dma_start3A_100 = tpu.memref_slice %arg16[%dma_start3A_98, %dma_start3A_99] : memref<2064x128xf32, #tpu.memory_space<vmem_shared>> -> memref<2064x128xf32, #tpu.memory_space<vmem_shared>>
    tpu.enqueue_indirect_dma source(%dma_start3A_94 : memref<128x128xf32, #tpu.memory_space<vmem>>) target(%dma_start3A_100 : memref<2064x128xf32, #tpu.memory_space<vmem_shared>>) offsets(%dma_start3A_97 : memref<128xi32, #tpu.memory_space<vmem>>) semaphore(%arg17 : memref<!tpu.dma_semaphore, #tpu.memory_space<semaphore_mem>>) {add = true}
    %dma_start3A_101 = arith.constant 1 : i32
    %dma_start3A_102 = arith.constant 128 : i32
    %dma_start3A_103 = arith.constant 0 : i32
    %dma_start3A_104 = tpu.memref_slice %arg13[%dma_start3A_102, %dma_start3A_103] : memref<256x128xf32, #tpu.memory_space<vmem>> -> memref<128x128xf32, #tpu.memory_space<vmem>>
    %dma_start3A_105 = arith.constant 0 : i32
    %dma_start3A_106 = tpu.memref_slice %arg11[%dma_start3A_101, %dma_start3A_105] : memref<2x128xi32, #tpu.memory_space<vmem>> -> memref<1x128xi32, #tpu.memory_space<vmem>>
    %dma_start3A_107 = tpu.memref_squeeze %dma_start3A_106 : memref<1x128xi32, #tpu.memory_space<vmem>> -> memref<128xi32, #tpu.memory_space<vmem>>
    %dma_start3A_108 = arith.constant 0 : i32
    %dma_start3A_109 = arith.constant 0 : i32
    %dma_start3A_110 = tpu.memref_slice %arg15[%dma_start3A_108, %dma_start3A_109] : memref<2064x128xf32, #tpu.memory_space<vmem_shared>> -> memref<2064x128xf32, #tpu.memory_space<vmem_shared>>
    tpu.enqueue_indirect_dma source(%dma_start3A_104 : memref<128x128xf32, #tpu.memory_space<vmem>>) target(%dma_start3A_110 : memref<2064x128xf32, #tpu.memory_space<vmem_shared>>) offsets(%dma_start3A_107 : memref<128xi32, #tpu.memory_space<vmem>>) semaphore(%arg17 : memref<!tpu.dma_semaphore, #tpu.memory_space<semaphore_mem>>) {add = true}
    %dma_start3A_111 = arith.constant 1 : i32
    %dma_start3A_112 = arith.constant 128 : i32
    %dma_start3A_113 = arith.constant 0 : i32
    %dma_start3A_114 = tpu.memref_slice %arg13[%dma_start3A_112, %dma_start3A_113] : memref<256x128xf32, #tpu.memory_space<vmem>> -> memref<128x128xf32, #tpu.memory_space<vmem>>
    %dma_start3A_115 = arith.constant 0 : i32
    %dma_start3A_116 = tpu.memref_slice %arg12[%dma_start3A_111, %dma_start3A_115] : memref<2x128xi32, #tpu.memory_space<vmem>> -> memref<1x128xi32, #tpu.memory_space<vmem>>
    %dma_start3A_117 = tpu.memref_squeeze %dma_start3A_116 : memref<1x128xi32, #tpu.memory_space<vmem>> -> memref<128xi32, #tpu.memory_space<vmem>>
    %dma_start3A_118 = arith.constant 0 : i32
    %dma_start3A_119 = arith.constant 0 : i32
    %dma_start3A_120 = tpu.memref_slice %arg15[%dma_start3A_118, %dma_start3A_119] : memref<2064x128xf32, #tpu.memory_space<vmem_shared>> -> memref<2064x128xf32, #tpu.memory_space<vmem_shared>>
    tpu.enqueue_indirect_dma source(%dma_start3A_114 : memref<128x128xf32, #tpu.memory_space<vmem>>) target(%dma_start3A_120 : memref<2064x128xf32, #tpu.memory_space<vmem_shared>>) offsets(%dma_start3A_117 : memref<128xi32, #tpu.memory_space<vmem>>) semaphore(%arg17 : memref<!tpu.dma_semaphore, #tpu.memory_space<semaphore_mem>>) {add = true}
    %dma_start3A_121 = arith.constant 1 : i32
    %dma_start3A_122 = arith.constant 128 : i32
    %dma_start3A_123 = arith.constant 0 : i32
    %dma_start3A_124 = tpu.memref_slice %arg14[%dma_start3A_122, %dma_start3A_123] : memref<256x128xf32, #tpu.memory_space<vmem>> -> memref<128x128xf32, #tpu.memory_space<vmem>>
    %dma_start3A_125 = arith.constant 0 : i32
    %dma_start3A_126 = tpu.memref_slice %arg11[%dma_start3A_121, %dma_start3A_125] : memref<2x128xi32, #tpu.memory_space<vmem>> -> memref<1x128xi32, #tpu.memory_space<vmem>>
    %dma_start3A_127 = tpu.memref_squeeze %dma_start3A_126 : memref<1x128xi32, #tpu.memory_space<vmem>> -> memref<128xi32, #tpu.memory_space<vmem>>
    %dma_start3A_128 = arith.constant 0 : i32
    %dma_start3A_129 = arith.constant 0 : i32
    %dma_start3A_130 = tpu.memref_slice %arg16[%dma_start3A_128, %dma_start3A_129] : memref<2064x128xf32, #tpu.memory_space<vmem_shared>> -> memref<2064x128xf32, #tpu.memory_space<vmem_shared>>
    tpu.enqueue_indirect_dma source(%dma_start3A_124 : memref<128x128xf32, #tpu.memory_space<vmem>>) target(%dma_start3A_130 : memref<2064x128xf32, #tpu.memory_space<vmem_shared>>) offsets(%dma_start3A_127 : memref<128xi32, #tpu.memory_space<vmem>>) semaphore(%arg17 : memref<!tpu.dma_semaphore, #tpu.memory_space<semaphore_mem>>) {add = true}
    %dma_start3A_131 = arith.constant 1 : i32
    %dma_start3A_132 = arith.constant 128 : i32
    %dma_start3A_133 = arith.constant 0 : i32
    %dma_start3A_134 = tpu.memref_slice %arg14[%dma_start3A_132, %dma_start3A_133] : memref<256x128xf32, #tpu.memory_space<vmem>> -> memref<128x128xf32, #tpu.memory_space<vmem>>
    %dma_start3A_135 = arith.constant 0 : i32
    %dma_start3A_136 = tpu.memref_slice %arg12[%dma_start3A_131, %dma_start3A_135] : memref<2x128xi32, #tpu.memory_space<vmem>> -> memref<1x128xi32, #tpu.memory_space<vmem>>
    %dma_start3A_137 = tpu.memref_squeeze %dma_start3A_136 : memref<1x128xi32, #tpu.memory_space<vmem>> -> memref<128xi32, #tpu.memory_space<vmem>>
    %dma_start3A_138 = arith.constant 0 : i32
    %dma_start3A_139 = arith.constant 0 : i32
    %dma_start3A_140 = tpu.memref_slice %arg16[%dma_start3A_138, %dma_start3A_139] : memref<2064x128xf32, #tpu.memory_space<vmem_shared>> -> memref<2064x128xf32, #tpu.memory_space<vmem_shared>>
    tpu.enqueue_indirect_dma source(%dma_start3A_134 : memref<128x128xf32, #tpu.memory_space<vmem>>) target(%dma_start3A_140 : memref<2064x128xf32, #tpu.memory_space<vmem_shared>>) offsets(%dma_start3A_137 : memref<128xi32, #tpu.memory_space<vmem>>) semaphore(%arg17 : memref<!tpu.dma_semaphore, #tpu.memory_space<semaphore_mem>>) {add = true}
    %dma_wait3A_141 = arith.constant 0 : i32
    %dma_wait3A_142 = arith.constant 0 : i32
    %dma_wait3A_143 = arith.constant 0 : i32
    %dma_wait3A_144 = tpu.memref_slice %arg13[%dma_wait3A_142, %dma_wait3A_143] : memref<256x128xf32, #tpu.memory_space<vmem>> -> memref<128x128xf32, #tpu.memory_space<vmem>>
    %dma_wait3A_145 = arith.constant 0 : i32
    %dma_wait3A_146 = tpu.memref_slice %arg11[%dma_wait3A_141, %dma_wait3A_145] : memref<2x128xi32, #tpu.memory_space<vmem>> -> memref<1x128xi32, #tpu.memory_space<vmem>>
    %dma_wait3A_147 = tpu.memref_squeeze %dma_wait3A_146 : memref<1x128xi32, #tpu.memory_space<vmem>> -> memref<128xi32, #tpu.memory_space<vmem>>
    %dma_wait3A_148 = arith.constant 0 : i32
    %dma_wait3A_149 = arith.constant 0 : i32
    %dma_wait3A_150 = tpu.memref_slice %arg15[%dma_wait3A_148, %dma_wait3A_149] : memref<2064x128xf32, #tpu.memory_space<vmem_shared>> -> memref<2064x128xf32, #tpu.memory_space<vmem_shared>>
    tpu.wait_indirect_dma semaphore(%arg17 : memref<!tpu.dma_semaphore, #tpu.memory_space<semaphore_mem>>) src(%dma_wait3A_144 : memref<128x128xf32, #tpu.memory_space<vmem>>) dst(%dma_wait3A_150 : memref<2064x128xf32, #tpu.memory_space<vmem_shared>>)
    %dma_wait3A_151 = arith.constant 0 : i32
    %dma_wait3A_152 = arith.constant 0 : i32
    %dma_wait3A_153 = arith.constant 0 : i32
    %dma_wait3A_154 = tpu.memref_slice %arg13[%dma_wait3A_152, %dma_wait3A_153] : memref<256x128xf32, #tpu.memory_space<vmem>> -> memref<128x128xf32, #tpu.memory_space<vmem>>
    %dma_wait3A_155 = arith.constant 0 : i32
    %dma_wait3A_156 = tpu.memref_slice %arg12[%dma_wait3A_151, %dma_wait3A_155] : memref<2x128xi32, #tpu.memory_space<vmem>> -> memref<1x128xi32, #tpu.memory_space<vmem>>
    %dma_wait3A_157 = tpu.memref_squeeze %dma_wait3A_156 : memref<1x128xi32, #tpu.memory_space<vmem>> -> memref<128xi32, #tpu.memory_space<vmem>>
    %dma_wait3A_158 = arith.constant 0 : i32
    %dma_wait3A_159 = arith.constant 0 : i32
    %dma_wait3A_160 = tpu.memref_slice %arg15[%dma_wait3A_158, %dma_wait3A_159] : memref<2064x128xf32, #tpu.memory_space<vmem_shared>> -> memref<2064x128xf32, #tpu.memory_space<vmem_shared>>
    tpu.wait_indirect_dma semaphore(%arg17 : memref<!tpu.dma_semaphore, #tpu.memory_space<semaphore_mem>>) src(%dma_wait3A_154 : memref<128x128xf32, #tpu.memory_space<vmem>>) dst(%dma_wait3A_160 : memref<2064x128xf32, #tpu.memory_space<vmem_shared>>)
    %dma_wait3A_161 = arith.constant 0 : i32
    %dma_wait3A_162 = arith.constant 0 : i32
    %dma_wait3A_163 = arith.constant 0 : i32
    %dma_wait3A_164 = tpu.memref_slice %arg14[%dma_wait3A_162, %dma_wait3A_163] : memref<256x128xf32, #tpu.memory_space<vmem>> -> memref<128x128xf32, #tpu.memory_space<vmem>>
    %dma_wait3A_165 = arith.constant 0 : i32
    %dma_wait3A_166 = tpu.memref_slice %arg11[%dma_wait3A_161, %dma_wait3A_165] : memref<2x128xi32, #tpu.memory_space<vmem>> -> memref<1x128xi32, #tpu.memory_space<vmem>>
    %dma_wait3A_167 = tpu.memref_squeeze %dma_wait3A_166 : memref<1x128xi32, #tpu.memory_space<vmem>> -> memref<128xi32, #tpu.memory_space<vmem>>
    %dma_wait3A_168 = arith.constant 0 : i32
    %dma_wait3A_169 = arith.constant 0 : i32
    %dma_wait3A_170 = tpu.memref_slice %arg16[%dma_wait3A_168, %dma_wait3A_169] : memref<2064x128xf32, #tpu.memory_space<vmem_shared>> -> memref<2064x128xf32, #tpu.memory_space<vmem_shared>>
    tpu.wait_indirect_dma semaphore(%arg17 : memref<!tpu.dma_semaphore, #tpu.memory_space<semaphore_mem>>) src(%dma_wait3A_164 : memref<128x128xf32, #tpu.memory_space<vmem>>) dst(%dma_wait3A_170 : memref<2064x128xf32, #tpu.memory_space<vmem_shared>>)
    %dma_wait3A_171 = arith.constant 0 : i32
    %dma_wait3A_172 = arith.constant 0 : i32
    %dma_wait3A_173 = arith.constant 0 : i32
    %dma_wait3A_174 = tpu.memref_slice %arg14[%dma_wait3A_172, %dma_wait3A_173] : memref<256x128xf32, #tpu.memory_space<vmem>> -> memref<128x128xf32, #tpu.memory_space<vmem>>
    %dma_wait3A_175 = arith.constant 0 : i32
    %dma_wait3A_176 = tpu.memref_slice %arg12[%dma_wait3A_171, %dma_wait3A_175] : memref<2x128xi32, #tpu.memory_space<vmem>> -> memref<1x128xi32, #tpu.memory_space<vmem>>
    %dma_wait3A_177 = tpu.memref_squeeze %dma_wait3A_176 : memref<1x128xi32, #tpu.memory_space<vmem>> -> memref<128xi32, #tpu.memory_space<vmem>>
    %dma_wait3A_178 = arith.constant 0 : i32
    %dma_wait3A_179 = arith.constant 0 : i32
    %dma_wait3A_180 = tpu.memref_slice %arg16[%dma_wait3A_178, %dma_wait3A_179] : memref<2064x128xf32, #tpu.memory_space<vmem_shared>> -> memref<2064x128xf32, #tpu.memory_space<vmem_shared>>
    tpu.wait_indirect_dma semaphore(%arg17 : memref<!tpu.dma_semaphore, #tpu.memory_space<semaphore_mem>>) src(%dma_wait3A_174 : memref<128x128xf32, #tpu.memory_space<vmem>>) dst(%dma_wait3A_180 : memref<2064x128xf32, #tpu.memory_space<vmem_shared>>)
    %dma_wait3A_181 = arith.constant 1 : i32
    %dma_wait3A_182 = arith.constant 128 : i32
    %dma_wait3A_183 = arith.constant 0 : i32
    %dma_wait3A_184 = tpu.memref_slice %arg13[%dma_wait3A_182, %dma_wait3A_183] : memref<256x128xf32, #tpu.memory_space<vmem>> -> memref<128x128xf32, #tpu.memory_space<vmem>>
    %dma_wait3A_185 = arith.constant 0 : i32
    %dma_wait3A_186 = tpu.memref_slice %arg11[%dma_wait3A_181, %dma_wait3A_185] : memref<2x128xi32, #tpu.memory_space<vmem>> -> memref<1x128xi32, #tpu.memory_space<vmem>>
    %dma_wait3A_187 = tpu.memref_squeeze %dma_wait3A_186 : memref<1x128xi32, #tpu.memory_space<vmem>> -> memref<128xi32, #tpu.memory_space<vmem>>
    %dma_wait3A_188 = arith.constant 0 : i32
    %dma_wait3A_189 = arith.constant 0 : i32
    %dma_wait3A_190 = tpu.memref_slice %arg15[%dma_wait3A_188, %dma_wait3A_189] : memref<2064x128xf32, #tpu.memory_space<vmem_shared>> -> memref<2064x128xf32, #tpu.memory_space<vmem_shared>>
    tpu.wait_indirect_dma semaphore(%arg17 : memref<!tpu.dma_semaphore, #tpu.memory_space<semaphore_mem>>) src(%dma_wait3A_184 : memref<128x128xf32, #tpu.memory_space<vmem>>) dst(%dma_wait3A_190 : memref<2064x128xf32, #tpu.memory_space<vmem_shared>>)
    %dma_wait3A_191 = arith.constant 1 : i32
    %dma_wait3A_192 = arith.constant 128 : i32
    %dma_wait3A_193 = arith.constant 0 : i32
    %dma_wait3A_194 = tpu.memref_slice %arg13[%dma_wait3A_192, %dma_wait3A_193] : memref<256x128xf32, #tpu.memory_space<vmem>> -> memref<128x128xf32, #tpu.memory_space<vmem>>
    %dma_wait3A_195 = arith.constant 0 : i32
    %dma_wait3A_196 = tpu.memref_slice %arg12[%dma_wait3A_191, %dma_wait3A_195] : memref<2x128xi32, #tpu.memory_space<vmem>> -> memref<1x128xi32, #tpu.memory_space<vmem>>
    %dma_wait3A_197 = tpu.memref_squeeze %dma_wait3A_196 : memref<1x128xi32, #tpu.memory_space<vmem>> -> memref<128xi32, #tpu.memory_space<vmem>>
    %dma_wait3A_198 = arith.constant 0 : i32
    %dma_wait3A_199 = arith.constant 0 : i32
    %dma_wait3A_200 = tpu.memref_slice %arg15[%dma_wait3A_198, %dma_wait3A_199] : memref<2064x128xf32, #tpu.memory_space<vmem_shared>> -> memref<2064x128xf32, #tpu.memory_space<vmem_shared>>
    tpu.wait_indirect_dma semaphore(%arg17 : memref<!tpu.dma_semaphore, #tpu.memory_space<semaphore_mem>>) src(%dma_wait3A_194 : memref<128x128xf32, #tpu.memory_space<vmem>>) dst(%dma_wait3A_200 : memref<2064x128xf32, #tpu.memory_space<vmem_shared>>)
    %dma_wait3A_201 = arith.constant 1 : i32
    %dma_wait3A_202 = arith.constant 128 : i32
    %dma_wait3A_203 = arith.constant 0 : i32
    %dma_wait3A_204 = tpu.memref_slice %arg14[%dma_wait3A_202, %dma_wait3A_203] : memref<256x128xf32, #tpu.memory_space<vmem>> -> memref<128x128xf32, #tpu.memory_space<vmem>>
    %dma_wait3A_205 = arith.constant 0 : i32
    %dma_wait3A_206 = tpu.memref_slice %arg11[%dma_wait3A_201, %dma_wait3A_205] : memref<2x128xi32, #tpu.memory_space<vmem>> -> memref<1x128xi32, #tpu.memory_space<vmem>>
    %dma_wait3A_207 = tpu.memref_squeeze %dma_wait3A_206 : memref<1x128xi32, #tpu.memory_space<vmem>> -> memref<128xi32, #tpu.memory_space<vmem>>
    %dma_wait3A_208 = arith.constant 0 : i32
    %dma_wait3A_209 = arith.constant 0 : i32
    %dma_wait3A_210 = tpu.memref_slice %arg16[%dma_wait3A_208, %dma_wait3A_209] : memref<2064x128xf32, #tpu.memory_space<vmem_shared>> -> memref<2064x128xf32, #tpu.memory_space<vmem_shared>>
    tpu.wait_indirect_dma semaphore(%arg17 : memref<!tpu.dma_semaphore, #tpu.memory_space<semaphore_mem>>) src(%dma_wait3A_204 : memref<128x128xf32, #tpu.memory_space<vmem>>) dst(%dma_wait3A_210 : memref<2064x128xf32, #tpu.memory_space<vmem_shared>>)
    %dma_wait3A_211 = arith.constant 1 : i32
    %dma_wait3A_212 = arith.constant 128 : i32
    %dma_wait3A_213 = arith.constant 0 : i32
    %dma_wait3A_214 = tpu.memref_slice %arg14[%dma_wait3A_212, %dma_wait3A_213] : memref<256x128xf32, #tpu.memory_space<vmem>> -> memref<128x128xf32, #tpu.memory_space<vmem>>
    %dma_wait3A_215 = arith.constant 0 : i32
    %dma_wait3A_216 = tpu.memref_slice %arg12[%dma_wait3A_211, %dma_wait3A_215] : memref<2x128xi32, #tpu.memory_space<vmem>> -> memref<1x128xi32, #tpu.memory_space<vmem>>
    %dma_wait3A_217 = tpu.memref_squeeze %dma_wait3A_216 : memref<1x128xi32, #tpu.memory_space<vmem>> -> memref<128xi32, #tpu.memory_space<vmem>>
    %dma_wait3A_218 = arith.constant 0 : i32
    %dma_wait3A_219 = arith.constant 0 : i32
    %dma_wait3A_220 = tpu.memref_slice %arg16[%dma_wait3A_218, %dma_wait3A_219] : memref<2064x128xf32, #tpu.memory_space<vmem_shared>> -> memref<2064x128xf32, #tpu.memory_space<vmem_shared>>
    tpu.wait_indirect_dma semaphore(%arg17 : memref<!tpu.dma_semaphore, #tpu.memory_space<semaphore_mem>>) src(%dma_wait3A_214 : memref<128x128xf32, #tpu.memory_space<vmem>>) dst(%dma_wait3A_220 : memref<2064x128xf32, #tpu.memory_space<vmem_shared>>)
    %barrier3A_221 = arith.constant 0 : index
    tpu.barrier barrier_id(%barrier3A_221)
    %eq3A = arith.constant 0 : i32
    %eq3A_222 = arith.cmpi eq, %arg0, %eq3A : i32
    %convert_element_type3A = arith.extui %eq3A_222 : i1 to i32
    %cond3A = arith.constant 0 : i32
    %cond3A_223 = arith.cmpi ne, %convert_element_type3A, %cond3A : i32
    scf.if %cond3A_223 {
      %mul3A_229 = arith.constant 128 : i32
      %mul3A_230 = arith.muli %arg1, %mul3A_229 : i32
      %mul3A_231 = arith.constant 128 : i32
      %mul3A_232 = arith.muli %arg1, %mul3A_231 : i32
      "tpu.region"() ({
        %run_scoped3A = tpu.sem_alloc : memref<!tpu.dma_semaphore, #tpu.memory_space<semaphore_mem>>
        %dma_start3A_237 = arith.constant 0 : i32
        %dma_start3A_238 = tpu.memref_slice %arg7[%mul3A_232, %dma_start3A_237] : memref<2048x128xf32, #tpu.memory_space<hbm>> -> memref<128x128xf32, #tpu.memory_space<hbm>>
        %dma_start3A_239 = arith.constant 0 : i32
        %dma_start3A_240 = tpu.memref_slice %arg15[%mul3A_230, %dma_start3A_239] : memref<2064x128xf32, #tpu.memory_space<vmem_shared>> -> memref<128x128xf32, #tpu.memory_space<vmem_shared>>
        tpu.enqueue_dma source(%dma_start3A_240 : memref<128x128xf32, #tpu.memory_space<vmem_shared>>) target(%dma_start3A_238 : memref<128x128xf32, #tpu.memory_space<hbm>>) target_semaphore(%run_scoped3A : memref<!tpu.dma_semaphore, #tpu.memory_space<semaphore_mem>>)
        %dma_wait3A_241 = arith.constant 0 : i32
        %dma_wait3A_242 = tpu.memref_slice %arg7[%mul3A_232, %dma_wait3A_241] : memref<2048x128xf32, #tpu.memory_space<hbm>> -> memref<128x128xf32, #tpu.memory_space<hbm>>
        %dma_wait3A_243 = arith.constant 0 : i32
        %dma_wait3A_244 = tpu.memref_slice %arg15[%mul3A_230, %dma_wait3A_243] : memref<2064x128xf32, #tpu.memory_space<vmem_shared>> -> memref<128x128xf32, #tpu.memory_space<vmem_shared>>
        tpu.wait_dma2 semaphore(%run_scoped3A : memref<!tpu.dma_semaphore, #tpu.memory_space<semaphore_mem>>) src(%dma_wait3A_244 : memref<128x128xf32, #tpu.memory_space<vmem_shared>>) dst(%dma_wait3A_242 : memref<128x128xf32, #tpu.memory_space<hbm>>)
        tpu.yield
      }) : () -> ()
      %mul3A_233 = arith.constant 128 : i32
      %mul3A_234 = arith.muli %arg1, %mul3A_233 : i32
      %mul3A_235 = arith.constant 128 : i32
      %mul3A_236 = arith.muli %arg1, %mul3A_235 : i32
      "tpu.region"() ({
        %run_scoped3A = tpu.sem_alloc : memref<!tpu.dma_semaphore, #tpu.memory_space<semaphore_mem>>
        %dma_start3A_237 = arith.constant 0 : i32
        %dma_start3A_238 = tpu.memref_slice %arg9[%mul3A_236, %dma_start3A_237] : memref<2048x128xf32, #tpu.memory_space<hbm>> -> memref<128x128xf32, #tpu.memory_space<hbm>>
        %dma_start3A_239 = arith.constant 0 : i32
        %dma_start3A_240 = tpu.memref_slice %arg16[%mul3A_234, %dma_start3A_239] : memref<2064x128xf32, #tpu.memory_space<vmem_shared>> -> memref<128x128xf32, #tpu.memory_space<vmem_shared>>
        tpu.enqueue_dma source(%dma_start3A_240 : memref<128x128xf32, #tpu.memory_space<vmem_shared>>) target(%dma_start3A_238 : memref<128x128xf32, #tpu.memory_space<hbm>>) target_semaphore(%run_scoped3A : memref<!tpu.dma_semaphore, #tpu.memory_space<semaphore_mem>>)
        %dma_wait3A_241 = arith.constant 0 : i32
        %dma_wait3A_242 = tpu.memref_slice %arg9[%mul3A_236, %dma_wait3A_241] : memref<2048x128xf32, #tpu.memory_space<hbm>> -> memref<128x128xf32, #tpu.memory_space<hbm>>
        %dma_wait3A_243 = arith.constant 0 : i32
        %dma_wait3A_244 = tpu.memref_slice %arg16[%mul3A_234, %dma_wait3A_243] : memref<2064x128xf32, #tpu.memory_space<vmem_shared>> -> memref<128x128xf32, #tpu.memory_space<vmem_shared>>
        tpu.wait_dma2 semaphore(%run_scoped3A : memref<!tpu.dma_semaphore, #tpu.memory_space<semaphore_mem>>) src(%dma_wait3A_244 : memref<128x128xf32, #tpu.memory_space<vmem_shared>>) dst(%dma_wait3A_242 : memref<128x128xf32, #tpu.memory_space<hbm>>)
        tpu.yield
      }) : () -> ()
    } else {
    }
    %eq3A_224 = arith.constant 1 : i32
    %eq3A_225 = arith.cmpi eq, %arg0, %eq3A_224 : i32
    %convert_element_type3A_226 = arith.extui %eq3A_225 : i1 to i32
    %cond3A_227 = arith.constant 0 : i32
    %cond3A_228 = arith.cmpi ne, %convert_element_type3A_226, %cond3A_227 : i32
    scf.if %cond3A_228 {
      %mul3A_229 = arith.constant 128 : i32
      %mul3A_230 = arith.muli %arg1, %mul3A_229 : i32
      %mul3A_231 = arith.constant 128 : i32
      %mul3A_232 = arith.muli %arg1, %mul3A_231 : i32
      "tpu.region"() ({
        %run_scoped3A = tpu.sem_alloc : memref<!tpu.dma_semaphore, #tpu.memory_space<semaphore_mem>>
        %dma_start3A_237 = arith.constant 0 : i32
        %dma_start3A_238 = tpu.memref_slice %arg8[%mul3A_232, %dma_start3A_237] : memref<2048x128xf32, #tpu.memory_space<hbm>> -> memref<128x128xf32, #tpu.memory_space<hbm>>
        %dma_start3A_239 = arith.constant 0 : i32
        %dma_start3A_240 = tpu.memref_slice %arg15[%mul3A_230, %dma_start3A_239] : memref<2064x128xf32, #tpu.memory_space<vmem_shared>> -> memref<128x128xf32, #tpu.memory_space<vmem_shared>>
        tpu.enqueue_dma source(%dma_start3A_240 : memref<128x128xf32, #tpu.memory_space<vmem_shared>>) target(%dma_start3A_238 : memref<128x128xf32, #tpu.memory_space<hbm>>) target_semaphore(%run_scoped3A : memref<!tpu.dma_semaphore, #tpu.memory_space<semaphore_mem>>)
        %dma_wait3A_241 = arith.constant 0 : i32
        %dma_wait3A_242 = tpu.memref_slice %arg8[%mul3A_232, %dma_wait3A_241] : memref<2048x128xf32, #tpu.memory_space<hbm>> -> memref<128x128xf32, #tpu.memory_space<hbm>>
        %dma_wait3A_243 = arith.constant 0 : i32
        %dma_wait3A_244 = tpu.memref_slice %arg15[%mul3A_230, %dma_wait3A_243] : memref<2064x128xf32, #tpu.memory_space<vmem_shared>> -> memref<128x128xf32, #tpu.memory_space<vmem_shared>>
        tpu.wait_dma2 semaphore(%run_scoped3A : memref<!tpu.dma_semaphore, #tpu.memory_space<semaphore_mem>>) src(%dma_wait3A_244 : memref<128x128xf32, #tpu.memory_space<vmem_shared>>) dst(%dma_wait3A_242 : memref<128x128xf32, #tpu.memory_space<hbm>>)
        tpu.yield
      }) : () -> ()
      %mul3A_233 = arith.constant 128 : i32
      %mul3A_234 = arith.muli %arg1, %mul3A_233 : i32
      %mul3A_235 = arith.constant 128 : i32
      %mul3A_236 = arith.muli %arg1, %mul3A_235 : i32
      "tpu.region"() ({
        %run_scoped3A = tpu.sem_alloc : memref<!tpu.dma_semaphore, #tpu.memory_space<semaphore_mem>>
        %dma_start3A_237 = arith.constant 0 : i32
        %dma_start3A_238 = tpu.memref_slice %arg10[%mul3A_236, %dma_start3A_237] : memref<2048x128xf32, #tpu.memory_space<hbm>> -> memref<128x128xf32, #tpu.memory_space<hbm>>
        %dma_start3A_239 = arith.constant 0 : i32
        %dma_start3A_240 = tpu.memref_slice %arg16[%mul3A_234, %dma_start3A_239] : memref<2064x128xf32, #tpu.memory_space<vmem_shared>> -> memref<128x128xf32, #tpu.memory_space<vmem_shared>>
        tpu.enqueue_dma source(%dma_start3A_240 : memref<128x128xf32, #tpu.memory_space<vmem_shared>>) target(%dma_start3A_238 : memref<128x128xf32, #tpu.memory_space<hbm>>) target_semaphore(%run_scoped3A : memref<!tpu.dma_semaphore, #tpu.memory_space<semaphore_mem>>)
        %dma_wait3A_241 = arith.constant 0 : i32
        %dma_wait3A_242 = tpu.memref_slice %arg10[%mul3A_236, %dma_wait3A_241] : memref<2048x128xf32, #tpu.memory_space<hbm>> -> memref<128x128xf32, #tpu.memory_space<hbm>>
        %dma_wait3A_243 = arith.constant 0 : i32
        %dma_wait3A_244 = tpu.memref_slice %arg16[%mul3A_234, %dma_wait3A_243] : memref<2064x128xf32, #tpu.memory_space<vmem_shared>> -> memref<128x128xf32, #tpu.memory_space<vmem_shared>>
        tpu.wait_dma2 semaphore(%run_scoped3A : memref<!tpu.dma_semaphore, #tpu.memory_space<semaphore_mem>>) src(%dma_wait3A_244 : memref<128x128xf32, #tpu.memory_space<vmem_shared>>) dst(%dma_wait3A_242 : memref<128x128xf32, #tpu.memory_space<hbm>>)
        tpu.yield
      }) : () -> ()
    } else {
    }
    return
  }
}

#map = affine_map<(d0, d1) -> (0, 0)>
module attributes {stable_mosaic.version = 14 : i64} {
  func.func @k(%arg0: i32, %arg1: i32, %arg2: memref<2048x128xf32, #tpu.memory_space<hbm>>, %arg3: memref<64x128xi32, #tpu.memory_space<hbm>>, %arg4: memref<64x128xi32, #tpu.memory_space<hbm>>, %arg5: memref<8192x128xf32, #tpu.memory_space<hbm>>, %arg6: memref<8192x128xf32, #tpu.memory_space<hbm>>, %arg7: memref<2x128xi32, #tpu.memory_space<vmem>>, %arg8: memref<2x128xi32, #tpu.memory_space<vmem>>, %arg9: memref<256x128xf32, #tpu.memory_space<vmem>>, %arg10: memref<256x128xf32, #tpu.memory_space<vmem>>, %arg11: memref<!tpu.dma_semaphore, #tpu.memory_space<semaphore_mem>>, %arg12: memref<!tpu.dma_semaphore, #tpu.memory_space<semaphore_mem>>) attributes {dimension_semantics = [#tpu.dimension_semantics<core_parallel>, #tpu.dimension_semantics<subcore_parallel>], iteration_bounds = array<i64: 2, 16>, scalar_prefetch = 0 : i64, scratch_operands = 6 : i64, tpu.core_type = #tpu.core_type<sc_vector_subcore>, window_params = [{transform_indices = #map}, {transform_indices = #map}, {transform_indices = #map}, {transform_indices = #map}, {transform_indices = #map}]} {
    %mul3A = arith.constant 2 : i32
    %mul3A_0 = arith.muli %arg1, %mul3A : i32
    %add3A = arith.addi %mul3A_0, %arg0 : i32
    %mul3A_1 = arith.constant 256 : i32
    %mul3A_2 = arith.muli %add3A, %mul3A_1 : i32
    %mul3A_3 = arith.constant 2 : i32
    %mul3A_4 = arith.muli %add3A, %mul3A_3 : i32
    %dma_start3A = arith.constant 0 : i32
    %dma_start3A_5 = tpu.memref_slice %arg3[%mul3A_4, %dma_start3A] : memref<64x128xi32, #tpu.memory_space<hbm>> -> memref<2x128xi32, #tpu.memory_space<hbm>>
    %dma_start3A_6 = arith.constant 0 : i32
    %dma_start3A_7 = tpu.memref_slice %arg3[%mul3A_4, %dma_start3A_6] : memref<64x128xi32, #tpu.memory_space<hbm>> -> memref<2x128xi32, #tpu.memory_space<hbm>>
    tpu.enqueue_dma source(%dma_start3A_7 : memref<2x128xi32, #tpu.memory_space<hbm>>) target(%arg7 : memref<2x128xi32, #tpu.memory_space<vmem>>) target_semaphore(%arg11 : memref<!tpu.dma_semaphore, #tpu.memory_space<semaphore_mem>>)
    %mul3A_8 = arith.constant 2 : i32
    %mul3A_9 = arith.muli %add3A, %mul3A_8 : i32
    %dma_start3A_10 = arith.constant 0 : i32
    %dma_start3A_11 = tpu.memref_slice %arg4[%mul3A_9, %dma_start3A_10] : memref<64x128xi32, #tpu.memory_space<hbm>> -> memref<2x128xi32, #tpu.memory_space<hbm>>
    %dma_start3A_12 = arith.constant 0 : i32
    %dma_start3A_13 = tpu.memref_slice %arg4[%mul3A_9, %dma_start3A_12] : memref<64x128xi32, #tpu.memory_space<hbm>> -> memref<2x128xi32, #tpu.memory_space<hbm>>
    tpu.enqueue_dma source(%dma_start3A_13 : memref<2x128xi32, #tpu.memory_space<hbm>>) target(%arg8 : memref<2x128xi32, #tpu.memory_space<vmem>>) target_semaphore(%arg11 : memref<!tpu.dma_semaphore, #tpu.memory_space<semaphore_mem>>)
    %dma_wait3A = arith.constant 0 : i32
    %dma_wait3A_14 = tpu.memref_slice %arg3[%mul3A_4, %dma_wait3A] : memref<64x128xi32, #tpu.memory_space<hbm>> -> memref<2x128xi32, #tpu.memory_space<hbm>>
    %dma_wait3A_15 = arith.constant 0 : i32
    %dma_wait3A_16 = tpu.memref_slice %arg3[%mul3A_4, %dma_wait3A_15] : memref<64x128xi32, #tpu.memory_space<hbm>> -> memref<2x128xi32, #tpu.memory_space<hbm>>
    tpu.wait_dma2 semaphore(%arg11 : memref<!tpu.dma_semaphore, #tpu.memory_space<semaphore_mem>>) src(%dma_wait3A_16 : memref<2x128xi32, #tpu.memory_space<hbm>>) dst(%arg7 : memref<2x128xi32, #tpu.memory_space<vmem>>)
    %dma_wait3A_17 = arith.constant 0 : i32
    %dma_wait3A_18 = tpu.memref_slice %arg4[%mul3A_9, %dma_wait3A_17] : memref<64x128xi32, #tpu.memory_space<hbm>> -> memref<2x128xi32, #tpu.memory_space<hbm>>
    %dma_wait3A_19 = arith.constant 0 : i32
    %dma_wait3A_20 = tpu.memref_slice %arg4[%mul3A_9, %dma_wait3A_19] : memref<64x128xi32, #tpu.memory_space<hbm>> -> memref<2x128xi32, #tpu.memory_space<hbm>>
    tpu.wait_dma2 semaphore(%arg11 : memref<!tpu.dma_semaphore, #tpu.memory_space<semaphore_mem>>) src(%dma_wait3A_20 : memref<2x128xi32, #tpu.memory_space<hbm>>) dst(%arg8 : memref<2x128xi32, #tpu.memory_space<vmem>>)
    %dma_start3A_21 = arith.constant 0 : i32
    %dma_start3A_22 = arith.constant 0 : i32
    %dma_start3A_23 = arith.constant 0 : i32
    %dma_start3A_24 = tpu.memref_slice %arg9[%dma_start3A_22, %dma_start3A_23] : memref<256x128xf32, #tpu.memory_space<vmem>> -> memref<128x128xf32, #tpu.memory_space<vmem>>
    %dma_start3A_25 = arith.constant 0 : i32
    %dma_start3A_26 = tpu.memref_slice %arg7[%dma_start3A_21, %dma_start3A_25] : memref<2x128xi32, #tpu.memory_space<vmem>> -> memref<1x128xi32, #tpu.memory_space<vmem>>
    %dma_start3A_27 = tpu.memref_squeeze %dma_start3A_26 : memref<1x128xi32, #tpu.memory_space<vmem>> -> memref<128xi32, #tpu.memory_space<vmem>>
    %dma_start3A_28 = arith.constant 0 : i32
    %dma_start3A_29 = arith.constant 0 : i32
    %dma_start3A_30 = tpu.memref_slice %arg2[%dma_start3A_28, %dma_start3A_29] : memref<2048x128xf32, #tpu.memory_space<hbm>> -> memref<2048x128xf32, #tpu.memory_space<hbm>>
    tpu.enqueue_indirect_dma source(%dma_start3A_30 : memref<2048x128xf32, #tpu.memory_space<hbm>>) target(%dma_start3A_24 : memref<128x128xf32, #tpu.memory_space<vmem>>) offsets(%dma_start3A_27 : memref<128xi32, #tpu.memory_space<vmem>>) semaphore(%arg11 : memref<!tpu.dma_semaphore, #tpu.memory_space<semaphore_mem>>)
    %dma_start3A_31 = arith.constant 0 : i32
    %dma_start3A_32 = arith.constant 0 : i32
    %dma_start3A_33 = arith.constant 0 : i32
    %dma_start3A_34 = tpu.memref_slice %arg10[%dma_start3A_32, %dma_start3A_33] : memref<256x128xf32, #tpu.memory_space<vmem>> -> memref<128x128xf32, #tpu.memory_space<vmem>>
    %dma_start3A_35 = arith.constant 0 : i32
    %dma_start3A_36 = tpu.memref_slice %arg8[%dma_start3A_31, %dma_start3A_35] : memref<2x128xi32, #tpu.memory_space<vmem>> -> memref<1x128xi32, #tpu.memory_space<vmem>>
    %dma_start3A_37 = tpu.memref_squeeze %dma_start3A_36 : memref<1x128xi32, #tpu.memory_space<vmem>> -> memref<128xi32, #tpu.memory_space<vmem>>
    %dma_start3A_38 = arith.constant 0 : i32
    %dma_start3A_39 = arith.constant 0 : i32
    %dma_start3A_40 = tpu.memref_slice %arg2[%dma_start3A_38, %dma_start3A_39] : memref<2048x128xf32, #tpu.memory_space<hbm>> -> memref<2048x128xf32, #tpu.memory_space<hbm>>
    tpu.enqueue_indirect_dma source(%dma_start3A_40 : memref<2048x128xf32, #tpu.memory_space<hbm>>) target(%dma_start3A_34 : memref<128x128xf32, #tpu.memory_space<vmem>>) offsets(%dma_start3A_37 : memref<128xi32, #tpu.memory_space<vmem>>) semaphore(%arg12 : memref<!tpu.dma_semaphore, #tpu.memory_space<semaphore_mem>>)
    %dma_start3A_41 = arith.constant 1 : i32
    %dma_start3A_42 = arith.constant 128 : i32
    %dma_start3A_43 = arith.constant 0 : i32
    %dma_start3A_44 = tpu.memref_slice %arg9[%dma_start3A_42, %dma_start3A_43] : memref<256x128xf32, #tpu.memory_space<vmem>> -> memref<128x128xf32, #tpu.memory_space<vmem>>
    %dma_start3A_45 = arith.constant 0 : i32
    %dma_start3A_46 = tpu.memref_slice %arg7[%dma_start3A_41, %dma_start3A_45] : memref<2x128xi32, #tpu.memory_space<vmem>> -> memref<1x128xi32, #tpu.memory_space<vmem>>
    %dma_start3A_47 = tpu.memref_squeeze %dma_start3A_46 : memref<1x128xi32, #tpu.memory_space<vmem>> -> memref<128xi32, #tpu.memory_space<vmem>>
    %dma_start3A_48 = arith.constant 0 : i32
    %dma_start3A_49 = arith.constant 0 : i32
    %dma_start3A_50 = tpu.memref_slice %arg2[%dma_start3A_48, %dma_start3A_49] : memref<2048x128xf32, #tpu.memory_space<hbm>> -> memref<2048x128xf32, #tpu.memory_space<hbm>>
    tpu.enqueue_indirect_dma source(%dma_start3A_50 : memref<2048x128xf32, #tpu.memory_space<hbm>>) target(%dma_start3A_44 : memref<128x128xf32, #tpu.memory_space<vmem>>) offsets(%dma_start3A_47 : memref<128xi32, #tpu.memory_space<vmem>>) semaphore(%arg11 : memref<!tpu.dma_semaphore, #tpu.memory_space<semaphore_mem>>)
    %dma_start3A_51 = arith.constant 1 : i32
    %dma_start3A_52 = arith.constant 128 : i32
    %dma_start3A_53 = arith.constant 0 : i32
    %dma_start3A_54 = tpu.memref_slice %arg10[%dma_start3A_52, %dma_start3A_53] : memref<256x128xf32, #tpu.memory_space<vmem>> -> memref<128x128xf32, #tpu.memory_space<vmem>>
    %dma_start3A_55 = arith.constant 0 : i32
    %dma_start3A_56 = tpu.memref_slice %arg8[%dma_start3A_51, %dma_start3A_55] : memref<2x128xi32, #tpu.memory_space<vmem>> -> memref<1x128xi32, #tpu.memory_space<vmem>>
    %dma_start3A_57 = tpu.memref_squeeze %dma_start3A_56 : memref<1x128xi32, #tpu.memory_space<vmem>> -> memref<128xi32, #tpu.memory_space<vmem>>
    %dma_start3A_58 = arith.constant 0 : i32
    %dma_start3A_59 = arith.constant 0 : i32
    %dma_start3A_60 = tpu.memref_slice %arg2[%dma_start3A_58, %dma_start3A_59] : memref<2048x128xf32, #tpu.memory_space<hbm>> -> memref<2048x128xf32, #tpu.memory_space<hbm>>
    tpu.enqueue_indirect_dma source(%dma_start3A_60 : memref<2048x128xf32, #tpu.memory_space<hbm>>) target(%dma_start3A_54 : memref<128x128xf32, #tpu.memory_space<vmem>>) offsets(%dma_start3A_57 : memref<128xi32, #tpu.memory_space<vmem>>) semaphore(%arg12 : memref<!tpu.dma_semaphore, #tpu.memory_space<semaphore_mem>>)
    %dma_wait3A_61 = arith.constant 0 : i32
    %dma_wait3A_62 = arith.constant 0 : i32
    %dma_wait3A_63 = arith.constant 0 : i32
    %dma_wait3A_64 = tpu.memref_slice %arg9[%dma_wait3A_62, %dma_wait3A_63] : memref<256x128xf32, #tpu.memory_space<vmem>> -> memref<128x128xf32, #tpu.memory_space<vmem>>
    %dma_wait3A_65 = arith.constant 0 : i32
    %dma_wait3A_66 = tpu.memref_slice %arg7[%dma_wait3A_61, %dma_wait3A_65] : memref<2x128xi32, #tpu.memory_space<vmem>> -> memref<1x128xi32, #tpu.memory_space<vmem>>
    %dma_wait3A_67 = tpu.memref_squeeze %dma_wait3A_66 : memref<1x128xi32, #tpu.memory_space<vmem>> -> memref<128xi32, #tpu.memory_space<vmem>>
    %dma_wait3A_68 = arith.constant 0 : i32
    %dma_wait3A_69 = arith.constant 0 : i32
    %dma_wait3A_70 = tpu.memref_slice %arg2[%dma_wait3A_68, %dma_wait3A_69] : memref<2048x128xf32, #tpu.memory_space<hbm>> -> memref<2048x128xf32, #tpu.memory_space<hbm>>
    tpu.wait_indirect_dma semaphore(%arg11 : memref<!tpu.dma_semaphore, #tpu.memory_space<semaphore_mem>>) src(%dma_wait3A_70 : memref<2048x128xf32, #tpu.memory_space<hbm>>) dst(%dma_wait3A_64 : memref<128x128xf32, #tpu.memory_space<vmem>>)
    %dma_wait3A_71 = arith.constant 0 : i32
    %dma_wait3A_72 = arith.constant 0 : i32
    %dma_wait3A_73 = arith.constant 0 : i32
    %dma_wait3A_74 = tpu.memref_slice %arg10[%dma_wait3A_72, %dma_wait3A_73] : memref<256x128xf32, #tpu.memory_space<vmem>> -> memref<128x128xf32, #tpu.memory_space<vmem>>
    %dma_wait3A_75 = arith.constant 0 : i32
    %dma_wait3A_76 = tpu.memref_slice %arg8[%dma_wait3A_71, %dma_wait3A_75] : memref<2x128xi32, #tpu.memory_space<vmem>> -> memref<1x128xi32, #tpu.memory_space<vmem>>
    %dma_wait3A_77 = tpu.memref_squeeze %dma_wait3A_76 : memref<1x128xi32, #tpu.memory_space<vmem>> -> memref<128xi32, #tpu.memory_space<vmem>>
    %dma_wait3A_78 = arith.constant 0 : i32
    %dma_wait3A_79 = arith.constant 0 : i32
    %dma_wait3A_80 = tpu.memref_slice %arg2[%dma_wait3A_78, %dma_wait3A_79] : memref<2048x128xf32, #tpu.memory_space<hbm>> -> memref<2048x128xf32, #tpu.memory_space<hbm>>
    tpu.wait_indirect_dma semaphore(%arg12 : memref<!tpu.dma_semaphore, #tpu.memory_space<semaphore_mem>>) src(%dma_wait3A_80 : memref<2048x128xf32, #tpu.memory_space<hbm>>) dst(%dma_wait3A_74 : memref<128x128xf32, #tpu.memory_space<vmem>>)
    %dma_wait3A_81 = arith.constant 1 : i32
    %dma_wait3A_82 = arith.constant 128 : i32
    %dma_wait3A_83 = arith.constant 0 : i32
    %dma_wait3A_84 = tpu.memref_slice %arg9[%dma_wait3A_82, %dma_wait3A_83] : memref<256x128xf32, #tpu.memory_space<vmem>> -> memref<128x128xf32, #tpu.memory_space<vmem>>
    %dma_wait3A_85 = arith.constant 0 : i32
    %dma_wait3A_86 = tpu.memref_slice %arg7[%dma_wait3A_81, %dma_wait3A_85] : memref<2x128xi32, #tpu.memory_space<vmem>> -> memref<1x128xi32, #tpu.memory_space<vmem>>
    %dma_wait3A_87 = tpu.memref_squeeze %dma_wait3A_86 : memref<1x128xi32, #tpu.memory_space<vmem>> -> memref<128xi32, #tpu.memory_space<vmem>>
    %dma_wait3A_88 = arith.constant 0 : i32
    %dma_wait3A_89 = arith.constant 0 : i32
    %dma_wait3A_90 = tpu.memref_slice %arg2[%dma_wait3A_88, %dma_wait3A_89] : memref<2048x128xf32, #tpu.memory_space<hbm>> -> memref<2048x128xf32, #tpu.memory_space<hbm>>
    tpu.wait_indirect_dma semaphore(%arg11 : memref<!tpu.dma_semaphore, #tpu.memory_space<semaphore_mem>>) src(%dma_wait3A_90 : memref<2048x128xf32, #tpu.memory_space<hbm>>) dst(%dma_wait3A_84 : memref<128x128xf32, #tpu.memory_space<vmem>>)
    %dma_wait3A_91 = arith.constant 1 : i32
    %dma_wait3A_92 = arith.constant 128 : i32
    %dma_wait3A_93 = arith.constant 0 : i32
    %dma_wait3A_94 = tpu.memref_slice %arg10[%dma_wait3A_92, %dma_wait3A_93] : memref<256x128xf32, #tpu.memory_space<vmem>> -> memref<128x128xf32, #tpu.memory_space<vmem>>
    %dma_wait3A_95 = arith.constant 0 : i32
    %dma_wait3A_96 = tpu.memref_slice %arg8[%dma_wait3A_91, %dma_wait3A_95] : memref<2x128xi32, #tpu.memory_space<vmem>> -> memref<1x128xi32, #tpu.memory_space<vmem>>
    %dma_wait3A_97 = tpu.memref_squeeze %dma_wait3A_96 : memref<1x128xi32, #tpu.memory_space<vmem>> -> memref<128xi32, #tpu.memory_space<vmem>>
    %dma_wait3A_98 = arith.constant 0 : i32
    %dma_wait3A_99 = arith.constant 0 : i32
    %dma_wait3A_100 = tpu.memref_slice %arg2[%dma_wait3A_98, %dma_wait3A_99] : memref<2048x128xf32, #tpu.memory_space<hbm>> -> memref<2048x128xf32, #tpu.memory_space<hbm>>
    tpu.wait_indirect_dma semaphore(%arg12 : memref<!tpu.dma_semaphore, #tpu.memory_space<semaphore_mem>>) src(%dma_wait3A_100 : memref<2048x128xf32, #tpu.memory_space<hbm>>) dst(%dma_wait3A_94 : memref<128x128xf32, #tpu.memory_space<vmem>>)
    %dma_start3A_101 = arith.constant 0 : i32
    %dma_start3A_102 = tpu.memref_slice %arg5[%mul3A_2, %dma_start3A_101] : memref<8192x128xf32, #tpu.memory_space<hbm>> -> memref<256x128xf32, #tpu.memory_space<hbm>>
    %dma_start3A_103 = arith.constant 0 : i32
    %dma_start3A_104 = tpu.memref_slice %arg5[%mul3A_2, %dma_start3A_103] : memref<8192x128xf32, #tpu.memory_space<hbm>> -> memref<256x128xf32, #tpu.memory_space<hbm>>
    tpu.enqueue_dma source(%arg9 : memref<256x128xf32, #tpu.memory_space<vmem>>) target(%dma_start3A_104 : memref<256x128xf32, #tpu.memory_space<hbm>>) target_semaphore(%arg11 : memref<!tpu.dma_semaphore, #tpu.memory_space<semaphore_mem>>)
    %dma_start3A_105 = arith.constant 0 : i32
    %dma_start3A_106 = tpu.memref_slice %arg6[%mul3A_2, %dma_start3A_105] : memref<8192x128xf32, #tpu.memory_space<hbm>> -> memref<256x128xf32, #tpu.memory_space<hbm>>
    %dma_start3A_107 = arith.constant 0 : i32
    %dma_start3A_108 = tpu.memref_slice %arg6[%mul3A_2, %dma_start3A_107] : memref<8192x128xf32, #tpu.memory_space<hbm>> -> memref<256x128xf32, #tpu.memory_space<hbm>>
    tpu.enqueue_dma source(%arg10 : memref<256x128xf32, #tpu.memory_space<vmem>>) target(%dma_start3A_108 : memref<256x128xf32, #tpu.memory_space<hbm>>) target_semaphore(%arg12 : memref<!tpu.dma_semaphore, #tpu.memory_space<semaphore_mem>>)
    %dma_wait3A_109 = arith.constant 0 : i32
    %dma_wait3A_110 = tpu.memref_slice %arg5[%mul3A_2, %dma_wait3A_109] : memref<8192x128xf32, #tpu.memory_space<hbm>> -> memref<256x128xf32, #tpu.memory_space<hbm>>
    %dma_wait3A_111 = arith.constant 0 : i32
    %dma_wait3A_112 = tpu.memref_slice %arg5[%mul3A_2, %dma_wait3A_111] : memref<8192x128xf32, #tpu.memory_space<hbm>> -> memref<256x128xf32, #tpu.memory_space<hbm>>
    tpu.wait_dma2 semaphore(%arg11 : memref<!tpu.dma_semaphore, #tpu.memory_space<semaphore_mem>>) src(%arg9 : memref<256x128xf32, #tpu.memory_space<vmem>>) dst(%dma_wait3A_112 : memref<256x128xf32, #tpu.memory_space<hbm>>)
    %dma_wait3A_113 = arith.constant 0 : i32
    %dma_wait3A_114 = tpu.memref_slice %arg6[%mul3A_2, %dma_wait3A_113] : memref<8192x128xf32, #tpu.memory_space<hbm>> -> memref<256x128xf32, #tpu.memory_space<hbm>>
    %dma_wait3A_115 = arith.constant 0 : i32
    %dma_wait3A_116 = tpu.memref_slice %arg6[%mul3A_2, %dma_wait3A_115] : memref<8192x128xf32, #tpu.memory_space<hbm>> -> memref<256x128xf32, #tpu.memory_space<hbm>>
    tpu.wait_dma2 semaphore(%arg12 : memref<!tpu.dma_semaphore, #tpu.memory_space<semaphore_mem>>) src(%arg10 : memref<256x128xf32, #tpu.memory_space<vmem>>) dst(%dma_wait3A_116 : memref<256x128xf32, #tpu.memory_space<hbm>>)
    return
  }
}

#map = affine_map<(d0, d1) -> (0, 0)>
module attributes {stable_mosaic.version = 14 : i64} {
  func.func @k(%arg0: i32, %arg1: i32, %arg2: memref<8192x128xf32, #tpu.memory_space<hbm>>, %arg3: memref<8192x128xf32, #tpu.memory_space<hbm>>, %arg4: memref<64x128xi32, #tpu.memory_space<hbm>>, %arg5: memref<64x128xi32, #tpu.memory_space<hbm>>, %arg6: memref<2048x128xf32, #tpu.memory_space<hbm>>, %arg7: memref<2048x128xf32, #tpu.memory_space<hbm>>, %arg8: memref<2048x128xf32, #tpu.memory_space<hbm>>, %arg9: memref<2048x128xf32, #tpu.memory_space<hbm>>, %arg10: memref<2048x128xf32, #tpu.memory_space<hbm>>, %arg11: memref<2x128xi32, #tpu.memory_space<vmem>>, %arg12: memref<2x128xi32, #tpu.memory_space<vmem>>, %arg13: memref<256x128xf32, #tpu.memory_space<vmem>>, %arg14: memref<256x128xf32, #tpu.memory_space<vmem>>, %arg15: memref<2064x128xf32, #tpu.memory_space<vmem_shared>>, %arg16: memref<2064x128xf32, #tpu.memory_space<vmem_shared>>, %arg17: memref<!tpu.dma_semaphore, #tpu.memory_space<semaphore_mem>>) attributes {dimension_semantics = [#tpu.dimension_semantics<core_parallel>, #tpu.dimension_semantics<subcore_parallel>], iteration_bounds = array<i64: 2, 16>, scalar_prefetch = 0 : i64, scratch_operands = 7 : i64, tpu.core_type = #tpu.core_type<sc_vector_subcore>, window_params = [{transform_indices = #map}, {transform_indices = #map}, {transform_indices = #map}, {transform_indices = #map}, {transform_indices = #map}, {transform_indices = #map}, {transform_indices = #map}, {transform_indices = #map}, {transform_indices = #map}]} {
    %mul3A = arith.constant 2 : i32
    %mul3A_0 = arith.muli %arg1, %mul3A : i32
    %add3A = arith.addi %mul3A_0, %arg0 : i32
    %mul3A_1 = arith.constant 256 : i32
    %mul3A_2 = arith.muli %add3A, %mul3A_1 : i32
    %mul3A_3 = arith.constant 128 : i32
    %mul3A_4 = arith.muli %arg1, %mul3A_3 : i32
    %mul3A_5 = arith.constant 128 : i32
    %mul3A_6 = arith.muli %arg1, %mul3A_5 : i32
    %dma_start3A = arith.constant 0 : i32
    %dma_start3A_7 = tpu.memref_slice %arg15[%mul3A_6, %dma_start3A] : memref<2064x128xf32, #tpu.memory_space<vmem_shared>> -> memref<128x128xf32, #tpu.memory_space<vmem_shared>>
    %dma_start3A_8 = arith.constant 0 : i32
    %dma_start3A_9 = tpu.memref_slice %arg6[%mul3A_4, %dma_start3A_8] : memref<2048x128xf32, #tpu.memory_space<hbm>> -> memref<128x128xf32, #tpu.memory_space<hbm>>
    tpu.enqueue_dma source(%dma_start3A_9 : memref<128x128xf32, #tpu.memory_space<hbm>>) target(%dma_start3A_7 : memref<128x128xf32, #tpu.memory_space<vmem_shared>>) target_semaphore(%arg17 : memref<!tpu.dma_semaphore, #tpu.memory_space<semaphore_mem>>)
    %mul3A_10 = arith.constant 128 : i32
    %mul3A_11 = arith.muli %arg1, %mul3A_10 : i32
    %mul3A_12 = arith.constant 128 : i32
    %mul3A_13 = arith.muli %arg1, %mul3A_12 : i32
    %dma_start3A_14 = arith.constant 0 : i32
    %dma_start3A_15 = tpu.memref_slice %arg16[%mul3A_13, %dma_start3A_14] : memref<2064x128xf32, #tpu.memory_space<vmem_shared>> -> memref<128x128xf32, #tpu.memory_space<vmem_shared>>
    %dma_start3A_16 = arith.constant 0 : i32
    %dma_start3A_17 = tpu.memref_slice %arg6[%mul3A_11, %dma_start3A_16] : memref<2048x128xf32, #tpu.memory_space<hbm>> -> memref<128x128xf32, #tpu.memory_space<hbm>>
    tpu.enqueue_dma source(%dma_start3A_17 : memref<128x128xf32, #tpu.memory_space<hbm>>) target(%dma_start3A_15 : memref<128x128xf32, #tpu.memory_space<vmem_shared>>) target_semaphore(%arg17 : memref<!tpu.dma_semaphore, #tpu.memory_space<semaphore_mem>>)
    %mul3A_18 = arith.constant 2 : i32
    %mul3A_19 = arith.muli %add3A, %mul3A_18 : i32
    %dma_start3A_20 = arith.constant 0 : i32
    %dma_start3A_21 = tpu.memref_slice %arg4[%mul3A_19, %dma_start3A_20] : memref<64x128xi32, #tpu.memory_space<hbm>> -> memref<2x128xi32, #tpu.memory_space<hbm>>
    %dma_start3A_22 = arith.constant 0 : i32
    %dma_start3A_23 = tpu.memref_slice %arg4[%mul3A_19, %dma_start3A_22] : memref<64x128xi32, #tpu.memory_space<hbm>> -> memref<2x128xi32, #tpu.memory_space<hbm>>
    tpu.enqueue_dma source(%dma_start3A_23 : memref<2x128xi32, #tpu.memory_space<hbm>>) target(%arg11 : memref<2x128xi32, #tpu.memory_space<vmem>>) target_semaphore(%arg17 : memref<!tpu.dma_semaphore, #tpu.memory_space<semaphore_mem>>)
    %mul3A_24 = arith.constant 2 : i32
    %mul3A_25 = arith.muli %add3A, %mul3A_24 : i32
    %dma_start3A_26 = arith.constant 0 : i32
    %dma_start3A_27 = tpu.memref_slice %arg5[%mul3A_25, %dma_start3A_26] : memref<64x128xi32, #tpu.memory_space<hbm>> -> memref<2x128xi32, #tpu.memory_space<hbm>>
    %dma_start3A_28 = arith.constant 0 : i32
    %dma_start3A_29 = tpu.memref_slice %arg5[%mul3A_25, %dma_start3A_28] : memref<64x128xi32, #tpu.memory_space<hbm>> -> memref<2x128xi32, #tpu.memory_space<hbm>>
    tpu.enqueue_dma source(%dma_start3A_29 : memref<2x128xi32, #tpu.memory_space<hbm>>) target(%arg12 : memref<2x128xi32, #tpu.memory_space<vmem>>) target_semaphore(%arg17 : memref<!tpu.dma_semaphore, #tpu.memory_space<semaphore_mem>>)
    %dma_start3A_30 = arith.constant 0 : i32
    %dma_start3A_31 = tpu.memref_slice %arg2[%mul3A_2, %dma_start3A_30] : memref<8192x128xf32, #tpu.memory_space<hbm>> -> memref<256x128xf32, #tpu.memory_space<hbm>>
    %dma_start3A_32 = arith.constant 0 : i32
    %dma_start3A_33 = tpu.memref_slice %arg2[%mul3A_2, %dma_start3A_32] : memref<8192x128xf32, #tpu.memory_space<hbm>> -> memref<256x128xf32, #tpu.memory_space<hbm>>
    tpu.enqueue_dma source(%dma_start3A_33 : memref<256x128xf32, #tpu.memory_space<hbm>>) target(%arg13 : memref<256x128xf32, #tpu.memory_space<vmem>>) target_semaphore(%arg17 : memref<!tpu.dma_semaphore, #tpu.memory_space<semaphore_mem>>)
    %dma_start3A_34 = arith.constant 0 : i32
    %dma_start3A_35 = tpu.memref_slice %arg3[%mul3A_2, %dma_start3A_34] : memref<8192x128xf32, #tpu.memory_space<hbm>> -> memref<256x128xf32, #tpu.memory_space<hbm>>
    %dma_start3A_36 = arith.constant 0 : i32
    %dma_start3A_37 = tpu.memref_slice %arg3[%mul3A_2, %dma_start3A_36] : memref<8192x128xf32, #tpu.memory_space<hbm>> -> memref<256x128xf32, #tpu.memory_space<hbm>>
    tpu.enqueue_dma source(%dma_start3A_37 : memref<256x128xf32, #tpu.memory_space<hbm>>) target(%arg14 : memref<256x128xf32, #tpu.memory_space<vmem>>) target_semaphore(%arg17 : memref<!tpu.dma_semaphore, #tpu.memory_space<semaphore_mem>>)
    %dma_wait3A = arith.constant 0 : i32
    %dma_wait3A_38 = tpu.memref_slice %arg15[%mul3A_6, %dma_wait3A] : memref<2064x128xf32, #tpu.memory_space<vmem_shared>> -> memref<128x128xf32, #tpu.memory_space<vmem_shared>>
    %dma_wait3A_39 = arith.constant 0 : i32
    %dma_wait3A_40 = tpu.memref_slice %arg6[%mul3A_4, %dma_wait3A_39] : memref<2048x128xf32, #tpu.memory_space<hbm>> -> memref<128x128xf32, #tpu.memory_space<hbm>>
    tpu.wait_dma2 semaphore(%arg17 : memref<!tpu.dma_semaphore, #tpu.memory_space<semaphore_mem>>) src(%dma_wait3A_40 : memref<128x128xf32, #tpu.memory_space<hbm>>) dst(%dma_wait3A_38 : memref<128x128xf32, #tpu.memory_space<vmem_shared>>)
    %dma_wait3A_41 = arith.constant 0 : i32
    %dma_wait3A_42 = tpu.memref_slice %arg16[%mul3A_13, %dma_wait3A_41] : memref<2064x128xf32, #tpu.memory_space<vmem_shared>> -> memref<128x128xf32, #tpu.memory_space<vmem_shared>>
    %dma_wait3A_43 = arith.constant 0 : i32
    %dma_wait3A_44 = tpu.memref_slice %arg6[%mul3A_11, %dma_wait3A_43] : memref<2048x128xf32, #tpu.memory_space<hbm>> -> memref<128x128xf32, #tpu.memory_space<hbm>>
    tpu.wait_dma2 semaphore(%arg17 : memref<!tpu.dma_semaphore, #tpu.memory_space<semaphore_mem>>) src(%dma_wait3A_44 : memref<128x128xf32, #tpu.memory_space<hbm>>) dst(%dma_wait3A_42 : memref<128x128xf32, #tpu.memory_space<vmem_shared>>)
    %dma_wait3A_45 = arith.constant 0 : i32
    %dma_wait3A_46 = tpu.memref_slice %arg4[%mul3A_19, %dma_wait3A_45] : memref<64x128xi32, #tpu.memory_space<hbm>> -> memref<2x128xi32, #tpu.memory_space<hbm>>
    %dma_wait3A_47 = arith.constant 0 : i32
    %dma_wait3A_48 = tpu.memref_slice %arg4[%mul3A_19, %dma_wait3A_47] : memref<64x128xi32, #tpu.memory_space<hbm>> -> memref<2x128xi32, #tpu.memory_space<hbm>>
    tpu.wait_dma2 semaphore(%arg17 : memref<!tpu.dma_semaphore, #tpu.memory_space<semaphore_mem>>) src(%dma_wait3A_48 : memref<2x128xi32, #tpu.memory_space<hbm>>) dst(%arg11 : memref<2x128xi32, #tpu.memory_space<vmem>>)
    %dma_wait3A_49 = arith.constant 0 : i32
    %dma_wait3A_50 = tpu.memref_slice %arg5[%mul3A_25, %dma_wait3A_49] : memref<64x128xi32, #tpu.memory_space<hbm>> -> memref<2x128xi32, #tpu.memory_space<hbm>>
    %dma_wait3A_51 = arith.constant 0 : i32
    %dma_wait3A_52 = tpu.memref_slice %arg5[%mul3A_25, %dma_wait3A_51] : memref<64x128xi32, #tpu.memory_space<hbm>> -> memref<2x128xi32, #tpu.memory_space<hbm>>
    tpu.wait_dma2 semaphore(%arg17 : memref<!tpu.dma_semaphore, #tpu.memory_space<semaphore_mem>>) src(%dma_wait3A_52 : memref<2x128xi32, #tpu.memory_space<hbm>>) dst(%arg12 : memref<2x128xi32, #tpu.memory_space<vmem>>)
    %dma_wait3A_53 = arith.constant 0 : i32
    %dma_wait3A_54 = tpu.memref_slice %arg2[%mul3A_2, %dma_wait3A_53] : memref<8192x128xf32, #tpu.memory_space<hbm>> -> memref<256x128xf32, #tpu.memory_space<hbm>>
    %dma_wait3A_55 = arith.constant 0 : i32
    %dma_wait3A_56 = tpu.memref_slice %arg2[%mul3A_2, %dma_wait3A_55] : memref<8192x128xf32, #tpu.memory_space<hbm>> -> memref<256x128xf32, #tpu.memory_space<hbm>>
    tpu.wait_dma2 semaphore(%arg17 : memref<!tpu.dma_semaphore, #tpu.memory_space<semaphore_mem>>) src(%dma_wait3A_56 : memref<256x128xf32, #tpu.memory_space<hbm>>) dst(%arg13 : memref<256x128xf32, #tpu.memory_space<vmem>>)
    %dma_wait3A_57 = arith.constant 0 : i32
    %dma_wait3A_58 = tpu.memref_slice %arg3[%mul3A_2, %dma_wait3A_57] : memref<8192x128xf32, #tpu.memory_space<hbm>> -> memref<256x128xf32, #tpu.memory_space<hbm>>
    %dma_wait3A_59 = arith.constant 0 : i32
    %dma_wait3A_60 = tpu.memref_slice %arg3[%mul3A_2, %dma_wait3A_59] : memref<8192x128xf32, #tpu.memory_space<hbm>> -> memref<256x128xf32, #tpu.memory_space<hbm>>
    tpu.wait_dma2 semaphore(%arg17 : memref<!tpu.dma_semaphore, #tpu.memory_space<semaphore_mem>>) src(%dma_wait3A_60 : memref<256x128xf32, #tpu.memory_space<hbm>>) dst(%arg14 : memref<256x128xf32, #tpu.memory_space<vmem>>)
    %barrier3A = arith.constant 0 : index
    tpu.barrier barrier_id(%barrier3A)
    %dma_start3A_61 = arith.constant 0 : i32
    %dma_start3A_62 = arith.constant 0 : i32
    %dma_start3A_63 = arith.constant 0 : i32
    %dma_start3A_64 = tpu.memref_slice %arg13[%dma_start3A_62, %dma_start3A_63] : memref<256x128xf32, #tpu.memory_space<vmem>> -> memref<128x128xf32, #tpu.memory_space<vmem>>
    %dma_start3A_65 = arith.constant 0 : i32
    %dma_start3A_66 = tpu.memref_slice %arg11[%dma_start3A_61, %dma_start3A_65] : memref<2x128xi32, #tpu.memory_space<vmem>> -> memref<1x128xi32, #tpu.memory_space<vmem>>
    %dma_start3A_67 = tpu.memref_squeeze %dma_start3A_66 : memref<1x128xi32, #tpu.memory_space<vmem>> -> memref<128xi32, #tpu.memory_space<vmem>>
    %dma_start3A_68 = arith.constant 0 : i32
    %dma_start3A_69 = arith.constant 0 : i32
    %dma_start3A_70 = tpu.memref_slice %arg15[%dma_start3A_68, %dma_start3A_69] : memref<2064x128xf32, #tpu.memory_space<vmem_shared>> -> memref<2064x128xf32, #tpu.memory_space<vmem_shared>>
    tpu.enqueue_indirect_dma source(%dma_start3A_64 : memref<128x128xf32, #tpu.memory_space<vmem>>) target(%dma_start3A_70 : memref<2064x128xf32, #tpu.memory_space<vmem_shared>>) offsets(%dma_start3A_67 : memref<128xi32, #tpu.memory_space<vmem>>) semaphore(%arg17 : memref<!tpu.dma_semaphore, #tpu.memory_space<semaphore_mem>>) {add = true}
    %dma_start3A_71 = arith.constant 0 : i32
    %dma_start3A_72 = arith.constant 0 : i32
    %dma_start3A_73 = arith.constant 0 : i32
    %dma_start3A_74 = tpu.memref_slice %arg13[%dma_start3A_72, %dma_start3A_73] : memref<256x128xf32, #tpu.memory_space<vmem>> -> memref<128x128xf32, #tpu.memory_space<vmem>>
    %dma_start3A_75 = arith.constant 0 : i32
    %dma_start3A_76 = tpu.memref_slice %arg12[%dma_start3A_71, %dma_start3A_75] : memref<2x128xi32, #tpu.memory_space<vmem>> -> memref<1x128xi32, #tpu.memory_space<vmem>>
    %dma_start3A_77 = tpu.memref_squeeze %dma_start3A_76 : memref<1x128xi32, #tpu.memory_space<vmem>> -> memref<128xi32, #tpu.memory_space<vmem>>
    %dma_start3A_78 = arith.constant 0 : i32
    %dma_start3A_79 = arith.constant 0 : i32
    %dma_start3A_80 = tpu.memref_slice %arg15[%dma_start3A_78, %dma_start3A_79] : memref<2064x128xf32, #tpu.memory_space<vmem_shared>> -> memref<2064x128xf32, #tpu.memory_space<vmem_shared>>
    tpu.enqueue_indirect_dma source(%dma_start3A_74 : memref<128x128xf32, #tpu.memory_space<vmem>>) target(%dma_start3A_80 : memref<2064x128xf32, #tpu.memory_space<vmem_shared>>) offsets(%dma_start3A_77 : memref<128xi32, #tpu.memory_space<vmem>>) semaphore(%arg17 : memref<!tpu.dma_semaphore, #tpu.memory_space<semaphore_mem>>) {add = true}
    %dma_start3A_81 = arith.constant 0 : i32
    %dma_start3A_82 = arith.constant 0 : i32
    %dma_start3A_83 = arith.constant 0 : i32
    %dma_start3A_84 = tpu.memref_slice %arg14[%dma_start3A_82, %dma_start3A_83] : memref<256x128xf32, #tpu.memory_space<vmem>> -> memref<128x128xf32, #tpu.memory_space<vmem>>
    %dma_start3A_85 = arith.constant 0 : i32
    %dma_start3A_86 = tpu.memref_slice %arg11[%dma_start3A_81, %dma_start3A_85] : memref<2x128xi32, #tpu.memory_space<vmem>> -> memref<1x128xi32, #tpu.memory_space<vmem>>
    %dma_start3A_87 = tpu.memref_squeeze %dma_start3A_86 : memref<1x128xi32, #tpu.memory_space<vmem>> -> memref<128xi32, #tpu.memory_space<vmem>>
    %dma_start3A_88 = arith.constant 0 : i32
    %dma_start3A_89 = arith.constant 0 : i32
    %dma_start3A_90 = tpu.memref_slice %arg16[%dma_start3A_88, %dma_start3A_89] : memref<2064x128xf32, #tpu.memory_space<vmem_shared>> -> memref<2064x128xf32, #tpu.memory_space<vmem_shared>>
    tpu.enqueue_indirect_dma source(%dma_start3A_84 : memref<128x128xf32, #tpu.memory_space<vmem>>) target(%dma_start3A_90 : memref<2064x128xf32, #tpu.memory_space<vmem_shared>>) offsets(%dma_start3A_87 : memref<128xi32, #tpu.memory_space<vmem>>) semaphore(%arg17 : memref<!tpu.dma_semaphore, #tpu.memory_space<semaphore_mem>>) {add = true}
    %dma_start3A_91 = arith.constant 0 : i32
    %dma_start3A_92 = arith.constant 0 : i32
    %dma_start3A_93 = arith.constant 0 : i32
    %dma_start3A_94 = tpu.memref_slice %arg14[%dma_start3A_92, %dma_start3A_93] : memref<256x128xf32, #tpu.memory_space<vmem>> -> memref<128x128xf32, #tpu.memory_space<vmem>>
    %dma_start3A_95 = arith.constant 0 : i32
    %dma_start3A_96 = tpu.memref_slice %arg12[%dma_start3A_91, %dma_start3A_95] : memref<2x128xi32, #tpu.memory_space<vmem>> -> memref<1x128xi32, #tpu.memory_space<vmem>>
    %dma_start3A_97 = tpu.memref_squeeze %dma_start3A_96 : memref<1x128xi32, #tpu.memory_space<vmem>> -> memref<128xi32, #tpu.memory_space<vmem>>
    %dma_start3A_98 = arith.constant 0 : i32
    %dma_start3A_99 = arith.constant 0 : i32
    %dma_start3A_100 = tpu.memref_slice %arg16[%dma_start3A_98, %dma_start3A_99] : memref<2064x128xf32, #tpu.memory_space<vmem_shared>> -> memref<2064x128xf32, #tpu.memory_space<vmem_shared>>
    tpu.enqueue_indirect_dma source(%dma_start3A_94 : memref<128x128xf32, #tpu.memory_space<vmem>>) target(%dma_start3A_100 : memref<2064x128xf32, #tpu.memory_space<vmem_shared>>) offsets(%dma_start3A_97 : memref<128xi32, #tpu.memory_space<vmem>>) semaphore(%arg17 : memref<!tpu.dma_semaphore, #tpu.memory_space<semaphore_mem>>) {add = true}
    %dma_start3A_101 = arith.constant 1 : i32
    %dma_start3A_102 = arith.constant 128 : i32
    %dma_start3A_103 = arith.constant 0 : i32
    %dma_start3A_104 = tpu.memref_slice %arg13[%dma_start3A_102, %dma_start3A_103] : memref<256x128xf32, #tpu.memory_space<vmem>> -> memref<128x128xf32, #tpu.memory_space<vmem>>
    %dma_start3A_105 = arith.constant 0 : i32
    %dma_start3A_106 = tpu.memref_slice %arg11[%dma_start3A_101, %dma_start3A_105] : memref<2x128xi32, #tpu.memory_space<vmem>> -> memref<1x128xi32, #tpu.memory_space<vmem>>
    %dma_start3A_107 = tpu.memref_squeeze %dma_start3A_106 : memref<1x128xi32, #tpu.memory_space<vmem>> -> memref<128xi32, #tpu.memory_space<vmem>>
    %dma_start3A_108 = arith.constant 0 : i32
    %dma_start3A_109 = arith.constant 0 : i32
    %dma_start3A_110 = tpu.memref_slice %arg15[%dma_start3A_108, %dma_start3A_109] : memref<2064x128xf32, #tpu.memory_space<vmem_shared>> -> memref<2064x128xf32, #tpu.memory_space<vmem_shared>>
    tpu.enqueue_indirect_dma source(%dma_start3A_104 : memref<128x128xf32, #tpu.memory_space<vmem>>) target(%dma_start3A_110 : memref<2064x128xf32, #tpu.memory_space<vmem_shared>>) offsets(%dma_start3A_107 : memref<128xi32, #tpu.memory_space<vmem>>) semaphore(%arg17 : memref<!tpu.dma_semaphore, #tpu.memory_space<semaphore_mem>>) {add = true}
    %dma_start3A_111 = arith.constant 1 : i32
    %dma_start3A_112 = arith.constant 128 : i32
    %dma_start3A_113 = arith.constant 0 : i32
    %dma_start3A_114 = tpu.memref_slice %arg13[%dma_start3A_112, %dma_start3A_113] : memref<256x128xf32, #tpu.memory_space<vmem>> -> memref<128x128xf32, #tpu.memory_space<vmem>>
    %dma_start3A_115 = arith.constant 0 : i32
    %dma_start3A_116 = tpu.memref_slice %arg12[%dma_start3A_111, %dma_start3A_115] : memref<2x128xi32, #tpu.memory_space<vmem>> -> memref<1x128xi32, #tpu.memory_space<vmem>>
    %dma_start3A_117 = tpu.memref_squeeze %dma_start3A_116 : memref<1x128xi32, #tpu.memory_space<vmem>> -> memref<128xi32, #tpu.memory_space<vmem>>
    %dma_start3A_118 = arith.constant 0 : i32
    %dma_start3A_119 = arith.constant 0 : i32
    %dma_start3A_120 = tpu.memref_slice %arg15[%dma_start3A_118, %dma_start3A_119] : memref<2064x128xf32, #tpu.memory_space<vmem_shared>> -> memref<2064x128xf32, #tpu.memory_space<vmem_shared>>
    tpu.enqueue_indirect_dma source(%dma_start3A_114 : memref<128x128xf32, #tpu.memory_space<vmem>>) target(%dma_start3A_120 : memref<2064x128xf32, #tpu.memory_space<vmem_shared>>) offsets(%dma_start3A_117 : memref<128xi32, #tpu.memory_space<vmem>>) semaphore(%arg17 : memref<!tpu.dma_semaphore, #tpu.memory_space<semaphore_mem>>) {add = true}
    %dma_start3A_121 = arith.constant 1 : i32
    %dma_start3A_122 = arith.constant 128 : i32
    %dma_start3A_123 = arith.constant 0 : i32
    %dma_start3A_124 = tpu.memref_slice %arg14[%dma_start3A_122, %dma_start3A_123] : memref<256x128xf32, #tpu.memory_space<vmem>> -> memref<128x128xf32, #tpu.memory_space<vmem>>
    %dma_start3A_125 = arith.constant 0 : i32
    %dma_start3A_126 = tpu.memref_slice %arg11[%dma_start3A_121, %dma_start3A_125] : memref<2x128xi32, #tpu.memory_space<vmem>> -> memref<1x128xi32, #tpu.memory_space<vmem>>
    %dma_start3A_127 = tpu.memref_squeeze %dma_start3A_126 : memref<1x128xi32, #tpu.memory_space<vmem>> -> memref<128xi32, #tpu.memory_space<vmem>>
    %dma_start3A_128 = arith.constant 0 : i32
    %dma_start3A_129 = arith.constant 0 : i32
    %dma_start3A_130 = tpu.memref_slice %arg16[%dma_start3A_128, %dma_start3A_129] : memref<2064x128xf32, #tpu.memory_space<vmem_shared>> -> memref<2064x128xf32, #tpu.memory_space<vmem_shared>>
    tpu.enqueue_indirect_dma source(%dma_start3A_124 : memref<128x128xf32, #tpu.memory_space<vmem>>) target(%dma_start3A_130 : memref<2064x128xf32, #tpu.memory_space<vmem_shared>>) offsets(%dma_start3A_127 : memref<128xi32, #tpu.memory_space<vmem>>) semaphore(%arg17 : memref<!tpu.dma_semaphore, #tpu.memory_space<semaphore_mem>>) {add = true}
    %dma_start3A_131 = arith.constant 1 : i32
    %dma_start3A_132 = arith.constant 128 : i32
    %dma_start3A_133 = arith.constant 0 : i32
    %dma_start3A_134 = tpu.memref_slice %arg14[%dma_start3A_132, %dma_start3A_133] : memref<256x128xf32, #tpu.memory_space<vmem>> -> memref<128x128xf32, #tpu.memory_space<vmem>>
    %dma_start3A_135 = arith.constant 0 : i32
    %dma_start3A_136 = tpu.memref_slice %arg12[%dma_start3A_131, %dma_start3A_135] : memref<2x128xi32, #tpu.memory_space<vmem>> -> memref<1x128xi32, #tpu.memory_space<vmem>>
    %dma_start3A_137 = tpu.memref_squeeze %dma_start3A_136 : memref<1x128xi32, #tpu.memory_space<vmem>> -> memref<128xi32, #tpu.memory_space<vmem>>
    %dma_start3A_138 = arith.constant 0 : i32
    %dma_start3A_139 = arith.constant 0 : i32
    %dma_start3A_140 = tpu.memref_slice %arg16[%dma_start3A_138, %dma_start3A_139] : memref<2064x128xf32, #tpu.memory_space<vmem_shared>> -> memref<2064x128xf32, #tpu.memory_space<vmem_shared>>
    tpu.enqueue_indirect_dma source(%dma_start3A_134 : memref<128x128xf32, #tpu.memory_space<vmem>>) target(%dma_start3A_140 : memref<2064x128xf32, #tpu.memory_space<vmem_shared>>) offsets(%dma_start3A_137 : memref<128xi32, #tpu.memory_space<vmem>>) semaphore(%arg17 : memref<!tpu.dma_semaphore, #tpu.memory_space<semaphore_mem>>) {add = true}
    %dma_wait3A_141 = arith.constant 0 : i32
    %dma_wait3A_142 = arith.constant 0 : i32
    %dma_wait3A_143 = arith.constant 0 : i32
    %dma_wait3A_144 = tpu.memref_slice %arg13[%dma_wait3A_142, %dma_wait3A_143] : memref<256x128xf32, #tpu.memory_space<vmem>> -> memref<128x128xf32, #tpu.memory_space<vmem>>
    %dma_wait3A_145 = arith.constant 0 : i32
    %dma_wait3A_146 = tpu.memref_slice %arg11[%dma_wait3A_141, %dma_wait3A_145] : memref<2x128xi32, #tpu.memory_space<vmem>> -> memref<1x128xi32, #tpu.memory_space<vmem>>
    %dma_wait3A_147 = tpu.memref_squeeze %dma_wait3A_146 : memref<1x128xi32, #tpu.memory_space<vmem>> -> memref<128xi32, #tpu.memory_space<vmem>>
    %dma_wait3A_148 = arith.constant 0 : i32
    %dma_wait3A_149 = arith.constant 0 : i32
    %dma_wait3A_150 = tpu.memref_slice %arg15[%dma_wait3A_148, %dma_wait3A_149] : memref<2064x128xf32, #tpu.memory_space<vmem_shared>> -> memref<2064x128xf32, #tpu.memory_space<vmem_shared>>
    tpu.wait_indirect_dma semaphore(%arg17 : memref<!tpu.dma_semaphore, #tpu.memory_space<semaphore_mem>>) src(%dma_wait3A_144 : memref<128x128xf32, #tpu.memory_space<vmem>>) dst(%dma_wait3A_150 : memref<2064x128xf32, #tpu.memory_space<vmem_shared>>)
    %dma_wait3A_151 = arith.constant 0 : i32
    %dma_wait3A_152 = arith.constant 0 : i32
    %dma_wait3A_153 = arith.constant 0 : i32
    %dma_wait3A_154 = tpu.memref_slice %arg13[%dma_wait3A_152, %dma_wait3A_153] : memref<256x128xf32, #tpu.memory_space<vmem>> -> memref<128x128xf32, #tpu.memory_space<vmem>>
    %dma_wait3A_155 = arith.constant 0 : i32
    %dma_wait3A_156 = tpu.memref_slice %arg12[%dma_wait3A_151, %dma_wait3A_155] : memref<2x128xi32, #tpu.memory_space<vmem>> -> memref<1x128xi32, #tpu.memory_space<vmem>>
    %dma_wait3A_157 = tpu.memref_squeeze %dma_wait3A_156 : memref<1x128xi32, #tpu.memory_space<vmem>> -> memref<128xi32, #tpu.memory_space<vmem>>
    %dma_wait3A_158 = arith.constant 0 : i32
    %dma_wait3A_159 = arith.constant 0 : i32
    %dma_wait3A_160 = tpu.memref_slice %arg15[%dma_wait3A_158, %dma_wait3A_159] : memref<2064x128xf32, #tpu.memory_space<vmem_shared>> -> memref<2064x128xf32, #tpu.memory_space<vmem_shared>>
    tpu.wait_indirect_dma semaphore(%arg17 : memref<!tpu.dma_semaphore, #tpu.memory_space<semaphore_mem>>) src(%dma_wait3A_154 : memref<128x128xf32, #tpu.memory_space<vmem>>) dst(%dma_wait3A_160 : memref<2064x128xf32, #tpu.memory_space<vmem_shared>>)
    %dma_wait3A_161 = arith.constant 0 : i32
    %dma_wait3A_162 = arith.constant 0 : i32
    %dma_wait3A_163 = arith.constant 0 : i32
    %dma_wait3A_164 = tpu.memref_slice %arg14[%dma_wait3A_162, %dma_wait3A_163] : memref<256x128xf32, #tpu.memory_space<vmem>> -> memref<128x128xf32, #tpu.memory_space<vmem>>
    %dma_wait3A_165 = arith.constant 0 : i32
    %dma_wait3A_166 = tpu.memref_slice %arg11[%dma_wait3A_161, %dma_wait3A_165] : memref<2x128xi32, #tpu.memory_space<vmem>> -> memref<1x128xi32, #tpu.memory_space<vmem>>
    %dma_wait3A_167 = tpu.memref_squeeze %dma_wait3A_166 : memref<1x128xi32, #tpu.memory_space<vmem>> -> memref<128xi32, #tpu.memory_space<vmem>>
    %dma_wait3A_168 = arith.constant 0 : i32
    %dma_wait3A_169 = arith.constant 0 : i32
    %dma_wait3A_170 = tpu.memref_slice %arg16[%dma_wait3A_168, %dma_wait3A_169] : memref<2064x128xf32, #tpu.memory_space<vmem_shared>> -> memref<2064x128xf32, #tpu.memory_space<vmem_shared>>
    tpu.wait_indirect_dma semaphore(%arg17 : memref<!tpu.dma_semaphore, #tpu.memory_space<semaphore_mem>>) src(%dma_wait3A_164 : memref<128x128xf32, #tpu.memory_space<vmem>>) dst(%dma_wait3A_170 : memref<2064x128xf32, #tpu.memory_space<vmem_shared>>)
    %dma_wait3A_171 = arith.constant 0 : i32
    %dma_wait3A_172 = arith.constant 0 : i32
    %dma_wait3A_173 = arith.constant 0 : i32
    %dma_wait3A_174 = tpu.memref_slice %arg14[%dma_wait3A_172, %dma_wait3A_173] : memref<256x128xf32, #tpu.memory_space<vmem>> -> memref<128x128xf32, #tpu.memory_space<vmem>>
    %dma_wait3A_175 = arith.constant 0 : i32
    %dma_wait3A_176 = tpu.memref_slice %arg12[%dma_wait3A_171, %dma_wait3A_175] : memref<2x128xi32, #tpu.memory_space<vmem>> -> memref<1x128xi32, #tpu.memory_space<vmem>>
    %dma_wait3A_177 = tpu.memref_squeeze %dma_wait3A_176 : memref<1x128xi32, #tpu.memory_space<vmem>> -> memref<128xi32, #tpu.memory_space<vmem>>
    %dma_wait3A_178 = arith.constant 0 : i32
    %dma_wait3A_179 = arith.constant 0 : i32
    %dma_wait3A_180 = tpu.memref_slice %arg16[%dma_wait3A_178, %dma_wait3A_179] : memref<2064x128xf32, #tpu.memory_space<vmem_shared>> -> memref<2064x128xf32, #tpu.memory_space<vmem_shared>>
    tpu.wait_indirect_dma semaphore(%arg17 : memref<!tpu.dma_semaphore, #tpu.memory_space<semaphore_mem>>) src(%dma_wait3A_174 : memref<128x128xf32, #tpu.memory_space<vmem>>) dst(%dma_wait3A_180 : memref<2064x128xf32, #tpu.memory_space<vmem_shared>>)
    %dma_wait3A_181 = arith.constant 1 : i32
    %dma_wait3A_182 = arith.constant 128 : i32
    %dma_wait3A_183 = arith.constant 0 : i32
    %dma_wait3A_184 = tpu.memref_slice %arg13[%dma_wait3A_182, %dma_wait3A_183] : memref<256x128xf32, #tpu.memory_space<vmem>> -> memref<128x128xf32, #tpu.memory_space<vmem>>
    %dma_wait3A_185 = arith.constant 0 : i32
    %dma_wait3A_186 = tpu.memref_slice %arg11[%dma_wait3A_181, %dma_wait3A_185] : memref<2x128xi32, #tpu.memory_space<vmem>> -> memref<1x128xi32, #tpu.memory_space<vmem>>
    %dma_wait3A_187 = tpu.memref_squeeze %dma_wait3A_186 : memref<1x128xi32, #tpu.memory_space<vmem>> -> memref<128xi32, #tpu.memory_space<vmem>>
    %dma_wait3A_188 = arith.constant 0 : i32
    %dma_wait3A_189 = arith.constant 0 : i32
    %dma_wait3A_190 = tpu.memref_slice %arg15[%dma_wait3A_188, %dma_wait3A_189] : memref<2064x128xf32, #tpu.memory_space<vmem_shared>> -> memref<2064x128xf32, #tpu.memory_space<vmem_shared>>
    tpu.wait_indirect_dma semaphore(%arg17 : memref<!tpu.dma_semaphore, #tpu.memory_space<semaphore_mem>>) src(%dma_wait3A_184 : memref<128x128xf32, #tpu.memory_space<vmem>>) dst(%dma_wait3A_190 : memref<2064x128xf32, #tpu.memory_space<vmem_shared>>)
    %dma_wait3A_191 = arith.constant 1 : i32
    %dma_wait3A_192 = arith.constant 128 : i32
    %dma_wait3A_193 = arith.constant 0 : i32
    %dma_wait3A_194 = tpu.memref_slice %arg13[%dma_wait3A_192, %dma_wait3A_193] : memref<256x128xf32, #tpu.memory_space<vmem>> -> memref<128x128xf32, #tpu.memory_space<vmem>>
    %dma_wait3A_195 = arith.constant 0 : i32
    %dma_wait3A_196 = tpu.memref_slice %arg12[%dma_wait3A_191, %dma_wait3A_195] : memref<2x128xi32, #tpu.memory_space<vmem>> -> memref<1x128xi32, #tpu.memory_space<vmem>>
    %dma_wait3A_197 = tpu.memref_squeeze %dma_wait3A_196 : memref<1x128xi32, #tpu.memory_space<vmem>> -> memref<128xi32, #tpu.memory_space<vmem>>
    %dma_wait3A_198 = arith.constant 0 : i32
    %dma_wait3A_199 = arith.constant 0 : i32
    %dma_wait3A_200 = tpu.memref_slice %arg15[%dma_wait3A_198, %dma_wait3A_199] : memref<2064x128xf32, #tpu.memory_space<vmem_shared>> -> memref<2064x128xf32, #tpu.memory_space<vmem_shared>>
    tpu.wait_indirect_dma semaphore(%arg17 : memref<!tpu.dma_semaphore, #tpu.memory_space<semaphore_mem>>) src(%dma_wait3A_194 : memref<128x128xf32, #tpu.memory_space<vmem>>) dst(%dma_wait3A_200 : memref<2064x128xf32, #tpu.memory_space<vmem_shared>>)
    %dma_wait3A_201 = arith.constant 1 : i32
    %dma_wait3A_202 = arith.constant 128 : i32
    %dma_wait3A_203 = arith.constant 0 : i32
    %dma_wait3A_204 = tpu.memref_slice %arg14[%dma_wait3A_202, %dma_wait3A_203] : memref<256x128xf32, #tpu.memory_space<vmem>> -> memref<128x128xf32, #tpu.memory_space<vmem>>
    %dma_wait3A_205 = arith.constant 0 : i32
    %dma_wait3A_206 = tpu.memref_slice %arg11[%dma_wait3A_201, %dma_wait3A_205] : memref<2x128xi32, #tpu.memory_space<vmem>> -> memref<1x128xi32, #tpu.memory_space<vmem>>
    %dma_wait3A_207 = tpu.memref_squeeze %dma_wait3A_206 : memref<1x128xi32, #tpu.memory_space<vmem>> -> memref<128xi32, #tpu.memory_space<vmem>>
    %dma_wait3A_208 = arith.constant 0 : i32
    %dma_wait3A_209 = arith.constant 0 : i32
    %dma_wait3A_210 = tpu.memref_slice %arg16[%dma_wait3A_208, %dma_wait3A_209] : memref<2064x128xf32, #tpu.memory_space<vmem_shared>> -> memref<2064x128xf32, #tpu.memory_space<vmem_shared>>
    tpu.wait_indirect_dma semaphore(%arg17 : memref<!tpu.dma_semaphore, #tpu.memory_space<semaphore_mem>>) src(%dma_wait3A_204 : memref<128x128xf32, #tpu.memory_space<vmem>>) dst(%dma_wait3A_210 : memref<2064x128xf32, #tpu.memory_space<vmem_shared>>)
    %dma_wait3A_211 = arith.constant 1 : i32
    %dma_wait3A_212 = arith.constant 128 : i32
    %dma_wait3A_213 = arith.constant 0 : i32
    %dma_wait3A_214 = tpu.memref_slice %arg14[%dma_wait3A_212, %dma_wait3A_213] : memref<256x128xf32, #tpu.memory_space<vmem>> -> memref<128x128xf32, #tpu.memory_space<vmem>>
    %dma_wait3A_215 = arith.constant 0 : i32
    %dma_wait3A_216 = tpu.memref_slice %arg12[%dma_wait3A_211, %dma_wait3A_215] : memref<2x128xi32, #tpu.memory_space<vmem>> -> memref<1x128xi32, #tpu.memory_space<vmem>>
    %dma_wait3A_217 = tpu.memref_squeeze %dma_wait3A_216 : memref<1x128xi32, #tpu.memory_space<vmem>> -> memref<128xi32, #tpu.memory_space<vmem>>
    %dma_wait3A_218 = arith.constant 0 : i32
    %dma_wait3A_219 = arith.constant 0 : i32
    %dma_wait3A_220 = tpu.memref_slice %arg16[%dma_wait3A_218, %dma_wait3A_219] : memref<2064x128xf32, #tpu.memory_space<vmem_shared>> -> memref<2064x128xf32, #tpu.memory_space<vmem_shared>>
    tpu.wait_indirect_dma semaphore(%arg17 : memref<!tpu.dma_semaphore, #tpu.memory_space<semaphore_mem>>) src(%dma_wait3A_214 : memref<128x128xf32, #tpu.memory_space<vmem>>) dst(%dma_wait3A_220 : memref<2064x128xf32, #tpu.memory_space<vmem_shared>>)
    %barrier3A_221 = arith.constant 0 : index
    tpu.barrier barrier_id(%barrier3A_221)
    %eq3A = arith.constant 0 : i32
    %eq3A_222 = arith.cmpi eq, %arg0, %eq3A : i32
    %convert_element_type3A = arith.extui %eq3A_222 : i1 to i32
    %cond3A = arith.constant 0 : i32
    %cond3A_223 = arith.cmpi ne, %convert_element_type3A, %cond3A : i32
    scf.if %cond3A_223 {
      %mul3A_229 = arith.constant 128 : i32
      %mul3A_230 = arith.muli %arg1, %mul3A_229 : i32
      %mul3A_231 = arith.constant 128 : i32
      %mul3A_232 = arith.muli %arg1, %mul3A_231 : i32
      "tpu.region"() ({
        %run_scoped3A = tpu.sem_alloc : memref<!tpu.dma_semaphore, #tpu.memory_space<semaphore_mem>>
        %dma_start3A_237 = arith.constant 0 : i32
        %dma_start3A_238 = tpu.memref_slice %arg7[%mul3A_232, %dma_start3A_237] : memref<2048x128xf32, #tpu.memory_space<hbm>> -> memref<128x128xf32, #tpu.memory_space<hbm>>
        %dma_start3A_239 = arith.constant 0 : i32
        %dma_start3A_240 = tpu.memref_slice %arg15[%mul3A_230, %dma_start3A_239] : memref<2064x128xf32, #tpu.memory_space<vmem_shared>> -> memref<128x128xf32, #tpu.memory_space<vmem_shared>>
        tpu.enqueue_dma source(%dma_start3A_240 : memref<128x128xf32, #tpu.memory_space<vmem_shared>>) target(%dma_start3A_238 : memref<128x128xf32, #tpu.memory_space<hbm>>) target_semaphore(%run_scoped3A : memref<!tpu.dma_semaphore, #tpu.memory_space<semaphore_mem>>)
        %dma_wait3A_241 = arith.constant 0 : i32
        %dma_wait3A_242 = tpu.memref_slice %arg7[%mul3A_232, %dma_wait3A_241] : memref<2048x128xf32, #tpu.memory_space<hbm>> -> memref<128x128xf32, #tpu.memory_space<hbm>>
        %dma_wait3A_243 = arith.constant 0 : i32
        %dma_wait3A_244 = tpu.memref_slice %arg15[%mul3A_230, %dma_wait3A_243] : memref<2064x128xf32, #tpu.memory_space<vmem_shared>> -> memref<128x128xf32, #tpu.memory_space<vmem_shared>>
        tpu.wait_dma2 semaphore(%run_scoped3A : memref<!tpu.dma_semaphore, #tpu.memory_space<semaphore_mem>>) src(%dma_wait3A_244 : memref<128x128xf32, #tpu.memory_space<vmem_shared>>) dst(%dma_wait3A_242 : memref<128x128xf32, #tpu.memory_space<hbm>>)
        tpu.yield
      }) : () -> ()
      %mul3A_233 = arith.constant 128 : i32
      %mul3A_234 = arith.muli %arg1, %mul3A_233 : i32
      %mul3A_235 = arith.constant 128 : i32
      %mul3A_236 = arith.muli %arg1, %mul3A_235 : i32
      "tpu.region"() ({
        %run_scoped3A = tpu.sem_alloc : memref<!tpu.dma_semaphore, #tpu.memory_space<semaphore_mem>>
        %dma_start3A_237 = arith.constant 0 : i32
        %dma_start3A_238 = tpu.memref_slice %arg9[%mul3A_236, %dma_start3A_237] : memref<2048x128xf32, #tpu.memory_space<hbm>> -> memref<128x128xf32, #tpu.memory_space<hbm>>
        %dma_start3A_239 = arith.constant 0 : i32
        %dma_start3A_240 = tpu.memref_slice %arg16[%mul3A_234, %dma_start3A_239] : memref<2064x128xf32, #tpu.memory_space<vmem_shared>> -> memref<128x128xf32, #tpu.memory_space<vmem_shared>>
        tpu.enqueue_dma source(%dma_start3A_240 : memref<128x128xf32, #tpu.memory_space<vmem_shared>>) target(%dma_start3A_238 : memref<128x128xf32, #tpu.memory_space<hbm>>) target_semaphore(%run_scoped3A : memref<!tpu.dma_semaphore, #tpu.memory_space<semaphore_mem>>)
        %dma_wait3A_241 = arith.constant 0 : i32
        %dma_wait3A_242 = tpu.memref_slice %arg9[%mul3A_236, %dma_wait3A_241] : memref<2048x128xf32, #tpu.memory_space<hbm>> -> memref<128x128xf32, #tpu.memory_space<hbm>>
        %dma_wait3A_243 = arith.constant 0 : i32
        %dma_wait3A_244 = tpu.memref_slice %arg16[%mul3A_234, %dma_wait3A_243] : memref<2064x128xf32, #tpu.memory_space<vmem_shared>> -> memref<128x128xf32, #tpu.memory_space<vmem_shared>>
        tpu.wait_dma2 semaphore(%run_scoped3A : memref<!tpu.dma_semaphore, #tpu.memory_space<semaphore_mem>>) src(%dma_wait3A_244 : memref<128x128xf32, #tpu.memory_space<vmem_shared>>) dst(%dma_wait3A_242 : memref<128x128xf32, #tpu.memory_space<hbm>>)
        tpu.yield
      }) : () -> ()
    } else {
    }
    %eq3A_224 = arith.constant 1 : i32
    %eq3A_225 = arith.cmpi eq, %arg0, %eq3A_224 : i32
    %convert_element_type3A_226 = arith.extui %eq3A_225 : i1 to i32
    %cond3A_227 = arith.constant 0 : i32
    %cond3A_228 = arith.cmpi ne, %convert_element_type3A_226, %cond3A_227 : i32
    scf.if %cond3A_228 {
      %mul3A_229 = arith.constant 128 : i32
      %mul3A_230 = arith.muli %arg1, %mul3A_229 : i32
      %mul3A_231 = arith.constant 128 : i32
      %mul3A_232 = arith.muli %arg1, %mul3A_231 : i32
      "tpu.region"() ({
        %run_scoped3A = tpu.sem_alloc : memref<!tpu.dma_semaphore, #tpu.memory_space<semaphore_mem>>
        %dma_start3A_237 = arith.constant 0 : i32
        %dma_start3A_238 = tpu.memref_slice %arg8[%mul3A_232, %dma_start3A_237] : memref<2048x128xf32, #tpu.memory_space<hbm>> -> memref<128x128xf32, #tpu.memory_space<hbm>>
        %dma_start3A_239 = arith.constant 0 : i32
        %dma_start3A_240 = tpu.memref_slice %arg15[%mul3A_230, %dma_start3A_239] : memref<2064x128xf32, #tpu.memory_space<vmem_shared>> -> memref<128x128xf32, #tpu.memory_space<vmem_shared>>
        tpu.enqueue_dma source(%dma_start3A_240 : memref<128x128xf32, #tpu.memory_space<vmem_shared>>) target(%dma_start3A_238 : memref<128x128xf32, #tpu.memory_space<hbm>>) target_semaphore(%run_scoped3A : memref<!tpu.dma_semaphore, #tpu.memory_space<semaphore_mem>>)
        %dma_wait3A_241 = arith.constant 0 : i32
        %dma_wait3A_242 = tpu.memref_slice %arg8[%mul3A_232, %dma_wait3A_241] : memref<2048x128xf32, #tpu.memory_space<hbm>> -> memref<128x128xf32, #tpu.memory_space<hbm>>
        %dma_wait3A_243 = arith.constant 0 : i32
        %dma_wait3A_244 = tpu.memref_slice %arg15[%mul3A_230, %dma_wait3A_243] : memref<2064x128xf32, #tpu.memory_space<vmem_shared>> -> memref<128x128xf32, #tpu.memory_space<vmem_shared>>
        tpu.wait_dma2 semaphore(%run_scoped3A : memref<!tpu.dma_semaphore, #tpu.memory_space<semaphore_mem>>) src(%dma_wait3A_244 : memref<128x128xf32, #tpu.memory_space<vmem_shared>>) dst(%dma_wait3A_242 : memref<128x128xf32, #tpu.memory_space<hbm>>)
        tpu.yield
      }) : () -> ()
      %mul3A_233 = arith.constant 128 : i32
      %mul3A_234 = arith.muli %arg1, %mul3A_233 : i32
      %mul3A_235 = arith.constant 128 : i32
      %mul3A_236 = arith.muli %arg1, %mul3A_235 : i32
      "tpu.region"() ({
        %run_scoped3A = tpu.sem_alloc : memref<!tpu.dma_semaphore, #tpu.memory_space<semaphore_mem>>
        %dma_start3A_237 = arith.constant 0 : i32
        %dma_start3A_238 = tpu.memref_slice %arg10[%mul3A_236, %dma_start3A_237] : memref<2048x128xf32, #tpu.memory_space<hbm>> -> memref<128x128xf32, #tpu.memory_space<hbm>>
        %dma_start3A_239 = arith.constant 0 : i32
        %dma_start3A_240 = tpu.memref_slice %arg16[%mul3A_234, %dma_start3A_239] : memref<2064x128xf32, #tpu.memory_space<vmem_shared>> -> memref<128x128xf32, #tpu.memory_space<vmem_shared>>
        tpu.enqueue_dma source(%dma_start3A_240 : memref<128x128xf32, #tpu.memory_space<vmem_shared>>) target(%dma_start3A_238 : memref<128x128xf32, #tpu.memory_space<hbm>>) target_semaphore(%run_scoped3A : memref<!tpu.dma_semaphore, #tpu.memory_space<semaphore_mem>>)
        %dma_wait3A_241 = arith.constant 0 : i32
        %dma_wait3A_242 = tpu.memref_slice %arg10[%mul3A_236, %dma_wait3A_241] : memref<2048x128xf32, #tpu.memory_space<hbm>> -> memref<128x128xf32, #tpu.memory_space<hbm>>
        %dma_wait3A_243 = arith.constant 0 : i32
        %dma_wait3A_244 = tpu.memref_slice %arg16[%mul3A_234, %dma_wait3A_243] : memref<2064x128xf32, #tpu.memory_space<vmem_shared>> -> memref<128x128xf32, #tpu.memory_space<vmem_shared>>
        tpu.wait_dma2 semaphore(%run_scoped3A : memref<!tpu.dma_semaphore, #tpu.memory_space<semaphore_mem>>) src(%dma_wait3A_244 : memref<128x128xf32, #tpu.memory_space<vmem_shared>>) dst(%dma_wait3A_242 : memref<128x128xf32, #tpu.memory_space<hbm>>)
        tpu.yield
      }) : () -> ()
    } else {
    }
    return
  }
}

module attributes {stable_mosaic.version = 14 : i64} {
  func.func @_proj_body(%arg0: memref<2048x64xf32, #tpu.memory_space<vmem>>, %arg1: memref<64x128xi32, #tpu.memory_space<vmem>>, %arg2: memref<64x128xi32, #tpu.memory_space<vmem>>, %arg3: memref<64x128xf32, #tpu.memory_space<vmem>>, %arg4: memref<1x128xf32, #tpu.memory_space<vmem>>, %arg5: memref<2048x128xf32, #tpu.memory_space<vmem>>, %arg6: memref<64x128xi32, #tpu.memory_space<vmem>>) attributes {dimension_semantics = [], scalar_prefetch = 0 : i64, scratch_operands = 0 : i64, tpu.core_type = #tpu.core_type<tc>} {
    %get3A = arith.constant 0 : index
    %get3A_0 = arith.constant 0 : index
    %get3A_1 = vector.load %arg0[%get3A, %get3A_0] : memref<2048x64xf32, #tpu.memory_space<vmem>>, vector<2048x64xf32>
    %get3A_2 = arith.constant 0 : index
    %get3A_3 = arith.constant 0 : index
    %get3A_4 = vector.load %arg3[%get3A_2, %get3A_3] : memref<64x128xf32, #tpu.memory_space<vmem>>, vector<64x128xf32>
    %dot_general3A = arith.constant dense<0.000000e+00> : vector<2048x128xf32>
    %dot_general3A_5 = tpu.matmul %get3A_1, %get3A_4, %dot_general3A {dimension_numbers = #tpu.dot_dimension_numbers<[1], [0], [0], [1], [0, 0, 1, 1], [], []>, transpose_lhs_hint = false} : vector<2048x64xf32>, vector<64x128xf32>, vector<2048x128xf32> -> vector<2048x128xf32>
    %get3A_6 = arith.constant 0 : index
    %get3A_7 = arith.constant 0 : index
    %get3A_8 = vector.load %arg4[%get3A_6, %get3A_7] : memref<1x128xf32, #tpu.memory_space<vmem>>, vector<1x128xf32>
    %add3A = vector.broadcast %get3A_8 : vector<1x128xf32> to vector<2048x128xf32>
    %add3A_9 = arith.addf %dot_general3A_5, %add3A : vector<2048x128xf32>
    %ge3A = arith.constant 0.000000e+00 : f32
    %ge3A_10 = vector.broadcast %ge3A : f32 to vector<2048x128xf32>
    %ge3A_11 = arith.cmpf oge, %add3A_9, %ge3A_10 : vector<2048x128xf32>
    %mul3A = arith.constant 0.00999999977 : f32
    %mul3A_12 = vector.broadcast %mul3A : f32 to vector<2048x128xf32>
    %mul3A_13 = arith.mulf %mul3A_12, %add3A_9 : vector<2048x128xf32>
    %select_n3A = arith.select %ge3A_11, %add3A_9, %mul3A_13 : vector<2048x128xi1>, vector<2048x128xf32>
    %swap3A = arith.constant 0 : index
    %swap3A_14 = arith.constant 0 : index
    %swap3A_15 = vector.load %arg5[%swap3A, %swap3A_14] : memref<2048x128xf32, #tpu.memory_space<vmem>>, vector<2048x128xf32>
    tpu.vector_store %arg5[%swap3A, %swap3A_14], %select_n3A {strides = array<i32>} : memref<2048x128xf32, #tpu.memory_space<vmem>>, vector<2048x128xf32>,
    %get3A_16 = arith.constant 0 : index
    %get3A_17 = arith.constant 0 : index
    %get3A_18 = vector.load %arg1[%get3A_16, %get3A_17] : memref<64x128xi32, #tpu.memory_space<vmem>>, vector<64x128xi32>
    %get3A_19 = arith.constant 0 : index
    %get3A_20 = arith.constant 0 : index
    %get3A_21 = vector.load %arg2[%get3A_19, %get3A_20] : memref<64x128xi32, #tpu.memory_space<vmem>>, vector<64x128xi32>
    %eq3A = arith.cmpi eq, %get3A_18, %get3A_21 : vector<64x128xi32>
    %get3A_22 = arith.constant 0 : index
    %get3A_23 = arith.constant 0 : index
    %get3A_24 = vector.load %arg2[%get3A_22, %get3A_23] : memref<64x128xi32, #tpu.memory_space<vmem>>, vector<64x128xi32>
    %jit3A = arith.constant 2048 : i32
    %broadcast_in_dim3A = vector.broadcast %jit3A : i32 to vector<64x128xi32>
    %select_n3A_25 = arith.select %eq3A, %broadcast_in_dim3A, %get3A_24 : vector<64x128xi1>, vector<64x128xi32>
    %swap3A_26 = arith.constant 0 : index
    %swap3A_27 = arith.constant 0 : index
    %swap3A_28 = vector.load %arg6[%swap3A_26, %swap3A_27] : memref<64x128xi32, #tpu.memory_space<vmem>>, vector<64x128xi32>
    tpu.vector_store %arg6[%swap3A_26, %swap3A_27], %select_n3A_25 {strides = array<i32>} : memref<64x128xi32, #tpu.memory_space<vmem>>, vector<64x128xi32>,
    return
  }
}

module attributes {stable_mosaic.version = 14 : i64} {
  func.func @wrapped(%arg0: memref<2048x128xf32, #tpu.memory_space<vmem>>, %arg1: memref<2048x128xf32, #tpu.memory_space<vmem>>, %arg2: memref<2048x128xf32, #tpu.memory_space<vmem>>, %arg3: memref<2048x128xf32, #tpu.memory_space<vmem>>, %arg4: memref<2048x128xf32, #tpu.memory_space<vmem>>, %arg5: memref<128x384xf32, #tpu.memory_space<vmem>>, %arg6: memref<1x384xf32, #tpu.memory_space<vmem>>, %arg7: memref<128x384xf32, #tpu.memory_space<vmem>>, %arg8: memref<1x384xf32, #tpu.memory_space<vmem>>, %arg9: memref<2048x128xf32, #tpu.memory_space<vmem>>) attributes {dimension_semantics = [], scalar_prefetch = 0 : i64, scratch_operands = 0 : i64, tpu.core_type = #tpu.core_type<tc>} {
    %get3A = arith.constant 0 : index
    %get3A_0 = arith.constant 0 : index
    %get3A_1 = vector.load %arg0[%get3A, %get3A_0] : memref<2048x128xf32, #tpu.memory_space<vmem>>, vector<2048x128xf32>
    %get3A_2 = arith.constant 0 : index
    %get3A_3 = arith.constant 0 : index
    %get3A_4 = vector.load %arg1[%get3A_2, %get3A_3] : memref<2048x128xf32, #tpu.memory_space<vmem>>, vector<2048x128xf32>
    %add3A = arith.addf %get3A_1, %get3A_4 : vector<2048x128xf32>
    %get3A_5 = arith.constant 0 : index
    %get3A_6 = arith.constant 0 : index
    %get3A_7 = vector.load %arg2[%get3A_5, %get3A_6] : memref<2048x128xf32, #tpu.memory_space<vmem>>, vector<2048x1xf32>
    %get3A_8 = arith.constant 0 : index
    %get3A_9 = arith.constant 0 : index
    %get3A_10 = vector.load %arg3[%get3A_8, %get3A_9] : memref<2048x128xf32, #tpu.memory_space<vmem>>, vector<2048x1xf32>
    %add3A_11 = arith.addf %get3A_7, %get3A_10 : vector<2048x1xf32>
    %max3A = arith.constant 1.000000e-30 : f32
    %max3A_12 = vector.broadcast %max3A : f32 to vector<2048x1xf32>
    %max3A_13 = arith.maximumf %add3A_11, %max3A_12 : vector<2048x1xf32>
    %div3A = vector.broadcast %max3A_13 : vector<2048x1xf32> to vector<2048x128xf32>
    %div3A_14 = arith.divf %add3A, %div3A : vector<2048x128xf32>
    %get3A_15 = arith.constant 0 : index
    %get3A_16 = arith.constant 0 : index
    %get3A_17 = vector.load %arg5[%get3A_15, %get3A_16] : memref<128x384xf32, #tpu.memory_space<vmem>>, vector<128x384xf32>
    %dot_general3A = arith.constant dense<0.000000e+00> : vector<2048x384xf32>
    %dot_general3A_18 = tpu.matmul %div3A_14, %get3A_17, %dot_general3A {dimension_numbers = #tpu.dot_dimension_numbers<[1], [0], [0], [1], [0, 0, 1, 1], [], []>, transpose_lhs_hint = false} : vector<2048x128xf32>, vector<128x384xf32>, vector<2048x384xf32> -> vector<2048x384xf32>
    %get3A_19 = arith.constant 0 : index
    %get3A_20 = arith.constant 0 : index
    %get3A_21 = vector.load %arg6[%get3A_19, %get3A_20] : memref<1x384xf32, #tpu.memory_space<vmem>>, vector<1x384xf32>
    %add3A_22 = vector.broadcast %get3A_21 : vector<1x384xf32> to vector<2048x384xf32>
    %add3A_23 = arith.addf %dot_general3A_18, %add3A_22 : vector<2048x384xf32>
    %get3A_24 = arith.constant 0 : index
    %get3A_25 = arith.constant 0 : index
    %get3A_26 = vector.load %arg4[%get3A_24, %get3A_25] : memref<2048x128xf32, #tpu.memory_space<vmem>>, vector<2048x128xf32>
    %get3A_27 = arith.constant 0 : index
    %get3A_28 = arith.constant 0 : index
    %get3A_29 = vector.load %arg7[%get3A_27, %get3A_28] : memref<128x384xf32, #tpu.memory_space<vmem>>, vector<128x384xf32>
    %dot_general3A_30 = arith.constant dense<0.000000e+00> : vector<2048x384xf32>
    %dot_general3A_31 = tpu.matmul %get3A_26, %get3A_29, %dot_general3A_30 {dimension_numbers = #tpu.dot_dimension_numbers<[1], [0], [0], [1], [0, 0, 1, 1], [], []>, transpose_lhs_hint = false} : vector<2048x128xf32>, vector<128x384xf32>, vector<2048x384xf32> -> vector<2048x384xf32>
    %get3A_32 = arith.constant 0 : index
    %get3A_33 = arith.constant 0 : index
    %get3A_34 = vector.load %arg8[%get3A_32, %get3A_33] : memref<1x384xf32, #tpu.memory_space<vmem>>, vector<1x384xf32>
    %add3A_35 = vector.broadcast %get3A_34 : vector<1x384xf32> to vector<2048x384xf32>
    %add3A_36 = arith.addf %dot_general3A_31, %add3A_35 : vector<2048x384xf32>
    %slice3A = vector.extract_strided_slice %add3A_23 {offsets = [0, 0], sizes = [2048, 128], strides = [1, 1]} : vector<2048x384xf32> to vector<2048x128xf32>
    %slice3A_37 = vector.extract_strided_slice %add3A_36 {offsets = [0, 0], sizes = [2048, 128], strides = [1, 1]} : vector<2048x384xf32> to vector<2048x128xf32>
    %add3A_38 = arith.addf %slice3A, %slice3A_37 : vector<2048x128xf32>
    %logistic3A = arith.negf %add3A_38 : vector<2048x128xf32>
    %logistic3A_39 = math.exp %logistic3A : vector<2048x128xf32>
    %logistic3A_40 = arith.constant 1.000000e+00 : f32
    %logistic3A_41 = vector.broadcast %logistic3A_40 : f32 to vector<2048x128xf32>
    %logistic3A_42 = arith.addf %logistic3A_41, %logistic3A_39 : vector<2048x128xf32>
    %logistic3A_43 = arith.divf %logistic3A_41, %logistic3A_42 : vector<2048x128xf32>
    %slice3A_44 = vector.extract_strided_slice %add3A_23 {offsets = [0, 128], sizes = [2048, 128], strides = [1, 1]} : vector<2048x384xf32> to vector<2048x128xf32>
    %slice3A_45 = vector.extract_strided_slice %add3A_36 {offsets = [0, 128], sizes = [2048, 128], strides = [1, 1]} : vector<2048x384xf32> to vector<2048x128xf32>
    %add3A_46 = arith.addf %slice3A_44, %slice3A_45 : vector<2048x128xf32>
    %logistic3A_47 = arith.negf %add3A_46 : vector<2048x128xf32>
    %logistic3A_48 = math.exp %logistic3A_47 : vector<2048x128xf32>
    %logistic3A_49 = arith.constant 1.000000e+00 : f32
    %logistic3A_50 = vector.broadcast %logistic3A_49 : f32 to vector<2048x128xf32>
    %logistic3A_51 = arith.addf %logistic3A_50, %logistic3A_48 : vector<2048x128xf32>
    %logistic3A_52 = arith.divf %logistic3A_50, %logistic3A_51 : vector<2048x128xf32>
    %slice3A_53 = vector.extract_strided_slice %add3A_23 {offsets = [0, 256], sizes = [2048, 128], strides = [1, 1]} : vector<2048x384xf32> to vector<2048x128xf32>
    %slice3A_54 = vector.extract_strided_slice %add3A_36 {offsets = [0, 256], sizes = [2048, 128], strides = [1, 1]} : vector<2048x384xf32> to vector<2048x128xf32>
    %mul3A = arith.mulf %logistic3A_43, %slice3A_54 : vector<2048x128xf32>
    %add3A_55 = arith.addf %slice3A_53, %mul3A : vector<2048x128xf32>
    %tanh3A = math.tanh %add3A_55 : vector<2048x128xf32>
    %sub3A = arith.constant 1.000000e+00 : f32
    %sub3A_56 = vector.broadcast %sub3A : f32 to vector<2048x128xf32>
    %sub3A_57 = arith.subf %sub3A_56, %logistic3A_52 : vector<2048x128xf32>
    %mul3A_58 = arith.mulf %sub3A_57, %tanh3A : vector<2048x128xf32>
    %get3A_59 = arith.constant 0 : index
    %get3A_60 = arith.constant 0 : index
    %get3A_61 = vector.load %arg4[%get3A_59, %get3A_60] : memref<2048x128xf32, #tpu.memory_space<vmem>>, vector<2048x128xf32>
    %mul3A_62 = arith.mulf %logistic3A_52, %get3A_61 : vector<2048x128xf32>
    %add3A_63 = arith.addf %mul3A_58, %mul3A_62 : vector<2048x128xf32>
    %max3A_64 = arith.constant 0.000000e+00 : f32
    %max3A_65 = vector.broadcast %max3A_64 : f32 to vector<2048x128xf32>
    %max3A_66 = arith.maximumf %add3A_63, %max3A_65 : vector<2048x128xf32>
    %swap3A = arith.constant 0 : index
    %swap3A_67 = arith.constant 0 : index
    %swap3A_68 = vector.load %arg9[%swap3A, %swap3A_67] : memref<2048x128xf32, #tpu.memory_space<vmem>>, vector<2048x128xf32>
    tpu.vector_store %arg9[%swap3A, %swap3A_67], %max3A_66 {strides = array<i32>} : memref<2048x128xf32, #tpu.memory_space<vmem>>, vector<2048x128xf32>,
    return
  }
}

module attributes {stable_mosaic.version = 14 : i64} {
  func.func @wrapped(%arg0: memref<8192x128xf32, #tpu.memory_space<vmem>>, %arg1: memref<8192x128xf32, #tpu.memory_space<vmem>>, %arg2: memref<8192x16xf32, #tpu.memory_space<vmem>>, %arg3: memref<16x64xf32, #tpu.memory_space<vmem>>, %arg4: memref<1x64xf32, #tpu.memory_space<vmem>>, %arg5: memref<128x1xf32, #tpu.memory_space<vmem>>, %arg6: memref<64x1xf32, #tpu.memory_space<vmem>>, %arg7: memref<128x1xf32, #tpu.memory_space<vmem>>, %arg8: memref<1x1xf32, #tpu.memory_space<vmem>>, %arg9: memref<128x128xf32, #tpu.memory_space<vmem>>, %arg10: memref<64x128xf32, #tpu.memory_space<vmem>>, %arg11: memref<128x128xf32, #tpu.memory_space<vmem>>, %arg12: memref<1x128xf32, #tpu.memory_space<vmem>>, %arg13: memref<128x64xf32, #tpu.memory_space<vmem>>, %arg14: memref<64x64xf32, #tpu.memory_space<vmem>>, %arg15: memref<128x64xf32, #tpu.memory_space<vmem>>, %arg16: memref<1x64xf32, #tpu.memory_space<vmem>>, %arg17: memref<8192x128xf32, #tpu.memory_space<vmem>>, %arg18: memref<8192x128xf32, #tpu.memory_space<vmem>>, %arg19: memref<8192x64xf32, #tpu.memory_space<vmem>>) attributes {dimension_semantics = [], scalar_prefetch = 0 : i64, scratch_operands = 0 : i64, tpu.core_type = #tpu.core_type<tc>} {
    %get3A = arith.constant 0 : index
    %get3A_0 = arith.constant 0 : index
    %get3A_1 = vector.load %arg0[%get3A, %get3A_0] : memref<8192x128xf32, #tpu.memory_space<vmem>>, vector<8192x128xf32>
    %get3A_2 = arith.constant 0 : index
    %get3A_3 = arith.constant 0 : index
    %get3A_4 = vector.load %arg1[%get3A_2, %get3A_3] : memref<8192x128xf32, #tpu.memory_space<vmem>>, vector<8192x128xf32>
    %get3A_5 = arith.constant 0 : index
    %get3A_6 = arith.constant 0 : index
    %get3A_7 = vector.load %arg2[%get3A_5, %get3A_6] : memref<8192x16xf32, #tpu.memory_space<vmem>>, vector<8192x16xf32>
    %get3A_8 = arith.constant 0 : index
    %get3A_9 = arith.constant 0 : index
    %get3A_10 = vector.load %arg3[%get3A_8, %get3A_9] : memref<16x64xf32, #tpu.memory_space<vmem>>, vector<16x64xf32>
    %dot_general3A = arith.constant dense<0.000000e+00> : vector<8192x64xf32>
    %dot_general3A_11 = tpu.matmul %get3A_7, %get3A_10, %dot_general3A {dimension_numbers = #tpu.dot_dimension_numbers<[1], [0], [0], [1], [0, 0, 1, 1], [], []>, transpose_lhs_hint = false} : vector<8192x16xf32>, vector<16x64xf32>, vector<8192x64xf32> -> vector<8192x64xf32>
    %get3A_12 = arith.constant 0 : index
    %get3A_13 = arith.constant 0 : index
    %get3A_14 = vector.load %arg4[%get3A_12, %get3A_13] : memref<1x64xf32, #tpu.memory_space<vmem>>, vector<1x64xf32>
    %add3A = vector.broadcast %get3A_14 : vector<1x64xf32> to vector<8192x64xf32>
    %add3A_15 = arith.addf %dot_general3A_11, %add3A : vector<8192x64xf32>
    %ge3A = arith.constant 0.000000e+00 : f32
    %ge3A_16 = vector.broadcast %ge3A : f32 to vector<8192x64xf32>
    %ge3A_17 = arith.cmpf oge, %add3A_15, %ge3A_16 : vector<8192x64xf32>
    %mul3A = arith.constant 0.00999999977 : f32
    %mul3A_18 = vector.broadcast %mul3A : f32 to vector<8192x64xf32>
    %mul3A_19 = arith.mulf %mul3A_18, %add3A_15 : vector<8192x64xf32>
    %select_n3A = arith.select %ge3A_17, %add3A_15, %mul3A_19 : vector<8192x64xi1>, vector<8192x64xf32>
    %get3A_20 = arith.constant 0 : index
    %get3A_21 = arith.constant 0 : index
    %get3A_22 = vector.load %arg5[%get3A_20, %get3A_21] : memref<128x1xf32, #tpu.memory_space<vmem>>, vector<128x1xf32>
    %dot_general3A_23 = arith.constant dense<0.000000e+00> : vector<8192x1xf32>
    %dot_general3A_24 = tpu.matmul %get3A_1, %get3A_22, %dot_general3A_23 {dimension_numbers = #tpu.dot_dimension_numbers<[1], [0], [0], [1], [0, 0, 1, 1], [], []>, transpose_lhs_hint = false} : vector<8192x128xf32>, vector<128x1xf32>, vector<8192x1xf32> -> vector<8192x1xf32>
    %get3A_25 = arith.constant 0 : index
    %get3A_26 = arith.constant 0 : index
    %get3A_27 = vector.load %arg6[%get3A_25, %get3A_26] : memref<64x1xf32, #tpu.memory_space<vmem>>, vector<64x1xf32>
    %dot_general3A_28 = arith.constant dense<0.000000e+00> : vector<8192x1xf32>
    %dot_general3A_29 = tpu.matmul %select_n3A, %get3A_27, %dot_general3A_28 {dimension_numbers = #tpu.dot_dimension_numbers<[1], [0], [0], [1], [0, 0, 1, 1], [], []>, transpose_lhs_hint = false} : vector<8192x64xf32>, vector<64x1xf32>, vector<8192x1xf32> -> vector<8192x1xf32>
    %add3A_30 = arith.addf %dot_general3A_24, %dot_general3A_29 : vector<8192x1xf32>
    %get3A_31 = arith.constant 0 : index
    %get3A_32 = arith.constant 0 : index
    %get3A_33 = vector.load %arg7[%get3A_31, %get3A_32] : memref<128x1xf32, #tpu.memory_space<vmem>>, vector<128x1xf32>
    %dot_general3A_34 = arith.constant dense<0.000000e+00> : vector<8192x1xf32>
    %dot_general3A_35 = tpu.matmul %get3A_4, %get3A_33, %dot_general3A_34 {dimension_numbers = #tpu.dot_dimension_numbers<[1], [0], [0], [1], [0, 0, 1, 1], [], []>, transpose_lhs_hint = false} : vector<8192x128xf32>, vector<128x1xf32>, vector<8192x1xf32> -> vector<8192x1xf32>
    %add3A_36 = arith.addf %add3A_30, %dot_general3A_35 : vector<8192x1xf32>
    %get3A_37 = arith.constant 0 : index
    %get3A_38 = arith.constant 0 : index
    %get3A_39 = vector.load %arg8[%get3A_37, %get3A_38] : memref<1x1xf32, #tpu.memory_space<vmem>>, vector<1x1xf32>
    %add3A_40 = vector.broadcast %get3A_39 : vector<1x1xf32> to vector<8192x1xf32>
    %add3A_41 = arith.addf %add3A_36, %add3A_40 : vector<8192x1xf32>
    %ge3A_42 = arith.constant 0.000000e+00 : f32
    %ge3A_43 = vector.broadcast %ge3A_42 : f32 to vector<8192x1xf32>
    %ge3A_44 = arith.cmpf oge, %add3A_41, %ge3A_43 : vector<8192x1xf32>
    %mul3A_45 = arith.constant 0.00999999977 : f32
    %mul3A_46 = vector.broadcast %mul3A_45 : f32 to vector<8192x1xf32>
    %mul3A_47 = arith.mulf %mul3A_46, %add3A_41 : vector<8192x1xf32>
    %select_n3A_48 = arith.select %ge3A_44, %add3A_41, %mul3A_47 : vector<8192x1xi1>, vector<8192x1xf32>
    %get3A_49 = arith.constant 0 : index
    %get3A_50 = arith.constant 0 : index
    %get3A_51 = vector.load %arg9[%get3A_49, %get3A_50] : memref<128x128xf32, #tpu.memory_space<vmem>>, vector<128x128xf32>
    %dot_general3A_52 = arith.constant dense<0.000000e+00> : vector<8192x128xf32>
    %dot_general3A_53 = tpu.matmul %get3A_1, %get3A_51, %dot_general3A_52 {dimension_numbers = #tpu.dot_dimension_numbers<[1], [0], [0], [1], [0, 0, 1, 1], [], []>, transpose_lhs_hint = false} : vector<8192x128xf32>, vector<128x128xf32>, vector<8192x128xf32> -> vector<8192x128xf32>
    %get3A_54 = arith.constant 0 : index
    %get3A_55 = arith.constant 0 : index
    %get3A_56 = vector.load %arg10[%get3A_54, %get3A_55] : memref<64x128xf32, #tpu.memory_space<vmem>>, vector<64x128xf32>
    %dot_general3A_57 = arith.constant dense<0.000000e+00> : vector<8192x128xf32>
    %dot_general3A_58 = tpu.matmul %select_n3A, %get3A_56, %dot_general3A_57 {dimension_numbers = #tpu.dot_dimension_numbers<[1], [0], [0], [1], [0, 0, 1, 1], [], []>, transpose_lhs_hint = false} : vector<8192x64xf32>, vector<64x128xf32>, vector<8192x128xf32> -> vector<8192x128xf32>
    %add3A_59 = arith.addf %dot_general3A_53, %dot_general3A_58 : vector<8192x128xf32>
    %get3A_60 = arith.constant 0 : index
    %get3A_61 = arith.constant 0 : index
    %get3A_62 = vector.load %arg11[%get3A_60, %get3A_61] : memref<128x128xf32, #tpu.memory_space<vmem>>, vector<128x128xf32>
    %dot_general3A_63 = arith.constant dense<0.000000e+00> : vector<8192x128xf32>
    %dot_general3A_64 = tpu.matmul %get3A_4, %get3A_62, %dot_general3A_63 {dimension_numbers = #tpu.dot_dimension_numbers<[1], [0], [0], [1], [0, 0, 1, 1], [], []>, transpose_lhs_hint = false} : vector<8192x128xf32>, vector<128x128xf32>, vector<8192x128xf32> -> vector<8192x128xf32>
    %add3A_65 = arith.addf %add3A_59, %dot_general3A_64 : vector<8192x128xf32>
    %get3A_66 = arith.constant 0 : index
    %get3A_67 = arith.constant 0 : index
    %get3A_68 = vector.load %arg12[%get3A_66, %get3A_67] : memref<1x128xf32, #tpu.memory_space<vmem>>, vector<1x128xf32>
    %add3A_69 = vector.broadcast %get3A_68 : vector<1x128xf32> to vector<8192x128xf32>
    %add3A_70 = arith.addf %add3A_65, %add3A_69 : vector<8192x128xf32>
    %max3A = arith.constant 0.000000e+00 : f32
    %max3A_71 = vector.broadcast %max3A : f32 to vector<8192x128xf32>
    %max3A_72 = arith.maximumf %add3A_70, %max3A_71 : vector<8192x128xf32>
    %get3A_73 = arith.constant 0 : index
    %get3A_74 = arith.constant 0 : index
    %get3A_75 = vector.load %arg13[%get3A_73, %get3A_74] : memref<128x64xf32, #tpu.memory_space<vmem>>, vector<128x64xf32>
    %dot_general3A_76 = arith.constant dense<0.000000e+00> : vector<8192x64xf32>
    %dot_general3A_77 = tpu.matmul %get3A_1, %get3A_75, %dot_general3A_76 {dimension_numbers = #tpu.dot_dimension_numbers<[1], [0], [0], [1], [0, 0, 1, 1], [], []>, transpose_lhs_hint = false} : vector<8192x128xf32>, vector<128x64xf32>, vector<8192x64xf32> -> vector<8192x64xf32>
    %get3A_78 = arith.constant 0 : index
    %get3A_79 = arith.constant 0 : index
    %get3A_80 = vector.load %arg14[%get3A_78, %get3A_79] : memref<64x64xf32, #tpu.memory_space<vmem>>, vector<64x64xf32>
    %dot_general3A_81 = arith.constant dense<0.000000e+00> : vector<8192x64xf32>
    %dot_general3A_82 = tpu.matmul %select_n3A, %get3A_80, %dot_general3A_81 {dimension_numbers = #tpu.dot_dimension_numbers<[1], [0], [0], [1], [0, 0, 1, 1], [], []>, transpose_lhs_hint = false} : vector<8192x64xf32>, vector<64x64xf32>, vector<8192x64xf32> -> vector<8192x64xf32>
    %add3A_83 = arith.addf %dot_general3A_77, %dot_general3A_82 : vector<8192x64xf32>
    %get3A_84 = arith.constant 0 : index
    %get3A_85 = arith.constant 0 : index
    %get3A_86 = vector.load %arg15[%get3A_84, %get3A_85] : memref<128x64xf32, #tpu.memory_space<vmem>>, vector<128x64xf32>
    %dot_general3A_87 = arith.constant dense<0.000000e+00> : vector<8192x64xf32>
    %dot_general3A_88 = tpu.matmul %get3A_4, %get3A_86, %dot_general3A_87 {dimension_numbers = #tpu.dot_dimension_numbers<[1], [0], [0], [1], [0, 0, 1, 1], [], []>, transpose_lhs_hint = false} : vector<8192x128xf32>, vector<128x64xf32>, vector<8192x64xf32> -> vector<8192x64xf32>
    %add3A_89 = arith.addf %add3A_83, %dot_general3A_88 : vector<8192x64xf32>
    %get3A_90 = arith.constant 0 : index
    %get3A_91 = arith.constant 0 : index
    %get3A_92 = vector.load %arg16[%get3A_90, %get3A_91] : memref<1x64xf32, #tpu.memory_space<vmem>>, vector<1x64xf32>
    %add3A_93 = vector.broadcast %get3A_92 : vector<1x64xf32> to vector<8192x64xf32>
    %add3A_94 = arith.addf %add3A_89, %add3A_93 : vector<8192x64xf32>
    %ge3A_95 = arith.constant 0.000000e+00 : f32
    %ge3A_96 = vector.broadcast %ge3A_95 : f32 to vector<8192x64xf32>
    %ge3A_97 = arith.cmpf oge, %add3A_94, %ge3A_96 : vector<8192x64xf32>
    %mul3A_98 = arith.constant 0.00999999977 : f32
    %mul3A_99 = vector.broadcast %mul3A_98 : f32 to vector<8192x64xf32>
    %mul3A_100 = arith.mulf %mul3A_99, %add3A_94 : vector<8192x64xf32>
    %select_n3A_101 = arith.select %ge3A_97, %add3A_94, %mul3A_100 : vector<8192x64xi1>, vector<8192x64xf32>
    %swap3A = arith.constant 0 : index
    %swap3A_102 = arith.constant 0 : index
    %swap3A_103 = vector.load %arg19[%swap3A, %swap3A_102] : memref<8192x64xf32, #tpu.memory_space<vmem>>, vector<8192x64xf32>
    tpu.vector_store %arg19[%swap3A, %swap3A_102], %select_n3A_101 {strides = array<i32>} : memref<8192x64xf32, #tpu.memory_space<vmem>>, vector<8192x64xf32>,
    %reduce_max3A = vector.shape_cast %select_n3A_48 : vector<8192x1xf32> to vector<1x8192x1xf32>
    %reduce_max3A_104 = arith.constant dense<0xFF800000> : vector<1xf32>
    %reduce_max3A_105 = vector.multi_reduction <maximumf>, %reduce_max3A, %reduce_max3A_104 [1, 2] : vector<1x8192x1xf32> to vector<1xf32>
    %reduce_max3A_106 = vector.shape_cast %reduce_max3A_105 : vector<1xf32> to vector<1x1x1xf32>
    %reduce_max3A_107 = vector.extract %reduce_max3A_106[0, 0, 0] : f32 from vector<1x1x1xf32>
    %sub3A = vector.broadcast %reduce_max3A_107 : f32 to vector<8192x1xf32>
    %sub3A_108 = arith.subf %select_n3A_48, %sub3A : vector<8192x1xf32>
    %exp3A = math.exp %sub3A_108 : vector<8192x1xf32>
    %iota3A = tpu.iota {dimensions = array<i32: 1>} : vector<8192x128xi32>
    %mul3A_109 = vector.broadcast %exp3A : vector<8192x1xf32> to vector<8192x128xf32>
    %mul3A_110 = arith.mulf %max3A_72, %mul3A_109 : vector<8192x128xf32>
    %swap3A_111 = arith.constant 0 : index
    %swap3A_112 = arith.constant 0 : index
    %swap3A_113 = vector.load %arg17[%swap3A_111, %swap3A_112] : memref<8192x128xf32, #tpu.memory_space<vmem>>, vector<8192x128xf32>
    tpu.vector_store %arg17[%swap3A_111, %swap3A_112], %mul3A_110 {strides = array<i32>} : memref<8192x128xf32, #tpu.memory_space<vmem>>, vector<8192x128xf32>,
    %eq3A = arith.constant 0 : i32
    %eq3A_114 = vector.broadcast %eq3A : i32 to vector<8192x128xi32>
    %eq3A_115 = arith.cmpi eq, %iota3A, %eq3A_114 : vector<8192x128xi32>
    %jit3A = arith.constant 0.000000e+00 : f32
    %broadcast_in_dim3A = vector.shape_cast %exp3A : vector<8192x1xf32> to vector<8192x1xf32>
    %broadcast_in_dim3A_116 = vector.broadcast %broadcast_in_dim3A : vector<8192x1xf32> to vector<8192x128xf32>
    %broadcast_in_dim3A_117 = vector.broadcast %jit3A : f32 to vector<8192x128xf32>
    %select_n3A_118 = arith.select %eq3A_115, %broadcast_in_dim3A_116, %broadcast_in_dim3A_117 : vector<8192x128xi1>, vector<8192x128xf32>
    %swap3A_119 = arith.constant 0 : index
    %swap3A_120 = arith.constant 0 : index
    %swap3A_121 = vector.load %arg18[%swap3A_119, %swap3A_120] : memref<8192x128xf32, #tpu.memory_space<vmem>>, vector<8192x128xf32>
    tpu.vector_store %arg18[%swap3A_119, %swap3A_120], %select_n3A_118 {strides = array<i32>} : memref<8192x128xf32, #tpu.memory_space<vmem>>, vector<8192x128xf32>,
    return
  }
}

module attributes {stable_mosaic.version = 14 : i64} {
  func.func @wrapped(%arg0: memref<8192x128xf32, #tpu.memory_space<vmem>>, %arg1: memref<8192x128xf32, #tpu.memory_space<vmem>>, %arg2: memref<8192x64xf32, #tpu.memory_space<vmem>>, %arg3: memref<64x64xf32, #tpu.memory_space<vmem>>, %arg4: memref<1x64xf32, #tpu.memory_space<vmem>>, %arg5: memref<128x1xf32, #tpu.memory_space<vmem>>, %arg6: memref<64x1xf32, #tpu.memory_space<vmem>>, %arg7: memref<128x1xf32, #tpu.memory_space<vmem>>, %arg8: memref<1x1xf32, #tpu.memory_space<vmem>>, %arg9: memref<128x128xf32, #tpu.memory_space<vmem>>, %arg10: memref<64x128xf32, #tpu.memory_space<vmem>>, %arg11: memref<128x128xf32, #tpu.memory_space<vmem>>, %arg12: memref<1x128xf32, #tpu.memory_space<vmem>>, %arg13: memref<128x64xf32, #tpu.memory_space<vmem>>, %arg14: memref<64x64xf32, #tpu.memory_space<vmem>>, %arg15: memref<128x64xf32, #tpu.memory_space<vmem>>, %arg16: memref<1x64xf32, #tpu.memory_space<vmem>>, %arg17: memref<8192x128xf32, #tpu.memory_space<vmem>>, %arg18: memref<8192x128xf32, #tpu.memory_space<vmem>>, %arg19: memref<8192x64xf32, #tpu.memory_space<vmem>>) attributes {dimension_semantics = [], scalar_prefetch = 0 : i64, scratch_operands = 0 : i64, tpu.core_type = #tpu.core_type<tc>} {
    %get3A = arith.constant 0 : index
    %get3A_0 = arith.constant 0 : index
    %get3A_1 = vector.load %arg0[%get3A, %get3A_0] : memref<8192x128xf32, #tpu.memory_space<vmem>>, vector<8192x128xf32>
    %get3A_2 = arith.constant 0 : index
    %get3A_3 = arith.constant 0 : index
    %get3A_4 = vector.load %arg1[%get3A_2, %get3A_3] : memref<8192x128xf32, #tpu.memory_space<vmem>>, vector<8192x128xf32>
    %get3A_5 = arith.constant 0 : index
    %get3A_6 = arith.constant 0 : index
    %get3A_7 = vector.load %arg2[%get3A_5, %get3A_6] : memref<8192x64xf32, #tpu.memory_space<vmem>>, vector<8192x64xf32>
    %get3A_8 = arith.constant 0 : index
    %get3A_9 = arith.constant 0 : index
    %get3A_10 = vector.load %arg5[%get3A_8, %get3A_9] : memref<128x1xf32, #tpu.memory_space<vmem>>, vector<128x1xf32>
    %dot_general3A = arith.constant dense<0.000000e+00> : vector<8192x1xf32>
    %dot_general3A_11 = tpu.matmul %get3A_1, %get3A_10, %dot_general3A {dimension_numbers = #tpu.dot_dimension_numbers<[1], [0], [0], [1], [0, 0, 1, 1], [], []>, transpose_lhs_hint = false} : vector<8192x128xf32>, vector<128x1xf32>, vector<8192x1xf32> -> vector<8192x1xf32>
    %get3A_12 = arith.constant 0 : index
    %get3A_13 = arith.constant 0 : index
    %get3A_14 = vector.load %arg6[%get3A_12, %get3A_13] : memref<64x1xf32, #tpu.memory_space<vmem>>, vector<64x1xf32>
    %dot_general3A_15 = arith.constant dense<0.000000e+00> : vector<8192x1xf32>
    %dot_general3A_16 = tpu.matmul %get3A_7, %get3A_14, %dot_general3A_15 {dimension_numbers = #tpu.dot_dimension_numbers<[1], [0], [0], [1], [0, 0, 1, 1], [], []>, transpose_lhs_hint = false} : vector<8192x64xf32>, vector<64x1xf32>, vector<8192x1xf32> -> vector<8192x1xf32>
    %add3A = arith.addf %dot_general3A_11, %dot_general3A_16 : vector<8192x1xf32>
    %get3A_17 = arith.constant 0 : index
    %get3A_18 = arith.constant 0 : index
    %get3A_19 = vector.load %arg7[%get3A_17, %get3A_18] : memref<128x1xf32, #tpu.memory_space<vmem>>, vector<128x1xf32>
    %dot_general3A_20 = arith.constant dense<0.000000e+00> : vector<8192x1xf32>
    %dot_general3A_21 = tpu.matmul %get3A_4, %get3A_19, %dot_general3A_20 {dimension_numbers = #tpu.dot_dimension_numbers<[1], [0], [0], [1], [0, 0, 1, 1], [], []>, transpose_lhs_hint = false} : vector<8192x128xf32>, vector<128x1xf32>, vector<8192x1xf32> -> vector<8192x1xf32>
    %add3A_22 = arith.addf %add3A, %dot_general3A_21 : vector<8192x1xf32>
    %get3A_23 = arith.constant 0 : index
    %get3A_24 = arith.constant 0 : index
    %get3A_25 = vector.load %arg8[%get3A_23, %get3A_24] : memref<1x1xf32, #tpu.memory_space<vmem>>, vector<1x1xf32>
    %add3A_26 = vector.broadcast %get3A_25 : vector<1x1xf32> to vector<8192x1xf32>
    %add3A_27 = arith.addf %add3A_22, %add3A_26 : vector<8192x1xf32>
    %ge3A = arith.constant 0.000000e+00 : f32
    %ge3A_28 = vector.broadcast %ge3A : f32 to vector<8192x1xf32>
    %ge3A_29 = arith.cmpf oge, %add3A_27, %ge3A_28 : vector<8192x1xf32>
    %mul3A = arith.constant 0.00999999977 : f32
    %mul3A_30 = vector.broadcast %mul3A : f32 to vector<8192x1xf32>
    %mul3A_31 = arith.mulf %mul3A_30, %add3A_27 : vector<8192x1xf32>
    %select_n3A = arith.select %ge3A_29, %add3A_27, %mul3A_31 : vector<8192x1xi1>, vector<8192x1xf32>
    %get3A_32 = arith.constant 0 : index
    %get3A_33 = arith.constant 0 : index
    %get3A_34 = vector.load %arg9[%get3A_32, %get3A_33] : memref<128x128xf32, #tpu.memory_space<vmem>>, vector<128x128xf32>
    %dot_general3A_35 = arith.constant dense<0.000000e+00> : vector<8192x128xf32>
    %dot_general3A_36 = tpu.matmul %get3A_1, %get3A_34, %dot_general3A_35 {dimension_numbers = #tpu.dot_dimension_numbers<[1], [0], [0], [1], [0, 0, 1, 1], [], []>, transpose_lhs_hint = false} : vector<8192x128xf32>, vector<128x128xf32>, vector<8192x128xf32> -> vector<8192x128xf32>
    %get3A_37 = arith.constant 0 : index
    %get3A_38 = arith.constant 0 : index
    %get3A_39 = vector.load %arg10[%get3A_37, %get3A_38] : memref<64x128xf32, #tpu.memory_space<vmem>>, vector<64x128xf32>
    %dot_general3A_40 = arith.constant dense<0.000000e+00> : vector<8192x128xf32>
    %dot_general3A_41 = tpu.matmul %get3A_7, %get3A_39, %dot_general3A_40 {dimension_numbers = #tpu.dot_dimension_numbers<[1], [0], [0], [1], [0, 0, 1, 1], [], []>, transpose_lhs_hint = false} : vector<8192x64xf32>, vector<64x128xf32>, vector<8192x128xf32> -> vector<8192x128xf32>
    %add3A_42 = arith.addf %dot_general3A_36, %dot_general3A_41 : vector<8192x128xf32>
    %get3A_43 = arith.constant 0 : index
    %get3A_44 = arith.constant 0 : index
    %get3A_45 = vector.load %arg11[%get3A_43, %get3A_44] : memref<128x128xf32, #tpu.memory_space<vmem>>, vector<128x128xf32>
    %dot_general3A_46 = arith.constant dense<0.000000e+00> : vector<8192x128xf32>
    %dot_general3A_47 = tpu.matmul %get3A_4, %get3A_45, %dot_general3A_46 {dimension_numbers = #tpu.dot_dimension_numbers<[1], [0], [0], [1], [0, 0, 1, 1], [], []>, transpose_lhs_hint = false} : vector<8192x128xf32>, vector<128x128xf32>, vector<8192x128xf32> -> vector<8192x128xf32>
    %add3A_48 = arith.addf %add3A_42, %dot_general3A_47 : vector<8192x128xf32>
    %get3A_49 = arith.constant 0 : index
    %get3A_50 = arith.constant 0 : index
    %get3A_51 = vector.load %arg12[%get3A_49, %get3A_50] : memref<1x128xf32, #tpu.memory_space<vmem>>, vector<1x128xf32>
    %add3A_52 = vector.broadcast %get3A_51 : vector<1x128xf32> to vector<8192x128xf32>
    %add3A_53 = arith.addf %add3A_48, %add3A_52 : vector<8192x128xf32>
    %max3A = arith.constant 0.000000e+00 : f32
    %max3A_54 = vector.broadcast %max3A : f32 to vector<8192x128xf32>
    %max3A_55 = arith.maximumf %add3A_53, %max3A_54 : vector<8192x128xf32>
    %get3A_56 = arith.constant 0 : index
    %get3A_57 = arith.constant 0 : index
    %get3A_58 = vector.load %arg13[%get3A_56, %get3A_57] : memref<128x64xf32, #tpu.memory_space<vmem>>, vector<128x64xf32>
    %dot_general3A_59 = arith.constant dense<0.000000e+00> : vector<8192x64xf32>
    %dot_general3A_60 = tpu.matmul %get3A_1, %get3A_58, %dot_general3A_59 {dimension_numbers = #tpu.dot_dimension_numbers<[1], [0], [0], [1], [0, 0, 1, 1], [], []>, transpose_lhs_hint = false} : vector<8192x128xf32>, vector<128x64xf32>, vector<8192x64xf32> -> vector<8192x64xf32>
    %get3A_61 = arith.constant 0 : index
    %get3A_62 = arith.constant 0 : index
    %get3A_63 = vector.load %arg14[%get3A_61, %get3A_62] : memref<64x64xf32, #tpu.memory_space<vmem>>, vector<64x64xf32>
    %dot_general3A_64 = arith.constant dense<0.000000e+00> : vector<8192x64xf32>
    %dot_general3A_65 = tpu.matmul %get3A_7, %get3A_63, %dot_general3A_64 {dimension_numbers = #tpu.dot_dimension_numbers<[1], [0], [0], [1], [0, 0, 1, 1], [], []>, transpose_lhs_hint = false} : vector<8192x64xf32>, vector<64x64xf32>, vector<8192x64xf32> -> vector<8192x64xf32>
    %add3A_66 = arith.addf %dot_general3A_60, %dot_general3A_65 : vector<8192x64xf32>
    %get3A_67 = arith.constant 0 : index
    %get3A_68 = arith.constant 0 : index
    %get3A_69 = vector.load %arg15[%get3A_67, %get3A_68] : memref<128x64xf32, #tpu.memory_space<vmem>>, vector<128x64xf32>
    %dot_general3A_70 = arith.constant dense<0.000000e+00> : vector<8192x64xf32>
    %dot_general3A_71 = tpu.matmul %get3A_4, %get3A_69, %dot_general3A_70 {dimension_numbers = #tpu.dot_dimension_numbers<[1], [0], [0], [1], [0, 0, 1, 1], [], []>, transpose_lhs_hint = false} : vector<8192x128xf32>, vector<128x64xf32>, vector<8192x64xf32> -> vector<8192x64xf32>
    %add3A_72 = arith.addf %add3A_66, %dot_general3A_71 : vector<8192x64xf32>
    %get3A_73 = arith.constant 0 : index
    %get3A_74 = arith.constant 0 : index
    %get3A_75 = vector.load %arg16[%get3A_73, %get3A_74] : memref<1x64xf32, #tpu.memory_space<vmem>>, vector<1x64xf32>
    %add3A_76 = vector.broadcast %get3A_75 : vector<1x64xf32> to vector<8192x64xf32>
    %add3A_77 = arith.addf %add3A_72, %add3A_76 : vector<8192x64xf32>
    %ge3A_78 = arith.constant 0.000000e+00 : f32
    %ge3A_79 = vector.broadcast %ge3A_78 : f32 to vector<8192x64xf32>
    %ge3A_80 = arith.cmpf oge, %add3A_77, %ge3A_79 : vector<8192x64xf32>
    %mul3A_81 = arith.constant 0.00999999977 : f32
    %mul3A_82 = vector.broadcast %mul3A_81 : f32 to vector<8192x64xf32>
    %mul3A_83 = arith.mulf %mul3A_82, %add3A_77 : vector<8192x64xf32>
    %select_n3A_84 = arith.select %ge3A_80, %add3A_77, %mul3A_83 : vector<8192x64xi1>, vector<8192x64xf32>
    %swap3A = arith.constant 0 : index
    %swap3A_85 = arith.constant 0 : index
    %swap3A_86 = vector.load %arg19[%swap3A, %swap3A_85] : memref<8192x64xf32, #tpu.memory_space<vmem>>, vector<8192x64xf32>
    tpu.vector_store %arg19[%swap3A, %swap3A_85], %select_n3A_84 {strides = array<i32>} : memref<8192x64xf32, #tpu.memory_space<vmem>>, vector<8192x64xf32>,
    %reduce_max3A = vector.shape_cast %select_n3A : vector<8192x1xf32> to vector<1x8192x1xf32>
    %reduce_max3A_87 = arith.constant dense<0xFF800000> : vector<1xf32>
    %reduce_max3A_88 = vector.multi_reduction <maximumf>, %reduce_max3A, %reduce_max3A_87 [1, 2] : vector<1x8192x1xf32> to vector<1xf32>
    %reduce_max3A_89 = vector.shape_cast %reduce_max3A_88 : vector<1xf32> to vector<1x1x1xf32>
    %reduce_max3A_90 = vector.extract %reduce_max3A_89[0, 0, 0] : f32 from vector<1x1x1xf32>
    %sub3A = vector.broadcast %reduce_max3A_90 : f32 to vector<8192x1xf32>
    %sub3A_91 = arith.subf %select_n3A, %sub3A : vector<8192x1xf32>
    %exp3A = math.exp %sub3A_91 : vector<8192x1xf32>
    %iota3A = tpu.iota {dimensions = array<i32: 1>} : vector<8192x128xi32>
    %mul3A_92 = vector.broadcast %exp3A : vector<8192x1xf32> to vector<8192x128xf32>
    %mul3A_93 = arith.mulf %max3A_55, %mul3A_92 : vector<8192x128xf32>
    %swap3A_94 = arith.constant 0 : index
    %swap3A_95 = arith.constant 0 : index
    %swap3A_96 = vector.load %arg17[%swap3A_94, %swap3A_95] : memref<8192x128xf32, #tpu.memory_space<vmem>>, vector<8192x128xf32>
    tpu.vector_store %arg17[%swap3A_94, %swap3A_95], %mul3A_93 {strides = array<i32>} : memref<8192x128xf32, #tpu.memory_space<vmem>>, vector<8192x128xf32>,
    %eq3A = arith.constant 0 : i32
    %eq3A_97 = vector.broadcast %eq3A : i32 to vector<8192x128xi32>
    %eq3A_98 = arith.cmpi eq, %iota3A, %eq3A_97 : vector<8192x128xi32>
    %jit3A = arith.constant 0.000000e+00 : f32
    %broadcast_in_dim3A = vector.shape_cast %exp3A : vector<8192x1xf32> to vector<8192x1xf32>
    %broadcast_in_dim3A_99 = vector.broadcast %broadcast_in_dim3A : vector<8192x1xf32> to vector<8192x128xf32>
    %broadcast_in_dim3A_100 = vector.broadcast %jit3A : f32 to vector<8192x128xf32>
    %select_n3A_101 = arith.select %eq3A_98, %broadcast_in_dim3A_99, %broadcast_in_dim3A_100 : vector<8192x128xi1>, vector<8192x128xf32>
    %swap3A_102 = arith.constant 0 : index
    %swap3A_103 = arith.constant 0 : index
    %swap3A_104 = vector.load %arg18[%swap3A_102, %swap3A_103] : memref<8192x128xf32, #tpu.memory_space<vmem>>, vector<8192x128xf32>
    tpu.vector_store %arg18[%swap3A_102, %swap3A_103], %select_n3A_101 {strides = array<i32>} : memref<8192x128xf32, #tpu.memory_space<vmem>>, vector<8192x128xf32>,
    return
  }
}

module attributes {stable_mosaic.version = 14 : i64} {
  func.func @wrapped(%arg0: memref<8192x128xf32, #tpu.memory_space<vmem>>, %arg1: memref<8192x128xf32, #tpu.memory_space<vmem>>, %arg2: memref<8192x64xf32, #tpu.memory_space<vmem>>, %arg3: memref<64x64xf32, #tpu.memory_space<vmem>>, %arg4: memref<1x64xf32, #tpu.memory_space<vmem>>, %arg5: memref<128x1xf32, #tpu.memory_space<vmem>>, %arg6: memref<64x1xf32, #tpu.memory_space<vmem>>, %arg7: memref<128x1xf32, #tpu.memory_space<vmem>>, %arg8: memref<1x1xf32, #tpu.memory_space<vmem>>, %arg9: memref<128x128xf32, #tpu.memory_space<vmem>>, %arg10: memref<64x128xf32, #tpu.memory_space<vmem>>, %arg11: memref<128x128xf32, #tpu.memory_space<vmem>>, %arg12: memref<1x128xf32, #tpu.memory_space<vmem>>, %arg13: memref<128x64xf32, #tpu.memory_space<vmem>>, %arg14: memref<64x64xf32, #tpu.memory_space<vmem>>, %arg15: memref<128x64xf32, #tpu.memory_space<vmem>>, %arg16: memref<1x64xf32, #tpu.memory_space<vmem>>, %arg17: memref<8192x128xf32, #tpu.memory_space<vmem>>, %arg18: memref<8192x128xf32, #tpu.memory_space<vmem>>) attributes {dimension_semantics = [], scalar_prefetch = 0 : i64, scratch_operands = 0 : i64, tpu.core_type = #tpu.core_type<tc>} {
    %get3A = arith.constant 0 : index
    %get3A_0 = arith.constant 0 : index
    %get3A_1 = vector.load %arg0[%get3A, %get3A_0] : memref<8192x128xf32, #tpu.memory_space<vmem>>, vector<8192x128xf32>
    %get3A_2 = arith.constant 0 : index
    %get3A_3 = arith.constant 0 : index
    %get3A_4 = vector.load %arg1[%get3A_2, %get3A_3] : memref<8192x128xf32, #tpu.memory_space<vmem>>, vector<8192x128xf32>
    %get3A_5 = arith.constant 0 : index
    %get3A_6 = arith.constant 0 : index
    %get3A_7 = vector.load %arg2[%get3A_5, %get3A_6] : memref<8192x64xf32, #tpu.memory_space<vmem>>, vector<8192x64xf32>
    %get3A_8 = arith.constant 0 : index
    %get3A_9 = arith.constant 0 : index
    %get3A_10 = vector.load %arg5[%get3A_8, %get3A_9] : memref<128x1xf32, #tpu.memory_space<vmem>>, vector<128x1xf32>
    %dot_general3A = arith.constant dense<0.000000e+00> : vector<8192x1xf32>
    %dot_general3A_11 = tpu.matmul %get3A_1, %get3A_10, %dot_general3A {dimension_numbers = #tpu.dot_dimension_numbers<[1], [0], [0], [1], [0, 0, 1, 1], [], []>, transpose_lhs_hint = false} : vector<8192x128xf32>, vector<128x1xf32>, vector<8192x1xf32> -> vector<8192x1xf32>
    %get3A_12 = arith.constant 0 : index
    %get3A_13 = arith.constant 0 : index
    %get3A_14 = vector.load %arg6[%get3A_12, %get3A_13] : memref<64x1xf32, #tpu.memory_space<vmem>>, vector<64x1xf32>
    %dot_general3A_15 = arith.constant dense<0.000000e+00> : vector<8192x1xf32>
    %dot_general3A_16 = tpu.matmul %get3A_7, %get3A_14, %dot_general3A_15 {dimension_numbers = #tpu.dot_dimension_numbers<[1], [0], [0], [1], [0, 0, 1, 1], [], []>, transpose_lhs_hint = false} : vector<8192x64xf32>, vector<64x1xf32>, vector<8192x1xf32> -> vector<8192x1xf32>
    %add3A = arith.addf %dot_general3A_11, %dot_general3A_16 : vector<8192x1xf32>
    %get3A_17 = arith.constant 0 : index
    %get3A_18 = arith.constant 0 : index
    %get3A_19 = vector.load %arg7[%get3A_17, %get3A_18] : memref<128x1xf32, #tpu.memory_space<vmem>>, vector<128x1xf32>
    %dot_general3A_20 = arith.constant dense<0.000000e+00> : vector<8192x1xf32>
    %dot_general3A_21 = tpu.matmul %get3A_4, %get3A_19, %dot_general3A_20 {dimension_numbers = #tpu.dot_dimension_numbers<[1], [0], [0], [1], [0, 0, 1, 1], [], []>, transpose_lhs_hint = false} : vector<8192x128xf32>, vector<128x1xf32>, vector<8192x1xf32> -> vector<8192x1xf32>
    %add3A_22 = arith.addf %add3A, %dot_general3A_21 : vector<8192x1xf32>
    %get3A_23 = arith.constant 0 : index
    %get3A_24 = arith.constant 0 : index
    %get3A_25 = vector.load %arg8[%get3A_23, %get3A_24] : memref<1x1xf32, #tpu.memory_space<vmem>>, vector<1x1xf32>
    %add3A_26 = vector.broadcast %get3A_25 : vector<1x1xf32> to vector<8192x1xf32>
    %add3A_27 = arith.addf %add3A_22, %add3A_26 : vector<8192x1xf32>
    %ge3A = arith.constant 0.000000e+00 : f32
    %ge3A_28 = vector.broadcast %ge3A : f32 to vector<8192x1xf32>
    %ge3A_29 = arith.cmpf oge, %add3A_27, %ge3A_28 : vector<8192x1xf32>
    %mul3A = arith.constant 0.00999999977 : f32
    %mul3A_30 = vector.broadcast %mul3A : f32 to vector<8192x1xf32>
    %mul3A_31 = arith.mulf %mul3A_30, %add3A_27 : vector<8192x1xf32>
    %select_n3A = arith.select %ge3A_29, %add3A_27, %mul3A_31 : vector<8192x1xi1>, vector<8192x1xf32>
    %get3A_32 = arith.constant 0 : index
    %get3A_33 = arith.constant 0 : index
    %get3A_34 = vector.load %arg9[%get3A_32, %get3A_33] : memref<128x128xf32, #tpu.memory_space<vmem>>, vector<128x128xf32>
    %dot_general3A_35 = arith.constant dense<0.000000e+00> : vector<8192x128xf32>
    %dot_general3A_36 = tpu.matmul %get3A_1, %get3A_34, %dot_general3A_35 {dimension_numbers = #tpu.dot_dimension_numbers<[1], [0], [0], [1], [0, 0, 1, 1], [], []>, transpose_lhs_hint = false} : vector<8192x128xf32>, vector<128x128xf32>, vector<8192x128xf32> -> vector<8192x128xf32>
    %get3A_37 = arith.constant 0 : index
    %get3A_38 = arith.constant 0 : index
    %get3A_39 = vector.load %arg10[%get3A_37, %get3A_38] : memref<64x128xf32, #tpu.memory_space<vmem>>, vector<64x128xf32>
    %dot_general3A_40 = arith.constant dense<0.000000e+00> : vector<8192x128xf32>
    %dot_general3A_41 = tpu.matmul %get3A_7, %get3A_39, %dot_general3A_40 {dimension_numbers = #tpu.dot_dimension_numbers<[1], [0], [0], [1], [0, 0, 1, 1], [], []>, transpose_lhs_hint = false} : vector<8192x64xf32>, vector<64x128xf32>, vector<8192x128xf32> -> vector<8192x128xf32>
    %add3A_42 = arith.addf %dot_general3A_36, %dot_general3A_41 : vector<8192x128xf32>
    %get3A_43 = arith.constant 0 : index
    %get3A_44 = arith.constant 0 : index
    %get3A_45 = vector.load %arg11[%get3A_43, %get3A_44] : memref<128x128xf32, #tpu.memory_space<vmem>>, vector<128x128xf32>
    %dot_general3A_46 = arith.constant dense<0.000000e+00> : vector<8192x128xf32>
    %dot_general3A_47 = tpu.matmul %get3A_4, %get3A_45, %dot_general3A_46 {dimension_numbers = #tpu.dot_dimension_numbers<[1], [0], [0], [1], [0, 0, 1, 1], [], []>, transpose_lhs_hint = false} : vector<8192x128xf32>, vector<128x128xf32>, vector<8192x128xf32> -> vector<8192x128xf32>
    %add3A_48 = arith.addf %add3A_42, %dot_general3A_47 : vector<8192x128xf32>
    %get3A_49 = arith.constant 0 : index
    %get3A_50 = arith.constant 0 : index
    %get3A_51 = vector.load %arg12[%get3A_49, %get3A_50] : memref<1x128xf32, #tpu.memory_space<vmem>>, vector<1x128xf32>
    %add3A_52 = vector.broadcast %get3A_51 : vector<1x128xf32> to vector<8192x128xf32>
    %add3A_53 = arith.addf %add3A_48, %add3A_52 : vector<8192x128xf32>
    %max3A = arith.constant 0.000000e+00 : f32
    %max3A_54 = vector.broadcast %max3A : f32 to vector<8192x128xf32>
    %max3A_55 = arith.maximumf %add3A_53, %max3A_54 : vector<8192x128xf32>
    %reduce_max3A = vector.shape_cast %select_n3A : vector<8192x1xf32> to vector<1x8192x1xf32>
    %reduce_max3A_56 = arith.constant dense<0xFF800000> : vector<1xf32>
    %reduce_max3A_57 = vector.multi_reduction <maximumf>, %reduce_max3A, %reduce_max3A_56 [1, 2] : vector<1x8192x1xf32> to vector<1xf32>
    %reduce_max3A_58 = vector.shape_cast %reduce_max3A_57 : vector<1xf32> to vector<1x1x1xf32>
    %reduce_max3A_59 = vector.extract %reduce_max3A_58[0, 0, 0] : f32 from vector<1x1x1xf32>
    %sub3A = vector.broadcast %reduce_max3A_59 : f32 to vector<8192x1xf32>
    %sub3A_60 = arith.subf %select_n3A, %sub3A : vector<8192x1xf32>
    %exp3A = math.exp %sub3A_60 : vector<8192x1xf32>
    %iota3A = tpu.iota {dimensions = array<i32: 1>} : vector<8192x128xi32>
    %mul3A_61 = vector.broadcast %exp3A : vector<8192x1xf32> to vector<8192x128xf32>
    %mul3A_62 = arith.mulf %max3A_55, %mul3A_61 : vector<8192x128xf32>
    %swap3A = arith.constant 0 : index
    %swap3A_63 = arith.constant 0 : index
    %swap3A_64 = vector.load %arg17[%swap3A, %swap3A_63] : memref<8192x128xf32, #tpu.memory_space<vmem>>, vector<8192x128xf32>
    tpu.vector_store %arg17[%swap3A, %swap3A_63], %mul3A_62 {strides = array<i32>} : memref<8192x128xf32, #tpu.memory_space<vmem>>, vector<8192x128xf32>,
    %eq3A = arith.constant 0 : i32
    %eq3A_65 = vector.broadcast %eq3A : i32 to vector<8192x128xi32>
    %eq3A_66 = arith.cmpi eq, %iota3A, %eq3A_65 : vector<8192x128xi32>
    %jit3A = arith.constant 0.000000e+00 : f32
    %broadcast_in_dim3A = vector.shape_cast %exp3A : vector<8192x1xf32> to vector<8192x1xf32>
    %broadcast_in_dim3A_67 = vector.broadcast %broadcast_in_dim3A : vector<8192x1xf32> to vector<8192x128xf32>
    %broadcast_in_dim3A_68 = vector.broadcast %jit3A : f32 to vector<8192x128xf32>
    %select_n3A_69 = arith.select %eq3A_66, %broadcast_in_dim3A_67, %broadcast_in_dim3A_68 : vector<8192x128xi1>, vector<8192x128xf32>
    %swap3A_70 = arith.constant 0 : index
    %swap3A_71 = arith.constant 0 : index
    %swap3A_72 = vector.load %arg18[%swap3A_70, %swap3A_71] : memref<8192x128xf32, #tpu.memory_space<vmem>>, vector<8192x128xf32>
    tpu.vector_store %arg18[%swap3A_70, %swap3A_71], %select_n3A_69 {strides = array<i32>} : memref<8192x128xf32, #tpu.memory_space<vmem>>, vector<8192x128xf32>,
    return
  }
}

module attributes {stable_mosaic.version = 14 : i64} {
  func.func @_gru_readout_body(%arg0: memref<2048x128xf32, #tpu.memory_space<vmem>>, %arg1: memref<2048x128xf32, #tpu.memory_space<vmem>>, %arg2: memref<2048x128xf32, #tpu.memory_space<vmem>>, %arg3: memref<2048x128xf32, #tpu.memory_space<vmem>>, %arg4: memref<2048x128xf32, #tpu.memory_space<vmem>>, %arg5: memref<128x384xf32, #tpu.memory_space<vmem>>, %arg6: memref<1x384xf32, #tpu.memory_space<vmem>>, %arg7: memref<128x384xf32, #tpu.memory_space<vmem>>, %arg8: memref<1x384xf32, #tpu.memory_space<vmem>>, %arg9: memref<128x2048xf32, #tpu.memory_space<vmem>>, %arg10: memref<128x2048xf32, #tpu.memory_space<vmem>>, %arg11: memref<128x1xf32, #tpu.memory_space<vmem>>, %arg12: memref<1x1xf32, #tpu.memory_space<vmem>>, %arg13: memref<128x128xf32, #tpu.memory_space<vmem>>, %arg14: memref<1x128xf32, #tpu.memory_space<vmem>>, %arg15: memref<128x128xf32, #tpu.memory_space<vmem>>, %arg16: memref<128x2048xf32, #tpu.memory_space<vmem>>) attributes {dimension_semantics = [], scalar_prefetch = 0 : i64, scratch_operands = 0 : i64, tpu.core_type = #tpu.core_type<tc>} {
    %get3A = arith.constant 0 : index
    %get3A_0 = arith.constant 0 : index
    %get3A_1 = vector.load %arg0[%get3A, %get3A_0] : memref<2048x128xf32, #tpu.memory_space<vmem>>, vector<2048x128xf32>
    %get3A_2 = arith.constant 0 : index
    %get3A_3 = arith.constant 0 : index
    %get3A_4 = vector.load %arg1[%get3A_2, %get3A_3] : memref<2048x128xf32, #tpu.memory_space<vmem>>, vector<2048x128xf32>
    %add3A = arith.addf %get3A_1, %get3A_4 : vector<2048x128xf32>
    %get3A_5 = arith.constant 0 : index
    %get3A_6 = arith.constant 0 : index
    %get3A_7 = vector.load %arg2[%get3A_5, %get3A_6] : memref<2048x128xf32, #tpu.memory_space<vmem>>, vector<2048x1xf32>
    %get3A_8 = arith.constant 0 : index
    %get3A_9 = arith.constant 0 : index
    %get3A_10 = vector.load %arg3[%get3A_8, %get3A_9] : memref<2048x128xf32, #tpu.memory_space<vmem>>, vector<2048x1xf32>
    %add3A_11 = arith.addf %get3A_7, %get3A_10 : vector<2048x1xf32>
    %max3A = arith.constant 1.000000e-30 : f32
    %max3A_12 = vector.broadcast %max3A : f32 to vector<2048x1xf32>
    %max3A_13 = arith.maximumf %add3A_11, %max3A_12 : vector<2048x1xf32>
    %div3A = vector.broadcast %max3A_13 : vector<2048x1xf32> to vector<2048x128xf32>
    %div3A_14 = arith.divf %add3A, %div3A : vector<2048x128xf32>
    %get3A_15 = arith.constant 0 : index
    %get3A_16 = arith.constant 0 : index
    %get3A_17 = vector.load %arg5[%get3A_15, %get3A_16] : memref<128x384xf32, #tpu.memory_space<vmem>>, vector<128x384xf32>
    %dot_general3A = arith.constant dense<0.000000e+00> : vector<2048x384xf32>
    %dot_general3A_18 = tpu.matmul %div3A_14, %get3A_17, %dot_general3A {dimension_numbers = #tpu.dot_dimension_numbers<[1], [0], [0], [1], [0, 0, 1, 1], [], []>, transpose_lhs_hint = false} : vector<2048x128xf32>, vector<128x384xf32>, vector<2048x384xf32> -> vector<2048x384xf32>
    %get3A_19 = arith.constant 0 : index
    %get3A_20 = arith.constant 0 : index
    %get3A_21 = vector.load %arg6[%get3A_19, %get3A_20] : memref<1x384xf32, #tpu.memory_space<vmem>>, vector<1x384xf32>
    %add3A_22 = vector.broadcast %get3A_21 : vector<1x384xf32> to vector<2048x384xf32>
    %add3A_23 = arith.addf %dot_general3A_18, %add3A_22 : vector<2048x384xf32>
    %get3A_24 = arith.constant 0 : index
    %get3A_25 = arith.constant 0 : index
    %get3A_26 = vector.load %arg4[%get3A_24, %get3A_25] : memref<2048x128xf32, #tpu.memory_space<vmem>>, vector<2048x128xf32>
    %get3A_27 = arith.constant 0 : index
    %get3A_28 = arith.constant 0 : index
    %get3A_29 = vector.load %arg7[%get3A_27, %get3A_28] : memref<128x384xf32, #tpu.memory_space<vmem>>, vector<128x384xf32>
    %dot_general3A_30 = arith.constant dense<0.000000e+00> : vector<2048x384xf32>
    %dot_general3A_31 = tpu.matmul %get3A_26, %get3A_29, %dot_general3A_30 {dimension_numbers = #tpu.dot_dimension_numbers<[1], [0], [0], [1], [0, 0, 1, 1], [], []>, transpose_lhs_hint = false} : vector<2048x128xf32>, vector<128x384xf32>, vector<2048x384xf32> -> vector<2048x384xf32>
    %get3A_32 = arith.constant 0 : index
    %get3A_33 = arith.constant 0 : index
    %get3A_34 = vector.load %arg8[%get3A_32, %get3A_33] : memref<1x384xf32, #tpu.memory_space<vmem>>, vector<1x384xf32>
    %add3A_35 = vector.broadcast %get3A_34 : vector<1x384xf32> to vector<2048x384xf32>
    %add3A_36 = arith.addf %dot_general3A_31, %add3A_35 : vector<2048x384xf32>
    %slice3A = vector.extract_strided_slice %add3A_23 {offsets = [0, 0], sizes = [2048, 128], strides = [1, 1]} : vector<2048x384xf32> to vector<2048x128xf32>
    %slice3A_37 = vector.extract_strided_slice %add3A_36 {offsets = [0, 0], sizes = [2048, 128], strides = [1, 1]} : vector<2048x384xf32> to vector<2048x128xf32>
    %add3A_38 = arith.addf %slice3A, %slice3A_37 : vector<2048x128xf32>
    %logistic3A = arith.negf %add3A_38 : vector<2048x128xf32>
    %logistic3A_39 = math.exp %logistic3A : vector<2048x128xf32>
    %logistic3A_40 = arith.constant 1.000000e+00 : f32
    %logistic3A_41 = vector.broadcast %logistic3A_40 : f32 to vector<2048x128xf32>
    %logistic3A_42 = arith.addf %logistic3A_41, %logistic3A_39 : vector<2048x128xf32>
    %logistic3A_43 = arith.divf %logistic3A_41, %logistic3A_42 : vector<2048x128xf32>
    %slice3A_44 = vector.extract_strided_slice %add3A_23 {offsets = [0, 128], sizes = [2048, 128], strides = [1, 1]} : vector<2048x384xf32> to vector<2048x128xf32>
    %slice3A_45 = vector.extract_strided_slice %add3A_36 {offsets = [0, 128], sizes = [2048, 128], strides = [1, 1]} : vector<2048x384xf32> to vector<2048x128xf32>
    %add3A_46 = arith.addf %slice3A_44, %slice3A_45 : vector<2048x128xf32>
    %logistic3A_47 = arith.negf %add3A_46 : vector<2048x128xf32>
    %logistic3A_48 = math.exp %logistic3A_47 : vector<2048x128xf32>
    %logistic3A_49 = arith.constant 1.000000e+00 : f32
    %logistic3A_50 = vector.broadcast %logistic3A_49 : f32 to vector<2048x128xf32>
    %logistic3A_51 = arith.addf %logistic3A_50, %logistic3A_48 : vector<2048x128xf32>
    %logistic3A_52 = arith.divf %logistic3A_50, %logistic3A_51 : vector<2048x128xf32>
    %slice3A_53 = vector.extract_strided_slice %add3A_23 {offsets = [0, 256], sizes = [2048, 128], strides = [1, 1]} : vector<2048x384xf32> to vector<2048x128xf32>
    %slice3A_54 = vector.extract_strided_slice %add3A_36 {offsets = [0, 256], sizes = [2048, 128], strides = [1, 1]} : vector<2048x384xf32> to vector<2048x128xf32>
    %mul3A = arith.mulf %logistic3A_43, %slice3A_54 : vector<2048x128xf32>
    %add3A_55 = arith.addf %slice3A_53, %mul3A : vector<2048x128xf32>
    %tanh3A = math.tanh %add3A_55 : vector<2048x128xf32>
    %sub3A = arith.constant 1.000000e+00 : f32
    %sub3A_56 = vector.broadcast %sub3A : f32 to vector<2048x128xf32>
    %sub3A_57 = arith.subf %sub3A_56, %logistic3A_52 : vector<2048x128xf32>
    %mul3A_58 = arith.mulf %sub3A_57, %tanh3A : vector<2048x128xf32>
    %get3A_59 = arith.constant 0 : index
    %get3A_60 = arith.constant 0 : index
    %get3A_61 = vector.load %arg4[%get3A_59, %get3A_60] : memref<2048x128xf32, #tpu.memory_space<vmem>>, vector<2048x128xf32>
    %mul3A_62 = arith.mulf %logistic3A_52, %get3A_61 : vector<2048x128xf32>
    %add3A_63 = arith.addf %mul3A_58, %mul3A_62 : vector<2048x128xf32>
    %get3A_64 = arith.constant 0 : index
    %get3A_65 = arith.constant 0 : index
    %get3A_66 = vector.load %arg13[%get3A_64, %get3A_65] : memref<128x128xf32, #tpu.memory_space<vmem>>, vector<128x128xf32>
    %dot_general3A_67 = arith.constant dense<0.000000e+00> : vector<2048x128xf32>
    %dot_general3A_68 = tpu.matmul %add3A_63, %get3A_66, %dot_general3A_67 {dimension_numbers = #tpu.dot_dimension_numbers<[1], [0], [0], [1], [0, 0, 1, 1], [], []>, transpose_lhs_hint = false} : vector<2048x128xf32>, vector<128x128xf32>, vector<2048x128xf32> -> vector<2048x128xf32>
    %get3A_69 = arith.constant 0 : index
    %get3A_70 = arith.constant 0 : index
    %get3A_71 = vector.load %arg14[%get3A_69, %get3A_70] : memref<1x128xf32, #tpu.memory_space<vmem>>, vector<1x128xf32>
    %add3A_72 = vector.broadcast %get3A_71 : vector<1x128xf32> to vector<2048x128xf32>
    %add3A_73 = arith.addf %dot_general3A_68, %add3A_72 : vector<2048x128xf32>
    %tanh3A_74 = math.tanh %add3A_73 : vector<2048x128xf32>
    %get3A_75 = arith.constant 0 : index
    %get3A_76 = arith.constant 0 : index
    %get3A_77 = vector.load %arg11[%get3A_75, %get3A_76] : memref<128x1xf32, #tpu.memory_space<vmem>>, vector<128x1xf32>
    %dot_general3A_78 = arith.constant dense<0.000000e+00> : vector<1x2048xf32>
    %dot_general3A_79 = tpu.matmul %get3A_77, %add3A_63, %dot_general3A_78 {dimension_numbers = #tpu.dot_dimension_numbers<[0], [1], [1], [0], [0, 1, 1, 0], [], []>, transpose_lhs_hint = false} : vector<128x1xf32>, vector<2048x128xf32>, vector<1x2048xf32> -> vector<1x2048xf32>
    %get3A_80 = arith.constant 0 : index
    %get3A_81 = arith.constant 0 : index
    %get3A_82 = vector.load %arg12[%get3A_80, %get3A_81] : memref<1x1xf32, #tpu.memory_space<vmem>>, vector<1x1xf32>
    %add3A_83 = vector.broadcast %get3A_82 : vector<1x1xf32> to vector<1x2048xf32>
    %add3A_84 = arith.addf %dot_general3A_79, %add3A_83 : vector<1x2048xf32>
    %ge3A = arith.constant 0.000000e+00 : f32
    %ge3A_85 = vector.broadcast %ge3A : f32 to vector<1x2048xf32>
    %ge3A_86 = arith.cmpf oge, %add3A_84, %ge3A_85 : vector<1x2048xf32>
    %mul3A_87 = arith.constant 0.00999999977 : f32
    %mul3A_88 = vector.broadcast %mul3A_87 : f32 to vector<1x2048xf32>
    %mul3A_89 = arith.mulf %mul3A_88, %add3A_84 : vector<1x2048xf32>
    %select_n3A = arith.select %ge3A_86, %add3A_84, %mul3A_89 : vector<1x2048xi1>, vector<1x2048xf32>
    %get3A_90 = arith.constant 0 : index
    %get3A_91 = arith.constant 0 : index
    %get3A_92 = vector.load %arg9[%get3A_90, %get3A_91] : memref<128x2048xf32, #tpu.memory_space<vmem>>, vector<128x2048xf32>
    %add3A_93 = vector.broadcast %select_n3A : vector<1x2048xf32> to vector<128x2048xf32>
    %add3A_94 = arith.addf %get3A_92, %add3A_93 : vector<128x2048xf32>
    %reduce_max3A = arith.constant dense<0xFF800000> : vector<128xf32>
    %reduce_max3A_95 = vector.multi_reduction <maximumf>, %add3A_94, %reduce_max3A [1] : vector<128x2048xf32> to vector<128xf32>
    %broadcast_in_dim3A = vector.shape_cast %reduce_max3A_95 : vector<128xf32> to vector<128x1xf32>
    %sub3A_96 = vector.broadcast %broadcast_in_dim3A : vector<128x1xf32> to vector<128x2048xf32>
    %sub3A_97 = arith.subf %add3A_94, %sub3A_96 : vector<128x2048xf32>
    %exp3A = math.exp %sub3A_97 : vector<128x2048xf32>
    %reduce_sum3A = arith.constant dense<0.000000e+00> : vector<128xf32>
    %reduce_sum3A_98 = vector.multi_reduction <add>, %exp3A, %reduce_sum3A [1] : vector<128x2048xf32> to vector<128xf32>
    %broadcast_in_dim3A_99 = vector.shape_cast %reduce_sum3A_98 : vector<128xf32> to vector<128x1xf32>
    %div3A_100 = vector.broadcast %broadcast_in_dim3A_99 : vector<128x1xf32> to vector<128x2048xf32>
    %div3A_101 = arith.divf %exp3A, %div3A_100 : vector<128x2048xf32>
    %get3A_102 = arith.constant 0 : index
    %get3A_103 = arith.constant 0 : index
    %get3A_104 = vector.load %arg10[%get3A_102, %get3A_103] : memref<128x2048xf32, #tpu.memory_space<vmem>>, vector<128x2048xf32>
    %mul3A_105 = arith.mulf %div3A_101, %get3A_104 : vector<128x2048xf32>
    %swap3A = arith.constant 0 : index
    %swap3A_106 = arith.constant 0 : index
    %swap3A_107 = vector.load %arg16[%swap3A, %swap3A_106] : memref<128x2048xf32, #tpu.memory_space<vmem>>, vector<128x2048xf32>
    tpu.vector_store %arg16[%swap3A, %swap3A_106], %mul3A_105 {strides = array<i32>} : memref<128x2048xf32, #tpu.memory_space<vmem>>, vector<128x2048xf32>,
    %dot_general3A_108 = arith.constant dense<0.000000e+00> : vector<128x128xf32>
    %dot_general3A_109 = tpu.matmul %mul3A_105, %tanh3A_74, %dot_general3A_108 {dimension_numbers = #tpu.dot_dimension_numbers<[1], [0], [0], [1], [0, 0, 1, 1], [], []>, transpose_lhs_hint = false} : vector<128x2048xf32>, vector<2048x128xf32>, vector<128x128xf32> -> vector<128x128xf32>
    %swap3A_110 = arith.constant 0 : index
    %swap3A_111 = arith.constant 0 : index
    %swap3A_112 = vector.load %arg15[%swap3A_110, %swap3A_111] : memref<128x128xf32, #tpu.memory_space<vmem>>, vector<128x128xf32>
    tpu.vector_store %arg15[%swap3A_110, %swap3A_111], %dot_general3A_109 {strides = array<i32>} : memref<128x128xf32, #tpu.memory_space<vmem>>, vector<128x128xf32>,
    return
  }
}

</mosaic_0001>

<sc_bundles>
// kernel: kernel.15.cloned.1.call-start
scs
__scs_entry_jumppad:
0x0: {  	(pc) =	sbr.rel $0x88, $3  }
0x1: {  	(tag) =	ssettag $0x0;
	lr =	simm.s32 $0x1  }
0x2: {  	[smem:$0x3F89] =	sst lr;
	_ =	strace $0xD0000000  }
0x3: {  	_ = 	snop  }
0x4: {  	_ = 	snop  }
0x5: {  	_ = 	snop  }
0x6: {  	_ = 	snop  }
0x7: {  	_ = 	snop  }
__scs_overlays_trampoline_lowered:
0x8: {  	[smem:$0x3F98] =	sst s0  }
0x9: {  	[smem:$0x3F99] =	sst s1  }
0xa: {  	[smem:$0x3F9A] =	sst s2  }
0xb: {  	[smem:$0x3F9B] =	sst s3  }
0xc: {  	[smem:$0x3F9C] =	sst s4  }
0xd: {  	[smem:$0x3F9D] =	sst s5  }
0xe: {  	[smem:$0x3F9E] =	sst s6  }
0xf: {  	[smem:$0x3F9F] =	sst s7  }
0x10: {  	[smem:$0x3FA0] =	sst s8  }
0x11: {  	[smem:$0x3FA1] =	sst s9;
	s0 =	simm.s32 @!p0 $0x0  }
0x12: {  	s1 =	sld [smem:$0x3F87];
	s0 =	simm.s32 @p0 $0x1  }
0x13: {  	[smem:$0x3FA2] =	sst s0;
	s0 =	simm.s32 @!p1 $0x0  }
0x14: {  	s2 =	sld [smem:$0x3F86];
	s0 =	simm.s32 @p1 $0x1  }
0x15: {  	[smem:$0x3FA3] =	sst s0;
	s0 =	simm.s32 @!p2 $0x0  }
0x16: {  	s3 =	sld [smem:$0x3FDB];
	s0 =	simm.s32 @p2 $0x1  }
0x17: {  	s4 =	simm.s32 $0x1BF5;
	[smem:$0x3FA5] =	sst s0  }
0x18: {  	s0 =	sld [smem:$0x3F88];
	_ =	swait.ge [sflag:s4], $0x0  }
0x19: {  	s7 =	sld [smem:$0x3F89]  }
0x1a: {  	s8 =	sadd.s32 $0xFFFFE003, lr  }
0x1b: {  	s9 =	sadd.s32 $0xFFFFFEF7, lr;
	s5 =	simm.s32 $0xFFFFFFFF;
	p2 =	slt.u32 s8, $0xFFFFF086  }
0x1c: {  	p1 =	slt.u32 s9, $0xF7A;
	s5 =	simm.s32 @!p2 $0x0  }
0x1d: {  	s5 =	simm.s32 @p1 $0x1;
	p0 =	seq.s32 s7, s2  }
0x1e: {  	s7 =	smul.u32 @!p0 $0xF7A, s2;
	p2 =	seq.s32 @!p0 s5, $0x0  }
0x1f: {  	s9 =	smul.u32 $0xF7A, s1;
	s8 =	simm.s32 @!p0 $0x1BF5;
	p2 =	por !p2, p0  }
0x20: {  	[sflag:s8] =	ssyncset.s32 @!p0 $0xFFFFF086;
	s6 =	sadd.s32 @!p0 s3, s7;
	s7 =	simm.s32 @!p0 $0x108  }
0x21: {  	s3 =	sadd.s32 s3, s9;
	s6 =	sadd.s32 @!p0 $0x88, s6;
	s7 =	simm.s32 @p2 $0x1082  }
0x22: {  	[simem:s7], [sflag:s8] =	dma.local @!p0 [hbm:s6], $0xF7A  }
0x23: {  	s9 =	sor.u32 $0xD0000000, s2;
	s6 =	simm.s32 $0x108;
	_ =	swait.ge @!p0 [sflag:s8], $0x0  }
0x24: {  	s3 =	sadd.s32 $0x88, s3;
	s6 =	simm.s32 @!p1 $0x1082;
	[sflag:s4] =	ssyncset.s32 $0xFFFFF086  }
0x25: {  	[simem:s6], [sflag:s4] =	dma.local [hbm:s3], $0xF7A  }
0x26: {  	[smem:$0x3F89] =	sst s1;
	(tag) =	ssettag s2;
	_ =	strace s9  }
0x27: {  	s1 =	sld [smem:$0x3F99]  }
0x28: {  	s2 =	sld [smem:$0x3F9A]  }
0x29: {  	s4 =	sld [smem:$0x3F9C]  }
0x2a: {  	p0 =	seq.s32 s5, $0x0;
	s5 =	sld [smem:$0x3F9D]  }
0x2b: {  	s6 =	sld [smem:$0x3F9E]  }
0x2c: {  	s7 =	sld [smem:$0x3F9F]  }
0x2d: {  	s3 =	simm.s32 $0x108;
	s8 =	sld [smem:$0x3FA0]  }
0x2e: {  	s3 =	simm.s32 @!p0 $0x1082;
	s9 =	sld [smem:$0x3FA1]  }
0x2f: {  	lr =	sadd.s32 s0, s3;
	s0 =	sld [smem:$0x3F98]  }
0x30: {  	s3 =	sld [smem:$0x3F9B]  }
0x31: {  	[smem:$0x3FA4] =	sst s10  }
0x32: {  	s10 =	sld [smem:$0x3FA2];
	_ =	sdelay $0x3  }
0x33: {  	p0 =	seq.s32 s10, $0x1;
	s10 =	sld [smem:$0x3FA4];
	_ =	sdelay $0x3  }
0x34: {  	[smem:$0x3FA4] =	sst s10  }
0x35: {  	s10 =	sld [smem:$0x3FA3];
	_ =	sdelay $0x3  }
0x36: {  	p1 =	seq.s32 s10, $0x1;
	s10 =	sld [smem:$0x3FA4];
	_ =	sdelay $0x3  }
0x37: {  	[smem:$0x3FA4] =	sst s10  }
0x38: {  	s10 =	sld [smem:$0x3FA5]  }
0x39: {  	_ = 	snop;
	(pc) =	sbr.ind lr, $3  }
0x3a: {  	_ = 	snop  }
0x3b: {  	_ = 	snop  }
0x3c: {  	p2 =	seq.s32 s10, $0x1;
	s10 =	sld [smem:$0x3FA4]  }
0x3d: {  	_ =	shalt  }
0x3e: {  	_ =	shalt  }
0x3f: {  	_ =	shalt  }
0x40: {  	_ =	shalt  }
0x41: {  	_ =	shalt  }
0x42: {  	_ =	shalt  }
0x43: {  	_ =	shalt  }
0x44: {  	_ =	shalt  }
0x45: {  	_ =	shalt  }
0x46: {  	_ =	shalt  }
0x47: {  	_ =	shalt  }
0x48: {  	_ =	shalt  }
0x49: {  	_ =	shalt  }
0x4a: {  	_ =	shalt  }
0x4b: {  	_ =	shalt  }
0x4c: {  	_ =	shalt  }
0x4d: {  	_ =	shalt  }
0x4e: {  	_ =	shalt  }
0x4f: {  	_ =	shalt  }
0x50: {  	_ =	shalt  }
0x51: {  	_ =	shalt  }
0x52: {  	_ =	shalt  }
0x53: {  	_ =	shalt  }
0x54: {  	_ =	shalt  }
0x55: {  	_ =	shalt  }
0x56: {  	_ =	shalt  }
0x57: {  	_ =	shalt  }
0x58: {  	_ =	shalt  }
0x59: {  	_ =	shalt  }
0x5a: {  	_ =	shalt  }
0x5b: {  	_ =	shalt  }
0x5c: {  	_ =	shalt  }
0x5d: {  	_ =	shalt  }
0x5e: {  	_ =	shalt  }
0x5f: {  	_ =	shalt  }
0x60: {  	_ =	shalt  }
0x61: {  	_ =	shalt  }
0x62: {  	_ =	shalt  }
0x63: {  	_ =	shalt  }
0x64: {  	_ =	shalt  }
0x65: {  	_ =	shalt  }
0x66: {  	_ =	shalt  }
0x67: {  	_ =	shalt  }
0x68: {  	_ =	shalt  }
0x69: {  	_ =	shalt  }
0x6a: {  	_ =	shalt  }
0x6b: {  	_ =	shalt  }
0x6c: {  	_ =	shalt  }
0x6d: {  	_ =	shalt  }
0x6e: {  	_ =	shalt  }
0x6f: {  	_ =	shalt  }
0x70: {  	_ =	shalt  }
0x71: {  	_ =	shalt  }
0x72: {  	_ =	shalt  }
0x73: {  	_ =	shalt  }
0x74: {  	_ =	shalt  }
0x75: {  	_ =	shalt  }
0x76: {  	_ =	shalt  }
0x77: {  	_ =	shalt  }
0x78: {  	_ =	shalt  }
0x79: {  	_ =	shalt  }
0x7a: {  	_ =	shalt  }
0x7b: {  	_ =	shalt  }
0x7c: {  	_ =	shalt  }
0x7d: {  	_ =	shalt  }
0x7e: {  	_ =	shalt  }
0x7f: {  	_ =	shalt  }
0x80: {  	_ =	shalt  }
0x81: {  	_ =	shalt  }
0x82: {  	_ =	shalt  }
0x83: {  	_ =	shalt  }
0x84: {  	_ =	shalt  }
0x85: {  	_ =	shalt  }
0x86: {  	_ =	shalt  }
0x87: {  	_ =	shalt  }
.Lfunc_end0:
.L_simem_size_0:
called_computation_lowered:
.L_overlay_start_0:
0x88: {  	s2 =	sld [smem:$0x3FD9]  }
0x89: {  	s3 =	sld [smem:$0x3FFE];
	_ =	sdelay $0x1  }
0x8a: {  	s1 =	srdreg.scid  }
0x8b: {  	s0 =	sand.u32 $0x1, s1  }
0x8c: {  	s14 =	sshll.u32 s0, $0xA;
	s2 =	sadd.s32 s3, s2  }
0x8d: {  	s2 =	sadd.s32 s2, s14  }
0x8e: {  	[smem:$0x3FB0] =	sst s2  }
0x8f: {  	_ = 	snop  }
0x90: {  	s2 =	sld [smem:$0x3FD0];
	_ =	sdelay $0x1  }
0x91: {  	s15 =	sld [smem:$0x3FC7]  }
0x92: {  	s5 =	simm.s32 $0xA;
	s6 =	simm.s32 $0x10;
	s4 =	sld [smem:$0x3FC6]  }
0x93: {  	[smem:s6], [sflag:s5] =	dma.local [hbm:s2], $0x1  }
0x94: {  	_ =	swait.eq [sflag:s5], $0x1  }
0x95: {  	[sflag:s5] =	ssyncset.done $0x0  }
0x96: {  	[sflag:s5] =	ssyncadd.s32 $0xFFFFFFFF  }
0x97: {  	s16 =	sld [smem:$0x11];
	(tm) =	ssettm $0x1  }
0x98: {  	s17 =	sld [smem:$0x3FFB];
	_ =	sdelay $0x3  }
0x99: {  	_ =	strace s17  }
0x9a: {  	s5 =	sld [smem:$0x3FFC];
	_ =	sdelay $0x3  }
0x9b: {  	_ =	strace s5  }
0x9c: {  	s5 =	sld [smem:$0x3FFD];
	_ =	sdelay $0x3  }
0x9d: {  	_ =	strace s5  }
0x9e: {  	_ =	strace $0x8FFFFFFF  }
0x9f: {  	s18 =	sld [smem:$0x3FDB];
	_ =	sdelay $0x1  }
0xa0: {  	s19 =	simm.s32 $_scs_section_size  }
0xa1: {  	s7 =	simm.s32 $_size__tile_overlayer_lowered;
	s8 =	simm.s32 $_tile_overlayer_lowered  }
0xa2: {  	s22 =	simm.s32 $0x1BFF;
	s21 =	sshll.u32 s8, $0x1;
	s5 =	sadd.s32 s19, s18  }
0xa3: {  	s9 =	simm.s32 $0x0;
	s20 =	sshll.u32 s7, $0x1;
	s7 =	sadd.s32 s21, s5  }
0xa4: {  	[timem:s9], [sflag:s22] =	dma.local [hbm:s7], s20  }
0xa5: {  	_ =	swait.ge [sflag:s22], s20  }
0xa6: {  	s6 =	ssub.s32 $0x0, s20;
	[sflag:s22] =	ssyncset.done $0x0  }
0xa7: {  	[sflag:s22] =	ssyncadd.s32 s6;
	_ =	sdelay $0x1  }
0xa8: {  	s23 =	simm.s32 $0x1B8B  }
0xa9: {  	_ =	swait.ge [sflag:s23], $0x1  }
0xaa: {  	[sflag:s23] =	ssyncset.done $0x0  }
0xab: {  	s25 =	simm.s32 $0x1B8E;
	s24 =	sld [smem:$0x3FFE];
	[sflag:s23] =	ssyncadd.s32 $0xFFFFFFFF  }
0xac: {  	s26 =	simm.s32 $execute0_lowered;
	[smem:$0x3FD2] =	sst s25  }
0xad: {  	s7 =	sshll.u32 s26, $0x1;
	_ =	strace $0x80000046;
	[dreg:$0x1] =	wrdreg $0xFFFFFFFF  }
0xae: {  	s28 =	simm.s32 $_size_execute0_lowered;
	s5 =	sadd.s32 s5, s7;
	[dreg:$0x0] =	wrdreg $0x0  }
0xaf: {  	s7 =	sshll.u32 s28, $0x1;
	[dreg:$0x2] =	wrdreg s5  }
0xb0: {  	[dreg:$0x3] =	wrdreg s7  }
0xb1: {  	[dreg:$0x4] =	wrdreg $0xC0  }
0xb2: {  	_ =	task [dreg:s9], $0x5FFFF  }
0xb3: {  	[dreg:$0x1] =	wrdreg $0xFFFFFFFF  }
0xb4: {  	[dreg:$0x0] =	wrdreg $0x60  }
0xb5: {  	[dreg:$0x2] =	wrdreg s16  }
0xb6: {  	[dreg:$0x3] =	wrdreg s15  }
0xb7: {  	[dreg:$0x4] =	wrdreg s4  }
0xb8: {  	[dreg:$0x5] =	wrdreg s24  }
0xb9: {  	[dreg:$0x6] =	wrdreg $0x9  }
0xba: {  	_ =	task.clear_ibuf [dreg:s9], $0x7FFFF;
	_ =	strace $0x90000046  }
0xbb: {  	s29 =	simm.s32 $0x9;
	_ =	strace $0x80000048  }
0xbc: {  	_ =	swait.ge [sflag:s29], $0x1  }
0xbd: {  	[sflag:s29] =	ssyncadd.s32 $0xFFFFFFFF  }
0xbe: {  	_ =	strace $0x90000048  }
0xbf: {  	_ =	sfence  }
0xc0: {  	s30 =	sld [smem:$0x0];
	_ =	sdelay $0x2  }
0xc1: {  	s31 =	sshll.u32 s1, $0xD;
	s1 =	sshrl.u32 s1, $0x2  }
0xc2: {  	s3 =	sand.u32 $0x4000, s31;
	s1 =	sadd.s32 s1, s30  }
0xc3: {  	s0 =	sor.u32 s3, s0;
	s1 =	sshll.u32 s1, $0x11  }
0xc4: {  	s0 =	sor.u32 s1, s0  }
0xc5: {  	s0 =	sadd.s32 $0x8F2B, s0  }
0xc6: {  	[sflag:s0] =	ssyncadd.remote.s32 $0x1  }
0xc7: {  	_ =	sfence.sel $0xFFFF  }
0xc8: {  	[dreg:$0x0] =	wrdreg $0xFFFFFFFF;
	(pc) =	sbr.abs _section_cstart, $3  }
0xc9: {  	[dreg:$0x1] =	wrdreg $0xFFFFFFFF  }
0xca: {  	_ =	task.clear_ibuf [dreg:s9], $0x2FFFF;
	_ =	strace $0x9FFFFFFF  }
0xcb: {  	(tm) =	ssettm $0x7FFFFFFF  }
tec
execute0_lowered:
.L_overlay_start_1:
0x0: {  	(tag) =	ssettag $0x1  }
0x1: {  	s1 =	rddreg [dreg:$0x0]  }
0x2: {  	s4 =	rddreg [dreg:$0x1]  }
0x3: {  	s2 =	srdreg.scid;
	s0 =	stileid.u32  }
0x4: {  	s5 =	rddreg [dreg:$0x2];
	s16 =	sand.u32 $0x1, s2;
	s6 =	sshll.u32 s0, $0x1  }
0x5: {  	s15 =	rddreg [dreg:$0x3];
	s3 =	simm.s32 $0x0;
	s17 =	sor.u32 s16, s6  }
0x6: {  	[smem:$0x7FF] =	sst s3;
	s6 =	sshll.u32 s17, $0x5  }
0x7: {  	s2 =	rddreg [dreg:$0x4];
	_ =	strace $0x80000047;
	s4 =	sadd.s32 s4, s6  }
0x8: {  	[tilespmem:s3], [sflag:$0x1] =	stream.linear.gather [hbm4b:s4+s3], $0x100, $0x38;
	[tilespmem:$0x10200] =	vst v63  }
0x9: {  	s7 =	simm.s32 $0x1;
	s5 =	sadd.s32 s5, s6;
	s6 =	simm.s32 $0x100  }
0xa: {  	[tilespmem:s6], [sflag:$0x1] =	stream.linear.gather [hbm4b:s5+s3], $0x100, $0x38;
	[tilespmem:$0x10200] =	vst v63  }
0xb: {  	_ =	swait.ge [sflag:s7], $0x100  }
0xc: {  	[sflag:s7] =	ssyncset.done $0x0  }
0xd: {  	[sflag:s7] =	ssyncadd.s32 $0xFFFFFF00  }
0xe: {  	_ =	swait.ge [sflag:s7], $0x100  }
0xf: {  	[sflag:s7] =	ssyncset.done $0x0  }
0x10: {  	s8 =	simm.s32 $0x80;
	s9 =	simm.s32 $0x200;
	[sflag:s7] =	ssyncadd.s32 $0xFFFFFF00  }
0x11: {  	[tilespmem:s9], [sflag:$0x1] =	stream.indirect.gather [hbm4b:s1+s8], $0x80, s3, s8, $0xb8;
	[tilespmem:$0x10200] =	vst v63  }
0x12: {  	s10 =	simm.s32 $0x8200  }
0x13: {  	[tilespmem:s10], [sflag:$0x2] =	stream.indirect.gather [hbm4b:s1+s8], $0x80, s6, s8, $0xb8;
	[tilespmem:$0x10200] =	vst v63  }
0x14: {  	s11 =	simm.s32 $0x4200  }
0x15: {  	[tilespmem:s11], [sflag:$0x1] =	stream.indirect.gather [hbm4b:s1+s8], $0x80, s8, s8, $0xb8;
	[tilespmem:$0x10200] =	vst v63  }
0x16: {  	s12 =	simm.s32 $0x180;
	s13 =	simm.s32 $0xC200  }
0x17: {  	[tilespmem:s13], [sflag:$0x2] =	stream.indirect.gather [hbm4b:s1+s8], $0x80, s12, s8, $0xb8;
	[tilespmem:$0x10200] =	vst v63  }
0x18: {  	_ =	swait.ge [sflag:s7], $0x4000  }
0x19: {  	[sflag:s7] =	ssyncset.done $0x0  }
0x1a: {  	s14 =	simm.s32 $0x2;
	[sflag:s7] =	ssyncadd.s32 $0xFFFFC000  }
0x1b: {  	_ =	swait.ge [sflag:s14], $0x4000  }
0x1c: {  	[sflag:s14] =	ssyncset.done $0x0  }
0x1d: {  	[sflag:s14] =	ssyncadd.s32 $0xFFFFC000  }
0x1e: {  	_ =	swait.ge [sflag:s7], $0x4000  }
0x1f: {  	s17 =	sshll.u32 s17, $0xC;
	[sflag:s7] =	ssyncset.done $0x0  }
0x20: {  	s18 =	ssub.s32 $0x2, s16;
	s17 =	sadd.s32 s17, s15;
	[sflag:s7] =	ssyncadd.s32 $0xFFFFC000  }
0x21: {  	s31 =	sshrl.u32 s18, $0x1;
	s15 =	sadd.s32 $0xBA00, s17;
	_ =	swait.ge [sflag:s14], $0x4000  }
0x22: {  	s16 =	sadd.s32 $0x2BA00, s17;
	s17 =	ssub.s32 s18, s31;
	[sflag:s14] =	ssyncset.done $0x0  }
0x23: {  	s17 =	smax.u32 s17, $0x1;
	[sflag:s14] =	ssyncadd.s32 $0xFFFFC000  }
0x24: {  	[hbm4b:s15+s3] =	stream.linear.scatter [tilespmem:s9], [sflag:$0x1], $0x8000, $0x38;
	[tilespmem:$0x10200] =	vst v63  }
0x25: {  	p0 =	sne.s32 s17, $0x1  }
0x26: {  	[hbm4b:s16+s3] =	stream.linear.scatter [tilespmem:s10], [sflag:$0x2], $0x8000, $0x38;
	[tilespmem:$0x10200] =	vst v63  }
.Ltmp0:
0x27: {  	_ =	swait.ge [sflag:s7], $0x8000;
	(pc) =	sbr.rel @!p0 .LBB2_2-.Ltmp0, $4  }
0x28: {  	[sflag:s7] =	ssyncset.done $0x0  }
0x29: {  	[sflag:s7] =	ssyncadd.s32 $0xFFFF8000  }
0x2a: {  	_ =	swait.ge [sflag:s14], $0x8000  }
0x2b: {  	s17 =	sadd.s32 $0xFFFFFFFF, s17;
	[sflag:s14] =	ssyncset.done $0x0  }
.LBB2_1:
0x2c: {  	p0 =	sne.s32 s17, $0x1;
	s17 =	sadd.s32 $0xFFFFFFFF, s17;
	[sflag:s14] =	ssyncadd.s32 $0xFFFF8000  }
0x2d: {  	[tilespmem:s3], [sflag:$0x1] =	stream.linear.gather [hbm4b:s4+s3], $0x100, $0x38;
	[tilespmem:$0x10200] =	vst v63  }
0x2e: {  	_ = 	snop  }
0x2f: {  	[tilespmem:s6], [sflag:$0x1] =	stream.linear.gather [hbm4b:s5+s3], $0x100, $0x38;
	[tilespmem:$0x10200] =	vst v63  }
0x30: {  	_ =	swait.ge [sflag:s7], $0x100  }
0x31: {  	[sflag:s7] =	ssyncset.done $0x0  }
0x32: {  	[sflag:s7] =	ssyncadd.s32 $0xFFFFFF00  }
0x33: {  	_ =	swait.ge [sflag:s7], $0x100  }
0x34: {  	[sflag:s7] =	ssyncset.done $0x0  }
0x35: {  	[sflag:s7] =	ssyncadd.s32 $0xFFFFFF00  }
0x36: {  	[tilespmem:s9], [sflag:$0x1] =	stream.indirect.gather [hbm4b:s1+s8], $0x80, s3, s8, $0xb8;
	[tilespmem:$0x10200] =	vst v63  }
0x37: {  	_ = 	snop  }
0x38: {  	[tilespmem:s10], [sflag:$0x2] =	stream.indirect.gather [hbm4b:s1+s8], $0x80, s6, s8, $0xb8;
	[tilespmem:$0x10200] =	vst v63  }
0x39: {  	_ = 	snop  }
0x3a: {  	[tilespmem:s11], [sflag:$0x1] =	stream.indirect.gather [hbm4b:s1+s8], $0x80, s8, s8, $0xb8;
	[tilespmem:$0x10200] =	vst v63  }
0x3b: {  	_ = 	snop  }
0x3c: {  	[tilespmem:s13], [sflag:$0x2] =	stream.indirect.gather [hbm4b:s1+s8], $0x80, s12, s8, $0xb8;
	[tilespmem:$0x10200] =	vst v63  }
0x3d: {  	_ =	swait.ge [sflag:s7], $0x4000  }
0x3e: {  	[sflag:s7] =	ssyncset.done $0x0  }
0x3f: {  	[sflag:s7] =	ssyncadd.s32 $0xFFFFC000  }
0x40: {  	_ =	swait.ge [sflag:s14], $0x4000  }
0x41: {  	[sflag:s14] =	ssyncset.done $0x0  }
0x42: {  	[sflag:s14] =	ssyncadd.s32 $0xFFFFC000  }
0x43: {  	_ =	swait.ge [sflag:s7], $0x4000  }
0x44: {  	[sflag:s7] =	ssyncset.done $0x0  }
0x45: {  	[sflag:s7] =	ssyncadd.s32 $0xFFFFC000  }
0x46: {  	_ =	swait.ge [sflag:s14], $0x4000  }
0x47: {  	[sflag:s14] =	ssyncset.done $0x0  }
0x48: {  	[sflag:s14] =	ssyncadd.s32 $0xFFFFC000  }
0x49: {  	[hbm4b:s15+s3] =	stream.linear.scatter [tilespmem:s9], [sflag:$0x1], $0x8000, $0x38;
	[tilespmem:$0x10200] =	vst v63  }
0x4a: {  	_ = 	snop  }
0x4b: {  	[hbm4b:s16+s3] =	stream.linear.scatter [tilespmem:s10], [sflag:$0x2], $0x8000, $0x38;
	[tilespmem:$0x10200] =	vst v63  }
.Ltmp1:
0x4c: {  	_ =	swait.ge [sflag:s7], $0x8000;
	(pc) =	sbr.rel @p0 .LBB2_1-.Ltmp1, $4  }
0x4d: {  	[sflag:s7] =	ssyncset.done $0x0  }
0x4e: {  	[sflag:s7] =	ssyncadd.s32 $0xFFFF8000  }
0x4f: {  	_ =	swait.ge [sflag:s14], $0x8000  }
0x50: {  	[sflag:s14] =	ssyncset.done $0x0  }
.LBB2_2:
0x51: {  	[sflag:s14] =	ssyncadd.s32 $0xFFFF8000  }
0x52: {  	_ =	sfence.sel $0x180000  }
0x53: {  	[bflag:$0x0] =	sbarrier.arrive $0xFFFF  }
0x54: {  	p0 =	sne.s32 s0, $0x0;
	_ =	strace $0x90000047  }
0x55: {  	s0 =	sadd.s32 @!p0 $0x100000, s2;
	[bflag:$0x2] =	sbarrier.arrive $0xFFFF  }
0x56: {  	[sflag:s0] =	ssyncadd.tile.s32 @!p0 $0x1;
	_ =	shalt  }
.Lfunc_end2:
_tile_overlayer_lowered:
.L_overlay_start_2:
0x57: {  	(tag) =	ssettag $0x2  }
0x58: {  	s0 =	rddreg [dreg:$0x0];
	s2 =	stileid.u32  }
0x59: {  	s1 =	rddreg [dreg:$0x1];
	p0 =	sne.s32 s2, $0x0  }
0x5a: {  	s3 =	rddreg [dreg:$0x2];
	[bflag:$0x3] =	sbarrier.arrive $0xFFFF;
	s2 =	simm.s32 @!p0 $0x1C03  }
0x5b: {  	[timem:s3], [sflag:s2] =	dma.local @!p0 [hbm:s0], s1  }
0x5c: {  	s0 =	simm.s32 @!p0 $0x3  }
0x5d: {  	_ =	swait.ge @!p0 [sflag:s0], s1  }
0x5e: {  	s1 =	ssub.s32 @!p0 $0x0, s1;
	[sflag:s0] =	ssyncset.done @!p0 $0x0  }
0x5f: {  	[sflag:s0] =	ssyncadd.s32 @!p0 s1  }
0x60: {  	[bflag:$0x3] =	sbarrier.arrive $0xFFFF  }
0x61: {  	_ =	shalt  }

// kernel: kernel.18.cloned.1.call-start
scs
__scs_entry_jumppad:
0x0: {  	(pc) =	sbr.rel $0x88, $3  }
0x1: {  	(tag) =	ssettag $0x0;
	lr =	simm.s32 $0x1  }
0x2: {  	[smem:$0x3F89] =	sst lr;
	_ =	strace $0xD0000000  }
0x3: {  	_ = 	snop  }
0x4: {  	_ = 	snop  }
0x5: {  	_ = 	snop  }
0x6: {  	_ = 	snop  }
0x7: {  	_ = 	snop  }
__scs_overlays_trampoline_lowered:
0x8: {  	[smem:$0x3F98] =	sst s0  }
0x9: {  	[smem:$0x3F99] =	sst s1  }
0xa: {  	[smem:$0x3F9A] =	sst s2  }
0xb: {  	[smem:$0x3F9B] =	sst s3  }
0xc: {  	[smem:$0x3F9C] =	sst s4  }
0xd: {  	[smem:$0x3F9D] =	sst s5  }
0xe: {  	[smem:$0x3F9E] =	sst s6  }
0xf: {  	[smem:$0x3F9F] =	sst s7  }
0x10: {  	[smem:$0x3FA0] =	sst s8  }
0x11: {  	[smem:$0x3FA1] =	sst s9;
	s0 =	simm.s32 @!p0 $0x0  }
0x12: {  	s1 =	sld [smem:$0x3F87];
	s0 =	simm.s32 @p0 $0x1  }
0x13: {  	[smem:$0x3FA2] =	sst s0;
	s0 =	simm.s32 @!p1 $0x0  }
0x14: {  	s2 =	sld [smem:$0x3F86];
	s0 =	simm.s32 @p1 $0x1  }
0x15: {  	[smem:$0x3FA3] =	sst s0;
	s0 =	simm.s32 @!p2 $0x0  }
0x16: {  	s3 =	sld [smem:$0x3FDB];
	s0 =	simm.s32 @p2 $0x1  }
0x17: {  	s4 =	simm.s32 $0x1BF5;
	[smem:$0x3FA5] =	sst s0  }
0x18: {  	s0 =	sld [smem:$0x3F88];
	_ =	swait.ge [sflag:s4], $0x0  }
0x19: {  	s7 =	sld [smem:$0x3F89]  }
0x1a: {  	s8 =	sadd.s32 $0xFFFFE003, lr  }
0x1b: {  	s9 =	sadd.s32 $0xFFFFFEF7, lr;
	s5 =	simm.s32 $0xFFFFFFFF;
	p2 =	slt.u32 s8, $0xFFFFF086  }
0x1c: {  	p1 =	slt.u32 s9, $0xF7A;
	s5 =	simm.s32 @!p2 $0x0  }
0x1d: {  	s5 =	simm.s32 @p1 $0x1;
	p0 =	seq.s32 s7, s2  }
0x1e: {  	s7 =	smul.u32 @!p0 $0xF7A, s2;
	p2 =	seq.s32 @!p0 s5, $0x0  }
0x1f: {  	s9 =	smul.u32 $0xF7A, s1;
	s8 =	simm.s32 @!p0 $0x1BF5;
	p2 =	por !p2, p0  }
0x20: {  	[sflag:s8] =	ssyncset.s32 @!p0 $0xFFFFF086;
	s6 =	sadd.s32 @!p0 s3, s7;
	s7 =	simm.s32 @!p0 $0x108  }
0x21: {  	s3 =	sadd.s32 s3, s9;
	s6 =	sadd.s32 @!p0 $0x88, s6;
	s7 =	simm.s32 @p2 $0x1082  }
0x22: {  	[simem:s7], [sflag:s8] =	dma.local @!p0 [hbm:s6], $0xF7A  }
0x23: {  	s9 =	sor.u32 $0xD0000000, s2;
	s6 =	simm.s32 $0x108;
	_ =	swait.ge @!p0 [sflag:s8], $0x0  }
0x24: {  	s3 =	sadd.s32 $0x88, s3;
	s6 =	simm.s32 @!p1 $0x1082;
	[sflag:s4] =	ssyncset.s32 $0xFFFFF086  }
0x25: {  	[simem:s6], [sflag:s4] =	dma.local [hbm:s3], $0xF7A  }
0x26: {  	[smem:$0x3F89] =	sst s1;
	(tag) =	ssettag s2;
	_ =	strace s9  }
0x27: {  	s1 =	sld [smem:$0x3F99]  }
0x28: {  	s2 =	sld [smem:$0x3F9A]  }
0x29: {  	s4 =	sld [smem:$0x3F9C]  }
0x2a: {  	p0 =	seq.s32 s5, $0x0;
	s5 =	sld [smem:$0x3F9D]  }
0x2b: {  	s6 =	sld [smem:$0x3F9E]  }
0x2c: {  	s7 =	sld [smem:$0x3F9F]  }
0x2d: {  	s3 =	simm.s32 $0x108;
	s8 =	sld [smem:$0x3FA0]  }
0x2e: {  	s3 =	simm.s32 @!p0 $0x1082;
	s9 =	sld [smem:$0x3FA1]  }
0x2f: {  	lr =	sadd.s32 s0, s3;
	s0 =	sld [smem:$0x3F98]  }
0x30: {  	s3 =	sld [smem:$0x3F9B]  }
0x31: {  	[smem:$0x3FA4] =	sst s10  }
0x32: {  	s10 =	sld [smem:$0x3FA2];
	_ =	sdelay $0x3  }
0x33: {  	p0 =	seq.s32 s10, $0x1;
	s10 =	sld [smem:$0x3FA4];
	_ =	sdelay $0x3  }
0x34: {  	[smem:$0x3FA4] =	sst s10  }
0x35: {  	s10 =	sld [smem:$0x3FA3];
	_ =	sdelay $0x3  }
0x36: {  	p1 =	seq.s32 s10, $0x1;
	s10 =	sld [smem:$0x3FA4];
	_ =	sdelay $0x3  }
0x37: {  	[smem:$0x3FA4] =	sst s10  }
0x38: {  	s10 =	sld [smem:$0x3FA5]  }
0x39: {  	_ = 	snop;
	(pc) =	sbr.ind lr, $3  }
0x3a: {  	_ = 	snop  }
0x3b: {  	_ = 	snop  }
0x3c: {  	p2 =	seq.s32 s10, $0x1;
	s10 =	sld [smem:$0x3FA4]  }
0x3d: {  	_ =	shalt  }
0x3e: {  	_ =	shalt  }
0x3f: {  	_ =	shalt  }
0x40: {  	_ =	shalt  }
0x41: {  	_ =	shalt  }
0x42: {  	_ =	shalt  }
0x43: {  	_ =	shalt  }
0x44: {  	_ =	shalt  }
0x45: {  	_ =	shalt  }
0x46: {  	_ =	shalt  }
0x47: {  	_ =	shalt  }
0x48: {  	_ =	shalt  }
0x49: {  	_ =	shalt  }
0x4a: {  	_ =	shalt  }
0x4b: {  	_ =	shalt  }
0x4c: {  	_ =	shalt  }
0x4d: {  	_ =	shalt  }
0x4e: {  	_ =	shalt  }
0x4f: {  	_ =	shalt  }
0x50: {  	_ =	shalt  }
0x51: {  	_ =	shalt  }
0x52: {  	_ =	shalt  }
0x53: {  	_ =	shalt  }
0x54: {  	_ =	shalt  }
0x55: {  	_ =	shalt  }
0x56: {  	_ =	shalt  }
0x57: {  	_ =	shalt  }
0x58: {  	_ =	shalt  }
0x59: {  	_ =	shalt  }
0x5a: {  	_ =	shalt  }
0x5b: {  	_ =	shalt  }
0x5c: {  	_ =	shalt  }
0x5d: {  	_ =	shalt  }
0x5e: {  	_ =	shalt  }
0x5f: {  	_ =	shalt  }
0x60: {  	_ =	shalt  }
0x61: {  	_ =	shalt  }
0x62: {  	_ =	shalt  }
0x63: {  	_ =	shalt  }
0x64: {  	_ =	shalt  }
0x65: {  	_ =	shalt  }
0x66: {  	_ =	shalt  }
0x67: {  	_ =	shalt  }
0x68: {  	_ =	shalt  }
0x69: {  	_ =	shalt  }
0x6a: {  	_ =	shalt  }
0x6b: {  	_ =	shalt  }
0x6c: {  	_ =	shalt  }
0x6d: {  	_ =	shalt  }
0x6e: {  	_ =	shalt  }
0x6f: {  	_ =	shalt  }
0x70: {  	_ =	shalt  }
0x71: {  	_ =	shalt  }
0x72: {  	_ =	shalt  }
0x73: {  	_ =	shalt  }
0x74: {  	_ =	shalt  }
0x75: {  	_ =	shalt  }
0x76: {  	_ =	shalt  }
0x77: {  	_ =	shalt  }
0x78: {  	_ =	shalt  }
0x79: {  	_ =	shalt  }
0x7a: {  	_ =	shalt  }
0x7b: {  	_ =	shalt  }
0x7c: {  	_ =	shalt  }
0x7d: {  	_ =	shalt  }
0x7e: {  	_ =	shalt  }
0x7f: {  	_ =	shalt  }
0x80: {  	_ =	shalt  }
0x81: {  	_ =	shalt  }
0x82: {  	_ =	shalt  }
0x83: {  	_ =	shalt  }
0x84: {  	_ =	shalt  }
0x85: {  	_ =	shalt  }
0x86: {  	_ =	shalt  }
0x87: {  	_ =	shalt  }
.Lfunc_end0:
.L_simem_size_0:
called_computation.1_lowered:
.L_overlay_start_0:
0x88: {  	s2 =	sld [smem:$0x3FD9]  }
0x89: {  	s3 =	sld [smem:$0x3FFE];
	_ =	sdelay $0x1  }
0x8a: {  	s1 =	srdreg.scid  }
0x8b: {  	s0 =	sand.u32 $0x1, s1  }
0x8c: {  	s14 =	sshll.u32 s0, $0xA;
	s2 =	sadd.s32 s3, s2  }
0x8d: {  	s2 =	sadd.s32 s2, s14  }
0x8e: {  	[smem:$0x3FB0] =	sst s2  }
0x8f: {  	_ = 	snop  }
0x90: {  	s2 =	sld [smem:$0x3FD0];
	_ =	sdelay $0x2  }
0x91: {  	s4 =	simm.s32 $0xA;
	s5 =	simm.s32 $0x10;
	s15 =	sld [smem:$0x3FC7]  }
0x92: {  	[smem:s5], [sflag:s4] =	dma.local [hbm:s2], $0x1  }
0x93: {  	_ =	swait.eq [sflag:s4], $0x1  }
0x94: {  	[sflag:s4] =	ssyncset.done $0x0  }
0x95: {  	[sflag:s4] =	ssyncadd.s32 $0xFFFFFFFF  }
0x96: {  	s16 =	sld [smem:$0x10];
	(tm) =	ssettm $0x1  }
0x97: {  	s17 =	sld [smem:$0x3FFB];
	_ =	sdelay $0x3  }
0x98: {  	_ =	strace s17  }
0x99: {  	s4 =	sld [smem:$0x3FFC];
	_ =	sdelay $0x3  }
0x9a: {  	_ =	strace s4  }
0x9b: {  	s4 =	sld [smem:$0x3FFD];
	_ =	sdelay $0x3  }
0x9c: {  	_ =	strace s4  }
0x9d: {  	_ =	strace $0x8FFFFFFF  }
0x9e: {  	s18 =	sld [smem:$0x3FDB];
	_ =	sdelay $0x1  }
0x9f: {  	s19 =	simm.s32 $_scs_section_size  }
0xa0: {  	s6 =	simm.s32 $_size__tile_overlayer_lowered;
	s7 =	simm.s32 $_tile_overlayer_lowered  }
0xa1: {  	s22 =	simm.s32 $0x1BFF;
	s21 =	sshll.u32 s7, $0x1;
	s4 =	sadd.s32 s19, s18  }
0xa2: {  	s8 =	simm.s32 $0x0;
	s20 =	sshll.u32 s6, $0x1;
	s6 =	sadd.s32 s21, s4  }
0xa3: {  	[timem:s8], [sflag:s22] =	dma.local [hbm:s6], s20  }
0xa4: {  	_ =	swait.ge [sflag:s22], s20  }
0xa5: {  	s5 =	ssub.s32 $0x0, s20;
	[sflag:s22] =	ssyncset.done $0x0  }
0xa6: {  	[sflag:s22] =	ssyncadd.s32 s5;
	_ =	sdelay $0x1  }
0xa7: {  	s23 =	simm.s32 $0x1B8B  }
0xa8: {  	_ =	swait.ge [sflag:s23], $0x1  }
0xa9: {  	[sflag:s23] =	ssyncset.done $0x0  }
0xaa: {  	s25 =	simm.s32 $0x1B8E;
	s24 =	sld [smem:$0x3FFE];
	[sflag:s23] =	ssyncadd.s32 $0xFFFFFFFF  }
0xab: {  	s26 =	simm.s32 $execute0_lowered;
	[smem:$0x3FD2] =	sst s25  }
0xac: {  	s6 =	sshll.u32 s26, $0x1;
	_ =	strace $0x80000049;
	[dreg:$0x1] =	wrdreg $0xFFFFFFFF  }
0xad: {  	s28 =	simm.s32 $_size_execute0_lowered;
	s4 =	sadd.s32 s4, s6;
	[dreg:$0x0] =	wrdreg $0x0  }
0xae: {  	s6 =	sshll.u32 s28, $0x1;
	[dreg:$0x2] =	wrdreg s4  }
0xaf: {  	[dreg:$0x3] =	wrdreg s6  }
0xb0: {  	[dreg:$0x4] =	wrdreg $0xC0  }
0xb1: {  	_ =	task [dreg:s8], $0x5FFFF  }
0xb2: {  	[dreg:$0x1] =	wrdreg $0xFFFFFFFF  }
0xb3: {  	[dreg:$0x0] =	wrdreg $0x60  }
0xb4: {  	[dreg:$0x2] =	wrdreg s24  }
0xb5: {  	[dreg:$0x3] =	wrdreg s15  }
0xb6: {  	[dreg:$0x4] =	wrdreg s16  }
0xb7: {  	[dreg:$0x5] =	wrdreg $0x102000  }
0xb8: {  	[dreg:$0x6] =	wrdreg $0x142800  }
0xb9: {  	[dreg:$0x7] =	wrdreg $0x9  }
0xba: {  	_ =	task.clear_ibuf [dreg:s8], $0x8FFFF;
	_ =	strace $0x90000049  }
0xbb: {  	s29 =	simm.s32 $0x9;
	_ =	strace $0x8000004B  }
0xbc: {  	_ =	swait.ge [sflag:s29], $0x1  }
0xbd: {  	[sflag:s29] =	ssyncadd.s32 $0xFFFFFFFF  }
0xbe: {  	_ =	strace $0x9000004B  }
0xbf: {  	_ =	sfence  }
0xc0: {  	s30 =	sld [smem:$0x0];
	_ =	sdelay $0x2  }
0xc1: {  	s31 =	sshll.u32 s1, $0xD;
	s1 =	sshrl.u32 s1, $0x2  }
0xc2: {  	s3 =	sand.u32 $0x4000, s31;
	s1 =	sadd.s32 s1, s30  }
0xc3: {  	s0 =	sor.u32 s3, s0;
	s1 =	sshll.u32 s1, $0x11  }
0xc4: {  	s0 =	sor.u32 s1, s0  }
0xc5: {  	s0 =	sadd.s32 $0x8F2B, s0  }
0xc6: {  	[sflag:s0] =	ssyncadd.remote.s32 $0x1  }
0xc7: {  	_ =	sfence.sel $0xFFFF  }
0xc8: {  	[dreg:$0x0] =	wrdreg $0xFFFFFFFF;
	(pc) =	sbr.abs _section_cstart, $3  }
0xc9: {  	[dreg:$0x1] =	wrdreg $0xFFFFFFFF  }
0xca: {  	_ =	task.clear_ibuf [dreg:s8], $0x2FFFF;
	_ =	strace $0x9FFFFFFF  }
0xcb: {  	(tm) =	ssettm $0x7FFFFFFF  }
tec
execute0_lowered:
.L_overlay_start_1:
0x0: {  	(tag) =	ssettag $0x1  }
0x1: {  	s24 =	rddreg [dreg:$0x0]  }
0x2: {  	s7 =	rddreg [dreg:$0x1]  }
0x3: {  	s10 =	rddreg [dreg:$0x2]  }
0x4: {  	s2 =	rddreg [dreg:$0x3]  }
0x5: {  	s3 =	rddreg [dreg:$0x4]  }
0x6: {  	s0 =	rddreg [dreg:$0x5]  }
0x7: {  	s4 =	simm.s32 $0x0;
	s5 =	srdreg.scid;
	s1 =	stileid.u32  }
0x8: {  	[smem:$0x7FF] =	sst s4;
	s23 =	sand.u32 $0x1, s5;
	s28 =	sshll.u32 s1, $0x1  }
0x9: {  	s25 =	sshll.u32 s1, $0xB;
	s9 =	sshll.u32 s1, $0xE;
	s22 =	sshll.u32 s1, $0x6  }
0xa: {  	_ =	strace $0x8000004A;
	s8 =	sor.u32 s23, s28;
	s29 =	sadd.s32 s25, s24  }
0xb: {  	s12 =	sadd.s32 s9, s2;
	s6 =	sor.u32 $0x1C01, s22;
	s9 =	sadd.s32 s9, s3  }
0xc: {  	s11 =	sshll.u32 s8, $0xC;
	s5 =	sadd.s32 $0x6C000, s29;
	s13 =	sshll.u32 s8, $0x5  }
0xd: {  	s8 =	sshrl.u32 s12, $0x3;
	s9 =	sshrl.u32 s9, $0x3;
	s7 =	sadd.s32 s7, s13  }
0xe: {  	[spmem:s8], [sflag:s6] =	dma.local [hbm:s5], $0x800  }
0xf: {  	[spmem:s9], [sflag:s6] =	dma.local [hbm:s5], $0x800  }
0x10: {  	[tilespmem:s4], [sflag:$0x1] =	stream.linear.gather [hbm4b:s7+s4], $0x100, $0x38;
	[tilespmem:$0x18300] =	vst v63  }
0x11: {  	s14 =	sadd.s32 s11, s24;
	s10 =	sadd.s32 s10, s13;
	s11 =	simm.s32 $0x100  }
0x12: {  	[tilespmem:s11], [sflag:$0x1] =	stream.linear.gather [hbm4b:s10+s4], $0x100, $0x38;
	[tilespmem:$0x18300] =	vst v63  }
0x13: {  	s13 =	simm.s32 $0x200;
	s12 =	sadd.s32 $0xBA00, s14  }
0x14: {  	[tilespmem:s13], [sflag:$0x1] =	stream.linear.gather [hbm4b:s12+s4], $0x8000, $0x38;
	[tilespmem:$0x18300] =	vst v63  }
0x15: {  	s15 =	simm.s32 $0x8200;
	s16 =	simm.s32 $0x1;
	s14 =	sadd.s32 $0x2BA00, s14  }
0x16: {  	[tilespmem:s15], [sflag:$0x1] =	stream.linear.gather [hbm4b:s14+s4], $0x8000, $0x38;
	[tilespmem:$0x18300] =	vst v63  }
0x17: {  	_ =	swait.ge [sflag:s16], $0x800  }
0x18: {  	[sflag:s16] =	ssyncset.done $0x0  }
0x19: {  	[sflag:s16] =	ssyncadd.s32 $0xFFFFF800  }
0x1a: {  	_ =	swait.ge [sflag:s16], $0x800  }
0x1b: {  	[sflag:s16] =	ssyncset.done $0x0  }
0x1c: {  	[sflag:s16] =	ssyncadd.s32 $0xFFFFF800  }
0x1d: {  	_ =	swait.ge [sflag:s16], $0x100  }
0x1e: {  	[sflag:s16] =	ssyncset.done $0x0  }
0x1f: {  	[sflag:s16] =	ssyncadd.s32 $0xFFFFFF00  }
0x20: {  	_ =	swait.ge [sflag:s16], $0x100  }
0x21: {  	[sflag:s16] =	ssyncset.done $0x0  }
0x22: {  	[sflag:s16] =	ssyncadd.s32 $0xFFFFFF00  }
0x23: {  	_ =	swait.ge [sflag:s16], $0x8000  }
0x24: {  	[sflag:s16] =	ssyncset.done $0x0  }
0x25: {  	[sflag:s16] =	ssyncadd.s32 $0xFFFF8000  }
0x26: {  	_ =	swait.ge [sflag:s16], $0x8000  }
0x27: {  	[sflag:s16] =	ssyncset.done $0x0  }
0x28: {  	[sflag:s16] =	ssyncadd.s32 $0xFFFF8000  }
0x29: {  	s17 =	simm.s32 $0x80;
	[bflag:$0x0] =	sbarrier.arrive $0xFFFF  }
0x2a: {  	[spmem:s2] =	stream.indirect.scatter.add.f32 [tilespmem:s13], [sflag:$0x1], $0x80, s4, s17, $0xb8;
	[tilespmem:$0x18300] =	vst v63  }
0x2b: {  	_ = 	snop  }
0x2c: {  	[spmem:s2] =	stream.indirect.scatter.add.f32 [tilespmem:s13], [sflag:$0x1], $0x80, s11, s17, $0xb8;
	[tilespmem:$0x18300] =	vst v63  }
0x2d: {  	_ = 	snop  }
0x2e: {  	[spmem:s3] =	stream.indirect.scatter.add.f32 [tilespmem:s15], [sflag:$0x1], $0x80, s4, s17, $0xb8;
	[tilespmem:$0x18300] =	vst v63  }
0x2f: {  	_ = 	snop  }
0x30: {  	[spmem:s3] =	stream.indirect.scatter.add.f32 [tilespmem:s15], [sflag:$0x1], $0x80, s11, s17, $0xb8;
	[tilespmem:$0x18300] =	vst v63  }
0x31: {  	s18 =	simm.s32 $0x4200  }
0x32: {  	[spmem:s2] =	stream.indirect.scatter.add.f32 [tilespmem:s18], [sflag:$0x1], $0x80, s17, s17, $0xb8;
	[tilespmem:$0x18300] =	vst v63  }
0x33: {  	s19 =	simm.s32 $0x180  }
0x34: {  	[spmem:s2] =	stream.indirect.scatter.add.f32 [tilespmem:s18], [sflag:$0x1], $0x80, s19, s17, $0xb8;
	[tilespmem:$0x18300] =	vst v63  }
0x35: {  	s20 =	simm.s32 $0xC200  }
0x36: {  	[spmem:s3] =	stream.indirect.scatter.add.f32 [tilespmem:s20], [sflag:$0x1], $0x80, s17, s17, $0xb8;
	[tilespmem:$0x18300] =	vst v63  }
0x37: {  	_ = 	snop  }
0x38: {  	[spmem:s3] =	stream.indirect.scatter.add.f32 [tilespmem:s20], [sflag:$0x1], $0x80, s19, s17, $0xb8;
	[tilespmem:$0x18300] =	vst v63  }
0x39: {  	_ =	swait.ge [sflag:s16], $0x4000  }
0x3a: {  	[sflag:s16] =	ssyncset.done $0x0  }
0x3b: {  	[sflag:s16] =	ssyncadd.s32 $0xFFFFC000  }
0x3c: {  	_ =	swait.ge [sflag:s16], $0x4000  }
0x3d: {  	[sflag:s16] =	ssyncset.done $0x0  }
0x3e: {  	[sflag:s16] =	ssyncadd.s32 $0xFFFFC000  }
0x3f: {  	_ =	swait.ge [sflag:s16], $0x4000  }
0x40: {  	[sflag:s16] =	ssyncset.done $0x0  }
0x41: {  	[sflag:s16] =	ssyncadd.s32 $0xFFFFC000  }
0x42: {  	_ =	swait.ge [sflag:s16], $0x4000  }
0x43: {  	[sflag:s16] =	ssyncset.done $0x0  }
0x44: {  	[sflag:s16] =	ssyncadd.s32 $0xFFFFC000  }
0x45: {  	_ =	swait.ge [sflag:s16], $0x4000  }
0x46: {  	[sflag:s16] =	ssyncset.done $0x0  }
0x47: {  	[sflag:s16] =	ssyncadd.s32 $0xFFFFC000  }
0x48: {  	_ =	swait.ge [sflag:s16], $0x4000  }
0x49: {  	[sflag:s16] =	ssyncset.done $0x0  }
0x4a: {  	[sflag:s16] =	ssyncadd.s32 $0xFFFFC000  }
0x4b: {  	s21 =	sadd.s32 $0x74000, s24;
	_ =	swait.ge [sflag:s16], $0x4000  }
0x4c: {  	s26 =	sadd.s32 $0x7C000, s24;
	p0 =	seq.s32 s23, $0x1;
	[sflag:s16] =	ssyncset.done $0x0  }
0x4d: {  	s22 =	sor.u32 $0x1C02, s22;
	s30 =	ssub.s32 $0x2, s23;
	[sflag:s16] =	ssyncadd.s32 $0xFFFFC000  }
0x4e: {  	s28 =	sadd.s32 $0x84000, s24;
	s23 =	simm.s32 $0x2;
	_ =	swait.ge [sflag:s16], $0x4000  }
0x4f: {  	s21 =	smov.u32 @p0 s26;
	s29 =	sshrl.u32 s30, $0x1;
	[sflag:s16] =	ssyncset.done $0x0  }
0x50: {  	s21 =	sadd.s32 s21, s25;
	s26 =	ssub.s32 s30, s29;
	[sflag:s16] =	ssyncadd.s32 $0xFFFFC000  }
0x51: {  	s24 =	sadd.s32 $0x8C000, s24;
	s31 =	smax.u32 s26, $0x1;
	[bflag:$0x0] =	sbarrier.arrive $0xFFFF  }
0x52: {  	[hbm:s21], [sflag:s22] =	dma.local [spmem:s8], $0x800  }
0x53: {  	s28 =	smov.u32 @p0 s24;
	p0 =	sne.s32 s31, $0x1;
	_ =	swait.ge [sflag:s23], $0x800  }
.Ltmp0:
0x54: {  	[sflag:s23] =	ssyncset.done $0x0;
	(pc) =	sbr.rel @!p0 .LBB2_2-.Ltmp0, $4  }
0x55: {  	s24 =	sadd.s32 s28, s25;
	[sflag:s23] =	ssyncadd.s32 $0xFFFFF800  }
0x56: {  	[hbm:s24], [sflag:s22] =	dma.local [spmem:s9], $0x800  }
0x57: {  	_ =	swait.ge [sflag:s23], $0x800  }
0x58: {  	s25 =	sadd.s32 $0xFFFFFFFF, s31;
	[sflag:s23] =	ssyncset.done $0x0  }
.LBB2_1:
0x59: {  	p0 =	sne.s32 s25, $0x1;
	s25 =	sadd.s32 $0xFFFFFFFF, s25;
	[sflag:s23] =	ssyncadd.s32 $0xFFFFF800  }
0x5a: {  	[spmem:s8], [sflag:s6] =	dma.local [hbm:s5], $0x800  }
0x5b: {  	[spmem:s9], [sflag:s6] =	dma.local [hbm:s5], $0x800  }
0x5c: {  	[tilespmem:s4], [sflag:$0x1] =	stream.linear.gather [hbm4b:s7+s4], $0x100, $0x38;
	[tilespmem:$0x18300] =	vst v63  }
0x5d: {  	_ = 	snop  }
0x5e: {  	[tilespmem:s11], [sflag:$0x1] =	stream.linear.gather [hbm4b:s10+s4], $0x100, $0x38;
	[tilespmem:$0x18300] =	vst v63  }
0x5f: {  	_ = 	snop  }
0x60: {  	[tilespmem:s13], [sflag:$0x1] =	stream.linear.gather [hbm4b:s12+s4], $0x8000, $0x38;
	[tilespmem:$0x18300] =	vst v63  }
0x61: {  	_ = 	snop  }
0x62: {  	[tilespmem:s15], [sflag:$0x1] =	stream.linear.gather [hbm4b:s14+s4], $0x8000, $0x38;
	[tilespmem:$0x18300] =	vst v63  }
0x63: {  	_ =	swait.ge [sflag:s16], $0x800  }
0x64: {  	[sflag:s16] =	ssyncset.done $0x0  }
0x65: {  	[sflag:s16] =	ssyncadd.s32 $0xFFFFF800  }
0x66: {  	_ =	swait.ge [sflag:s16], $0x800  }
0x67: {  	[sflag:s16] =	ssyncset.done $0x0  }
0x68: {  	[sflag:s16] =	ssyncadd.s32 $0xFFFFF800  }
0x69: {  	_ =	swait.ge [sflag:s16], $0x100  }
0x6a: {  	[sflag:s16] =	ssyncset.done $0x0  }
0x6b: {  	[sflag:s16] =	ssyncadd.s32 $0xFFFFFF00  }
0x6c: {  	_ =	swait.ge [sflag:s16], $0x100  }
0x6d: {  	[sflag:s16] =	ssyncset.done $0x0  }
0x6e: {  	[sflag:s16] =	ssyncadd.s32 $0xFFFFFF00  }
0x6f: {  	_ =	swait.ge [sflag:s16], $0x8000  }
0x70: {  	[sflag:s16] =	ssyncset.done $0x0  }
0x71: {  	[sflag:s16] =	ssyncadd.s32 $0xFFFF8000  }
0x72: {  	_ =	swait.ge [sflag:s16], $0x8000  }
0x73: {  	[sflag:s16] =	ssyncset.done $0x0  }
0x74: {  	[sflag:s16] =	ssyncadd.s32 $0xFFFF8000  }
0x75: {  	[bflag:$0x0] =	sbarrier.arrive $0xFFFF  }
0x76: {  	[spmem:s2] =	stream.indirect.scatter.add.f32 [tilespmem:s13], [sflag:$0x1], $0x80, s4, s17, $0xb8;
	[tilespmem:$0x18300] =	vst v63  }
0x77: {  	_ = 	snop  }
0x78: {  	[spmem:s2] =	stream.indirect.scatter.add.f32 [tilespmem:s13], [sflag:$0x1], $0x80, s11, s17, $0xb8;
	[tilespmem:$0x18300] =	vst v63  }
0x79: {  	_ = 	snop  }
0x7a: {  	[spmem:s3] =	stream.indirect.scatter.add.f32 [tilespmem:s15], [sflag:$0x1], $0x80, s4, s17, $0xb8;
	[tilespmem:$0x18300] =	vst v63  }
0x7b: {  	_ = 	snop  }
0x7c: {  	[spmem:s3] =	stream.indirect.scatter.add.f32 [tilespmem:s15], [sflag:$0x1], $0x80, s11, s17, $0xb8;
	[tilespmem:$0x18300] =	vst v63  }
0x7d: {  	_ = 	snop  }
0x7e: {  	[spmem:s2] =	stream.indirect.scatter.add.f32 [tilespmem:s18], [sflag:$0x1], $0x80, s17, s17, $0xb8;
	[tilespmem:$0x18300] =	vst v63  }
0x7f: {  	_ = 	snop  }
0x80: {  	[spmem:s2] =	stream.indirect.scatter.add.f32 [tilespmem:s18], [sflag:$0x1], $0x80, s19, s17, $0xb8;
	[tilespmem:$0x18300] =	vst v63  }
0x81: {  	_ = 	snop  }
0x82: {  	[spmem:s3] =	stream.indirect.scatter.add.f32 [tilespmem:s20], [sflag:$0x1], $0x80, s17, s17, $0xb8;
	[tilespmem:$0x18300] =	vst v63  }
0x83: {  	_ = 	snop  }
0x84: {  	[spmem:s3] =	stream.indirect.scatter.add.f32 [tilespmem:s20], [sflag:$0x1], $0x80, s19, s17, $0xb8;
	[tilespmem:$0x18300] =	vst v63  }
0x85: {  	_ =	swait.ge [sflag:s16], $0x4000  }
0x86: {  	[sflag:s16] =	ssyncset.done $0x0  }
0x87: {  	[sflag:s16] =	ssyncadd.s32 $0xFFFFC000  }
0x88: {  	_ =	swait.ge [sflag:s16], $0x4000  }
0x89: {  	[sflag:s16] =	ssyncset.done $0x0  }
0x8a: {  	[sflag:s16] =	ssyncadd.s32 $0xFFFFC000  }
0x8b: {  	_ =	swait.ge [sflag:s16], $0x4000  }
0x8c: {  	[sflag:s16] =	ssyncset.done $0x0  }
0x8d: {  	[sflag:s16] =	ssyncadd.s32 $0xFFFFC000  }
0x8e: {  	_ =	swait.ge [sflag:s16], $0x4000  }
0x8f: {  	[sflag:s16] =	ssyncset.done $0x0  }
0x90: {  	[sflag:s16] =	ssyncadd.s32 $0xFFFFC000  }
0x91: {  	_ =	swait.ge [sflag:s16], $0x4000  }
0x92: {  	[sflag:s16] =	ssyncset.done $0x0  }
0x93: {  	[sflag:s16] =	ssyncadd.s32 $0xFFFFC000  }
0x94: {  	_ =	swait.ge [sflag:s16], $0x4000  }
0x95: {  	[sflag:s16] =	ssyncset.done $0x0  }
0x96: {  	[sflag:s16] =	ssyncadd.s32 $0xFFFFC000  }
0x97: {  	_ =	swait.ge [sflag:s16], $0x4000  }
0x98: {  	[sflag:s16] =	ssyncset.done $0x0  }
0x99: {  	[sflag:s16] =	ssyncadd.s32 $0xFFFFC000  }
0x9a: {  	_ =	swait.ge [sflag:s16], $0x4000  }
0x9b: {  	[sflag:s16] =	ssyncset.done $0x0  }
0x9c: {  	[sflag:s16] =	ssyncadd.s32 $0xFFFFC000  }
0x9d: {  	[bflag:$0x0] =	sbarrier.arrive $0xFFFF  }
0x9e: {  	[hbm:s21], [sflag:s22] =	dma.local [spmem:s8], $0x800  }
0x9f: {  	_ =	swait.ge [sflag:s23], $0x800  }
.Ltmp1:
0xa0: {  	[sflag:s23] =	ssyncset.done $0x0;
	(pc) =	sbr.rel @p0 .LBB2_1-.Ltmp1, $4  }
0xa1: {  	[sflag:s23] =	ssyncadd.s32 $0xFFFFF800  }
0xa2: {  	[hbm:s24], [sflag:s22] =	dma.local [spmem:s9], $0x800  }
0xa3: {  	_ =	swait.ge [sflag:s23], $0x800  }
0xa4: {  	[sflag:s23] =	ssyncset.done $0x0  }
.LBB2_2:
0xa5: {  	[sflag:s23] =	ssyncadd.s32 $0xFFFFF800  }
0xa6: {  	_ =	sfence.sel $0x180000  }
0xa7: {  	[bflag:$0x0] =	sbarrier.arrive $0xFFFF  }
0xa8: {  	p0 =	sne.s32 s1, $0x0;
	_ =	strace $0x9000004A  }
0xa9: {  	s0 =	sadd.s32 @!p0 $0x100000, s0;
	[bflag:$0x2] =	sbarrier.arrive $0xFFFF  }
0xaa: {  	[sflag:s0] =	ssyncadd.tile.s32 @!p0 $0x1;
	_ =	shalt  }
.Lfunc_end2:
_tile_overlayer_lowered:
.L_overlay_start_2:
0xab: {  	(tag) =	ssettag $0x2  }
0xac: {  	s0 =	rddreg [dreg:$0x0];
	s2 =	stileid.u32  }
0xad: {  	s1 =	rddreg [dreg:$0x1];
	p0 =	sne.s32 s2, $0x0  }
0xae: {  	s3 =	rddreg [dreg:$0x2];
	[bflag:$0x3] =	sbarrier.arrive $0xFFFF;
	s2 =	simm.s32 @!p0 $0x1C02  }
0xaf: {  	[timem:s3], [sflag:s2] =	dma.local @!p0 [hbm:s0], s1  }
0xb0: {  	s0 =	simm.s32 @!p0 $0x2  }
0xb1: {  	_ =	swait.ge @!p0 [sflag:s0], s1  }
0xb2: {  	s1 =	ssub.s32 @!p0 $0x0, s1;
	[sflag:s0] =	ssyncset.done @!p0 $0x0  }
0xb3: {  	[sflag:s0] =	ssyncadd.s32 @!p0 s1  }
0xb4: {  	[bflag:$0x3] =	sbarrier.arrive $0xFFFF  }
0xb5: {  	_ =	shalt  }

// kernel: kernel.21.cloned.1.call-start
scs
__scs_entry_jumppad:
0x0: {  	(pc) =	sbr.rel $0x88, $3  }
0x1: {  	(tag) =	ssettag $0x0;
	lr =	simm.s32 $0x1  }
0x2: {  	[smem:$0x3F89] =	sst lr;
	_ =	strace $0xD0000000  }
0x3: {  	_ = 	snop  }
0x4: {  	_ = 	snop  }
0x5: {  	_ = 	snop  }
0x6: {  	_ = 	snop  }
0x7: {  	_ = 	snop  }
__scs_overlays_trampoline_lowered:
0x8: {  	[smem:$0x3F98] =	sst s0  }
0x9: {  	[smem:$0x3F99] =	sst s1  }
0xa: {  	[smem:$0x3F9A] =	sst s2  }
0xb: {  	[smem:$0x3F9B] =	sst s3  }
0xc: {  	[smem:$0x3F9C] =	sst s4  }
0xd: {  	[smem:$0x3F9D] =	sst s5  }
0xe: {  	[smem:$0x3F9E] =	sst s6  }
0xf: {  	[smem:$0x3F9F] =	sst s7  }
0x10: {  	[smem:$0x3FA0] =	sst s8  }
0x11: {  	[smem:$0x3FA1] =	sst s9;
	s0 =	simm.s32 @!p0 $0x0  }
0x12: {  	s1 =	sld [smem:$0x3F87];
	s0 =	simm.s32 @p0 $0x1  }
0x13: {  	[smem:$0x3FA2] =	sst s0;
	s0 =	simm.s32 @!p1 $0x0  }
0x14: {  	s2 =	sld [smem:$0x3F86];
	s0 =	simm.s32 @p1 $0x1  }
0x15: {  	[smem:$0x3FA3] =	sst s0;
	s0 =	simm.s32 @!p2 $0x0  }
0x16: {  	s3 =	sld [smem:$0x3FDB];
	s0 =	simm.s32 @p2 $0x1  }
0x17: {  	s4 =	simm.s32 $0x1BF5;
	[smem:$0x3FA5] =	sst s0  }
0x18: {  	s0 =	sld [smem:$0x3F88];
	_ =	swait.ge [sflag:s4], $0x0  }
0x19: {  	s7 =	sld [smem:$0x3F89]  }
0x1a: {  	s8 =	sadd.s32 $0xFFFFE003, lr  }
0x1b: {  	s9 =	sadd.s32 $0xFFFFFEF7, lr;
	s5 =	simm.s32 $0xFFFFFFFF;
	p2 =	slt.u32 s8, $0xFFFFF086  }
0x1c: {  	p1 =	slt.u32 s9, $0xF7A;
	s5 =	simm.s32 @!p2 $0x0  }
0x1d: {  	s5 =	simm.s32 @p1 $0x1;
	p0 =	seq.s32 s7, s2  }
0x1e: {  	s7 =	smul.u32 @!p0 $0xF7A, s2;
	p2 =	seq.s32 @!p0 s5, $0x0  }
0x1f: {  	s9 =	smul.u32 $0xF7A, s1;
	s8 =	simm.s32 @!p0 $0x1BF5;
	p2 =	por !p2, p0  }
0x20: {  	[sflag:s8] =	ssyncset.s32 @!p0 $0xFFFFF086;
	s6 =	sadd.s32 @!p0 s3, s7;
	s7 =	simm.s32 @!p0 $0x108  }
0x21: {  	s3 =	sadd.s32 s3, s9;
	s6 =	sadd.s32 @!p0 $0x88, s6;
	s7 =	simm.s32 @p2 $0x1082  }
0x22: {  	[simem:s7], [sflag:s8] =	dma.local @!p0 [hbm:s6], $0xF7A  }
0x23: {  	s9 =	sor.u32 $0xD0000000, s2;
	s6 =	simm.s32 $0x108;
	_ =	swait.ge @!p0 [sflag:s8], $0x0  }
0x24: {  	s3 =	sadd.s32 $0x88, s3;
	s6 =	simm.s32 @!p1 $0x1082;
	[sflag:s4] =	ssyncset.s32 $0xFFFFF086  }
0x25: {  	[simem:s6], [sflag:s4] =	dma.local [hbm:s3], $0xF7A  }
0x26: {  	[smem:$0x3F89] =	sst s1;
	(tag) =	ssettag s2;
	_ =	strace s9  }
0x27: {  	s1 =	sld [smem:$0x3F99]  }
0x28: {  	s2 =	sld [smem:$0x3F9A]  }
0x29: {  	s4 =	sld [smem:$0x3F9C]  }
0x2a: {  	p0 =	seq.s32 s5, $0x0;
	s5 =	sld [smem:$0x3F9D]  }
0x2b: {  	s6 =	sld [smem:$0x3F9E]  }
0x2c: {  	s7 =	sld [smem:$0x3F9F]  }
0x2d: {  	s3 =	simm.s32 $0x108;
	s8 =	sld [smem:$0x3FA0]  }
0x2e: {  	s3 =	simm.s32 @!p0 $0x1082;
	s9 =	sld [smem:$0x3FA1]  }
0x2f: {  	lr =	sadd.s32 s0, s3;
	s0 =	sld [smem:$0x3F98]  }
0x30: {  	s3 =	sld [smem:$0x3F9B]  }
0x31: {  	[smem:$0x3FA4] =	sst s10  }
0x32: {  	s10 =	sld [smem:$0x3FA2];
	_ =	sdelay $0x3  }
0x33: {  	p0 =	seq.s32 s10, $0x1;
	s10 =	sld [smem:$0x3FA4];
	_ =	sdelay $0x3  }
0x34: {  	[smem:$0x3FA4] =	sst s10  }
0x35: {  	s10 =	sld [smem:$0x3FA3];
	_ =	sdelay $0x3  }
0x36: {  	p1 =	seq.s32 s10, $0x1;
	s10 =	sld [smem:$0x3FA4];
	_ =	sdelay $0x3  }
0x37: {  	[smem:$0x3FA4] =	sst s10  }
0x38: {  	s10 =	sld [smem:$0x3FA5]  }
0x39: {  	_ = 	snop;
	(pc) =	sbr.ind lr, $3  }
0x3a: {  	_ = 	snop  }
0x3b: {  	_ = 	snop  }
0x3c: {  	p2 =	seq.s32 s10, $0x1;
	s10 =	sld [smem:$0x3FA4]  }
0x3d: {  	_ =	shalt  }
0x3e: {  	_ =	shalt  }
0x3f: {  	_ =	shalt  }
0x40: {  	_ =	shalt  }
0x41: {  	_ =	shalt  }
0x42: {  	_ =	shalt  }
0x43: {  	_ =	shalt  }
0x44: {  	_ =	shalt  }
0x45: {  	_ =	shalt  }
0x46: {  	_ =	shalt  }
0x47: {  	_ =	shalt  }
0x48: {  	_ =	shalt  }
0x49: {  	_ =	shalt  }
0x4a: {  	_ =	shalt  }
0x4b: {  	_ =	shalt  }
0x4c: {  	_ =	shalt  }
0x4d: {  	_ =	shalt  }
0x4e: {  	_ =	shalt  }
0x4f: {  	_ =	shalt  }
0x50: {  	_ =	shalt  }
0x51: {  	_ =	shalt  }
0x52: {  	_ =	shalt  }
0x53: {  	_ =	shalt  }
0x54: {  	_ =	shalt  }
0x55: {  	_ =	shalt  }
0x56: {  	_ =	shalt  }
0x57: {  	_ =	shalt  }
0x58: {  	_ =	shalt  }
0x59: {  	_ =	shalt  }
0x5a: {  	_ =	shalt  }
0x5b: {  	_ =	shalt  }
0x5c: {  	_ =	shalt  }
0x5d: {  	_ =	shalt  }
0x5e: {  	_ =	shalt  }
0x5f: {  	_ =	shalt  }
0x60: {  	_ =	shalt  }
0x61: {  	_ =	shalt  }
0x62: {  	_ =	shalt  }
0x63: {  	_ =	shalt  }
0x64: {  	_ =	shalt  }
0x65: {  	_ =	shalt  }
0x66: {  	_ =	shalt  }
0x67: {  	_ =	shalt  }
0x68: {  	_ =	shalt  }
0x69: {  	_ =	shalt  }
0x6a: {  	_ =	shalt  }
0x6b: {  	_ =	shalt  }
0x6c: {  	_ =	shalt  }
0x6d: {  	_ =	shalt  }
0x6e: {  	_ =	shalt  }
0x6f: {  	_ =	shalt  }
0x70: {  	_ =	shalt  }
0x71: {  	_ =	shalt  }
0x72: {  	_ =	shalt  }
0x73: {  	_ =	shalt  }
0x74: {  	_ =	shalt  }
0x75: {  	_ =	shalt  }
0x76: {  	_ =	shalt  }
0x77: {  	_ =	shalt  }
0x78: {  	_ =	shalt  }
0x79: {  	_ =	shalt  }
0x7a: {  	_ =	shalt  }
0x7b: {  	_ =	shalt  }
0x7c: {  	_ =	shalt  }
0x7d: {  	_ =	shalt  }
0x7e: {  	_ =	shalt  }
0x7f: {  	_ =	shalt  }
0x80: {  	_ =	shalt  }
0x81: {  	_ =	shalt  }
0x82: {  	_ =	shalt  }
0x83: {  	_ =	shalt  }
0x84: {  	_ =	shalt  }
0x85: {  	_ =	shalt  }
0x86: {  	_ =	shalt  }
0x87: {  	_ =	shalt  }
.Lfunc_end0:
.L_simem_size_0:
called_computation.2_lowered:
.L_overlay_start_0:
0x88: {  	s2 =	sld [smem:$0x3FD9]  }
0x89: {  	s3 =	sld [smem:$0x3FFE];
	_ =	sdelay $0x1  }
0x8a: {  	s1 =	srdreg.scid  }
0x8b: {  	s0 =	sand.u32 $0x1, s1  }
0x8c: {  	s14 =	sshll.u32 s0, $0xA;
	s2 =	sadd.s32 s3, s2  }
0x8d: {  	s2 =	sadd.s32 s2, s14  }
0x8e: {  	[smem:$0x3FB0] =	sst s2  }
0x8f: {  	_ = 	snop  }
0x90: {  	s2 =	sld [smem:$0x3FD0];
	_ =	sdelay $0x1  }
0x91: {  	s15 =	sld [smem:$0x3FC7]  }
0x92: {  	s5 =	simm.s32 $0xA;
	s6 =	simm.s32 $0x10;
	s4 =	sld [smem:$0x3FC6]  }
0x93: {  	[smem:s6], [sflag:s5] =	dma.local [hbm:s2], $0x1  }
0x94: {  	_ =	swait.eq [sflag:s5], $0x1  }
0x95: {  	[sflag:s5] =	ssyncset.done $0x0  }
0x96: {  	[sflag:s5] =	ssyncadd.s32 $0xFFFFFFFF  }
0x97: {  	s16 =	sld [smem:$0x11];
	(tm) =	ssettm $0x1  }
0x98: {  	s17 =	sld [smem:$0x3FFB];
	_ =	sdelay $0x3  }
0x99: {  	_ =	strace s17  }
0x9a: {  	s5 =	sld [smem:$0x3FFC];
	_ =	sdelay $0x3  }
0x9b: {  	_ =	strace s5  }
0x9c: {  	s5 =	sld [smem:$0x3FFD];
	_ =	sdelay $0x3  }
0x9d: {  	_ =	strace s5  }
0x9e: {  	_ =	strace $0x8FFFFFFF  }
0x9f: {  	s18 =	sld [smem:$0x3FDB];
	_ =	sdelay $0x1  }
0xa0: {  	s19 =	simm.s32 $_scs_section_size  }
0xa1: {  	s7 =	simm.s32 $_size__tile_overlayer_lowered;
	s8 =	simm.s32 $_tile_overlayer_lowered  }
0xa2: {  	s22 =	simm.s32 $0x1BFF;
	s21 =	sshll.u32 s8, $0x1;
	s5 =	sadd.s32 s19, s18  }
0xa3: {  	s9 =	simm.s32 $0x0;
	s20 =	sshll.u32 s7, $0x1;
	s7 =	sadd.s32 s21, s5  }
0xa4: {  	[timem:s9], [sflag:s22] =	dma.local [hbm:s7], s20  }
0xa5: {  	_ =	swait.ge [sflag:s22], s20  }
0xa6: {  	s6 =	ssub.s32 $0x0, s20;
	[sflag:s22] =	ssyncset.done $0x0  }
0xa7: {  	[sflag:s22] =	ssyncadd.s32 s6;
	_ =	sdelay $0x1  }
0xa8: {  	s23 =	simm.s32 $0x1B8B  }
0xa9: {  	_ =	swait.ge [sflag:s23], $0x1  }
0xaa: {  	[sflag:s23] =	ssyncset.done $0x0  }
0xab: {  	s25 =	simm.s32 $0x1B8E;
	s24 =	sld [smem:$0x3FFE];
	[sflag:s23] =	ssyncadd.s32 $0xFFFFFFFF  }
0xac: {  	s26 =	simm.s32 $execute0_lowered;
	[smem:$0x3FD2] =	sst s25  }
0xad: {  	s7 =	sshll.u32 s26, $0x1;
	_ =	strace $0x8000004C;
	[dreg:$0x1] =	wrdreg $0xFFFFFFFF  }
0xae: {  	s28 =	simm.s32 $_size_execute0_lowered;
	s5 =	sadd.s32 s5, s7;
	[dreg:$0x0] =	wrdreg $0x0  }
0xaf: {  	s7 =	sshll.u32 s28, $0x1;
	[dreg:$0x2] =	wrdreg s5  }
0xb0: {  	[dreg:$0x3] =	wrdreg s7  }
0xb1: {  	[dreg:$0x4] =	wrdreg $0xC0  }
0xb2: {  	_ =	task [dreg:s9], $0x5FFFF  }
0xb3: {  	[dreg:$0x1] =	wrdreg $0xFFFFFFFF  }
0xb4: {  	[dreg:$0x0] =	wrdreg $0x60  }
0xb5: {  	[dreg:$0x2] =	wrdreg s16  }
0xb6: {  	[dreg:$0x3] =	wrdreg s15  }
0xb7: {  	[dreg:$0x4] =	wrdreg s4  }
0xb8: {  	[dreg:$0x5] =	wrdreg s24  }
0xb9: {  	[dreg:$0x6] =	wrdreg $0x9  }
0xba: {  	_ =	task.clear_ibuf [dreg:s9], $0x7FFFF;
	_ =	strace $0x9000004C  }
0xbb: {  	s29 =	simm.s32 $0x9;
	_ =	strace $0x8000004E  }
0xbc: {  	_ =	swait.ge [sflag:s29], $0x1  }
0xbd: {  	[sflag:s29] =	ssyncadd.s32 $0xFFFFFFFF  }
0xbe: {  	_ =	strace $0x9000004E  }
0xbf: {  	_ =	sfence  }
0xc0: {  	s30 =	sld [smem:$0x0];
	_ =	sdelay $0x2  }
0xc1: {  	s31 =	sshll.u32 s1, $0xD;
	s1 =	sshrl.u32 s1, $0x2  }
0xc2: {  	s3 =	sand.u32 $0x4000, s31;
	s1 =	sadd.s32 s1, s30  }
0xc3: {  	s0 =	sor.u32 s3, s0;
	s1 =	sshll.u32 s1, $0x11  }
0xc4: {  	s0 =	sor.u32 s1, s0  }
0xc5: {  	s0 =	sadd.s32 $0x8F2B, s0  }
0xc6: {  	[sflag:s0] =	ssyncadd.remote.s32 $0x1  }
0xc7: {  	_ =	sfence.sel $0xFFFF  }
0xc8: {  	[dreg:$0x0] =	wrdreg $0xFFFFFFFF;
	(pc) =	sbr.abs _section_cstart, $3  }
0xc9: {  	[dreg:$0x1] =	wrdreg $0xFFFFFFFF  }
0xca: {  	_ =	task.clear_ibuf [dreg:s9], $0x2FFFF;
	_ =	strace $0x9FFFFFFF  }
0xcb: {  	(tm) =	ssettm $0x7FFFFFFF  }
tec
execute0_lowered:
.L_overlay_start_1:
0x0: {  	(tag) =	ssettag $0x1  }
0x1: {  	s1 =	rddreg [dreg:$0x0]  }
0x2: {  	s4 =	rddreg [dreg:$0x1]  }
0x3: {  	s2 =	srdreg.scid;
	s0 =	stileid.u32  }
0x4: {  	s5 =	rddreg [dreg:$0x2];
	s16 =	sand.u32 $0x1, s2;
	s6 =	sshll.u32 s0, $0x1  }
0x5: {  	s15 =	rddreg [dreg:$0x3];
	s3 =	simm.s32 $0x0;
	s17 =	sor.u32 s16, s6  }
0x6: {  	[smem:$0x7FF] =	sst s3;
	s6 =	sshll.u32 s17, $0x5  }
0x7: {  	s2 =	rddreg [dreg:$0x4];
	_ =	strace $0x8000004D;
	s4 =	sadd.s32 s4, s6  }
0x8: {  	[tilespmem:s3], [sflag:$0x1] =	stream.linear.gather [hbm4b:s4+s3], $0x100, $0x38;
	[tilespmem:$0x10200] =	vst v63  }
0x9: {  	s7 =	simm.s32 $0x1;
	s5 =	sadd.s32 s5, s6;
	s6 =	simm.s32 $0x100  }
0xa: {  	[tilespmem:s6], [sflag:$0x1] =	stream.linear.gather [hbm4b:s5+s3], $0x100, $0x38;
	[tilespmem:$0x10200] =	vst v63  }
0xb: {  	_ =	swait.ge [sflag:s7], $0x100  }
0xc: {  	[sflag:s7] =	ssyncset.done $0x0  }
0xd: {  	[sflag:s7] =	ssyncadd.s32 $0xFFFFFF00  }
0xe: {  	_ =	swait.ge [sflag:s7], $0x100  }
0xf: {  	[sflag:s7] =	ssyncset.done $0x0  }
0x10: {  	s8 =	simm.s32 $0x80;
	s9 =	simm.s32 $0x200;
	[sflag:s7] =	ssyncadd.s32 $0xFFFFFF00  }
0x11: {  	[tilespmem:s9], [sflag:$0x1] =	stream.indirect.gather [hbm4b:s1+s8], $0x80, s3, s8, $0xb8;
	[tilespmem:$0x10200] =	vst v63  }
0x12: {  	s10 =	simm.s32 $0x8200  }
0x13: {  	[tilespmem:s10], [sflag:$0x2] =	stream.indirect.gather [hbm4b:s1+s8], $0x80, s6, s8, $0xb8;
	[tilespmem:$0x10200] =	vst v63  }
0x14: {  	s11 =	simm.s32 $0x4200  }
0x15: {  	[tilespmem:s11], [sflag:$0x1] =	stream.indirect.gather [hbm4b:s1+s8], $0x80, s8, s8, $0xb8;
	[tilespmem:$0x10200] =	vst v63  }
0x16: {  	s12 =	simm.s32 $0x180;
	s13 =	simm.s32 $0xC200  }
0x17: {  	[tilespmem:s13], [sflag:$0x2] =	stream.indirect.gather [hbm4b:s1+s8], $0x80, s12, s8, $0xb8;
	[tilespmem:$0x10200] =	vst v63  }
0x18: {  	_ =	swait.ge [sflag:s7], $0x4000  }
0x19: {  	[sflag:s7] =	ssyncset.done $0x0  }
0x1a: {  	s14 =	simm.s32 $0x2;
	[sflag:s7] =	ssyncadd.s32 $0xFFFFC000  }
0x1b: {  	_ =	swait.ge [sflag:s14], $0x4000  }
0x1c: {  	[sflag:s14] =	ssyncset.done $0x0  }
0x1d: {  	[sflag:s14] =	ssyncadd.s32 $0xFFFFC000  }
0x1e: {  	_ =	swait.ge [sflag:s7], $0x4000  }
0x1f: {  	s17 =	sshll.u32 s17, $0xC;
	[sflag:s7] =	ssyncset.done $0x0  }
0x20: {  	s18 =	ssub.s32 $0x2, s16;
	s17 =	sadd.s32 s17, s15;
	[sflag:s7] =	ssyncadd.s32 $0xFFFFC000  }
0x21: {  	s31 =	sshrl.u32 s18, $0x1;
	s15 =	sadd.s32 $0xBA00, s17;
	_ =	swait.ge [sflag:s14], $0x4000  }
0x22: {  	s16 =	sadd.s32 $0x2BA00, s17;
	s17 =	ssub.s32 s18, s31;
	[sflag:s14] =	ssyncset.done $0x0  }
0x23: {  	s17 =	smax.u32 s17, $0x1;
	[sflag:s14] =	ssyncadd.s32 $0xFFFFC000  }
0x24: {  	[hbm4b:s15+s3] =	stream.linear.scatter [tilespmem:s9], [sflag:$0x1], $0x8000, $0x38;
	[tilespmem:$0x10200] =	vst v63  }
0x25: {  	p0 =	sne.s32 s17, $0x1  }
0x26: {  	[hbm4b:s16+s3] =	stream.linear.scatter [tilespmem:s10], [sflag:$0x2], $0x8000, $0x38;
	[tilespmem:$0x10200] =	vst v63  }
.Ltmp0:
0x27: {  	_ =	swait.ge [sflag:s7], $0x8000;
	(pc) =	sbr.rel @!p0 .LBB2_2-.Ltmp0, $4  }
0x28: {  	[sflag:s7] =	ssyncset.done $0x0  }
0x29: {  	[sflag:s7] =	ssyncadd.s32 $0xFFFF8000  }
0x2a: {  	_ =	swait.ge [sflag:s14], $0x8000  }
0x2b: {  	s17 =	sadd.s32 $0xFFFFFFFF, s17;
	[sflag:s14] =	ssyncset.done $0x0  }
.LBB2_1:
0x2c: {  	p0 =	sne.s32 s17, $0x1;
	s17 =	sadd.s32 $0xFFFFFFFF, s17;
	[sflag:s14] =	ssyncadd.s32 $0xFFFF8000  }
0x2d: {  	[tilespmem:s3], [sflag:$0x1] =	stream.linear.gather [hbm4b:s4+s3], $0x100, $0x38;
	[tilespmem:$0x10200] =	vst v63  }
0x2e: {  	_ = 	snop  }
0x2f: {  	[tilespmem:s6], [sflag:$0x1] =	stream.linear.gather [hbm4b:s5+s3], $0x100, $0x38;
	[tilespmem:$0x10200] =	vst v63  }
0x30: {  	_ =	swait.ge [sflag:s7], $0x100  }
0x31: {  	[sflag:s7] =	ssyncset.done $0x0  }
0x32: {  	[sflag:s7] =	ssyncadd.s32 $0xFFFFFF00  }
0x33: {  	_ =	swait.ge [sflag:s7], $0x100  }
0x34: {  	[sflag:s7] =	ssyncset.done $0x0  }
0x35: {  	[sflag:s7] =	ssyncadd.s32 $0xFFFFFF00  }
0x36: {  	[tilespmem:s9], [sflag:$0x1] =	stream.indirect.gather [hbm4b:s1+s8], $0x80, s3, s8, $0xb8;
	[tilespmem:$0x10200] =	vst v63  }
0x37: {  	_ = 	snop  }
0x38: {  	[tilespmem:s10], [sflag:$0x2] =	stream.indirect.gather [hbm4b:s1+s8], $0x80, s6, s8, $0xb8;
	[tilespmem:$0x10200] =	vst v63  }
0x39: {  	_ = 	snop  }
0x3a: {  	[tilespmem:s11], [sflag:$0x1] =	stream.indirect.gather [hbm4b:s1+s8], $0x80, s8, s8, $0xb8;
	[tilespmem:$0x10200] =	vst v63  }
0x3b: {  	_ = 	snop  }
0x3c: {  	[tilespmem:s13], [sflag:$0x2] =	stream.indirect.gather [hbm4b:s1+s8], $0x80, s12, s8, $0xb8;
	[tilespmem:$0x10200] =	vst v63  }
0x3d: {  	_ =	swait.ge [sflag:s7], $0x4000  }
0x3e: {  	[sflag:s7] =	ssyncset.done $0x0  }
0x3f: {  	[sflag:s7] =	ssyncadd.s32 $0xFFFFC000  }
0x40: {  	_ =	swait.ge [sflag:s14], $0x4000  }
0x41: {  	[sflag:s14] =	ssyncset.done $0x0  }
0x42: {  	[sflag:s14] =	ssyncadd.s32 $0xFFFFC000  }
0x43: {  	_ =	swait.ge [sflag:s7], $0x4000  }
0x44: {  	[sflag:s7] =	ssyncset.done $0x0  }
0x45: {  	[sflag:s7] =	ssyncadd.s32 $0xFFFFC000  }
0x46: {  	_ =	swait.ge [sflag:s14], $0x4000  }
0x47: {  	[sflag:s14] =	ssyncset.done $0x0  }
0x48: {  	[sflag:s14] =	ssyncadd.s32 $0xFFFFC000  }
0x49: {  	[hbm4b:s15+s3] =	stream.linear.scatter [tilespmem:s9], [sflag:$0x1], $0x8000, $0x38;
	[tilespmem:$0x10200] =	vst v63  }
0x4a: {  	_ = 	snop  }
0x4b: {  	[hbm4b:s16+s3] =	stream.linear.scatter [tilespmem:s10], [sflag:$0x2], $0x8000, $0x38;
	[tilespmem:$0x10200] =	vst v63  }
.Ltmp1:
0x4c: {  	_ =	swait.ge [sflag:s7], $0x8000;
	(pc) =	sbr.rel @p0 .LBB2_1-.Ltmp1, $4  }
0x4d: {  	[sflag:s7] =	ssyncset.done $0x0  }
0x4e: {  	[sflag:s7] =	ssyncadd.s32 $0xFFFF8000  }
0x4f: {  	_ =	swait.ge [sflag:s14], $0x8000  }
0x50: {  	[sflag:s14] =	ssyncset.done $0x0  }
.LBB2_2:
0x51: {  	[sflag:s14] =	ssyncadd.s32 $0xFFFF8000  }
0x52: {  	_ =	sfence.sel $0x180000  }
0x53: {  	[bflag:$0x0] =	sbarrier.arrive $0xFFFF  }
0x54: {  	p0 =	sne.s32 s0, $0x0;
	_ =	strace $0x9000004D  }
0x55: {  	s0 =	sadd.s32 @!p0 $0x100000, s2;
	[bflag:$0x2] =	sbarrier.arrive $0xFFFF  }
0x56: {  	[sflag:s0] =	ssyncadd.tile.s32 @!p0 $0x1;
	_ =	shalt  }
.Lfunc_end2:
_tile_overlayer_lowered:
.L_overlay_start_2:
0x57: {  	(tag) =	ssettag $0x2  }
0x58: {  	s0 =	rddreg [dreg:$0x0];
	s2 =	stileid.u32  }
0x59: {  	s1 =	rddreg [dreg:$0x1];
	p0 =	sne.s32 s2, $0x0  }
0x5a: {  	s3 =	rddreg [dreg:$0x2];
	[bflag:$0x3] =	sbarrier.arrive $0xFFFF;
	s2 =	simm.s32 @!p0 $0x1C03  }
0x5b: {  	[timem:s3], [sflag:s2] =	dma.local @!p0 [hbm:s0], s1  }
0x5c: {  	s0 =	simm.s32 @!p0 $0x3  }
0x5d: {  	_ =	swait.ge @!p0 [sflag:s0], s1  }
0x5e: {  	s1 =	ssub.s32 @!p0 $0x0, s1;
	[sflag:s0] =	ssyncset.done @!p0 $0x0  }
0x5f: {  	[sflag:s0] =	ssyncadd.s32 @!p0 s1  }
0x60: {  	[bflag:$0x3] =	sbarrier.arrive $0xFFFF  }
0x61: {  	_ =	shalt  }

// kernel: kernel.24.cloned.1.call-start
scs
__scs_entry_jumppad:
0x0: {  	(pc) =	sbr.rel $0x88, $3  }
0x1: {  	(tag) =	ssettag $0x0;
	lr =	simm.s32 $0x1  }
0x2: {  	[smem:$0x3F89] =	sst lr;
	_ =	strace $0xD0000000  }
0x3: {  	_ = 	snop  }
0x4: {  	_ = 	snop  }
0x5: {  	_ = 	snop  }
0x6: {  	_ = 	snop  }
0x7: {  	_ = 	snop  }
__scs_overlays_trampoline_lowered:
0x8: {  	[smem:$0x3F98] =	sst s0  }
0x9: {  	[smem:$0x3F99] =	sst s1  }
0xa: {  	[smem:$0x3F9A] =	sst s2  }
0xb: {  	[smem:$0x3F9B] =	sst s3  }
0xc: {  	[smem:$0x3F9C] =	sst s4  }
0xd: {  	[smem:$0x3F9D] =	sst s5  }
0xe: {  	[smem:$0x3F9E] =	sst s6  }
0xf: {  	[smem:$0x3F9F] =	sst s7  }
0x10: {  	[smem:$0x3FA0] =	sst s8  }
0x11: {  	[smem:$0x3FA1] =	sst s9;
	s0 =	simm.s32 @!p0 $0x0  }
0x12: {  	s1 =	sld [smem:$0x3F87];
	s0 =	simm.s32 @p0 $0x1  }
0x13: {  	[smem:$0x3FA2] =	sst s0;
	s0 =	simm.s32 @!p1 $0x0  }
0x14: {  	s2 =	sld [smem:$0x3F86];
	s0 =	simm.s32 @p1 $0x1  }
0x15: {  	[smem:$0x3FA3] =	sst s0;
	s0 =	simm.s32 @!p2 $0x0  }
0x16: {  	s3 =	sld [smem:$0x3FDB];
	s0 =	simm.s32 @p2 $0x1  }
0x17: {  	s4 =	simm.s32 $0x1BF5;
	[smem:$0x3FA5] =	sst s0  }
0x18: {  	s0 =	sld [smem:$0x3F88];
	_ =	swait.ge [sflag:s4], $0x0  }
0x19: {  	s7 =	sld [smem:$0x3F89]  }
0x1a: {  	s8 =	sadd.s32 $0xFFFFE003, lr  }
0x1b: {  	s9 =	sadd.s32 $0xFFFFFEF7, lr;
	s5 =	simm.s32 $0xFFFFFFFF;
	p2 =	slt.u32 s8, $0xFFFFF086  }
0x1c: {  	p1 =	slt.u32 s9, $0xF7A;
	s5 =	simm.s32 @!p2 $0x0  }
0x1d: {  	s5 =	simm.s32 @p1 $0x1;
	p0 =	seq.s32 s7, s2  }
0x1e: {  	s7 =	smul.u32 @!p0 $0xF7A, s2;
	p2 =	seq.s32 @!p0 s5, $0x0  }
0x1f: {  	s9 =	smul.u32 $0xF7A, s1;
	s8 =	simm.s32 @!p0 $0x1BF5;
	p2 =	por !p2, p0  }
0x20: {  	[sflag:s8] =	ssyncset.s32 @!p0 $0xFFFFF086;
	s6 =	sadd.s32 @!p0 s3, s7;
	s7 =	simm.s32 @!p0 $0x108  }
0x21: {  	s3 =	sadd.s32 s3, s9;
	s6 =	sadd.s32 @!p0 $0x88, s6;
	s7 =	simm.s32 @p2 $0x1082  }
0x22: {  	[simem:s7], [sflag:s8] =	dma.local @!p0 [hbm:s6], $0xF7A  }
0x23: {  	s9 =	sor.u32 $0xD0000000, s2;
	s6 =	simm.s32 $0x108;
	_ =	swait.ge @!p0 [sflag:s8], $0x0  }
0x24: {  	s3 =	sadd.s32 $0x88, s3;
	s6 =	simm.s32 @!p1 $0x1082;
	[sflag:s4] =	ssyncset.s32 $0xFFFFF086  }
0x25: {  	[simem:s6], [sflag:s4] =	dma.local [hbm:s3], $0xF7A  }
0x26: {  	[smem:$0x3F89] =	sst s1;
	(tag) =	ssettag s2;
	_ =	strace s9  }
0x27: {  	s1 =	sld [smem:$0x3F99]  }
0x28: {  	s2 =	sld [smem:$0x3F9A]  }
0x29: {  	s4 =	sld [smem:$0x3F9C]  }
0x2a: {  	p0 =	seq.s32 s5, $0x0;
	s5 =	sld [smem:$0x3F9D]  }
0x2b: {  	s6 =	sld [smem:$0x3F9E]  }
0x2c: {  	s7 =	sld [smem:$0x3F9F]  }
0x2d: {  	s3 =	simm.s32 $0x108;
	s8 =	sld [smem:$0x3FA0]  }
0x2e: {  	s3 =	simm.s32 @!p0 $0x1082;
	s9 =	sld [smem:$0x3FA1]  }
0x2f: {  	lr =	sadd.s32 s0, s3;
	s0 =	sld [smem:$0x3F98]  }
0x30: {  	s3 =	sld [smem:$0x3F9B]  }
0x31: {  	[smem:$0x3FA4] =	sst s10  }
0x32: {  	s10 =	sld [smem:$0x3FA2];
	_ =	sdelay $0x3  }
0x33: {  	p0 =	seq.s32 s10, $0x1;
	s10 =	sld [smem:$0x3FA4];
	_ =	sdelay $0x3  }
0x34: {  	[smem:$0x3FA4] =	sst s10  }
0x35: {  	s10 =	sld [smem:$0x3FA3];
	_ =	sdelay $0x3  }
0x36: {  	p1 =	seq.s32 s10, $0x1;
	s10 =	sld [smem:$0x3FA4];
	_ =	sdelay $0x3  }
0x37: {  	[smem:$0x3FA4] =	sst s10  }
0x38: {  	s10 =	sld [smem:$0x3FA5]  }
0x39: {  	_ = 	snop;
	(pc) =	sbr.ind lr, $3  }
0x3a: {  	_ = 	snop  }
0x3b: {  	_ = 	snop  }
0x3c: {  	p2 =	seq.s32 s10, $0x1;
	s10 =	sld [smem:$0x3FA4]  }
0x3d: {  	_ =	shalt  }
0x3e: {  	_ =	shalt  }
0x3f: {  	_ =	shalt  }
0x40: {  	_ =	shalt  }
0x41: {  	_ =	shalt  }
0x42: {  	_ =	shalt  }
0x43: {  	_ =	shalt  }
0x44: {  	_ =	shalt  }
0x45: {  	_ =	shalt  }
0x46: {  	_ =	shalt  }
0x47: {  	_ =	shalt  }
0x48: {  	_ =	shalt  }
0x49: {  	_ =	shalt  }
0x4a: {  	_ =	shalt  }
0x4b: {  	_ =	shalt  }
0x4c: {  	_ =	shalt  }
0x4d: {  	_ =	shalt  }
0x4e: {  	_ =	shalt  }
0x4f: {  	_ =	shalt  }
0x50: {  	_ =	shalt  }
0x51: {  	_ =	shalt  }
0x52: {  	_ =	shalt  }
0x53: {  	_ =	shalt  }
0x54: {  	_ =	shalt  }
0x55: {  	_ =	shalt  }
0x56: {  	_ =	shalt  }
0x57: {  	_ =	shalt  }
0x58: {  	_ =	shalt  }
0x59: {  	_ =	shalt  }
0x5a: {  	_ =	shalt  }
0x5b: {  	_ =	shalt  }
0x5c: {  	_ =	shalt  }
0x5d: {  	_ =	shalt  }
0x5e: {  	_ =	shalt  }
0x5f: {  	_ =	shalt  }
0x60: {  	_ =	shalt  }
0x61: {  	_ =	shalt  }
0x62: {  	_ =	shalt  }
0x63: {  	_ =	shalt  }
0x64: {  	_ =	shalt  }
0x65: {  	_ =	shalt  }
0x66: {  	_ =	shalt  }
0x67: {  	_ =	shalt  }
0x68: {  	_ =	shalt  }
0x69: {  	_ =	shalt  }
0x6a: {  	_ =	shalt  }
0x6b: {  	_ =	shalt  }
0x6c: {  	_ =	shalt  }
0x6d: {  	_ =	shalt  }
0x6e: {  	_ =	shalt  }
0x6f: {  	_ =	shalt  }
0x70: {  	_ =	shalt  }
0x71: {  	_ =	shalt  }
0x72: {  	_ =	shalt  }
0x73: {  	_ =	shalt  }
0x74: {  	_ =	shalt  }
0x75: {  	_ =	shalt  }
0x76: {  	_ =	shalt  }
0x77: {  	_ =	shalt  }
0x78: {  	_ =	shalt  }
0x79: {  	_ =	shalt  }
0x7a: {  	_ =	shalt  }
0x7b: {  	_ =	shalt  }
0x7c: {  	_ =	shalt  }
0x7d: {  	_ =	shalt  }
0x7e: {  	_ =	shalt  }
0x7f: {  	_ =	shalt  }
0x80: {  	_ =	shalt  }
0x81: {  	_ =	shalt  }
0x82: {  	_ =	shalt  }
0x83: {  	_ =	shalt  }
0x84: {  	_ =	shalt  }
0x85: {  	_ =	shalt  }
0x86: {  	_ =	shalt  }
0x87: {  	_ =	shalt  }
.Lfunc_end0:
.L_simem_size_0:
called_computation.3_lowered:
.L_overlay_start_0:
0x88: {  	s2 =	sld [smem:$0x3FD9]  }
0x89: {  	s3 =	sld [smem:$0x3FFE];
	_ =	sdelay $0x1  }
0x8a: {  	s1 =	srdreg.scid  }
0x8b: {  	s0 =	sand.u32 $0x1, s1  }
0x8c: {  	s14 =	sshll.u32 s0, $0xA;
	s2 =	sadd.s32 s3, s2  }
0x8d: {  	s2 =	sadd.s32 s2, s14  }
0x8e: {  	[smem:$0x3FB0] =	sst s2  }
0x8f: {  	_ = 	snop  }
0x90: {  	s2 =	sld [smem:$0x3FD0];
	_ =	sdelay $0x2  }
0x91: {  	s4 =	simm.s32 $0xA;
	s5 =	simm.s32 $0x10;
	s15 =	sld [smem:$0x3FC7]  }
0x92: {  	[smem:s5], [sflag:s4] =	dma.local [hbm:s2], $0x1  }
0x93: {  	_ =	swait.eq [sflag:s4], $0x1  }
0x94: {  	[sflag:s4] =	ssyncset.done $0x0  }
0x95: {  	[sflag:s4] =	ssyncadd.s32 $0xFFFFFFFF  }
0x96: {  	s16 =	sld [smem:$0x10];
	(tm) =	ssettm $0x1  }
0x97: {  	s17 =	sld [smem:$0x3FFB];
	_ =	sdelay $0x3  }
0x98: {  	_ =	strace s17  }
0x99: {  	s4 =	sld [smem:$0x3FFC];
	_ =	sdelay $0x3  }
0x9a: {  	_ =	strace s4  }
0x9b: {  	s4 =	sld [smem:$0x3FFD];
	_ =	sdelay $0x3  }
0x9c: {  	_ =	strace s4  }
0x9d: {  	_ =	strace $0x8FFFFFFF  }
0x9e: {  	s18 =	sld [smem:$0x3FDB];
	_ =	sdelay $0x1  }
0x9f: {  	s19 =	simm.s32 $_scs_section_size  }
0xa0: {  	s6 =	simm.s32 $_size__tile_overlayer_lowered;
	s7 =	simm.s32 $_tile_overlayer_lowered  }
0xa1: {  	s22 =	simm.s32 $0x1BFF;
	s21 =	sshll.u32 s7, $0x1;
	s4 =	sadd.s32 s19, s18  }
0xa2: {  	s8 =	simm.s32 $0x0;
	s20 =	sshll.u32 s6, $0x1;
	s6 =	sadd.s32 s21, s4  }
0xa3: {  	[timem:s8], [sflag:s22] =	dma.local [hbm:s6], s20  }
0xa4: {  	_ =	swait.ge [sflag:s22], s20  }
0xa5: {  	s5 =	ssub.s32 $0x0, s20;
	[sflag:s22] =	ssyncset.done $0x0  }
0xa6: {  	[sflag:s22] =	ssyncadd.s32 s5;
	_ =	sdelay $0x1  }
0xa7: {  	s23 =	simm.s32 $0x1B8B  }
0xa8: {  	_ =	swait.ge [sflag:s23], $0x1  }
0xa9: {  	[sflag:s23] =	ssyncset.done $0x0  }
0xaa: {  	s25 =	simm.s32 $0x1B8E;
	s24 =	sld [smem:$0x3FFE];
	[sflag:s23] =	ssyncadd.s32 $0xFFFFFFFF  }
0xab: {  	s26 =	simm.s32 $execute0_lowered;
	[smem:$0x3FD2] =	sst s25  }
0xac: {  	s6 =	sshll.u32 s26, $0x1;
	_ =	strace $0x8000004F;
	[dreg:$0x1] =	wrdreg $0xFFFFFFFF  }
0xad: {  	s28 =	simm.s32 $_size_execute0_lowered;
	s4 =	sadd.s32 s4, s6;
	[dreg:$0x0] =	wrdreg $0x0  }
0xae: {  	s6 =	sshll.u32 s28, $0x1;
	[dreg:$0x2] =	wrdreg s4  }
0xaf: {  	[dreg:$0x3] =	wrdreg s6  }
0xb0: {  	[dreg:$0x4] =	wrdreg $0xC0  }
0xb1: {  	_ =	task [dreg:s8], $0x5FFFF  }
0xb2: {  	[dreg:$0x1] =	wrdreg $0xFFFFFFFF  }
0xb3: {  	[dreg:$0x0] =	wrdreg $0x60  }
0xb4: {  	[dreg:$0x2] =	wrdreg s24  }
0xb5: {  	[dreg:$0x3] =	wrdreg s15  }
0xb6: {  	[dreg:$0x4] =	wrdreg s16  }
0xb7: {  	[dreg:$0x5] =	wrdreg $0x102000  }
0xb8: {  	[dreg:$0x6] =	wrdreg $0x142800  }
0xb9: {  	[dreg:$0x7] =	wrdreg $0x9  }
0xba: {  	_ =	task.clear_ibuf [dreg:s8], $0x8FFFF;
	_ =	strace $0x9000004F  }
0xbb: {  	s29 =	simm.s32 $0x9;
	_ =	strace $0x80000051  }
0xbc: {  	_ =	swait.ge [sflag:s29], $0x1  }
0xbd: {  	[sflag:s29] =	ssyncadd.s32 $0xFFFFFFFF  }
0xbe: {  	_ =	strace $0x90000051  }
0xbf: {  	_ =	sfence  }
0xc0: {  	s30 =	sld [smem:$0x0];
	_ =	sdelay $0x2  }
0xc1: {  	s31 =	sshll.u32 s1, $0xD;
	s1 =	sshrl.u32 s1, $0x2  }
0xc2: {  	s3 =	sand.u32 $0x4000, s31;
	s1 =	sadd.s32 s1, s30  }
0xc3: {  	s0 =	sor.u32 s3, s0;
	s1 =	sshll.u32 s1, $0x11  }
0xc4: {  	s0 =	sor.u32 s1, s0  }
0xc5: {  	s0 =	sadd.s32 $0x8F2B, s0  }
0xc6: {  	[sflag:s0] =	ssyncadd.remote.s32 $0x1  }
0xc7: {  	_ =	sfence.sel $0xFFFF  }
0xc8: {  	[dreg:$0x0] =	wrdreg $0xFFFFFFFF;
	(pc) =	sbr.abs _section_cstart, $3  }
0xc9: {  	[dreg:$0x1] =	wrdreg $0xFFFFFFFF  }
0xca: {  	_ =	task.clear_ibuf [dreg:s8], $0x2FFFF;
	_ =	strace $0x9FFFFFFF  }
0xcb: {  	(tm) =	ssettm $0x7FFFFFFF  }
tec
execute0_lowered:
.L_overlay_start_1:
0x0: {  	(tag) =	ssettag $0x1  }
0x1: {  	s24 =	rddreg [dreg:$0x0]  }
0x2: {  	s7 =	rddreg [dreg:$0x1]  }
0x3: {  	s10 =	rddreg [dreg:$0x2]  }
0x4: {  	s2 =	rddreg [dreg:$0x3]  }
0x5: {  	s3 =	rddreg [dreg:$0x4]  }
0x6: {  	s0 =	rddreg [dreg:$0x5]  }
0x7: {  	s4 =	simm.s32 $0x0;
	s5 =	srdreg.scid;
	s1 =	stileid.u32  }
0x8: {  	[smem:$0x7FF] =	sst s4;
	s23 =	sand.u32 $0x1, s5;
	s28 =	sshll.u32 s1, $0x1  }
0x9: {  	s25 =	sshll.u32 s1, $0xB;
	s9 =	sshll.u32 s1, $0xE;
	s22 =	sshll.u32 s1, $0x6  }
0xa: {  	_ =	strace $0x80000050;
	s8 =	sor.u32 s23, s28;
	s29 =	sadd.s32 s25, s24  }
0xb: {  	s12 =	sadd.s32 s9, s2;
	s6 =	sor.u32 $0x1C01, s22;
	s9 =	sadd.s32 s9, s3  }
0xc: {  	s11 =	sshll.u32 s8, $0xC;
	s5 =	sadd.s32 $0x6C000, s29;
	s13 =	sshll.u32 s8, $0x5  }
0xd: {  	s8 =	sshrl.u32 s12, $0x3;
	s9 =	sshrl.u32 s9, $0x3;
	s7 =	sadd.s32 s7, s13  }
0xe: {  	[spmem:s8], [sflag:s6] =	dma.local [hbm:s5], $0x800  }
0xf: {  	[spmem:s9], [sflag:s6] =	dma.local [hbm:s5], $0x800  }
0x10: {  	[tilespmem:s4], [sflag:$0x1] =	stream.linear.gather [hbm4b:s7+s4], $0x100, $0x38;
	[tilespmem:$0x18300] =	vst v63  }
0x11: {  	s14 =	sadd.s32 s11, s24;
	s10 =	sadd.s32 s10, s13;
	s11 =	simm.s32 $0x100  }
0x12: {  	[tilespmem:s11], [sflag:$0x1] =	stream.linear.gather [hbm4b:s10+s4], $0x100, $0x38;
	[tilespmem:$0x18300] =	vst v63  }
0x13: {  	s13 =	simm.s32 $0x200;
	s12 =	sadd.s32 $0xBA00, s14  }
0x14: {  	[tilespmem:s13], [sflag:$0x1] =	stream.linear.gather [hbm4b:s12+s4], $0x8000, $0x38;
	[tilespmem:$0x18300] =	vst v63  }
0x15: {  	s15 =	simm.s32 $0x8200;
	s16 =	simm.s32 $0x1;
	s14 =	sadd.s32 $0x2BA00, s14  }
0x16: {  	[tilespmem:s15], [sflag:$0x1] =	stream.linear.gather [hbm4b:s14+s4], $0x8000, $0x38;
	[tilespmem:$0x18300] =	vst v63  }
0x17: {  	_ =	swait.ge [sflag:s16], $0x800  }
0x18: {  	[sflag:s16] =	ssyncset.done $0x0  }
0x19: {  	[sflag:s16] =	ssyncadd.s32 $0xFFFFF800  }
0x1a: {  	_ =	swait.ge [sflag:s16], $0x800  }
0x1b: {  	[sflag:s16] =	ssyncset.done $0x0  }
0x1c: {  	[sflag:s16] =	ssyncadd.s32 $0xFFFFF800  }
0x1d: {  	_ =	swait.ge [sflag:s16], $0x100  }
0x1e: {  	[sflag:s16] =	ssyncset.done $0x0  }
0x1f: {  	[sflag:s16] =	ssyncadd.s32 $0xFFFFFF00  }
0x20: {  	_ =	swait.ge [sflag:s16], $0x100  }
0x21: {  	[sflag:s16] =	ssyncset.done $0x0  }
0x22: {  	[sflag:s16] =	ssyncadd.s32 $0xFFFFFF00  }
0x23: {  	_ =	swait.ge [sflag:s16], $0x8000  }
0x24: {  	[sflag:s16] =	ssyncset.done $0x0  }
0x25: {  	[sflag:s16] =	ssyncadd.s32 $0xFFFF8000  }
0x26: {  	_ =	swait.ge [sflag:s16], $0x8000  }
0x27: {  	[sflag:s16] =	ssyncset.done $0x0  }
0x28: {  	[sflag:s16] =	ssyncadd.s32 $0xFFFF8000  }
0x29: {  	s17 =	simm.s32 $0x80;
	[bflag:$0x0] =	sbarrier.arrive $0xFFFF  }
0x2a: {  	[spmem:s2] =	stream.indirect.scatter.add.f32 [tilespmem:s13], [sflag:$0x1], $0x80, s4, s17, $0xb8;
	[tilespmem:$0x18300] =	vst v63  }
0x2b: {  	_ = 	snop  }
0x2c: {  	[spmem:s2] =	stream.indirect.scatter.add.f32 [tilespmem:s13], [sflag:$0x1], $0x80, s11, s17, $0xb8;
	[tilespmem:$0x18300] =	vst v63  }
0x2d: {  	_ = 	snop  }
0x2e: {  	[spmem:s3] =	stream.indirect.scatter.add.f32 [tilespmem:s15], [sflag:$0x1], $0x80, s4, s17, $0xb8;
	[tilespmem:$0x18300] =	vst v63  }
0x2f: {  	_ = 	snop  }
0x30: {  	[spmem:s3] =	stream.indirect.scatter.add.f32 [tilespmem:s15], [sflag:$0x1], $0x80, s11, s17, $0xb8;
	[tilespmem:$0x18300] =	vst v63  }
0x31: {  	s18 =	simm.s32 $0x4200  }
0x32: {  	[spmem:s2] =	stream.indirect.scatter.add.f32 [tilespmem:s18], [sflag:$0x1], $0x80, s17, s17, $0xb8;
	[tilespmem:$0x18300] =	vst v63  }
0x33: {  	s19 =	simm.s32 $0x180  }
0x34: {  	[spmem:s2] =	stream.indirect.scatter.add.f32 [tilespmem:s18], [sflag:$0x1], $0x80, s19, s17, $0xb8;
	[tilespmem:$0x18300] =	vst v63  }
0x35: {  	s20 =	simm.s32 $0xC200  }
0x36: {  	[spmem:s3] =	stream.indirect.scatter.add.f32 [tilespmem:s20], [sflag:$0x1], $0x80, s17, s17, $0xb8;
	[tilespmem:$0x18300] =	vst v63  }
0x37: {  	_ = 	snop  }
0x38: {  	[spmem:s3] =	stream.indirect.scatter.add.f32 [tilespmem:s20], [sflag:$0x1], $0x80, s19, s17, $0xb8;
	[tilespmem:$0x18300] =	vst v63  }
0x39: {  	_ =	swait.ge [sflag:s16], $0x4000  }
0x3a: {  	[sflag:s16] =	ssyncset.done $0x0  }
0x3b: {  	[sflag:s16] =	ssyncadd.s32 $0xFFFFC000  }
0x3c: {  	_ =	swait.ge [sflag:s16], $0x4000  }
0x3d: {  	[sflag:s16] =	ssyncset.done $0x0  }
0x3e: {  	[sflag:s16] =	ssyncadd.s32 $0xFFFFC000  }
0x3f: {  	_ =	swait.ge [sflag:s16], $0x4000  }
0x40: {  	[sflag:s16] =	ssyncset.done $0x0  }
0x41: {  	[sflag:s16] =	ssyncadd.s32 $0xFFFFC000  }
0x42: {  	_ =	swait.ge [sflag:s16], $0x4000  }
0x43: {  	[sflag:s16] =	ssyncset.done $0x0  }
0x44: {  	[sflag:s16] =	ssyncadd.s32 $0xFFFFC000  }
0x45: {  	_ =	swait.ge [sflag:s16], $0x4000  }
0x46: {  	[sflag:s16] =	ssyncset.done $0x0  }
0x47: {  	[sflag:s16] =	ssyncadd.s32 $0xFFFFC000  }
0x48: {  	_ =	swait.ge [sflag:s16], $0x4000  }
0x49: {  	[sflag:s16] =	ssyncset.done $0x0  }
0x4a: {  	[sflag:s16] =	ssyncadd.s32 $0xFFFFC000  }
0x4b: {  	s21 =	sadd.s32 $0x4BA00, s24;
	_ =	swait.ge [sflag:s16], $0x4000  }
0x4c: {  	s26 =	sadd.s32 $0x53A00, s24;
	p0 =	seq.s32 s23, $0x1;
	[sflag:s16] =	ssyncset.done $0x0  }
0x4d: {  	s22 =	sor.u32 $0x1C02, s22;
	s30 =	ssub.s32 $0x2, s23;
	[sflag:s16] =	ssyncadd.s32 $0xFFFFC000  }
0x4e: {  	s28 =	sadd.s32 $0x5BA00, s24;
	s23 =	simm.s32 $0x2;
	_ =	swait.ge [sflag:s16], $0x4000  }
0x4f: {  	s21 =	smov.u32 @p0 s26;
	s29 =	sshrl.u32 s30, $0x1;
	[sflag:s16] =	ssyncset.done $0x0  }
0x50: {  	s21 =	sadd.s32 s21, s25;
	s26 =	ssub.s32 s30, s29;
	[sflag:s16] =	ssyncadd.s32 $0xFFFFC000  }
0x51: {  	s24 =	sadd.s32 $0x63A00, s24;
	s31 =	smax.u32 s26, $0x1;
	[bflag:$0x0] =	sbarrier.arrive $0xFFFF  }
0x52: {  	[hbm:s21], [sflag:s22] =	dma.local [spmem:s8], $0x800  }
0x53: {  	s28 =	smov.u32 @p0 s24;
	p0 =	sne.s32 s31, $0x1;
	_ =	swait.ge [sflag:s23], $0x800  }
.Ltmp0:
0x54: {  	[sflag:s23] =	ssyncset.done $0x0;
	(pc) =	sbr.rel @!p0 .LBB2_2-.Ltmp0, $4  }
0x55: {  	s24 =	sadd.s32 s28, s25;
	[sflag:s23] =	ssyncadd.s32 $0xFFFFF800  }
0x56: {  	[hbm:s24], [sflag:s22] =	dma.local [spmem:s9], $0x800  }
0x57: {  	_ =	swait.ge [sflag:s23], $0x800  }
0x58: {  	s25 =	sadd.s32 $0xFFFFFFFF, s31;
	[sflag:s23] =	ssyncset.done $0x0  }
.LBB2_1:
0x59: {  	p0 =	sne.s32 s25, $0x1;
	s25 =	sadd.s32 $0xFFFFFFFF, s25;
	[sflag:s23] =	ssyncadd.s32 $0xFFFFF800  }
0x5a: {  	[spmem:s8], [sflag:s6] =	dma.local [hbm:s5], $0x800  }
0x5b: {  	[spmem:s9], [sflag:s6] =	dma.local [hbm:s5], $0x800  }
0x5c: {  	[tilespmem:s4], [sflag:$0x1] =	stream.linear.gather [hbm4b:s7+s4], $0x100, $0x38;
	[tilespmem:$0x18300] =	vst v63  }
0x5d: {  	_ = 	snop  }
0x5e: {  	[tilespmem:s11], [sflag:$0x1] =	stream.linear.gather [hbm4b:s10+s4], $0x100, $0x38;
	[tilespmem:$0x18300] =	vst v63  }
0x5f: {  	_ = 	snop  }
0x60: {  	[tilespmem:s13], [sflag:$0x1] =	stream.linear.gather [hbm4b:s12+s4], $0x8000, $0x38;
	[tilespmem:$0x18300] =	vst v63  }
0x61: {  	_ = 	snop  }
0x62: {  	[tilespmem:s15], [sflag:$0x1] =	stream.linear.gather [hbm4b:s14+s4], $0x8000, $0x38;
	[tilespmem:$0x18300] =	vst v63  }
0x63: {  	_ =	swait.ge [sflag:s16], $0x800  }
0x64: {  	[sflag:s16] =	ssyncset.done $0x0  }
0x65: {  	[sflag:s16] =	ssyncadd.s32 $0xFFFFF800  }
0x66: {  	_ =	swait.ge [sflag:s16], $0x800  }
0x67: {  	[sflag:s16] =	ssyncset.done $0x0  }
0x68: {  	[sflag:s16] =	ssyncadd.s32 $0xFFFFF800  }
0x69: {  	_ =	swait.ge [sflag:s16], $0x100  }
0x6a: {  	[sflag:s16] =	ssyncset.done $0x0  }
0x6b: {  	[sflag:s16] =	ssyncadd.s32 $0xFFFFFF00  }
0x6c: {  	_ =	swait.ge [sflag:s16], $0x100  }
0x6d: {  	[sflag:s16] =	ssyncset.done $0x0  }
0x6e: {  	[sflag:s16] =	ssyncadd.s32 $0xFFFFFF00  }
0x6f: {  	_ =	swait.ge [sflag:s16], $0x8000  }
0x70: {  	[sflag:s16] =	ssyncset.done $0x0  }
0x71: {  	[sflag:s16] =	ssyncadd.s32 $0xFFFF8000  }
0x72: {  	_ =	swait.ge [sflag:s16], $0x8000  }
0x73: {  	[sflag:s16] =	ssyncset.done $0x0  }
0x74: {  	[sflag:s16] =	ssyncadd.s32 $0xFFFF8000  }
0x75: {  	[bflag:$0x0] =	sbarrier.arrive $0xFFFF  }
0x76: {  	[spmem:s2] =	stream.indirect.scatter.add.f32 [tilespmem:s13], [sflag:$0x1], $0x80, s4, s17, $0xb8;
	[tilespmem:$0x18300] =	vst v63  }
0x77: {  	_ = 	snop  }
0x78: {  	[spmem:s2] =	stream.indirect.scatter.add.f32 [tilespmem:s13], [sflag:$0x1], $0x80, s11, s17, $0xb8;
	[tilespmem:$0x18300] =	vst v63  }
0x79: {  	_ = 	snop  }
0x7a: {  	[spmem:s3] =	stream.indirect.scatter.add.f32 [tilespmem:s15], [sflag:$0x1], $0x80, s4, s17, $0xb8;
	[tilespmem:$0x18300] =	vst v63  }
0x7b: {  	_ = 	snop  }
0x7c: {  	[spmem:s3] =	stream.indirect.scatter.add.f32 [tilespmem:s15], [sflag:$0x1], $0x80, s11, s17, $0xb8;
	[tilespmem:$0x18300] =	vst v63  }
0x7d: {  	_ = 	snop  }
0x7e: {  	[spmem:s2] =	stream.indirect.scatter.add.f32 [tilespmem:s18], [sflag:$0x1], $0x80, s17, s17, $0xb8;
	[tilespmem:$0x18300] =	vst v63  }
0x7f: {  	_ = 	snop  }
0x80: {  	[spmem:s2] =	stream.indirect.scatter.add.f32 [tilespmem:s18], [sflag:$0x1], $0x80, s19, s17, $0xb8;
	[tilespmem:$0x18300] =	vst v63  }
0x81: {  	_ = 	snop  }
0x82: {  	[spmem:s3] =	stream.indirect.scatter.add.f32 [tilespmem:s20], [sflag:$0x1], $0x80, s17, s17, $0xb8;
	[tilespmem:$0x18300] =	vst v63  }
0x83: {  	_ = 	snop  }
0x84: {  	[spmem:s3] =	stream.indirect.scatter.add.f32 [tilespmem:s20], [sflag:$0x1], $0x80, s19, s17, $0xb8;
	[tilespmem:$0x18300] =	vst v63  }
0x85: {  	_ =	swait.ge [sflag:s16], $0x4000  }
0x86: {  	[sflag:s16] =	ssyncset.done $0x0  }
0x87: {  	[sflag:s16] =	ssyncadd.s32 $0xFFFFC000  }
0x88: {  	_ =	swait.ge [sflag:s16], $0x4000  }
0x89: {  	[sflag:s16] =	ssyncset.done $0x0  }
0x8a: {  	[sflag:s16] =	ssyncadd.s32 $0xFFFFC000  }
0x8b: {  	_ =	swait.ge [sflag:s16], $0x4000  }
0x8c: {  	[sflag:s16] =	ssyncset.done $0x0  }
0x8d: {  	[sflag:s16] =	ssyncadd.s32 $0xFFFFC000  }
0x8e: {  	_ =	swait.ge [sflag:s16], $0x4000  }
0x8f: {  	[sflag:s16] =	ssyncset.done $0x0  }
0x90: {  	[sflag:s16] =	ssyncadd.s32 $0xFFFFC000  }
0x91: {  	_ =	swait.ge [sflag:s16], $0x4000  }
0x92: {  	[sflag:s16] =	ssyncset.done $0x0  }
0x93: {  	[sflag:s16] =	ssyncadd.s32 $0xFFFFC000  }
0x94: {  	_ =	swait.ge [sflag:s16], $0x4000  }
0x95: {  	[sflag:s16] =	ssyncset.done $0x0  }
0x96: {  	[sflag:s16] =	ssyncadd.s32 $0xFFFFC000  }
0x97: {  	_ =	swait.ge [sflag:s16], $0x4000  }
0x98: {  	[sflag:s16] =	ssyncset.done $0x0  }
0x99: {  	[sflag:s16] =	ssyncadd.s32 $0xFFFFC000  }
0x9a: {  	_ =	swait.ge [sflag:s16], $0x4000  }
0x9b: {  	[sflag:s16] =	ssyncset.done $0x0  }
0x9c: {  	[sflag:s16] =	ssyncadd.s32 $0xFFFFC000  }
0x9d: {  	[bflag:$0x0] =	sbarrier.arrive $0xFFFF  }
0x9e: {  	[hbm:s21], [sflag:s22] =	dma.local [spmem:s8], $0x800  }
0x9f: {  	_ =	swait.ge [sflag:s23], $0x800  }
.Ltmp1:
0xa0: {  	[sflag:s23] =	ssyncset.done $0x0;
	(pc) =	sbr.rel @p0 .LBB2_1-.Ltmp1, $4  }
0xa1: {  	[sflag:s23] =	ssyncadd.s32 $0xFFFFF800  }
0xa2: {  	[hbm:s24], [sflag:s22] =	dma.local [spmem:s9], $0x800  }
0xa3: {  	_ =	swait.ge [sflag:s23], $0x800  }
0xa4: {  	[sflag:s23] =	ssyncset.done $0x0  }
.LBB2_2:
0xa5: {  	[sflag:s23] =	ssyncadd.s32 $0xFFFFF800  }
0xa6: {  	_ =	sfence.sel $0x180000  }
0xa7: {  	[bflag:$0x0] =	sbarrier.arrive $0xFFFF  }
0xa8: {  	p0 =	sne.s32 s1, $0x0;
	_ =	strace $0x90000050  }
0xa9: {  	s0 =	sadd.s32 @!p0 $0x100000, s0;
	[bflag:$0x2] =	sbarrier.arrive $0xFFFF  }
0xaa: {  	[sflag:s0] =	ssyncadd.tile.s32 @!p0 $0x1;
	_ =	shalt  }
.Lfunc_end2:
_tile_overlayer_lowered:
.L_overlay_start_2:
0xab: {  	(tag) =	ssettag $0x2  }
0xac: {  	s0 =	rddreg [dreg:$0x0];
	s2 =	stileid.u32  }
0xad: {  	s1 =	rddreg [dreg:$0x1];
	p0 =	sne.s32 s2, $0x0  }
0xae: {  	s3 =	rddreg [dreg:$0x2];
	[bflag:$0x3] =	sbarrier.arrive $0xFFFF;
	s2 =	simm.s32 @!p0 $0x1C02  }
0xaf: {  	[timem:s3], [sflag:s2] =	dma.local @!p0 [hbm:s0], s1  }
0xb0: {  	s0 =	simm.s32 @!p0 $0x2  }
0xb1: {  	_ =	swait.ge @!p0 [sflag:s0], s1  }
0xb2: {  	s1 =	ssub.s32 @!p0 $0x0, s1;
	[sflag:s0] =	ssyncset.done @!p0 $0x0  }
0xb3: {  	[sflag:s0] =	ssyncadd.s32 @!p0 s1  }
0xb4: {  	[bflag:$0x3] =	sbarrier.arrive $0xFFFF  }
0xb5: {  	_ =	shalt  }

// kernel: kernel.27.cloned.1.call-start
scs
__scs_entry_jumppad:
0x0: {  	(pc) =	sbr.rel $0x88, $3  }
0x1: {  	(tag) =	ssettag $0x0;
	lr =	simm.s32 $0x1  }
0x2: {  	[smem:$0x3F89] =	sst lr;
	_ =	strace $0xD0000000  }
0x3: {  	_ = 	snop  }
0x4: {  	_ = 	snop  }
0x5: {  	_ = 	snop  }
0x6: {  	_ = 	snop  }
0x7: {  	_ = 	snop  }
__scs_overlays_trampoline_lowered:
0x8: {  	[smem:$0x3F98] =	sst s0  }
0x9: {  	[smem:$0x3F99] =	sst s1  }
0xa: {  	[smem:$0x3F9A] =	sst s2  }
0xb: {  	[smem:$0x3F9B] =	sst s3  }
0xc: {  	[smem:$0x3F9C] =	sst s4  }
0xd: {  	[smem:$0x3F9D] =	sst s5  }
0xe: {  	[smem:$0x3F9E] =	sst s6  }
0xf: {  	[smem:$0x3F9F] =	sst s7  }
0x10: {  	[smem:$0x3FA0] =	sst s8  }
0x11: {  	[smem:$0x3FA1] =	sst s9;
	s0 =	simm.s32 @!p0 $0x0  }
0x12: {  	s1 =	sld [smem:$0x3F87];
	s0 =	simm.s32 @p0 $0x1  }
0x13: {  	[smem:$0x3FA2] =	sst s0;
	s0 =	simm.s32 @!p1 $0x0  }
0x14: {  	s2 =	sld [smem:$0x3F86];
	s0 =	simm.s32 @p1 $0x1  }
0x15: {  	[smem:$0x3FA3] =	sst s0;
	s0 =	simm.s32 @!p2 $0x0  }
0x16: {  	s3 =	sld [smem:$0x3FDB];
	s0 =	simm.s32 @p2 $0x1  }
0x17: {  	s4 =	simm.s32 $0x1BF5;
	[smem:$0x3FA5] =	sst s0  }
0x18: {  	s0 =	sld [smem:$0x3F88];
	_ =	swait.ge [sflag:s4], $0x0  }
0x19: {  	s7 =	sld [smem:$0x3F89]  }
0x1a: {  	s8 =	sadd.s32 $0xFFFFE003, lr  }
0x1b: {  	s9 =	sadd.s32 $0xFFFFFEF7, lr;
	s5 =	simm.s32 $0xFFFFFFFF;
	p2 =	slt.u32 s8, $0xFFFFF086  }
0x1c: {  	p1 =	slt.u32 s9, $0xF7A;
	s5 =	simm.s32 @!p2 $0x0  }
0x1d: {  	s5 =	simm.s32 @p1 $0x1;
	p0 =	seq.s32 s7, s2  }
0x1e: {  	s7 =	smul.u32 @!p0 $0xF7A, s2;
	p2 =	seq.s32 @!p0 s5, $0x0  }
0x1f: {  	s9 =	smul.u32 $0xF7A, s1;
	s8 =	simm.s32 @!p0 $0x1BF5;
	p2 =	por !p2, p0  }
0x20: {  	[sflag:s8] =	ssyncset.s32 @!p0 $0xFFFFF086;
	s6 =	sadd.s32 @!p0 s3, s7;
	s7 =	simm.s32 @!p0 $0x108  }
0x21: {  	s3 =	sadd.s32 s3, s9;
	s6 =	sadd.s32 @!p0 $0x88, s6;
	s7 =	simm.s32 @p2 $0x1082  }
0x22: {  	[simem:s7], [sflag:s8] =	dma.local @!p0 [hbm:s6], $0xF7A  }
0x23: {  	s9 =	sor.u32 $0xD0000000, s2;
	s6 =	simm.s32 $0x108;
	_ =	swait.ge @!p0 [sflag:s8], $0x0  }
0x24: {  	s3 =	sadd.s32 $0x88, s3;
	s6 =	simm.s32 @!p1 $0x1082;
	[sflag:s4] =	ssyncset.s32 $0xFFFFF086  }
0x25: {  	[simem:s6], [sflag:s4] =	dma.local [hbm:s3], $0xF7A  }
0x26: {  	[smem:$0x3F89] =	sst s1;
	(tag) =	ssettag s2;
	_ =	strace s9  }
0x27: {  	s1 =	sld [smem:$0x3F99]  }
0x28: {  	s2 =	sld [smem:$0x3F9A]  }
0x29: {  	s4 =	sld [smem:$0x3F9C]  }
0x2a: {  	p0 =	seq.s32 s5, $0x0;
	s5 =	sld [smem:$0x3F9D]  }
0x2b: {  	s6 =	sld [smem:$0x3F9E]  }
0x2c: {  	s7 =	sld [smem:$0x3F9F]  }
0x2d: {  	s3 =	simm.s32 $0x108;
	s8 =	sld [smem:$0x3FA0]  }
0x2e: {  	s3 =	simm.s32 @!p0 $0x1082;
	s9 =	sld [smem:$0x3FA1]  }
0x2f: {  	lr =	sadd.s32 s0, s3;
	s0 =	sld [smem:$0x3F98]  }
0x30: {  	s3 =	sld [smem:$0x3F9B]  }
0x31: {  	[smem:$0x3FA4] =	sst s10  }
0x32: {  	s10 =	sld [smem:$0x3FA2];
	_ =	sdelay $0x3  }
0x33: {  	p0 =	seq.s32 s10, $0x1;
	s10 =	sld [smem:$0x3FA4];
	_ =	sdelay $0x3  }
0x34: {  	[smem:$0x3FA4] =	sst s10  }
0x35: {  	s10 =	sld [smem:$0x3FA3];
	_ =	sdelay $0x3  }
0x36: {  	p1 =	seq.s32 s10, $0x1;
	s10 =	sld [smem:$0x3FA4];
	_ =	sdelay $0x3  }
0x37: {  	[smem:$0x3FA4] =	sst s10  }
0x38: {  	s10 =	sld [smem:$0x3FA5]  }
0x39: {  	_ = 	snop;
	(pc) =	sbr.ind lr, $3  }
0x3a: {  	_ = 	snop  }
0x3b: {  	_ = 	snop  }
0x3c: {  	p2 =	seq.s32 s10, $0x1;
	s10 =	sld [smem:$0x3FA4]  }
0x3d: {  	_ =	shalt  }
0x3e: {  	_ =	shalt  }
0x3f: {  	_ =	shalt  }
0x40: {  	_ =	shalt  }
0x41: {  	_ =	shalt  }
0x42: {  	_ =	shalt  }
0x43: {  	_ =	shalt  }
0x44: {  	_ =	shalt  }
0x45: {  	_ =	shalt  }
0x46: {  	_ =	shalt  }
0x47: {  	_ =	shalt  }
0x48: {  	_ =	shalt  }
0x49: {  	_ =	shalt  }
0x4a: {  	_ =	shalt  }
0x4b: {  	_ =	shalt  }
0x4c: {  	_ =	shalt  }
0x4d: {  	_ =	shalt  }
0x4e: {  	_ =	shalt  }
0x4f: {  	_ =	shalt  }
0x50: {  	_ =	shalt  }
0x51: {  	_ =	shalt  }
0x52: {  	_ =	shalt  }
0x53: {  	_ =	shalt  }
0x54: {  	_ =	shalt  }
0x55: {  	_ =	shalt  }
0x56: {  	_ =	shalt  }
0x57: {  	_ =	shalt  }
0x58: {  	_ =	shalt  }
0x59: {  	_ =	shalt  }
0x5a: {  	_ =	shalt  }
0x5b: {  	_ =	shalt  }
0x5c: {  	_ =	shalt  }
0x5d: {  	_ =	shalt  }
0x5e: {  	_ =	shalt  }
0x5f: {  	_ =	shalt  }
0x60: {  	_ =	shalt  }
0x61: {  	_ =	shalt  }
0x62: {  	_ =	shalt  }
0x63: {  	_ =	shalt  }
0x64: {  	_ =	shalt  }
0x65: {  	_ =	shalt  }
0x66: {  	_ =	shalt  }
0x67: {  	_ =	shalt  }
0x68: {  	_ =	shalt  }
0x69: {  	_ =	shalt  }
0x6a: {  	_ =	shalt  }
0x6b: {  	_ =	shalt  }
0x6c: {  	_ =	shalt  }
0x6d: {  	_ =	shalt  }
0x6e: {  	_ =	shalt  }
0x6f: {  	_ =	shalt  }
0x70: {  	_ =	shalt  }
0x71: {  	_ =	shalt  }
0x72: {  	_ =	shalt  }
0x73: {  	_ =	shalt  }
0x74: {  	_ =	shalt  }
0x75: {  	_ =	shalt  }
0x76: {  	_ =	shalt  }
0x77: {  	_ =	shalt  }
0x78: {  	_ =	shalt  }
0x79: {  	_ =	shalt  }
0x7a: {  	_ =	shalt  }
0x7b: {  	_ =	shalt  }
0x7c: {  	_ =	shalt  }
0x7d: {  	_ =	shalt  }
0x7e: {  	_ =	shalt  }
0x7f: {  	_ =	shalt  }
0x80: {  	_ =	shalt  }
0x81: {  	_ =	shalt  }
0x82: {  	_ =	shalt  }
0x83: {  	_ =	shalt  }
0x84: {  	_ =	shalt  }
0x85: {  	_ =	shalt  }
0x86: {  	_ =	shalt  }
0x87: {  	_ =	shalt  }
.Lfunc_end0:
.L_simem_size_0:
called_computation.4_lowered:
.L_overlay_start_0:
0x88: {  	s2 =	sld [smem:$0x3FD9]  }
0x89: {  	s3 =	sld [smem:$0x3FFE];
	_ =	sdelay $0x1  }
0x8a: {  	s1 =	srdreg.scid  }
0x8b: {  	s0 =	sand.u32 $0x1, s1  }
0x8c: {  	s14 =	sshll.u32 s0, $0xA;
	s2 =	sadd.s32 s3, s2  }
0x8d: {  	s2 =	sadd.s32 s2, s14  }
0x8e: {  	[smem:$0x3FB0] =	sst s2  }
0x8f: {  	_ = 	snop  }
0x90: {  	s2 =	sld [smem:$0x3FD0];
	_ =	sdelay $0x1  }
0x91: {  	s15 =	sld [smem:$0x3FC7]  }
0x92: {  	s5 =	simm.s32 $0xA;
	s6 =	simm.s32 $0x10;
	s4 =	sld [smem:$0x3FC6]  }
0x93: {  	[smem:s6], [sflag:s5] =	dma.local [hbm:s2], $0x1  }
0x94: {  	_ =	swait.eq [sflag:s5], $0x1  }
0x95: {  	[sflag:s5] =	ssyncset.done $0x0  }
0x96: {  	[sflag:s5] =	ssyncadd.s32 $0xFFFFFFFF  }
0x97: {  	s16 =	sld [smem:$0x11];
	(tm) =	ssettm $0x1  }
0x98: {  	s17 =	sld [smem:$0x3FFB];
	_ =	sdelay $0x3  }
0x99: {  	_ =	strace s17  }
0x9a: {  	s5 =	sld [smem:$0x3FFC];
	_ =	sdelay $0x3  }
0x9b: {  	_ =	strace s5  }
0x9c: {  	s5 =	sld [smem:$0x3FFD];
	_ =	sdelay $0x3  }
0x9d: {  	_ =	strace s5  }
0x9e: {  	_ =	strace $0x8FFFFFFF  }
0x9f: {  	s18 =	sld [smem:$0x3FDB];
	_ =	sdelay $0x1  }
0xa0: {  	s19 =	simm.s32 $_scs_section_size  }
0xa1: {  	s7 =	simm.s32 $_size__tile_overlayer_lowered;
	s8 =	simm.s32 $_tile_overlayer_lowered  }
0xa2: {  	s22 =	simm.s32 $0x1BFF;
	s21 =	sshll.u32 s8, $0x1;
	s5 =	sadd.s32 s19, s18  }
0xa3: {  	s9 =	simm.s32 $0x0;
	s20 =	sshll.u32 s7, $0x1;
	s7 =	sadd.s32 s21, s5  }
0xa4: {  	[timem:s9], [sflag:s22] =	dma.local [hbm:s7], s20  }
0xa5: {  	_ =	swait.ge [sflag:s22], s20  }
0xa6: {  	s6 =	ssub.s32 $0x0, s20;
	[sflag:s22] =	ssyncset.done $0x0  }
0xa7: {  	[sflag:s22] =	ssyncadd.s32 s6;
	_ =	sdelay $0x1  }
0xa8: {  	s23 =	simm.s32 $0x1B8B  }
0xa9: {  	_ =	swait.ge [sflag:s23], $0x1  }
0xaa: {  	[sflag:s23] =	ssyncset.done $0x0  }
0xab: {  	s25 =	simm.s32 $0x1B8E;
	s24 =	sld [smem:$0x3FFE];
	[sflag:s23] =	ssyncadd.s32 $0xFFFFFFFF  }
0xac: {  	s26 =	simm.s32 $execute0_lowered;
	[smem:$0x3FD2] =	sst s25  }
0xad: {  	s7 =	sshll.u32 s26, $0x1;
	_ =	strace $0x80000052;
	[dreg:$0x1] =	wrdreg $0xFFFFFFFF  }
0xae: {  	s28 =	simm.s32 $_size_execute0_lowered;
	s5 =	sadd.s32 s5, s7;
	[dreg:$0x0] =	wrdreg $0x0  }
0xaf: {  	s7 =	sshll.u32 s28, $0x1;
	[dreg:$0x2] =	wrdreg s5  }
0xb0: {  	[dreg:$0x3] =	wrdreg s7  }
0xb1: {  	[dreg:$0x4] =	wrdreg $0xC0  }
0xb2: {  	_ =	task [dreg:s9], $0x5FFFF  }
0xb3: {  	[dreg:$0x1] =	wrdreg $0xFFFFFFFF  }
0xb4: {  	[dreg:$0x0] =	wrdreg $0x60  }
0xb5: {  	[dreg:$0x2] =	wrdreg s16  }
0xb6: {  	[dreg:$0x3] =	wrdreg s15  }
0xb7: {  	[dreg:$0x4] =	wrdreg s4  }
0xb8: {  	[dreg:$0x5] =	wrdreg s24  }
0xb9: {  	[dreg:$0x6] =	wrdreg $0x9  }
0xba: {  	_ =	task.clear_ibuf [dreg:s9], $0x7FFFF;
	_ =	strace $0x90000052  }
0xbb: {  	s29 =	simm.s32 $0x9;
	_ =	strace $0x80000054  }
0xbc: {  	_ =	swait.ge [sflag:s29], $0x1  }
0xbd: {  	[sflag:s29] =	ssyncadd.s32 $0xFFFFFFFF  }
0xbe: {  	_ =	strace $0x90000054  }
0xbf: {  	_ =	sfence  }
0xc0: {  	s30 =	sld [smem:$0x0];
	_ =	sdelay $0x2  }
0xc1: {  	s31 =	sshll.u32 s1, $0xD;
	s1 =	sshrl.u32 s1, $0x2  }
0xc2: {  	s3 =	sand.u32 $0x4000, s31;
	s1 =	sadd.s32 s1, s30  }
0xc3: {  	s0 =	sor.u32 s3, s0;
	s1 =	sshll.u32 s1, $0x11  }
0xc4: {  	s0 =	sor.u32 s1, s0  }
0xc5: {  	s0 =	sadd.s32 $0x8F2B, s0  }
0xc6: {  	[sflag:s0] =	ssyncadd.remote.s32 $0x1  }
0xc7: {  	_ =	sfence.sel $0xFFFF  }
0xc8: {  	[dreg:$0x0] =	wrdreg $0xFFFFFFFF;
	(pc) =	sbr.abs _section_cstart, $3  }
0xc9: {  	[dreg:$0x1] =	wrdreg $0xFFFFFFFF  }
0xca: {  	_ =	task.clear_ibuf [dreg:s9], $0x2FFFF;
	_ =	strace $0x9FFFFFFF  }
0xcb: {  	(tm) =	ssettm $0x7FFFFFFF  }
tec
execute0_lowered:
.L_overlay_start_1:
0x0: {  	(tag) =	ssettag $0x1  }
0x1: {  	s1 =	rddreg [dreg:$0x0]  }
0x2: {  	s4 =	rddreg [dreg:$0x1]  }
0x3: {  	s2 =	srdreg.scid;
	s0 =	stileid.u32  }
0x4: {  	s5 =	rddreg [dreg:$0x2];
	s16 =	sand.u32 $0x1, s2;
	s6 =	sshll.u32 s0, $0x1  }
0x5: {  	s15 =	rddreg [dreg:$0x3];
	s3 =	simm.s32 $0x0;
	s17 =	sor.u32 s16, s6  }
0x6: {  	[smem:$0x7FF] =	sst s3;
	s6 =	sshll.u32 s17, $0x5  }
0x7: {  	s2 =	rddreg [dreg:$0x4];
	_ =	strace $0x80000053;
	s4 =	sadd.s32 s4, s6  }
0x8: {  	[tilespmem:s3], [sflag:$0x1] =	stream.linear.gather [hbm4b:s4+s3], $0x100, $0x38;
	[tilespmem:$0x10200] =	vst v63  }
0x9: {  	s7 =	simm.s32 $0x1;
	s5 =	sadd.s32 s5, s6;
	s6 =	simm.s32 $0x100  }
0xa: {  	[tilespmem:s6], [sflag:$0x1] =	stream.linear.gather [hbm4b:s5+s3], $0x100, $0x38;
	[tilespmem:$0x10200] =	vst v63  }
0xb: {  	_ =	swait.ge [sflag:s7], $0x100  }
0xc: {  	[sflag:s7] =	ssyncset.done $0x0  }
0xd: {  	[sflag:s7] =	ssyncadd.s32 $0xFFFFFF00  }
0xe: {  	_ =	swait.ge [sflag:s7], $0x100  }
0xf: {  	[sflag:s7] =	ssyncset.done $0x0  }
0x10: {  	s8 =	simm.s32 $0x80;
	s9 =	simm.s32 $0x200;
	[sflag:s7] =	ssyncadd.s32 $0xFFFFFF00  }
0x11: {  	[tilespmem:s9], [sflag:$0x1] =	stream.indirect.gather [hbm4b:s1+s8], $0x80, s3, s8, $0xb8;
	[tilespmem:$0x10200] =	vst v63  }
0x12: {  	s10 =	simm.s32 $0x8200  }
0x13: {  	[tilespmem:s10], [sflag:$0x2] =	stream.indirect.gather [hbm4b:s1+s8], $0x80, s6, s8, $0xb8;
	[tilespmem:$0x10200] =	vst v63  }
0x14: {  	s11 =	simm.s32 $0x4200  }
0x15: {  	[tilespmem:s11], [sflag:$0x1] =	stream.indirect.gather [hbm4b:s1+s8], $0x80, s8, s8, $0xb8;
	[tilespmem:$0x10200] =	vst v63  }
0x16: {  	s12 =	simm.s32 $0x180;
	s13 =	simm.s32 $0xC200  }
0x17: {  	[tilespmem:s13], [sflag:$0x2] =	stream.indirect.gather [hbm4b:s1+s8], $0x80, s12, s8, $0xb8;
	[tilespmem:$0x10200] =	vst v63  }
0x18: {  	_ =	swait.ge [sflag:s7], $0x4000  }
0x19: {  	[sflag:s7] =	ssyncset.done $0x0  }
0x1a: {  	s14 =	simm.s32 $0x2;
	[sflag:s7] =	ssyncadd.s32 $0xFFFFC000  }
0x1b: {  	_ =	swait.ge [sflag:s14], $0x4000  }
0x1c: {  	[sflag:s14] =	ssyncset.done $0x0  }
0x1d: {  	[sflag:s14] =	ssyncadd.s32 $0xFFFFC000  }
0x1e: {  	_ =	swait.ge [sflag:s7], $0x4000  }
0x1f: {  	s17 =	sshll.u32 s17, $0xC;
	[sflag:s7] =	ssyncset.done $0x0  }
0x20: {  	s18 =	ssub.s32 $0x2, s16;
	s17 =	sadd.s32 s17, s15;
	[sflag:s7] =	ssyncadd.s32 $0xFFFFC000  }
0x21: {  	s31 =	sshrl.u32 s18, $0x1;
	s15 =	sadd.s32 $0xBA00, s17;
	_ =	swait.ge [sflag:s14], $0x4000  }
0x22: {  	s16 =	sadd.s32 $0x2BA00, s17;
	s17 =	ssub.s32 s18, s31;
	[sflag:s14] =	ssyncset.done $0x0  }
0x23: {  	s17 =	smax.u32 s17, $0x1;
	[sflag:s14] =	ssyncadd.s32 $0xFFFFC000  }
0x24: {  	[hbm4b:s15+s3] =	stream.linear.scatter [tilespmem:s9], [sflag:$0x1], $0x8000, $0x38;
	[tilespmem:$0x10200] =	vst v63  }
0x25: {  	p0 =	sne.s32 s17, $0x1  }
0x26: {  	[hbm4b:s16+s3] =	stream.linear.scatter [tilespmem:s10], [sflag:$0x2], $0x8000, $0x38;
	[tilespmem:$0x10200] =	vst v63  }
.Ltmp0:
0x27: {  	_ =	swait.ge [sflag:s7], $0x8000;
	(pc) =	sbr.rel @!p0 .LBB2_2-.Ltmp0, $4  }
0x28: {  	[sflag:s7] =	ssyncset.done $0x0  }
0x29: {  	[sflag:s7] =	ssyncadd.s32 $0xFFFF8000  }
0x2a: {  	_ =	swait.ge [sflag:s14], $0x8000  }
0x2b: {  	s17 =	sadd.s32 $0xFFFFFFFF, s17;
	[sflag:s14] =	ssyncset.done $0x0  }
.LBB2_1:
0x2c: {  	p0 =	sne.s32 s17, $0x1;
	s17 =	sadd.s32 $0xFFFFFFFF, s17;
	[sflag:s14] =	ssyncadd.s32 $0xFFFF8000  }
0x2d: {  	[tilespmem:s3], [sflag:$0x1] =	stream.linear.gather [hbm4b:s4+s3], $0x100, $0x38;
	[tilespmem:$0x10200] =	vst v63  }
0x2e: {  	_ = 	snop  }
0x2f: {  	[tilespmem:s6], [sflag:$0x1] =	stream.linear.gather [hbm4b:s5+s3], $0x100, $0x38;
	[tilespmem:$0x10200] =	vst v63  }
0x30: {  	_ =	swait.ge [sflag:s7], $0x100  }
0x31: {  	[sflag:s7] =	ssyncset.done $0x0  }
0x32: {  	[sflag:s7] =	ssyncadd.s32 $0xFFFFFF00  }
0x33: {  	_ =	swait.ge [sflag:s7], $0x100  }
0x34: {  	[sflag:s7] =	ssyncset.done $0x0  }
0x35: {  	[sflag:s7] =	ssyncadd.s32 $0xFFFFFF00  }
0x36: {  	[tilespmem:s9], [sflag:$0x1] =	stream.indirect.gather [hbm4b:s1+s8], $0x80, s3, s8, $0xb8;
	[tilespmem:$0x10200] =	vst v63  }
0x37: {  	_ = 	snop  }
0x38: {  	[tilespmem:s10], [sflag:$0x2] =	stream.indirect.gather [hbm4b:s1+s8], $0x80, s6, s8, $0xb8;
	[tilespmem:$0x10200] =	vst v63  }
0x39: {  	_ = 	snop  }
0x3a: {  	[tilespmem:s11], [sflag:$0x1] =	stream.indirect.gather [hbm4b:s1+s8], $0x80, s8, s8, $0xb8;
	[tilespmem:$0x10200] =	vst v63  }
0x3b: {  	_ = 	snop  }
0x3c: {  	[tilespmem:s13], [sflag:$0x2] =	stream.indirect.gather [hbm4b:s1+s8], $0x80, s12, s8, $0xb8;
	[tilespmem:$0x10200] =	vst v63  }
0x3d: {  	_ =	swait.ge [sflag:s7], $0x4000  }
0x3e: {  	[sflag:s7] =	ssyncset.done $0x0  }
0x3f: {  	[sflag:s7] =	ssyncadd.s32 $0xFFFFC000  }
0x40: {  	_ =	swait.ge [sflag:s14], $0x4000  }
0x41: {  	[sflag:s14] =	ssyncset.done $0x0  }
0x42: {  	[sflag:s14] =	ssyncadd.s32 $0xFFFFC000  }
0x43: {  	_ =	swait.ge [sflag:s7], $0x4000  }
0x44: {  	[sflag:s7] =	ssyncset.done $0x0  }
0x45: {  	[sflag:s7] =	ssyncadd.s32 $0xFFFFC000  }
0x46: {  	_ =	swait.ge [sflag:s14], $0x4000  }
0x47: {  	[sflag:s14] =	ssyncset.done $0x0  }
0x48: {  	[sflag:s14] =	ssyncadd.s32 $0xFFFFC000  }
0x49: {  	[hbm4b:s15+s3] =	stream.linear.scatter [tilespmem:s9], [sflag:$0x1], $0x8000, $0x38;
	[tilespmem:$0x10200] =	vst v63  }
0x4a: {  	_ = 	snop  }
0x4b: {  	[hbm4b:s16+s3] =	stream.linear.scatter [tilespmem:s10], [sflag:$0x2], $0x8000, $0x38;
	[tilespmem:$0x10200] =	vst v63  }
.Ltmp1:
0x4c: {  	_ =	swait.ge [sflag:s7], $0x8000;
	(pc) =	sbr.rel @p0 .LBB2_1-.Ltmp1, $4  }
0x4d: {  	[sflag:s7] =	ssyncset.done $0x0  }
0x4e: {  	[sflag:s7] =	ssyncadd.s32 $0xFFFF8000  }
0x4f: {  	_ =	swait.ge [sflag:s14], $0x8000  }
0x50: {  	[sflag:s14] =	ssyncset.done $0x0  }
.LBB2_2:
0x51: {  	[sflag:s14] =	ssyncadd.s32 $0xFFFF8000  }
0x52: {  	_ =	sfence.sel $0x180000  }
0x53: {  	[bflag:$0x0] =	sbarrier.arrive $0xFFFF  }
0x54: {  	p0 =	sne.s32 s0, $0x0;
	_ =	strace $0x90000053  }
0x55: {  	s0 =	sadd.s32 @!p0 $0x100000, s2;
	[bflag:$0x2] =	sbarrier.arrive $0xFFFF  }
0x56: {  	[sflag:s0] =	ssyncadd.tile.s32 @!p0 $0x1;
	_ =	shalt  }
.Lfunc_end2:
_tile_overlayer_lowered:
.L_overlay_start_2:
0x57: {  	(tag) =	ssettag $0x2  }
0x58: {  	s0 =	rddreg [dreg:$0x0];
	s2 =	stileid.u32  }
0x59: {  	s1 =	rddreg [dreg:$0x1];
	p0 =	sne.s32 s2, $0x0  }
0x5a: {  	s3 =	rddreg [dreg:$0x2];
	[bflag:$0x3] =	sbarrier.arrive $0xFFFF;
	s2 =	simm.s32 @!p0 $0x1C03  }
0x5b: {  	[timem:s3], [sflag:s2] =	dma.local @!p0 [hbm:s0], s1  }
0x5c: {  	s0 =	simm.s32 @!p0 $0x3  }
0x5d: {  	_ =	swait.ge @!p0 [sflag:s0], s1  }
0x5e: {  	s1 =	ssub.s32 @!p0 $0x0, s1;
	[sflag:s0] =	ssyncset.done @!p0 $0x0  }
0x5f: {  	[sflag:s0] =	ssyncadd.s32 @!p0 s1  }
0x60: {  	[bflag:$0x3] =	sbarrier.arrive $0xFFFF  }
0x61: {  	_ =	shalt  }

// kernel: kernel.30.cloned.1.call-start
scs
__scs_entry_jumppad:
0x0: {  	(pc) =	sbr.rel $0x88, $3  }
0x1: {  	(tag) =	ssettag $0x0;
	lr =	simm.s32 $0x1  }
0x2: {  	[smem:$0x3F89] =	sst lr;
	_ =	strace $0xD0000000  }
0x3: {  	_ = 	snop  }
0x4: {  	_ = 	snop  }
0x5: {  	_ = 	snop  }
0x6: {  	_ = 	snop  }
0x7: {  	_ = 	snop  }
__scs_overlays_trampoline_lowered:
0x8: {  	[smem:$0x3F98] =	sst s0  }
0x9: {  	[smem:$0x3F99] =	sst s1  }
0xa: {  	[smem:$0x3F9A] =	sst s2  }
0xb: {  	[smem:$0x3F9B] =	sst s3  }
0xc: {  	[smem:$0x3F9C] =	sst s4  }
0xd: {  	[smem:$0x3F9D] =	sst s5  }
0xe: {  	[smem:$0x3F9E] =	sst s6  }
0xf: {  	[smem:$0x3F9F] =	sst s7  }
0x10: {  	[smem:$0x3FA0] =	sst s8  }
0x11: {  	[smem:$0x3FA1] =	sst s9;
	s0 =	simm.s32 @!p0 $0x0  }
0x12: {  	s1 =	sld [smem:$0x3F87];
	s0 =	simm.s32 @p0 $0x1  }
0x13: {  	[smem:$0x3FA2] =	sst s0;
	s0 =	simm.s32 @!p1 $0x0  }
0x14: {  	s2 =	sld [smem:$0x3F86];
	s0 =	simm.s32 @p1 $0x1  }
0x15: {  	[smem:$0x3FA3] =	sst s0;
	s0 =	simm.s32 @!p2 $0x0  }
0x16: {  	s3 =	sld [smem:$0x3FDB];
	s0 =	simm.s32 @p2 $0x1  }
0x17: {  	s4 =	simm.s32 $0x1BF5;
	[smem:$0x3FA5] =	sst s0  }
0x18: {  	s0 =	sld [smem:$0x3F88];
	_ =	swait.ge [sflag:s4], $0x0  }
0x19: {  	s7 =	sld [smem:$0x3F89]  }
0x1a: {  	s8 =	sadd.s32 $0xFFFFE003, lr  }
0x1b: {  	s9 =	sadd.s32 $0xFFFFFEF7, lr;
	s5 =	simm.s32 $0xFFFFFFFF;
	p2 =	slt.u32 s8, $0xFFFFF086  }
0x1c: {  	p1 =	slt.u32 s9, $0xF7A;
	s5 =	simm.s32 @!p2 $0x0  }
0x1d: {  	s5 =	simm.s32 @p1 $0x1;
	p0 =	seq.s32 s7, s2  }
0x1e: {  	s7 =	smul.u32 @!p0 $0xF7A, s2;
	p2 =	seq.s32 @!p0 s5, $0x0  }
0x1f: {  	s9 =	smul.u32 $0xF7A, s1;
	s8 =	simm.s32 @!p0 $0x1BF5;
	p2 =	por !p2, p0  }
0x20: {  	[sflag:s8] =	ssyncset.s32 @!p0 $0xFFFFF086;
	s6 =	sadd.s32 @!p0 s3, s7;
	s7 =	simm.s32 @!p0 $0x108  }
0x21: {  	s3 =	sadd.s32 s3, s9;
	s6 =	sadd.s32 @!p0 $0x88, s6;
	s7 =	simm.s32 @p2 $0x1082  }
0x22: {  	[simem:s7], [sflag:s8] =	dma.local @!p0 [hbm:s6], $0xF7A  }
0x23: {  	s9 =	sor.u32 $0xD0000000, s2;
	s6 =	simm.s32 $0x108;
	_ =	swait.ge @!p0 [sflag:s8], $0x0  }
0x24: {  	s3 =	sadd.s32 $0x88, s3;
	s6 =	simm.s32 @!p1 $0x1082;
	[sflag:s4] =	ssyncset.s32 $0xFFFFF086  }
0x25: {  	[simem:s6], [sflag:s4] =	dma.local [hbm:s3], $0xF7A  }
0x26: {  	[smem:$0x3F89] =	sst s1;
	(tag) =	ssettag s2;
	_ =	strace s9  }
0x27: {  	s1 =	sld [smem:$0x3F99]  }
0x28: {  	s2 =	sld [smem:$0x3F9A]  }
0x29: {  	s4 =	sld [smem:$0x3F9C]  }
0x2a: {  	p0 =	seq.s32 s5, $0x0;
	s5 =	sld [smem:$0x3F9D]  }
0x2b: {  	s6 =	sld [smem:$0x3F9E]  }
0x2c: {  	s7 =	sld [smem:$0x3F9F]  }
0x2d: {  	s3 =	simm.s32 $0x108;
	s8 =	sld [smem:$0x3FA0]  }
0x2e: {  	s3 =	simm.s32 @!p0 $0x1082;
	s9 =	sld [smem:$0x3FA1]  }
0x2f: {  	lr =	sadd.s32 s0, s3;
	s0 =	sld [smem:$0x3F98]  }
0x30: {  	s3 =	sld [smem:$0x3F9B]  }
0x31: {  	[smem:$0x3FA4] =	sst s10  }
0x32: {  	s10 =	sld [smem:$0x3FA2];
	_ =	sdelay $0x3  }
0x33: {  	p0 =	seq.s32 s10, $0x1;
	s10 =	sld [smem:$0x3FA4];
	_ =	sdelay $0x3  }
0x34: {  	[smem:$0x3FA4] =	sst s10  }
0x35: {  	s10 =	sld [smem:$0x3FA3];
	_ =	sdelay $0x3  }
0x36: {  	p1 =	seq.s32 s10, $0x1;
	s10 =	sld [smem:$0x3FA4];
	_ =	sdelay $0x3  }
0x37: {  	[smem:$0x3FA4] =	sst s10  }
0x38: {  	s10 =	sld [smem:$0x3FA5]  }
0x39: {  	_ = 	snop;
	(pc) =	sbr.ind lr, $3  }
0x3a: {  	_ = 	snop  }
0x3b: {  	_ = 	snop  }
0x3c: {  	p2 =	seq.s32 s10, $0x1;
	s10 =	sld [smem:$0x3FA4]  }
0x3d: {  	_ =	shalt  }
0x3e: {  	_ =	shalt  }
0x3f: {  	_ =	shalt  }
0x40: {  	_ =	shalt  }
0x41: {  	_ =	shalt  }
0x42: {  	_ =	shalt  }
0x43: {  	_ =	shalt  }
0x44: {  	_ =	shalt  }
0x45: {  	_ =	shalt  }
0x46: {  	_ =	shalt  }
0x47: {  	_ =	shalt  }
0x48: {  	_ =	shalt  }
0x49: {  	_ =	shalt  }
0x4a: {  	_ =	shalt  }
0x4b: {  	_ =	shalt  }
0x4c: {  	_ =	shalt  }
0x4d: {  	_ =	shalt  }
0x4e: {  	_ =	shalt  }
0x4f: {  	_ =	shalt  }
0x50: {  	_ =	shalt  }
0x51: {  	_ =	shalt  }
0x52: {  	_ =	shalt  }
0x53: {  	_ =	shalt  }
0x54: {  	_ =	shalt  }
0x55: {  	_ =	shalt  }
0x56: {  	_ =	shalt  }
0x57: {  	_ =	shalt  }
0x58: {  	_ =	shalt  }
0x59: {  	_ =	shalt  }
0x5a: {  	_ =	shalt  }
0x5b: {  	_ =	shalt  }
0x5c: {  	_ =	shalt  }
0x5d: {  	_ =	shalt  }
0x5e: {  	_ =	shalt  }
0x5f: {  	_ =	shalt  }
0x60: {  	_ =	shalt  }
0x61: {  	_ =	shalt  }
0x62: {  	_ =	shalt  }
0x63: {  	_ =	shalt  }
0x64: {  	_ =	shalt  }
0x65: {  	_ =	shalt  }
0x66: {  	_ =	shalt  }
0x67: {  	_ =	shalt  }
0x68: {  	_ =	shalt  }
0x69: {  	_ =	shalt  }
0x6a: {  	_ =	shalt  }
0x6b: {  	_ =	shalt  }
0x6c: {  	_ =	shalt  }
0x6d: {  	_ =	shalt  }
0x6e: {  	_ =	shalt  }
0x6f: {  	_ =	shalt  }
0x70: {  	_ =	shalt  }
0x71: {  	_ =	shalt  }
0x72: {  	_ =	shalt  }
0x73: {  	_ =	shalt  }
0x74: {  	_ =	shalt  }
0x75: {  	_ =	shalt  }
0x76: {  	_ =	shalt  }
0x77: {  	_ =	shalt  }
0x78: {  	_ =	shalt  }
0x79: {  	_ =	shalt  }
0x7a: {  	_ =	shalt  }
0x7b: {  	_ =	shalt  }
0x7c: {  	_ =	shalt  }
0x7d: {  	_ =	shalt  }
0x7e: {  	_ =	shalt  }
0x7f: {  	_ =	shalt  }
0x80: {  	_ =	shalt  }
0x81: {  	_ =	shalt  }
0x82: {  	_ =	shalt  }
0x83: {  	_ =	shalt  }
0x84: {  	_ =	shalt  }
0x85: {  	_ =	shalt  }
0x86: {  	_ =	shalt  }
0x87: {  	_ =	shalt  }
.Lfunc_end0:
.L_simem_size_0:
called_computation.5_lowered:
.L_overlay_start_0:
0x88: {  	s2 =	sld [smem:$0x3FD9]  }
0x89: {  	s3 =	sld [smem:$0x3FFE];
	_ =	sdelay $0x1  }
0x8a: {  	s1 =	srdreg.scid  }
0x8b: {  	s0 =	sand.u32 $0x1, s1  }
0x8c: {  	s14 =	sshll.u32 s0, $0xA;
	s2 =	sadd.s32 s3, s2  }
0x8d: {  	s2 =	sadd.s32 s2, s14  }
0x8e: {  	[smem:$0x3FB0] =	sst s2  }
0x8f: {  	_ = 	snop  }
0x90: {  	s2 =	sld [smem:$0x3FD0];
	_ =	sdelay $0x2  }
0x91: {  	s4 =	simm.s32 $0xA;
	s5 =	simm.s32 $0x10;
	s15 =	sld [smem:$0x3FC7]  }
0x92: {  	[smem:s5], [sflag:s4] =	dma.local [hbm:s2], $0x1  }
0x93: {  	_ =	swait.eq [sflag:s4], $0x1  }
0x94: {  	[sflag:s4] =	ssyncset.done $0x0  }
0x95: {  	[sflag:s4] =	ssyncadd.s32 $0xFFFFFFFF  }
0x96: {  	s16 =	sld [smem:$0x10];
	(tm) =	ssettm $0x1  }
0x97: {  	s17 =	sld [smem:$0x3FFB];
	_ =	sdelay $0x3  }
0x98: {  	_ =	strace s17  }
0x99: {  	s4 =	sld [smem:$0x3FFC];
	_ =	sdelay $0x3  }
0x9a: {  	_ =	strace s4  }
0x9b: {  	s4 =	sld [smem:$0x3FFD];
	_ =	sdelay $0x3  }
0x9c: {  	_ =	strace s4  }
0x9d: {  	_ =	strace $0x8FFFFFFF  }
0x9e: {  	s18 =	sld [smem:$0x3FDB];
	_ =	sdelay $0x1  }
0x9f: {  	s19 =	simm.s32 $_scs_section_size  }
0xa0: {  	s6 =	simm.s32 $_size__tile_overlayer_lowered;
	s7 =	simm.s32 $_tile_overlayer_lowered  }
0xa1: {  	s22 =	simm.s32 $0x1BFF;
	s21 =	sshll.u32 s7, $0x1;
	s4 =	sadd.s32 s19, s18  }
0xa2: {  	s8 =	simm.s32 $0x0;
	s20 =	sshll.u32 s6, $0x1;
	s6 =	sadd.s32 s21, s4  }
0xa3: {  	[timem:s8], [sflag:s22] =	dma.local [hbm:s6], s20  }
0xa4: {  	_ =	swait.ge [sflag:s22], s20  }
0xa5: {  	s5 =	ssub.s32 $0x0, s20;
	[sflag:s22] =	ssyncset.done $0x0  }
0xa6: {  	[sflag:s22] =	ssyncadd.s32 s5;
	_ =	sdelay $0x1  }
0xa7: {  	s23 =	simm.s32 $0x1B8B  }
0xa8: {  	_ =	swait.ge [sflag:s23], $0x1  }
0xa9: {  	[sflag:s23] =	ssyncset.done $0x0  }
0xaa: {  	s25 =	simm.s32 $0x1B8E;
	s24 =	sld [smem:$0x3FFE];
	[sflag:s23] =	ssyncadd.s32 $0xFFFFFFFF  }
0xab: {  	s26 =	simm.s32 $execute0_lowered;
	[smem:$0x3FD2] =	sst s25  }
0xac: {  	s6 =	sshll.u32 s26, $0x1;
	_ =	strace $0x80000055;
	[dreg:$0x1] =	wrdreg $0xFFFFFFFF  }
0xad: {  	s28 =	simm.s32 $_size_execute0_lowered;
	s4 =	sadd.s32 s4, s6;
	[dreg:$0x0] =	wrdreg $0x0  }
0xae: {  	s6 =	sshll.u32 s28, $0x1;
	[dreg:$0x2] =	wrdreg s4  }
0xaf: {  	[dreg:$0x3] =	wrdreg s6  }
0xb0: {  	[dreg:$0x4] =	wrdreg $0xC0  }
0xb1: {  	_ =	task [dreg:s8], $0x5FFFF  }
0xb2: {  	[dreg:$0x1] =	wrdreg $0xFFFFFFFF  }
0xb3: {  	[dreg:$0x0] =	wrdreg $0x60  }
0xb4: {  	[dreg:$0x2] =	wrdreg s24  }
0xb5: {  	[dreg:$0x3] =	wrdreg s15  }
0xb6: {  	[dreg:$0x4] =	wrdreg s16  }
0xb7: {  	[dreg:$0x5] =	wrdreg $0x102000  }
0xb8: {  	[dreg:$0x6] =	wrdreg $0x142800  }
0xb9: {  	[dreg:$0x7] =	wrdreg $0x9  }
0xba: {  	_ =	task.clear_ibuf [dreg:s8], $0x8FFFF;
	_ =	strace $0x90000055  }
0xbb: {  	s29 =	simm.s32 $0x9;
	_ =	strace $0x80000057  }
0xbc: {  	_ =	swait.ge [sflag:s29], $0x1  }
0xbd: {  	[sflag:s29] =	ssyncadd.s32 $0xFFFFFFFF  }
0xbe: {  	_ =	strace $0x90000057  }
0xbf: {  	_ =	sfence  }
0xc0: {  	s30 =	sld [smem:$0x0];
	_ =	sdelay $0x2  }
0xc1: {  	s31 =	sshll.u32 s1, $0xD;
	s1 =	sshrl.u32 s1, $0x2  }
0xc2: {  	s3 =	sand.u32 $0x4000, s31;
	s1 =	sadd.s32 s1, s30  }
0xc3: {  	s0 =	sor.u32 s3, s0;
	s1 =	sshll.u32 s1, $0x11  }
0xc4: {  	s0 =	sor.u32 s1, s0  }
0xc5: {  	s0 =	sadd.s32 $0x8F2B, s0  }
0xc6: {  	[sflag:s0] =	ssyncadd.remote.s32 $0x1  }
0xc7: {  	_ =	sfence.sel $0xFFFF  }
0xc8: {  	[dreg:$0x0] =	wrdreg $0xFFFFFFFF;
	(pc) =	sbr.abs _section_cstart, $3  }
0xc9: {  	[dreg:$0x1] =	wrdreg $0xFFFFFFFF  }
0xca: {  	_ =	task.clear_ibuf [dreg:s8], $0x2FFFF;
	_ =	strace $0x9FFFFFFF  }
0xcb: {  	(tm) =	ssettm $0x7FFFFFFF  }
tec
execute0_lowered:
.L_overlay_start_1:
0x0: {  	(tag) =	ssettag $0x1  }
0x1: {  	s24 =	rddreg [dreg:$0x0]  }
0x2: {  	s7 =	rddreg [dreg:$0x1]  }
0x3: {  	s10 =	rddreg [dreg:$0x2]  }
0x4: {  	s2 =	rddreg [dreg:$0x3]  }
0x5: {  	s3 =	rddreg [dreg:$0x4]  }
0x6: {  	s0 =	rddreg [dreg:$0x5]  }
0x7: {  	s4 =	simm.s32 $0x0;
	s5 =	srdreg.scid;
	s1 =	stileid.u32  }
0x8: {  	[smem:$0x7FF] =	sst s4;
	s23 =	sand.u32 $0x1, s5;
	s28 =	sshll.u32 s1, $0x1  }
0x9: {  	s25 =	sshll.u32 s1, $0xB;
	s9 =	sshll.u32 s1, $0xE;
	s22 =	sshll.u32 s1, $0x6  }
0xa: {  	_ =	strace $0x80000056;
	s8 =	sor.u32 s23, s28;
	s29 =	sadd.s32 s25, s24  }
0xb: {  	s12 =	sadd.s32 s9, s2;
	s6 =	sor.u32 $0x1C01, s22;
	s9 =	sadd.s32 s9, s3  }
0xc: {  	s11 =	sshll.u32 s8, $0xC;
	s5 =	sadd.s32 $0x6C000, s29;
	s13 =	sshll.u32 s8, $0x5  }
0xd: {  	s8 =	sshrl.u32 s12, $0x3;
	s9 =	sshrl.u32 s9, $0x3;
	s7 =	sadd.s32 s7, s13  }
0xe: {  	[spmem:s8], [sflag:s6] =	dma.local [hbm:s5], $0x800  }
0xf: {  	[spmem:s9], [sflag:s6] =	dma.local [hbm:s5], $0x800  }
0x10: {  	[tilespmem:s4], [sflag:$0x1] =	stream.linear.gather [hbm4b:s7+s4], $0x100, $0x38;
	[tilespmem:$0x18300] =	vst v63  }
0x11: {  	s14 =	sadd.s32 s11, s24;
	s10 =	sadd.s32 s10, s13;
	s11 =	simm.s32 $0x100  }
0x12: {  	[tilespmem:s11], [sflag:$0x1] =	stream.linear.gather [hbm4b:s10+s4], $0x100, $0x38;
	[tilespmem:$0x18300] =	vst v63  }
0x13: {  	s13 =	simm.s32 $0x200;
	s12 =	sadd.s32 $0xBA00, s14  }
0x14: {  	[tilespmem:s13], [sflag:$0x1] =	stream.linear.gather [hbm4b:s12+s4], $0x8000, $0x38;
	[tilespmem:$0x18300] =	vst v63  }
0x15: {  	s15 =	simm.s32 $0x8200;
	s16 =	simm.s32 $0x1;
	s14 =	sadd.s32 $0x2BA00, s14  }
0x16: {  	[tilespmem:s15], [sflag:$0x1] =	stream.linear.gather [hbm4b:s14+s4], $0x8000, $0x38;
	[tilespmem:$0x18300] =	vst v63  }
0x17: {  	_ =	swait.ge [sflag:s16], $0x800  }
0x18: {  	[sflag:s16] =	ssyncset.done $0x0  }
0x19: {  	[sflag:s16] =	ssyncadd.s32 $0xFFFFF800  }
0x1a: {  	_ =	swait.ge [sflag:s16], $0x800  }
0x1b: {  	[sflag:s16] =	ssyncset.done $0x0  }
0x1c: {  	[sflag:s16] =	ssyncadd.s32 $0xFFFFF800  }
0x1d: {  	_ =	swait.ge [sflag:s16], $0x100  }
0x1e: {  	[sflag:s16] =	ssyncset.done $0x0  }
0x1f: {  	[sflag:s16] =	ssyncadd.s32 $0xFFFFFF00  }
0x20: {  	_ =	swait.ge [sflag:s16], $0x100  }
0x21: {  	[sflag:s16] =	ssyncset.done $0x0  }
0x22: {  	[sflag:s16] =	ssyncadd.s32 $0xFFFFFF00  }
0x23: {  	_ =	swait.ge [sflag:s16], $0x8000  }
0x24: {  	[sflag:s16] =	ssyncset.done $0x0  }
0x25: {  	[sflag:s16] =	ssyncadd.s32 $0xFFFF8000  }
0x26: {  	_ =	swait.ge [sflag:s16], $0x8000  }
0x27: {  	[sflag:s16] =	ssyncset.done $0x0  }
0x28: {  	[sflag:s16] =	ssyncadd.s32 $0xFFFF8000  }
0x29: {  	s17 =	simm.s32 $0x80;
	[bflag:$0x0] =	sbarrier.arrive $0xFFFF  }
0x2a: {  	[spmem:s2] =	stream.indirect.scatter.add.f32 [tilespmem:s13], [sflag:$0x1], $0x80, s4, s17, $0xb8;
	[tilespmem:$0x18300] =	vst v63  }
0x2b: {  	_ = 	snop  }
0x2c: {  	[spmem:s2] =	stream.indirect.scatter.add.f32 [tilespmem:s13], [sflag:$0x1], $0x80, s11, s17, $0xb8;
	[tilespmem:$0x18300] =	vst v63  }
0x2d: {  	_ = 	snop  }
0x2e: {  	[spmem:s3] =	stream.indirect.scatter.add.f32 [tilespmem:s15], [sflag:$0x1], $0x80, s4, s17, $0xb8;
	[tilespmem:$0x18300] =	vst v63  }
0x2f: {  	_ = 	snop  }
0x30: {  	[spmem:s3] =	stream.indirect.scatter.add.f32 [tilespmem:s15], [sflag:$0x1], $0x80, s11, s17, $0xb8;
	[tilespmem:$0x18300] =	vst v63  }
0x31: {  	s18 =	simm.s32 $0x4200  }
0x32: {  	[spmem:s2] =	stream.indirect.scatter.add.f32 [tilespmem:s18], [sflag:$0x1], $0x80, s17, s17, $0xb8;
	[tilespmem:$0x18300] =	vst v63  }
0x33: {  	s19 =	simm.s32 $0x180  }
0x34: {  	[spmem:s2] =	stream.indirect.scatter.add.f32 [tilespmem:s18], [sflag:$0x1], $0x80, s19, s17, $0xb8;
	[tilespmem:$0x18300] =	vst v63  }
0x35: {  	s20 =	simm.s32 $0xC200  }
0x36: {  	[spmem:s3] =	stream.indirect.scatter.add.f32 [tilespmem:s20], [sflag:$0x1], $0x80, s17, s17, $0xb8;
	[tilespmem:$0x18300] =	vst v63  }
0x37: {  	_ = 	snop  }
0x38: {  	[spmem:s3] =	stream.indirect.scatter.add.f32 [tilespmem:s20], [sflag:$0x1], $0x80, s19, s17, $0xb8;
	[tilespmem:$0x18300] =	vst v63  }
0x39: {  	_ =	swait.ge [sflag:s16], $0x4000  }
0x3a: {  	[sflag:s16] =	ssyncset.done $0x0  }
0x3b: {  	[sflag:s16] =	ssyncadd.s32 $0xFFFFC000  }
0x3c: {  	_ =	swait.ge [sflag:s16], $0x4000  }
0x3d: {  	[sflag:s16] =	ssyncset.done $0x0  }
0x3e: {  	[sflag:s16] =	ssyncadd.s32 $0xFFFFC000  }
0x3f: {  	_ =	swait.ge [sflag:s16], $0x4000  }
0x40: {  	[sflag:s16] =	ssyncset.done $0x0  }
0x41: {  	[sflag:s16] =	ssyncadd.s32 $0xFFFFC000  }
0x42: {  	_ =	swait.ge [sflag:s16], $0x4000  }
0x43: {  	[sflag:s16] =	ssyncset.done $0x0  }
0x44: {  	[sflag:s16] =	ssyncadd.s32 $0xFFFFC000  }
0x45: {  	_ =	swait.ge [sflag:s16], $0x4000  }
0x46: {  	[sflag:s16] =	ssyncset.done $0x0  }
0x47: {  	[sflag:s16] =	ssyncadd.s32 $0xFFFFC000  }
0x48: {  	_ =	swait.ge [sflag:s16], $0x4000  }
0x49: {  	[sflag:s16] =	ssyncset.done $0x0  }
0x4a: {  	[sflag:s16] =	ssyncadd.s32 $0xFFFFC000  }
0x4b: {  	s21 =	sadd.s32 $0x4BA00, s24;
	_ =	swait.ge [sflag:s16], $0x4000  }
0x4c: {  	s26 =	sadd.s32 $0x53A00, s24;
	p0 =	seq.s32 s23, $0x1;
	[sflag:s16] =	ssyncset.done $0x0  }
0x4d: {  	s22 =	sor.u32 $0x1C02, s22;
	s30 =	ssub.s32 $0x2, s23;
	[sflag:s16] =	ssyncadd.s32 $0xFFFFC000  }
0x4e: {  	s28 =	sadd.s32 $0x5BA00, s24;
	s23 =	simm.s32 $0x2;
	_ =	swait.ge [sflag:s16], $0x4000  }
0x4f: {  	s21 =	smov.u32 @p0 s26;
	s29 =	sshrl.u32 s30, $0x1;
	[sflag:s16] =	ssyncset.done $0x0  }
0x50: {  	s21 =	sadd.s32 s21, s25;
	s26 =	ssub.s32 s30, s29;
	[sflag:s16] =	ssyncadd.s32 $0xFFFFC000  }
0x51: {  	s24 =	sadd.s32 $0x63A00, s24;
	s31 =	smax.u32 s26, $0x1;
	[bflag:$0x0] =	sbarrier.arrive $0xFFFF  }
0x52: {  	[hbm:s21], [sflag:s22] =	dma.local [spmem:s8], $0x800  }
0x53: {  	s28 =	smov.u32 @p0 s24;
	p0 =	sne.s32 s31, $0x1;
	_ =	swait.ge [sflag:s23], $0x800  }
.Ltmp0:
0x54: {  	[sflag:s23] =	ssyncset.done $0x0;
	(pc) =	sbr.rel @!p0 .LBB2_2-.Ltmp0, $4  }
0x55: {  	s24 =	sadd.s32 s28, s25;
	[sflag:s23] =	ssyncadd.s32 $0xFFFFF800  }
0x56: {  	[hbm:s24], [sflag:s22] =	dma.local [spmem:s9], $0x800  }
0x57: {  	_ =	swait.ge [sflag:s23], $0x800  }
0x58: {  	s25 =	sadd.s32 $0xFFFFFFFF, s31;
	[sflag:s23] =	ssyncset.done $0x0  }
.LBB2_1:
0x59: {  	p0 =	sne.s32 s25, $0x1;
	s25 =	sadd.s32 $0xFFFFFFFF, s25;
	[sflag:s23] =	ssyncadd.s32 $0xFFFFF800  }
0x5a: {  	[spmem:s8], [sflag:s6] =	dma.local [hbm:s5], $0x800  }
0x5b: {  	[spmem:s9], [sflag:s6] =	dma.local [hbm:s5], $0x800  }
0x5c: {  	[tilespmem:s4], [sflag:$0x1] =	stream.linear.gather [hbm4b:s7+s4], $0x100, $0x38;
	[tilespmem:$0x18300] =	vst v63  }
0x5d: {  	_ = 	snop  }
0x5e: {  	[tilespmem:s11], [sflag:$0x1] =	stream.linear.gather [hbm4b:s10+s4], $0x100, $0x38;
	[tilespmem:$0x18300] =	vst v63  }
0x5f: {  	_ = 	snop  }
0x60: {  	[tilespmem:s13], [sflag:$0x1] =	stream.linear.gather [hbm4b:s12+s4], $0x8000, $0x38;
	[tilespmem:$0x18300] =	vst v63  }
0x61: {  	_ = 	snop  }
0x62: {  	[tilespmem:s15], [sflag:$0x1] =	stream.linear.gather [hbm4b:s14+s4], $0x8000, $0x38;
	[tilespmem:$0x18300] =	vst v63  }
0x63: {  	_ =	swait.ge [sflag:s16], $0x800  }
0x64: {  	[sflag:s16] =	ssyncset.done $0x0  }
0x65: {  	[sflag:s16] =	ssyncadd.s32 $0xFFFFF800  }
0x66: {  	_ =	swait.ge [sflag:s16], $0x800  }
0x67: {  	[sflag:s16] =	ssyncset.done $0x0  }
0x68: {  	[sflag:s16] =	ssyncadd.s32 $0xFFFFF800  }
0x69: {  	_ =	swait.ge [sflag:s16], $0x100  }
0x6a: {  	[sflag:s16] =	ssyncset.done $0x0  }
0x6b: {  	[sflag:s16] =	ssyncadd.s32 $0xFFFFFF00  }
0x6c: {  	_ =	swait.ge [sflag:s16], $0x100  }
0x6d: {  	[sflag:s16] =	ssyncset.done $0x0  }
0x6e: {  	[sflag:s16] =	ssyncadd.s32 $0xFFFFFF00  }
0x6f: {  	_ =	swait.ge [sflag:s16], $0x8000  }
0x70: {  	[sflag:s16] =	ssyncset.done $0x0  }
0x71: {  	[sflag:s16] =	ssyncadd.s32 $0xFFFF8000  }
0x72: {  	_ =	swait.ge [sflag:s16], $0x8000  }
0x73: {  	[sflag:s16] =	ssyncset.done $0x0  }
0x74: {  	[sflag:s16] =	ssyncadd.s32 $0xFFFF8000  }
0x75: {  	[bflag:$0x0] =	sbarrier.arrive $0xFFFF  }
0x76: {  	[spmem:s2] =	stream.indirect.scatter.add.f32 [tilespmem:s13], [sflag:$0x1], $0x80, s4, s17, $0xb8;
	[tilespmem:$0x18300] =	vst v63  }
0x77: {  	_ = 	snop  }
0x78: {  	[spmem:s2] =	stream.indirect.scatter.add.f32 [tilespmem:s13], [sflag:$0x1], $0x80, s11, s17, $0xb8;
	[tilespmem:$0x18300] =	vst v63  }
0x79: {  	_ = 	snop  }
0x7a: {  	[spmem:s3] =	stream.indirect.scatter.add.f32 [tilespmem:s15], [sflag:$0x1], $0x80, s4, s17, $0xb8;
	[tilespmem:$0x18300] =	vst v63  }
0x7b: {  	_ = 	snop  }
0x7c: {  	[spmem:s3] =	stream.indirect.scatter.add.f32 [tilespmem:s15], [sflag:$0x1], $0x80, s11, s17, $0xb8;
	[tilespmem:$0x18300] =	vst v63  }
0x7d: {  	_ = 	snop  }
0x7e: {  	[spmem:s2] =	stream.indirect.scatter.add.f32 [tilespmem:s18], [sflag:$0x1], $0x80, s17, s17, $0xb8;
	[tilespmem:$0x18300] =	vst v63  }
0x7f: {  	_ = 	snop  }
0x80: {  	[spmem:s2] =	stream.indirect.scatter.add.f32 [tilespmem:s18], [sflag:$0x1], $0x80, s19, s17, $0xb8;
	[tilespmem:$0x18300] =	vst v63  }
0x81: {  	_ = 	snop  }
0x82: {  	[spmem:s3] =	stream.indirect.scatter.add.f32 [tilespmem:s20], [sflag:$0x1], $0x80, s17, s17, $0xb8;
	[tilespmem:$0x18300] =	vst v63  }
0x83: {  	_ = 	snop  }
0x84: {  	[spmem:s3] =	stream.indirect.scatter.add.f32 [tilespmem:s20], [sflag:$0x1], $0x80, s19, s17, $0xb8;
	[tilespmem:$0x18300] =	vst v63  }
0x85: {  	_ =	swait.ge [sflag:s16], $0x4000  }
0x86: {  	[sflag:s16] =	ssyncset.done $0x0  }
0x87: {  	[sflag:s16] =	ssyncadd.s32 $0xFFFFC000  }
0x88: {  	_ =	swait.ge [sflag:s16], $0x4000  }
0x89: {  	[sflag:s16] =	ssyncset.done $0x0  }
0x8a: {  	[sflag:s16] =	ssyncadd.s32 $0xFFFFC000  }
0x8b: {  	_ =	swait.ge [sflag:s16], $0x4000  }
0x8c: {  	[sflag:s16] =	ssyncset.done $0x0  }
0x8d: {  	[sflag:s16] =	ssyncadd.s32 $0xFFFFC000  }
0x8e: {  	_ =	swait.ge [sflag:s16], $0x4000  }
0x8f: {  	[sflag:s16] =	ssyncset.done $0x0  }
0x90: {  	[sflag:s16] =	ssyncadd.s32 $0xFFFFC000  }
0x91: {  	_ =	swait.ge [sflag:s16], $0x4000  }
0x92: {  	[sflag:s16] =	ssyncset.done $0x0  }
0x93: {  	[sflag:s16] =	ssyncadd.s32 $0xFFFFC000  }
0x94: {  	_ =	swait.ge [sflag:s16], $0x4000  }
0x95: {  	[sflag:s16] =	ssyncset.done $0x0  }
0x96: {  	[sflag:s16] =	ssyncadd.s32 $0xFFFFC000  }
0x97: {  	_ =	swait.ge [sflag:s16], $0x4000  }
0x98: {  	[sflag:s16] =	ssyncset.done $0x0  }
0x99: {  	[sflag:s16] =	ssyncadd.s32 $0xFFFFC000  }
0x9a: {  	_ =	swait.ge [sflag:s16], $0x4000  }
0x9b: {  	[sflag:s16] =	ssyncset.done $0x0  }
0x9c: {  	[sflag:s16] =	ssyncadd.s32 $0xFFFFC000  }
0x9d: {  	[bflag:$0x0] =	sbarrier.arrive $0xFFFF  }
0x9e: {  	[hbm:s21], [sflag:s22] =	dma.local [spmem:s8], $0x800  }
0x9f: {  	_ =	swait.ge [sflag:s23], $0x800  }
.Ltmp1:
0xa0: {  	[sflag:s23] =	ssyncset.done $0x0;
	(pc) =	sbr.rel @p0 .LBB2_1-.Ltmp1, $4  }
0xa1: {  	[sflag:s23] =	ssyncadd.s32 $0xFFFFF800  }
0xa2: {  	[hbm:s24], [sflag:s22] =	dma.local [spmem:s9], $0x800  }
0xa3: {  	_ =	swait.ge [sflag:s23], $0x800  }
0xa4: {  	[sflag:s23] =	ssyncset.done $0x0  }
.LBB2_2:
0xa5: {  	[sflag:s23] =	ssyncadd.s32 $0xFFFFF800  }
0xa6: {  	_ =	sfence.sel $0x180000  }
0xa7: {  	[bflag:$0x0] =	sbarrier.arrive $0xFFFF  }
0xa8: {  	p0 =	sne.s32 s1, $0x0;
	_ =	strace $0x90000056  }
0xa9: {  	s0 =	sadd.s32 @!p0 $0x100000, s0;
	[bflag:$0x2] =	sbarrier.arrive $0xFFFF  }
0xaa: {  	[sflag:s0] =	ssyncadd.tile.s32 @!p0 $0x1;
	_ =	shalt  }
.Lfunc_end2:
_tile_overlayer_lowered:
.L_overlay_start_2:
0xab: {  	(tag) =	ssettag $0x2  }
0xac: {  	s0 =	rddreg [dreg:$0x0];
	s2 =	stileid.u32  }
0xad: {  	s1 =	rddreg [dreg:$0x1];
	p0 =	sne.s32 s2, $0x0  }
0xae: {  	s3 =	rddreg [dreg:$0x2];
	[bflag:$0x3] =	sbarrier.arrive $0xFFFF;
	s2 =	simm.s32 @!p0 $0x1C02  }
0xaf: {  	[timem:s3], [sflag:s2] =	dma.local @!p0 [hbm:s0], s1  }
0xb0: {  	s0 =	simm.s32 @!p0 $0x2  }
0xb1: {  	_ =	swait.ge @!p0 [sflag:s0], s1  }
0xb2: {  	s1 =	ssub.s32 @!p0 $0x0, s1;
	[sflag:s0] =	ssyncset.done @!p0 $0x0  }
0xb3: {  	[sflag:s0] =	ssyncadd.s32 @!p0 s1  }
0xb4: {  	[bflag:$0x3] =	sbarrier.arrive $0xFFFF  }
0xb5: {  	_ =	shalt  }

</sc_bundles>
